<compile_context>
chip_gen: v7x
topology: tpu7x:2x2x1
jax: 0.10.2.dev20260603
libtpu: 0.0.44.dev20260713+nightly
codegen_flags: <defaults>
</compile_context>

<pallas_src>
import functools

import jax
import jax.numpy as jnp
from jax import lax
from jax.experimental import pallas as pl
from jax.experimental.pallas import tpu as pltpu
from jax.experimental.pallas import tpu_sc as plsc

_SCENE_SCALING = 1.0
_EXP15 = 3269017.3724721107
_NC = 2
_NS = 16
_NW = _NC * _NS


def _mesh():
    return plsc.VectorSubcoreMesh(core_axis_name="c", subcore_axis_name="s",
                                  num_cores=_NC, num_subcores=_NS)


def _wid():
    return lax.axis_index("s") * _NC + lax.axis_index("c")


def _make_vd_partial(T, Vp, nw, ch):
    TT = T
    tpw = T // nw
    nch = tpw // ch
    ng = ch // 16

    @functools.partial(
        pl.kernel,
        out_type=jax.ShapeDtypeStruct((nw * Vp,), jnp.float32),
        mesh=_mesh(),
        compiler_params=pltpu.CompilerParams(needs_layout_passes=False),
        scratch_types=[
            pltpu.VMEM((Vp,), jnp.float32),
            pltpu.VMEM((ch * 4,), jnp.int32),
            pltpu.VMEM((ch,), jnp.float32),
            pltpu.VMEM((ch + 16,), jnp.int32),
            pltpu.VMEM((ch + 16,), jnp.float32),
        ],
    )
    def vd_partial(idx_hbm, dens_hbm, vdp_hbm, vd, ibuf, dbuf, missi, missv):
        w = _wid()
        base = w * tpw
        lanes = lax.iota(jnp.int32, 16)
        zeros = jnp.zeros((16,), jnp.float32)

        def zbody(i, _):
            vd[pl.ds(i * 16, 16)] = zeros
            return _
        lax.fori_loop(0, Vp // 16, zbody, None)

        def chunk_body(c0, _):
            off = base + c0 * ch
            pltpu.sync_copy(dens_hbm.at[pl.ds(off, ch)], dbuf)
            for c in range(4):
                pltpu.sync_copy(idx_hbm.at[pl.ds(c * TT + off, ch)],
                                ibuf.at[pl.ds(c * ch, ch)])

            def clip_body(g, _):
                s = pl.ds(g * 16, 16)
                dbuf[s] = jnp.clip(dbuf[s], 1e-6, _EXP15)
                return _
            lax.fori_loop(0, ng, clip_body, None)

            for c in range(4):
                def g_body(g, ofs, c=c):
                    iv = ibuf[pl.ds(c * ch + g * 16, 16)]
                    dv = dbuf[pl.ds(g * 16, 16)]
                    cur = plsc.load_gather(vd, [iv])
                    plsc.store_scatter(vd, [iv], jnp.maximum(cur, dv))
                    chk = plsc.load_gather(vd, [iv])
                    miss = dv > chk
                    plsc.store_compressed(missi.at[pl.ds(ofs, 16)], iv, mask=miss)
                    plsc.store_compressed(missv.at[pl.ds(ofs, 16)], dv, mask=miss)
                    return ofs + jnp.sum(miss.astype(jnp.int32))
                cnt = lax.fori_loop(0, ng, g_body, jnp.int32(0))

                def s_body(i, _):
                    pos = jnp.zeros((16,), jnp.int32) + i
                    ivx = plsc.load_gather(missi, [pos])
                    dvx = plsc.load_gather(missv, [pos])
                    cur = plsc.load_gather(vd, [ivx])
                    plsc.store_scatter(vd, [ivx], jnp.maximum(cur, dvx))
                    return _
                lax.fori_loop(0, cnt, s_body, None)
            return _
        lax.fori_loop(0, nch, chunk_body, None)
        pltpu.sync_copy(vd, vdp_hbm.at[pl.ds(w * Vp, Vp)])

    return vd_partial


def _make_vd_merge(Vp, nw):
    sl = Vp // nw

    @functools.partial(
        pl.kernel,
        out_type=jax.ShapeDtypeStruct((Vp,), jnp.float32),
        mesh=_mesh(),
        compiler_params=pltpu.CompilerParams(needs_layout_passes=False),
        scratch_types=[
            pltpu.VMEM((nw, sl), jnp.float32),
            pltpu.SemaphoreType.DMA,
        ],
    )
    def vd_merge(vdp_hbm, vd_hbm, buf, sem):
        w = _wid()
        off = w * sl
        cps = [pltpu.async_copy(vdp_hbm.at[pl.ds(j * Vp + off, sl)],
                                buf.at[j], sem)
               for j in range(nw)]
        for cp in cps:
            cp.wait()

        def g_body(g, _):
            s = pl.ds(g * 16, 16)
            m = buf[0, s]
            for j in range(1, nw):
                m = jnp.maximum(m, buf[j, s])
            buf[0, s] = m
            return _
        lax.fori_loop(0, sl // 16, g_body, None)
        pltpu.sync_copy(buf.at[0], vd_hbm.at[pl.ds(off, sl)])

    return vd_merge


def _make_gather_neigh(T, Vp, nw, ch):
    TT = T
    tpw = T // nw
    nch = tpw // ch
    ng = ch // 16

    @functools.partial(
        pl.kernel,
        out_type=[jax.ShapeDtypeStruct((4 * T,), jnp.float32)] * 3
        + [jax.ShapeDtypeStruct((T,), jnp.float32)],
        mesh=_mesh(),
        compiler_params=pltpu.CompilerParams(needs_layout_passes=False),
        scratch_types=[
            pltpu.VMEM((Vp,), jnp.float32),
            pltpu.VMEM((ch * 4,), jnp.int32),
            pltpu.VMEM((ch,), jnp.float32),
        ],
    )
    def gather_neigh(vx, vy, vz, vdf, idx_hbm, gx, gy, gz, neigh,
                     tbl, ibuf, obuf):
        w = _wid()
        base = w * tpw
        lanes = lax.iota(jnp.int32, 16)
        outs = (gx, gy, gz)

        for p in range(4):
            pltpu.sync_copy((vx, vy, vz, vdf)[p], tbl)

            def chunk_body(c0, _, p=p):
                off = base + c0 * ch
                for cc in range(4):
                    pltpu.sync_copy(idx_hbm.at[pl.ds(cc * TT + off, ch)],
                                    ibuf.at[pl.ds(cc * ch, ch)])
                if p < 3:
                    for c in range(4):
                        def g_body(g, _, c=c):
                            iv = ibuf[pl.ds(c * ch + g * 16, 16)]
                            obuf[pl.ds(g * 16, 16)] = plsc.load_gather(
                                tbl, [iv])
                            return _
                        lax.fori_loop(0, ng, g_body, None)
                        pltpu.sync_copy(obuf,
                                        outs[p].at[pl.ds(c * T + off, ch)])
                else:
                    def n_body(g, _):
                        m = None
                        for c in range(4):
                            iv = ibuf[pl.ds(c * ch + g * 16, 16)]
                            v = plsc.load_gather(tbl, [iv])
                            m = v if m is None else jnp.maximum(m, v)
                        obuf[pl.ds(g * 16, 16)] = m
                        return _
                    lax.fori_loop(0, ng, n_body, None)
                    pltpu.sync_copy(obuf, neigh.at[pl.ds(off, ch)])
                return _
            lax.fori_loop(0, nch, chunk_body, None)

    return gather_neigh


_BT = 512

import numpy as _np
_PLACE_W = _np.zeros((8, 36), _np.float32)
for _row, _col in enumerate((0, 1, 2, 3, 34, 35)):
    _PLACE_W[_row, _col] = 1.0


def _assemble_body(dens_ref, rgb_ref, grad_ref, sh_ref,
                   gx0_ref, gx1_ref, gx2_ref, gx3_ref,
                   gy0_ref, gy1_ref, gy2_ref, gy3_ref,
                   gz0_ref, gz1_ref, gz2_ref, gz3_ref,
                   neigh_ref, center_ref, w_ref, out_ref):
    gx = [gx0_ref[...], gx1_ref[...], gx2_ref[...], gx3_ref[...]]
    gy = [gy0_ref[...], gy1_ref[...], gy2_ref[...], gy3_ref[...]]
    gz = [gz0_ref[...], gz1_ref[...], gz2_ref[...], gz3_ref[...]]
    cx = center_ref[0, 0]
    cy = center_ref[0, 1]
    cz = center_ref[0, 2]
    inv = 1.0 / _SCENE_SCALING
    nx = (0.25 * (gx[0] + gx[1] + gx[2] + gx[3]) - cx) * inv
    ny = (0.25 * (gy[0] + gy[1] + gy[2] + gy[3]) - cy) * inv
    nz = (0.25 * (gz[0] + gz[1] + gz[2] + gz[3]) - cz) * inv

    ax, ay, az = gx[1] - gx[0], gy[1] - gy[0], gz[1] - gz[0]
    bx, by, bz = gx[2] - gx[0], gy[2] - gy[0], gz[2] - gz[0]
    cx_, cy_, cz_ = gx[3] - gx[0], gy[3] - gy[0], gz[3] - gz[0]
    det = (ax * (by * cz_ - bz * cy_)
           - ay * (bx * cz_ - bz * cx_)
           + az * (bx * cy_ - by * cx_))
    area = jnp.abs(det) * (1.0 / 6.0)

    d = jnp.exp(jnp.clip(jnp.log(jnp.clip(dens_ref[...], 1e-6, None)),
                         None, 15.0))
    grd = jnp.clip(grad_ref[...], -0.99, 0.99)

    m = jnp.concatenate(
        [nx[None], ny[None], nz[None], d[None], area[None],
         neigh_ref[...][None], jnp.zeros((2, nx.shape[0]), jnp.float32)],
        axis=0)
    w = w_ref[...]
    placed = jax.lax.dot_general(
        m, w, (((0,), (0,)), ((), ())),
        precision=jax.lax.Precision.HIGHEST,
        preferred_element_type=jnp.float32)

    base = jnp.concatenate(
        [jnp.zeros((nx.shape[0], 4), jnp.float32), rgb_ref[...], grd,
         sh_ref[...], jnp.zeros((nx.shape[0], 2), jnp.float32)], axis=1)
    out_ref[...] = base + placed


def _assemble(density, rgb, gradient, sh, gxf, gyf, gzf, neigh, center):
    T = density.shape[0]
    nb = T // _BT
    corner_specs = [pl.BlockSpec((_BT,), functools.partial(
        lambda c, i: (c * nb + i,), c)) for c in range(4)]
    return pl.pallas_call(
        _assemble_body,
        grid=(nb,),
        in_specs=[
            pl.BlockSpec((_BT,), lambda i: (i,)),
            pl.BlockSpec((_BT, 3), lambda i: (i, 0)),
            pl.BlockSpec((_BT, 3), lambda i: (i, 0)),
            pl.BlockSpec((_BT, 24), lambda i: (i, 0)),
            *corner_specs, *corner_specs, *corner_specs,
            pl.BlockSpec((_BT,), lambda i: (i,)),
            pl.BlockSpec((1, 3), lambda i: (0, 0)),
            pl.BlockSpec((8, 36), lambda i: (0, 0)),
        ],
        out_specs=pl.BlockSpec((_BT, 36), lambda i: (i, 0)),
        out_shape=jax.ShapeDtypeStruct((T, 36), jnp.float32),
    )(density, rgb, gradient, sh, gxf, gxf, gxf, gxf, gyf, gyf, gyf, gyf,
      gzf, gzf, gzf, gzf, neigh, center, jnp.asarray(_PLACE_W))


def kernel(int_vertices, ext_vertices, density, rgb, gradient, sh, center,
           indices):
    T = indices.shape[0]
    vertices = jnp.concatenate([int_vertices, ext_vertices], axis=0)
    V = vertices.shape[0]
    Vp = ((V + 3199) // 3200) * 3200
    pad = jnp.zeros((Vp - V,), jnp.float32)
    vx = jnp.concatenate([vertices[:, 0], pad])
    vy = jnp.concatenate([vertices[:, 1], pad])
    vz = jnp.concatenate([vertices[:, 2], pad])

    idx_flat = indices.T.reshape(-1)
    vdp = _make_vd_partial(T, Vp, _NW, 2000)(idx_flat, density)
    vdf = _make_vd_merge(Vp, _NW)(vdp)
    gx, gy, gz, neigh = _make_gather_neigh(T, Vp, _NW, 2000)(
        vx, vy, vz, vdf, idx_flat)
    return _assemble(density, rgb, gradient, sh, gx, gy, gz, neigh, center)

# --- scband reference (transcript-rebuilt; emitter-appended) ---
"""Pipeline reference for scband-frozen-tet-model-73358041416258 (READ-ONLY COPY).

The authoritative reference and input builder live on the scoring server;
editing this copy changes nothing except your own understanding.
"""

import jax, jax.numpy as jnp
import numpy as np

SCENE_SCALING = 1.0
V_INT, V_EXT, T = 60000, 40000, 1600000


def setup_inputs(seed: int = 0) -> dict:
    key = jax.random.key(seed)
    ks = jax.random.split(key, 8)
    int_vertices = jax.random.normal(ks[0], (V_INT, 3), dtype=jnp.float32)
    ext_vertices = jax.random.normal(ks[1], (V_EXT, 3), dtype=jnp.float32)
    # int64 per spec; use int32 in jax to avoid requiring x64 mode (values < 2**31)
    indices = jax.random.randint(ks[2], (T, 4), 0, V_INT + V_EXT, dtype=jnp.int32)
    density = jax.random.uniform(ks[3], (T,), dtype=jnp.float32, minval=1e-3, maxval=1.0)
    rgb = jax.random.uniform(ks[4], (T, 3), dtype=jnp.float32)
    gradient = jax.random.normal(ks[5], (T, 3), dtype=jnp.float32)
    sh = jax.random.normal(ks[6], (T, 24), dtype=jnp.float32)
    center = jax.random.normal(ks[7], (1, 3), dtype=jnp.float32)
    return {
        'int_vertices': int_vertices,
        'ext_vertices': ext_vertices,
        'density': density,
        'rgb': rgb,
        'gradient': gradient,
        'sh': sh,
        'center': center,
        'indices': indices,
    }


def _safe_log(x):
    return jnp.log(jnp.clip(x, 1e-6, None))


def _safe_exp(x):
    return jnp.exp(jnp.clip(x, None, 15.0))


def reference(int_vertices, ext_vertices, density, rgb, gradient, sh, center, indices):
    # vertices = cat(internal, exterior)  (FrozenTetModel.vertices property)
    vertices = jnp.concatenate([int_vertices, ext_vertices], axis=0)
    V = vertices.shape[0]

    # gather tet corner positions: [T, 4, 3]
    tets = vertices[indices]

    # pre_calc_cell_values approximated by tet centroid (circumcenter proxy)
    circumcenter = tets.mean(axis=1)
    normalized = (circumcenter - center) / SCENE_SCALING

    # parameters are stored as safe_log(density) / atanh(clip(gradient)); forward re-activates them
    d = _safe_exp(_safe_log(density))            # [T]
    grd = jnp.tanh(jnp.arctanh(jnp.clip(gradient, -0.99, 0.99)))  # [T, 3]

    # calc_tet_area: |det([v1-v0, v2-v0, v3-v0])| / 6
    v0, v1, v2, v3 = tets[:, 0], tets[:, 1], tets[:, 2], tets[:, 3]
    mat = jnp.stack([v1 - v0, v2 - v0, v3 - v0], axis=-1)
    area = jnp.abs(jnp.linalg.det(mat)) / 6.0    # [T]

    # calc_vert_density: scatter-reduce amax of tet density onto each of the 4 corner vertices
    idx_flat = indices.reshape(-1)               # [4T]
    src = jnp.repeat(d, 4)                       # [4T]
    vertex_density = jnp.zeros((V,), jnp.float32).at[idx_flat].max(src)

    # gather the scattered vertex density back per-tet (max over corners)
    neigh = vertex_density[indices].max(axis=1)  # [T]

    out = jnp.concatenate(
        [normalized, d[:, None], rgb, grd, sh, area[:, None], neigh[:, None]], axis=1
    )  # [T, 36]
    return out

if __name__ == "__main__":
    import jax
    _d = setup_inputs()
    print(jax.jit(kernel)(*tuple(_d.values())))

</pallas_src>

<mosaic_0001>
#map = affine_map<(d0, d1) -> (0)>
module attributes {stable_mosaic.version = 14 : i64} {
  func.func @vd_partial(%arg0: i32, %arg1: i32, %arg2: memref<6400000xi32, #tpu.memory_space<hbm>>, %arg3: memref<1600000xf32, #tpu.memory_space<hbm>>, %arg4: memref<3276800xf32, #tpu.memory_space<hbm>>, %arg5: memref<102400xf32, #tpu.memory_space<vmem>>, %arg6: memref<8000xi32, #tpu.memory_space<vmem>>, %arg7: memref<2000xf32, #tpu.memory_space<vmem>>, %arg8: memref<2016xi32, #tpu.memory_space<vmem>>, %arg9: memref<2016xf32, #tpu.memory_space<vmem>>) attributes {dimension_semantics = [#tpu.dimension_semantics<core_parallel>, #tpu.dimension_semantics<subcore_parallel>], iteration_bounds = array<i64: 2, 16>, scalar_prefetch = 0 : i64, scratch_operands = 5 : i64, tpu.core_type = #tpu.core_type<sc_vector_subcore>, window_params = [{transform_indices = #map}, {transform_indices = #map}, {transform_indices = #map}]} {
    %mul3A = arith.constant 2 : i32
    %mul3A_0 = arith.muli %arg1, %mul3A : i32
    %add3A = arith.addi %mul3A_0, %arg0 : i32
    %mul3A_1 = arith.constant 50000 : i32
    %mul3A_2 = arith.muli %add3A, %mul3A_1 : i32
    %iota3A = tpu.iota {dimensions = array<i32: 0>} : vector<16xi32>
    %broadcast_in_dim3A = arith.constant 0.000000e+00 : f32
    %broadcast_in_dim3A_3 = vector.broadcast %broadcast_in_dim3A : f32 to vector<16xf32>
    %scan3A = arith.constant 0 : i32
    %scan3A_4 = arith.constant 6400 : i32
    %scan3A_5 = arith.addi %scan3A, %scan3A_4 : i32
    %scan3A_6 = arith.constant 1 : i32
    scf.for %scan3A_15 = %scan3A to %scan3A_5 step %scan3A_6  : i32 {
      %mul3A_16 = arith.constant 16 : i32
      %mul3A_17 = arith.muli %scan3A_15, %mul3A_16 : i32
      %swap3A = arith.index_cast %mul3A_17 : i32 to index
      %swap3A_18 = tpu.vector_load %arg5[%swap3A] {strides = array<i32>} : memref<102400xf32, #tpu.memory_space<vmem>>, vector<16xf32>,
      tpu.vector_store %arg5[%swap3A], %broadcast_in_dim3A_3 {strides = array<i32>} : memref<102400xf32, #tpu.memory_space<vmem>>, vector<16xf32>,
    }
    %scan3A_7 = arith.constant 6400 : i32
    %scan3A_8 = arith.constant 0 : i32
    %scan3A_9 = arith.constant 25 : i32
    %scan3A_10 = arith.addi %scan3A_8, %scan3A_9 : i32
    %scan3A_11 = arith.constant 1 : i32
    scf.for %scan3A_15 = %scan3A_8 to %scan3A_10 step %scan3A_11  : i32 {
      %mul3A_16 = arith.constant 2000 : i32
      %mul3A_17 = arith.muli %scan3A_15, %mul3A_16 : i32
      %add3A_18 = arith.addi %mul3A_2, %mul3A_17 : i32
      "tpu.region"() ({
        %run_scoped3A = tpu.sem_alloc : memref<!tpu.dma_semaphore, #tpu.memory_space<semaphore_mem>>
        %dma_start3A = tpu.memref_slice %arg3[%add3A_18] : memref<1600000xf32, #tpu.memory_space<hbm>> -> memref<2000xf32, #tpu.memory_space<hbm>>
        %dma_start3A_95 = tpu.memref_slice %arg3[%add3A_18] : memref<1600000xf32, #tpu.memory_space<hbm>> -> memref<2000xf32, #tpu.memory_space<hbm>>
        tpu.enqueue_dma source(%dma_start3A_95 : memref<2000xf32, #tpu.memory_space<hbm>>) target(%arg7 : memref<2000xf32, #tpu.memory_space<vmem>>) target_semaphore(%run_scoped3A : memref<!tpu.dma_semaphore, #tpu.memory_space<semaphore_mem>>)
        %dma_wait3A = tpu.memref_slice %arg3[%add3A_18] : memref<1600000xf32, #tpu.memory_space<hbm>> -> memref<2000xf32, #tpu.memory_space<hbm>>
        %dma_wait3A_96 = tpu.memref_slice %arg3[%add3A_18] : memref<1600000xf32, #tpu.memory_space<hbm>> -> memref<2000xf32, #tpu.memory_space<hbm>>
        tpu.wait_dma2 semaphore(%run_scoped3A : memref<!tpu.dma_semaphore, #tpu.memory_space<semaphore_mem>>) src(%dma_wait3A_96 : memref<2000xf32, #tpu.memory_space<hbm>>) dst(%arg7 : memref<2000xf32, #tpu.memory_space<vmem>>)
        tpu.yield
      }) : () -> ()
      %add3A_19 = arith.constant 0 : i32
      %add3A_20 = arith.addi %add3A_19, %add3A_18 : i32
      "tpu.region"() ({
        %run_scoped3A = tpu.sem_alloc : memref<!tpu.dma_semaphore, #tpu.memory_space<semaphore_mem>>
        %dma_start3A = arith.constant 0 : i32
        %dma_start3A_95 = tpu.memref_slice %arg6[%dma_start3A] : memref<8000xi32, #tpu.memory_space<vmem>> -> memref<2000xi32, #tpu.memory_space<vmem>>
        %dma_start3A_96 = tpu.memref_slice %arg2[%add3A_20] : memref<6400000xi32, #tpu.memory_space<hbm>> -> memref<2000xi32, #tpu.memory_space<hbm>>
        %dma_start3A_97 = arith.constant 0 : i32
        %dma_start3A_98 = tpu.memref_slice %arg6[%dma_start3A_97] : memref<8000xi32, #tpu.memory_space<vmem>> -> memref<2000xi32, #tpu.memory_space<vmem>>
        %dma_start3A_99 = tpu.memref_slice %arg2[%add3A_20] : memref<6400000xi32, #tpu.memory_space<hbm>> -> memref<2000xi32, #tpu.memory_space<hbm>>
        tpu.enqueue_dma source(%dma_start3A_99 : memref<2000xi32, #tpu.memory_space<hbm>>) target(%dma_start3A_98 : memref<2000xi32, #tpu.memory_space<vmem>>) target_semaphore(%run_scoped3A : memref<!tpu.dma_semaphore, #tpu.memory_space<semaphore_mem>>)
        %dma_wait3A = arith.constant 0 : i32
        %dma_wait3A_100 = tpu.memref_slice %arg6[%dma_wait3A] : memref<8000xi32, #tpu.memory_space<vmem>> -> memref<2000xi32, #tpu.memory_space<vmem>>
        %dma_wait3A_101 = tpu.memref_slice %arg2[%add3A_20] : memref<6400000xi32, #tpu.memory_space<hbm>> -> memref<2000xi32, #tpu.memory_space<hbm>>
        %dma_wait3A_102 = arith.constant 0 : i32
        %dma_wait3A_103 = tpu.memref_slice %arg6[%dma_wait3A_102] : memref<8000xi32, #tpu.memory_space<vmem>> -> memref<2000xi32, #tpu.memory_space<vmem>>
        %dma_wait3A_104 = tpu.memref_slice %arg2[%add3A_20] : memref<6400000xi32, #tpu.memory_space<hbm>> -> memref<2000xi32, #tpu.memory_space<hbm>>
        tpu.wait_dma2 semaphore(%run_scoped3A : memref<!tpu.dma_semaphore, #tpu.memory_space<semaphore_mem>>) src(%dma_wait3A_104 : memref<2000xi32, #tpu.memory_space<hbm>>) dst(%dma_wait3A_103 : memref<2000xi32, #tpu.memory_space<vmem>>)
        tpu.yield
      }) : () -> ()
      %add3A_21 = arith.constant 1600000 : i32
      %add3A_22 = arith.addi %add3A_21, %add3A_18 : i32
      "tpu.region"() ({
        %run_scoped3A = tpu.sem_alloc : memref<!tpu.dma_semaphore, #tpu.memory_space<semaphore_mem>>
        %dma_start3A = arith.constant 2000 : i32
        %dma_start3A_95 = tpu.memref_slice %arg6[%dma_start3A] : memref<8000xi32, #tpu.memory_space<vmem>> -> memref<2000xi32, #tpu.memory_space<vmem>>
        %dma_start3A_96 = tpu.memref_slice %arg2[%add3A_22] : memref<6400000xi32, #tpu.memory_space<hbm>> -> memref<2000xi32, #tpu.memory_space<hbm>>
        %dma_start3A_97 = arith.constant 2000 : i32
        %dma_start3A_98 = tpu.memref_slice %arg6[%dma_start3A_97] : memref<8000xi32, #tpu.memory_space<vmem>> -> memref<2000xi32, #tpu.memory_space<vmem>>
        %dma_start3A_99 = tpu.memref_slice %arg2[%add3A_22] : memref<6400000xi32, #tpu.memory_space<hbm>> -> memref<2000xi32, #tpu.memory_space<hbm>>
        tpu.enqueue_dma source(%dma_start3A_99 : memref<2000xi32, #tpu.memory_space<hbm>>) target(%dma_start3A_98 : memref<2000xi32, #tpu.memory_space<vmem>>) target_semaphore(%run_scoped3A : memref<!tpu.dma_semaphore, #tpu.memory_space<semaphore_mem>>)
        %dma_wait3A = arith.constant 2000 : i32
        %dma_wait3A_100 = tpu.memref_slice %arg6[%dma_wait3A] : memref<8000xi32, #tpu.memory_space<vmem>> -> memref<2000xi32, #tpu.memory_space<vmem>>
        %dma_wait3A_101 = tpu.memref_slice %arg2[%add3A_22] : memref<6400000xi32, #tpu.memory_space<hbm>> -> memref<2000xi32, #tpu.memory_space<hbm>>
        %dma_wait3A_102 = arith.constant 2000 : i32
        %dma_wait3A_103 = tpu.memref_slice %arg6[%dma_wait3A_102] : memref<8000xi32, #tpu.memory_space<vmem>> -> memref<2000xi32, #tpu.memory_space<vmem>>
        %dma_wait3A_104 = tpu.memref_slice %arg2[%add3A_22] : memref<6400000xi32, #tpu.memory_space<hbm>> -> memref<2000xi32, #tpu.memory_space<hbm>>
        tpu.wait_dma2 semaphore(%run_scoped3A : memref<!tpu.dma_semaphore, #tpu.memory_space<semaphore_mem>>) src(%dma_wait3A_104 : memref<2000xi32, #tpu.memory_space<hbm>>) dst(%dma_wait3A_103 : memref<2000xi32, #tpu.memory_space<vmem>>)
        tpu.yield
      }) : () -> ()
      %add3A_23 = arith.constant 3200000 : i32
      %add3A_24 = arith.addi %add3A_23, %add3A_18 : i32
      "tpu.region"() ({
        %run_scoped3A = tpu.sem_alloc : memref<!tpu.dma_semaphore, #tpu.memory_space<semaphore_mem>>
        %dma_start3A = arith.constant 4000 : i32
        %dma_start3A_95 = tpu.memref_slice %arg6[%dma_start3A] : memref<8000xi32, #tpu.memory_space<vmem>> -> memref<2000xi32, #tpu.memory_space<vmem>>
        %dma_start3A_96 = tpu.memref_slice %arg2[%add3A_24] : memref<6400000xi32, #tpu.memory_space<hbm>> -> memref<2000xi32, #tpu.memory_space<hbm>>
        %dma_start3A_97 = arith.constant 4000 : i32
        %dma_start3A_98 = tpu.memref_slice %arg6[%dma_start3A_97] : memref<8000xi32, #tpu.memory_space<vmem>> -> memref<2000xi32, #tpu.memory_space<vmem>>
        %dma_start3A_99 = tpu.memref_slice %arg2[%add3A_24] : memref<6400000xi32, #tpu.memory_space<hbm>> -> memref<2000xi32, #tpu.memory_space<hbm>>
        tpu.enqueue_dma source(%dma_start3A_99 : memref<2000xi32, #tpu.memory_space<hbm>>) target(%dma_start3A_98 : memref<2000xi32, #tpu.memory_space<vmem>>) target_semaphore(%run_scoped3A : memref<!tpu.dma_semaphore, #tpu.memory_space<semaphore_mem>>)
        %dma_wait3A = arith.constant 4000 : i32
        %dma_wait3A_100 = tpu.memref_slice %arg6[%dma_wait3A] : memref<8000xi32, #tpu.memory_space<vmem>> -> memref<2000xi32, #tpu.memory_space<vmem>>
        %dma_wait3A_101 = tpu.memref_slice %arg2[%add3A_24] : memref<6400000xi32, #tpu.memory_space<hbm>> -> memref<2000xi32, #tpu.memory_space<hbm>>
        %dma_wait3A_102 = arith.constant 4000 : i32
        %dma_wait3A_103 = tpu.memref_slice %arg6[%dma_wait3A_102] : memref<8000xi32, #tpu.memory_space<vmem>> -> memref<2000xi32, #tpu.memory_space<vmem>>
        %dma_wait3A_104 = tpu.memref_slice %arg2[%add3A_24] : memref<6400000xi32, #tpu.memory_space<hbm>> -> memref<2000xi32, #tpu.memory_space<hbm>>
        tpu.wait_dma2 semaphore(%run_scoped3A : memref<!tpu.dma_semaphore, #tpu.memory_space<semaphore_mem>>) src(%dma_wait3A_104 : memref<2000xi32, #tpu.memory_space<hbm>>) dst(%dma_wait3A_103 : memref<2000xi32, #tpu.memory_space<vmem>>)
        tpu.yield
      }) : () -> ()
      %add3A_25 = arith.constant 4800000 : i32
      %add3A_26 = arith.addi %add3A_25, %add3A_18 : i32
      "tpu.region"() ({
        %run_scoped3A = tpu.sem_alloc : memref<!tpu.dma_semaphore, #tpu.memory_space<semaphore_mem>>
        %dma_start3A = arith.constant 6000 : i32
        %dma_start3A_95 = tpu.memref_slice %arg6[%dma_start3A] : memref<8000xi32, #tpu.memory_space<vmem>> -> memref<2000xi32, #tpu.memory_space<vmem>>
        %dma_start3A_96 = tpu.memref_slice %arg2[%add3A_26] : memref<6400000xi32, #tpu.memory_space<hbm>> -> memref<2000xi32, #tpu.memory_space<hbm>>
        %dma_start3A_97 = arith.constant 6000 : i32
        %dma_start3A_98 = tpu.memref_slice %arg6[%dma_start3A_97] : memref<8000xi32, #tpu.memory_space<vmem>> -> memref<2000xi32, #tpu.memory_space<vmem>>
        %dma_start3A_99 = tpu.memref_slice %arg2[%add3A_26] : memref<6400000xi32, #tpu.memory_space<hbm>> -> memref<2000xi32, #tpu.memory_space<hbm>>
        tpu.enqueue_dma source(%dma_start3A_99 : memref<2000xi32, #tpu.memory_space<hbm>>) target(%dma_start3A_98 : memref<2000xi32, #tpu.memory_space<vmem>>) target_semaphore(%run_scoped3A : memref<!tpu.dma_semaphore, #tpu.memory_space<semaphore_mem>>)
        %dma_wait3A = arith.constant 6000 : i32
        %dma_wait3A_100 = tpu.memref_slice %arg6[%dma_wait3A] : memref<8000xi32, #tpu.memory_space<vmem>> -> memref<2000xi32, #tpu.memory_space<vmem>>
        %dma_wait3A_101 = tpu.memref_slice %arg2[%add3A_26] : memref<6400000xi32, #tpu.memory_space<hbm>> -> memref<2000xi32, #tpu.memory_space<hbm>>
        %dma_wait3A_102 = arith.constant 6000 : i32
        %dma_wait3A_103 = tpu.memref_slice %arg6[%dma_wait3A_102] : memref<8000xi32, #tpu.memory_space<vmem>> -> memref<2000xi32, #tpu.memory_space<vmem>>
        %dma_wait3A_104 = tpu.memref_slice %arg2[%add3A_26] : memref<6400000xi32, #tpu.memory_space<hbm>> -> memref<2000xi32, #tpu.memory_space<hbm>>
        tpu.wait_dma2 semaphore(%run_scoped3A : memref<!tpu.dma_semaphore, #tpu.memory_space<semaphore_mem>>) src(%dma_wait3A_104 : memref<2000xi32, #tpu.memory_space<hbm>>) dst(%dma_wait3A_103 : memref<2000xi32, #tpu.memory_space<vmem>>)
        tpu.yield
      }) : () -> ()
      %scan3A_27 = arith.constant 0 : i32
      %scan3A_28 = arith.constant 125 : i32
      %scan3A_29 = arith.addi %scan3A_27, %scan3A_28 : i32
      %scan3A_30 = arith.constant 1 : i32
      scf.for %scan3A_95 = %scan3A_27 to %scan3A_29 step %scan3A_30  : i32 {
        %mul3A_96 = arith.constant 16 : i32
        %mul3A_97 = arith.muli %scan3A_95, %mul3A_96 : i32
        %get3A = arith.index_cast %mul3A_97 : i32 to index
        %get3A_98 = tpu.vector_load %arg7[%get3A] {strides = array<i32>} : memref<2000xf32, #tpu.memory_space<vmem>>, vector<16xf32>,
        %jit3A = arith.constant 9.99999997E-7 : f32
        %jit3A_99 = arith.constant 3269017.25 : f32
        %max3A = vector.broadcast %jit3A : f32 to vector<16xf32>
        %max3A_100 = arith.maximumf %max3A, %get3A_98 : vector<16xf32>
        %min3A = vector.broadcast %jit3A_99 : f32 to vector<16xf32>
        %min3A_101 = arith.minimumf %min3A, %max3A_100 : vector<16xf32>
        %swap3A = arith.index_cast %mul3A_97 : i32 to index
        %swap3A_102 = tpu.vector_load %arg7[%swap3A] {strides = array<i32>} : memref<2000xf32, #tpu.memory_space<vmem>>, vector<16xf32>,
        tpu.vector_store %arg7[%swap3A], %min3A_101 {strides = array<i32>} : memref<2000xf32, #tpu.memory_space<vmem>>, vector<16xf32>,
      }
      %scan3A_31 = arith.constant 125 : i32
      %scan3A_32 = arith.constant 0 : i32
      %scan3A_33 = arith.constant 0 : i32
      %scan3A_34 = arith.constant 125 : i32
      %scan3A_35 = arith.addi %scan3A_33, %scan3A_34 : i32
      %scan3A_36 = arith.constant 1 : i32
      %scan3A_37 = scf.for %scan3A_95 = %scan3A_33 to %scan3A_35 step %scan3A_36 iter_args(%scan3A_96 = %scan3A_32) -> (i32)  : i32 {
        %mul3A_97 = arith.constant 16 : i32
        %mul3A_98 = arith.muli %scan3A_95, %mul3A_97 : i32
        %add3A_99 = arith.constant 0 : i32
        %add3A_100 = arith.addi %add3A_99, %mul3A_98 : i32
        %get3A = arith.index_cast %add3A_100 : i32 to index
        %get3A_101 = tpu.vector_load %arg6[%get3A] {strides = array<i32>} : memref<8000xi32, #tpu.memory_space<vmem>>, vector<16xi32>,
        %mul3A_102 = arith.constant 16 : i32
        %mul3A_103 = arith.muli %scan3A_95, %mul3A_102 : i32
        %get3A_104 = arith.index_cast %mul3A_103 : i32 to index
        %get3A_105 = tpu.vector_load %arg7[%get3A_104] {strides = array<i32>} : memref<2000xf32, #tpu.memory_space<vmem>>, vector<16xf32>,
        %gather3A = tpu.vector_load_idx %arg5[%get3A_101] : memref<102400xf32, #tpu.memory_space<vmem>>[vector<16xi32>], vector<16xf32>,
        %max3A = arith.maximumf %gather3A, %get3A_105 : vector<16xf32>
        tpu.vector_store_idx %arg5[%get3A_101], %max3A : memref<102400xf32, #tpu.memory_space<vmem>>[vector<16xi32>], vector<16xf32>,
        %gather3A_106 = tpu.vector_load_idx %arg5[%get3A_101] : memref<102400xf32, #tpu.memory_space<vmem>>[vector<16xi32>], vector<16xf32>,
        %gt3A = arith.cmpf ogt, %get3A_105, %gather3A_106 : vector<16xf32>
        %swap3A = arith.index_cast %scan3A_96 : i32 to index
        %swap3A_107 = tpu.vector_load %arg8[%swap3A] masked %gt3A {strides = array<i32>} : memref<2016xi32, #tpu.memory_space<vmem>>, vector<16xi32>, vector<16xi1>
        tpu.vector_store %arg8[%swap3A], %get3A_101 masked %gt3A {strides = array<i32>} : memref<2016xi32, #tpu.memory_space<vmem>>, vector<16xi32>, vector<16xi1>
        %swap3A_108 = arith.index_cast %scan3A_96 : i32 to index
        %swap3A_109 = tpu.vector_load %arg9[%swap3A_108] masked %gt3A {strides = array<i32>} : memref<2016xf32, #tpu.memory_space<vmem>>, vector<16xf32>, vector<16xi1>
        tpu.vector_store %arg9[%swap3A_108], %get3A_105 masked %gt3A {strides = array<i32>} : memref<2016xf32, #tpu.memory_space<vmem>>, vector<16xf32>, vector<16xi1>
        %convert_element_type3A = arith.extui %gt3A : vector<16xi1> to vector<16xi32>
        %reduce_sum3A = arith.constant true
        %reduce_sum3A_110 = vector.broadcast %reduce_sum3A : i1 to vector<16xi1>
        %reduce_sum3A_111 = tpu.scan <sum>, %convert_element_type3A masked %reduce_sum3A_110 : vector<16xi32>, vector<16xi1> -> vector<16xi32>
        %reduce_sum3A_112 = vector.extract %reduce_sum3A_111[15] : i32 from vector<16xi32>
        %add3A_113 = arith.addi %scan3A_96, %reduce_sum3A_112 : i32
        scf.yield %add3A_113 : i32
      }
      %scan3A_38 = arith.constant 125 : i32
      %while3A = arith.constant 0 : i32
      %while3A_39 = arith.subi %scan3A_37, %while3A : i32
      %while3A_40 = arith.addi %while3A, %while3A_39 : i32
      %while3A_41 = arith.constant 1 : i32
      %while3A_42 = arith.divsi %while3A_39, %while3A_41 : i32
      %while3A_43 = arith.muli %while3A_42, %while3A_41 : i32
      %while3A_44 = arith.addi %while3A, %while3A_43 : i32
      %while3A_45 = arith.constant 1 : i32
      scf.for %while3A_95 = %while3A to %while3A_44 step %while3A_45  : i32 {
        %broadcast_in_dim3A_96 = arith.constant 0 : i32
        %broadcast_in_dim3A_97 = vector.broadcast %broadcast_in_dim3A_96 : i32 to vector<16xi32>
        %add3A_98 = vector.broadcast %while3A_95 : i32 to vector<16xi32>
        %add3A_99 = arith.addi %broadcast_in_dim3A_97, %add3A_98 : vector<16xi32>
        %gather3A = tpu.vector_load_idx %arg8[%add3A_99] : memref<2016xi32, #tpu.memory_space<vmem>>[vector<16xi32>], vector<16xi32>,
        %gather3A_100 = tpu.vector_load_idx %arg9[%add3A_99] : memref<2016xf32, #tpu.memory_space<vmem>>[vector<16xi32>], vector<16xf32>,
        %gather3A_101 = tpu.vector_load_idx %arg5[%gather3A] : memref<102400xf32, #tpu.memory_space<vmem>>[vector<16xi32>], vector<16xf32>,
        %max3A = arith.maximumf %gather3A_101, %gather3A_100 : vector<16xf32>
        tpu.vector_store_idx %arg5[%gather3A], %max3A : memref<102400xf32, #tpu.memory_space<vmem>>[vector<16xi32>], vector<16xf32>,
      }
      %while3A_46 = arith.constant 1 : i32
      scf.for %while3A_95 = %while3A_44 to %while3A_40 step %while3A_46  : i32 {
        %broadcast_in_dim3A_96 = arith.constant 0 : i32
        %broadcast_in_dim3A_97 = vector.broadcast %broadcast_in_dim3A_96 : i32 to vector<16xi32>
        %add3A_98 = vector.broadcast %while3A_95 : i32 to vector<16xi32>
        %add3A_99 = arith.addi %broadcast_in_dim3A_97, %add3A_98 : vector<16xi32>
        %gather3A = tpu.vector_load_idx %arg8[%add3A_99] : memref<2016xi32, #tpu.memory_space<vmem>>[vector<16xi32>], vector<16xi32>,
        %gather3A_100 = tpu.vector_load_idx %arg9[%add3A_99] : memref<2016xf32, #tpu.memory_space<vmem>>[vector<16xi32>], vector<16xf32>,
        %gather3A_101 = tpu.vector_load_idx %arg5[%gather3A] : memref<102400xf32, #tpu.memory_space<vmem>>[vector<16xi32>], vector<16xf32>,
        %max3A = arith.maximumf %gather3A_101, %gather3A_100 : vector<16xf32>
        tpu.vector_store_idx %arg5[%gather3A], %max3A : memref<102400xf32, #tpu.memory_space<vmem>>[vector<16xi32>], vector<16xf32>,
      }
      %scan3A_47 = arith.constant 0 : i32
      %scan3A_48 = arith.constant 0 : i32
      %scan3A_49 = arith.constant 125 : i32
      %scan3A_50 = arith.addi %scan3A_48, %scan3A_49 : i32
      %scan3A_51 = arith.constant 1 : i32
      %scan3A_52 = scf.for %scan3A_95 = %scan3A_48 to %scan3A_50 step %scan3A_51 iter_args(%scan3A_96 = %scan3A_47) -> (i32)  : i32 {
        %mul3A_97 = arith.constant 16 : i32
        %mul3A_98 = arith.muli %scan3A_95, %mul3A_97 : i32
        %add3A_99 = arith.constant 2000 : i32
        %add3A_100 = arith.addi %add3A_99, %mul3A_98 : i32
        %get3A = arith.index_cast %add3A_100 : i32 to index
        %get3A_101 = tpu.vector_load %arg6[%get3A] {strides = array<i32>} : memref<8000xi32, #tpu.memory_space<vmem>>, vector<16xi32>,
        %mul3A_102 = arith.constant 16 : i32
        %mul3A_103 = arith.muli %scan3A_95, %mul3A_102 : i32
        %get3A_104 = arith.index_cast %mul3A_103 : i32 to index
        %get3A_105 = tpu.vector_load %arg7[%get3A_104] {strides = array<i32>} : memref<2000xf32, #tpu.memory_space<vmem>>, vector<16xf32>,
        %gather3A = tpu.vector_load_idx %arg5[%get3A_101] : memref<102400xf32, #tpu.memory_space<vmem>>[vector<16xi32>], vector<16xf32>,
        %max3A = arith.maximumf %gather3A, %get3A_105 : vector<16xf32>
        tpu.vector_store_idx %arg5[%get3A_101], %max3A : memref<102400xf32, #tpu.memory_space<vmem>>[vector<16xi32>], vector<16xf32>,
        %gather3A_106 = tpu.vector_load_idx %arg5[%get3A_101] : memref<102400xf32, #tpu.memory_space<vmem>>[vector<16xi32>], vector<16xf32>,
        %gt3A = arith.cmpf ogt, %get3A_105, %gather3A_106 : vector<16xf32>
        %swap3A = arith.index_cast %scan3A_96 : i32 to index
        %swap3A_107 = tpu.vector_load %arg8[%swap3A] masked %gt3A {strides = array<i32>} : memref<2016xi32, #tpu.memory_space<vmem>>, vector<16xi32>, vector<16xi1>
        tpu.vector_store %arg8[%swap3A], %get3A_101 masked %gt3A {strides = array<i32>} : memref<2016xi32, #tpu.memory_space<vmem>>, vector<16xi32>, vector<16xi1>
        %swap3A_108 = arith.index_cast %scan3A_96 : i32 to index
        %swap3A_109 = tpu.vector_load %arg9[%swap3A_108] masked %gt3A {strides = array<i32>} : memref<2016xf32, #tpu.memory_space<vmem>>, vector<16xf32>, vector<16xi1>
        tpu.vector_store %arg9[%swap3A_108], %get3A_105 masked %gt3A {strides = array<i32>} : memref<2016xf32, #tpu.memory_space<vmem>>, vector<16xf32>, vector<16xi1>
        %convert_element_type3A = arith.extui %gt3A : vector<16xi1> to vector<16xi32>
        %reduce_sum3A = arith.constant true
        %reduce_sum3A_110 = vector.broadcast %reduce_sum3A : i1 to vector<16xi1>
        %reduce_sum3A_111 = tpu.scan <sum>, %convert_element_type3A masked %reduce_sum3A_110 : vector<16xi32>, vector<16xi1> -> vector<16xi32>
        %reduce_sum3A_112 = vector.extract %reduce_sum3A_111[15] : i32 from vector<16xi32>
        %add3A_113 = arith.addi %scan3A_96, %reduce_sum3A_112 : i32
        scf.yield %add3A_113 : i32
      }
      %scan3A_53 = arith.constant 125 : i32
      %while3A_54 = arith.constant 0 : i32
      %while3A_55 = arith.subi %scan3A_52, %while3A_54 : i32
      %while3A_56 = arith.addi %while3A_54, %while3A_55 : i32
      %while3A_57 = arith.constant 1 : i32
      %while3A_58 = arith.divsi %while3A_55, %while3A_57 : i32
      %while3A_59 = arith.muli %while3A_58, %while3A_57 : i32
      %while3A_60 = arith.addi %while3A_54, %while3A_59 : i32
      %while3A_61 = arith.constant 1 : i32
      scf.for %while3A_95 = %while3A_54 to %while3A_60 step %while3A_61  : i32 {
        %broadcast_in_dim3A_96 = arith.constant 0 : i32
        %broadcast_in_dim3A_97 = vector.broadcast %broadcast_in_dim3A_96 : i32 to vector<16xi32>
        %add3A_98 = vector.broadcast %while3A_95 : i32 to vector<16xi32>
        %add3A_99 = arith.addi %broadcast_in_dim3A_97, %add3A_98 : vector<16xi32>
        %gather3A = tpu.vector_load_idx %arg8[%add3A_99] : memref<2016xi32, #tpu.memory_space<vmem>>[vector<16xi32>], vector<16xi32>,
        %gather3A_100 = tpu.vector_load_idx %arg9[%add3A_99] : memref<2016xf32, #tpu.memory_space<vmem>>[vector<16xi32>], vector<16xf32>,
        %gather3A_101 = tpu.vector_load_idx %arg5[%gather3A] : memref<102400xf32, #tpu.memory_space<vmem>>[vector<16xi32>], vector<16xf32>,
        %max3A = arith.maximumf %gather3A_101, %gather3A_100 : vector<16xf32>
        tpu.vector_store_idx %arg5[%gather3A], %max3A : memref<102400xf32, #tpu.memory_space<vmem>>[vector<16xi32>], vector<16xf32>,
      }
      %while3A_62 = arith.constant 1 : i32
      scf.for %while3A_95 = %while3A_60 to %while3A_56 step %while3A_62  : i32 {
        %broadcast_in_dim3A_96 = arith.constant 0 : i32
        %broadcast_in_dim3A_97 = vector.broadcast %broadcast_in_dim3A_96 : i32 to vector<16xi32>
        %add3A_98 = vector.broadcast %while3A_95 : i32 to vector<16xi32>
        %add3A_99 = arith.addi %broadcast_in_dim3A_97, %add3A_98 : vector<16xi32>
        %gather3A = tpu.vector_load_idx %arg8[%add3A_99] : memref<2016xi32, #tpu.memory_space<vmem>>[vector<16xi32>], vector<16xi32>,
        %gather3A_100 = tpu.vector_load_idx %arg9[%add3A_99] : memref<2016xf32, #tpu.memory_space<vmem>>[vector<16xi32>], vector<16xf32>,
        %gather3A_101 = tpu.vector_load_idx %arg5[%gather3A] : memref<102400xf32, #tpu.memory_space<vmem>>[vector<16xi32>], vector<16xf32>,
        %max3A = arith.maximumf %gather3A_101, %gather3A_100 : vector<16xf32>
        tpu.vector_store_idx %arg5[%gather3A], %max3A : memref<102400xf32, #tpu.memory_space<vmem>>[vector<16xi32>], vector<16xf32>,
      }
      %scan3A_63 = arith.constant 0 : i32
      %scan3A_64 = arith.constant 0 : i32
      %scan3A_65 = arith.constant 125 : i32
      %scan3A_66 = arith.addi %scan3A_64, %scan3A_65 : i32
      %scan3A_67 = arith.constant 1 : i32
      %scan3A_68 = scf.for %scan3A_95 = %scan3A_64 to %scan3A_66 step %scan3A_67 iter_args(%scan3A_96 = %scan3A_63) -> (i32)  : i32 {
        %mul3A_97 = arith.constant 16 : i32
        %mul3A_98 = arith.muli %scan3A_95, %mul3A_97 : i32
        %add3A_99 = arith.constant 4000 : i32
        %add3A_100 = arith.addi %add3A_99, %mul3A_98 : i32
        %get3A = arith.index_cast %add3A_100 : i32 to index
        %get3A_101 = tpu.vector_load %arg6[%get3A] {strides = array<i32>} : memref<8000xi32, #tpu.memory_space<vmem>>, vector<16xi32>,
        %mul3A_102 = arith.constant 16 : i32
        %mul3A_103 = arith.muli %scan3A_95, %mul3A_102 : i32
        %get3A_104 = arith.index_cast %mul3A_103 : i32 to index
        %get3A_105 = tpu.vector_load %arg7[%get3A_104] {strides = array<i32>} : memref<2000xf32, #tpu.memory_space<vmem>>, vector<16xf32>,
        %gather3A = tpu.vector_load_idx %arg5[%get3A_101] : memref<102400xf32, #tpu.memory_space<vmem>>[vector<16xi32>], vector<16xf32>,
        %max3A = arith.maximumf %gather3A, %get3A_105 : vector<16xf32>
        tpu.vector_store_idx %arg5[%get3A_101], %max3A : memref<102400xf32, #tpu.memory_space<vmem>>[vector<16xi32>], vector<16xf32>,
        %gather3A_106 = tpu.vector_load_idx %arg5[%get3A_101] : memref<102400xf32, #tpu.memory_space<vmem>>[vector<16xi32>], vector<16xf32>,
        %gt3A = arith.cmpf ogt, %get3A_105, %gather3A_106 : vector<16xf32>
        %swap3A = arith.index_cast %scan3A_96 : i32 to index
        %swap3A_107 = tpu.vector_load %arg8[%swap3A] masked %gt3A {strides = array<i32>} : memref<2016xi32, #tpu.memory_space<vmem>>, vector<16xi32>, vector<16xi1>
        tpu.vector_store %arg8[%swap3A], %get3A_101 masked %gt3A {strides = array<i32>} : memref<2016xi32, #tpu.memory_space<vmem>>, vector<16xi32>, vector<16xi1>
        %swap3A_108 = arith.index_cast %scan3A_96 : i32 to index
        %swap3A_109 = tpu.vector_load %arg9[%swap3A_108] masked %gt3A {strides = array<i32>} : memref<2016xf32, #tpu.memory_space<vmem>>, vector<16xf32>, vector<16xi1>
        tpu.vector_store %arg9[%swap3A_108], %get3A_105 masked %gt3A {strides = array<i32>} : memref<2016xf32, #tpu.memory_space<vmem>>, vector<16xf32>, vector<16xi1>
        %convert_element_type3A = arith.extui %gt3A : vector<16xi1> to vector<16xi32>
        %reduce_sum3A = arith.constant true
        %reduce_sum3A_110 = vector.broadcast %reduce_sum3A : i1 to vector<16xi1>
        %reduce_sum3A_111 = tpu.scan <sum>, %convert_element_type3A masked %reduce_sum3A_110 : vector<16xi32>, vector<16xi1> -> vector<16xi32>
        %reduce_sum3A_112 = vector.extract %reduce_sum3A_111[15] : i32 from vector<16xi32>
        %add3A_113 = arith.addi %scan3A_96, %reduce_sum3A_112 : i32
        scf.yield %add3A_113 : i32
      }
      %scan3A_69 = arith.constant 125 : i32
      %while3A_70 = arith.constant 0 : i32
      %while3A_71 = arith.subi %scan3A_68, %while3A_70 : i32
      %while3A_72 = arith.addi %while3A_70, %while3A_71 : i32
      %while3A_73 = arith.constant 1 : i32
      %while3A_74 = arith.divsi %while3A_71, %while3A_73 : i32
      %while3A_75 = arith.muli %while3A_74, %while3A_73 : i32
      %while3A_76 = arith.addi %while3A_70, %while3A_75 : i32
      %while3A_77 = arith.constant 1 : i32
      scf.for %while3A_95 = %while3A_70 to %while3A_76 step %while3A_77  : i32 {
        %broadcast_in_dim3A_96 = arith.constant 0 : i32
        %broadcast_in_dim3A_97 = vector.broadcast %broadcast_in_dim3A_96 : i32 to vector<16xi32>
        %add3A_98 = vector.broadcast %while3A_95 : i32 to vector<16xi32>
        %add3A_99 = arith.addi %broadcast_in_dim3A_97, %add3A_98 : vector<16xi32>
        %gather3A = tpu.vector_load_idx %arg8[%add3A_99] : memref<2016xi32, #tpu.memory_space<vmem>>[vector<16xi32>], vector<16xi32>,
        %gather3A_100 = tpu.vector_load_idx %arg9[%add3A_99] : memref<2016xf32, #tpu.memory_space<vmem>>[vector<16xi32>], vector<16xf32>,
        %gather3A_101 = tpu.vector_load_idx %arg5[%gather3A] : memref<102400xf32, #tpu.memory_space<vmem>>[vector<16xi32>], vector<16xf32>,
        %max3A = arith.maximumf %gather3A_101, %gather3A_100 : vector<16xf32>
        tpu.vector_store_idx %arg5[%gather3A], %max3A : memref<102400xf32, #tpu.memory_space<vmem>>[vector<16xi32>], vector<16xf32>,
      }
      %while3A_78 = arith.constant 1 : i32
      scf.for %while3A_95 = %while3A_76 to %while3A_72 step %while3A_78  : i32 {
        %broadcast_in_dim3A_96 = arith.constant 0 : i32
        %broadcast_in_dim3A_97 = vector.broadcast %broadcast_in_dim3A_96 : i32 to vector<16xi32>
        %add3A_98 = vector.broadcast %while3A_95 : i32 to vector<16xi32>
        %add3A_99 = arith.addi %broadcast_in_dim3A_97, %add3A_98 : vector<16xi32>
        %gather3A = tpu.vector_load_idx %arg8[%add3A_99] : memref<2016xi32, #tpu.memory_space<vmem>>[vector<16xi32>], vector<16xi32>,
        %gather3A_100 = tpu.vector_load_idx %arg9[%add3A_99] : memref<2016xf32, #tpu.memory_space<vmem>>[vector<16xi32>], vector<16xf32>,
        %gather3A_101 = tpu.vector_load_idx %arg5[%gather3A] : memref<102400xf32, #tpu.memory_space<vmem>>[vector<16xi32>], vector<16xf32>,
        %max3A = arith.maximumf %gather3A_101, %gather3A_100 : vector<16xf32>
        tpu.vector_store_idx %arg5[%gather3A], %max3A : memref<102400xf32, #tpu.memory_space<vmem>>[vector<16xi32>], vector<16xf32>,
      }
      %scan3A_79 = arith.constant 0 : i32
      %scan3A_80 = arith.constant 0 : i32
      %scan3A_81 = arith.constant 125 : i32
      %scan3A_82 = arith.addi %scan3A_80, %scan3A_81 : i32
      %scan3A_83 = arith.constant 1 : i32
      %scan3A_84 = scf.for %scan3A_95 = %scan3A_80 to %scan3A_82 step %scan3A_83 iter_args(%scan3A_96 = %scan3A_79) -> (i32)  : i32 {
        %mul3A_97 = arith.constant 16 : i32
        %mul3A_98 = arith.muli %scan3A_95, %mul3A_97 : i32
        %add3A_99 = arith.constant 6000 : i32
        %add3A_100 = arith.addi %add3A_99, %mul3A_98 : i32
        %get3A = arith.index_cast %add3A_100 : i32 to index
        %get3A_101 = tpu.vector_load %arg6[%get3A] {strides = array<i32>} : memref<8000xi32, #tpu.memory_space<vmem>>, vector<16xi32>,
        %mul3A_102 = arith.constant 16 : i32
        %mul3A_103 = arith.muli %scan3A_95, %mul3A_102 : i32
        %get3A_104 = arith.index_cast %mul3A_103 : i32 to index
        %get3A_105 = tpu.vector_load %arg7[%get3A_104] {strides = array<i32>} : memref<2000xf32, #tpu.memory_space<vmem>>, vector<16xf32>,
        %gather3A = tpu.vector_load_idx %arg5[%get3A_101] : memref<102400xf32, #tpu.memory_space<vmem>>[vector<16xi32>], vector<16xf32>,
        %max3A = arith.maximumf %gather3A, %get3A_105 : vector<16xf32>
        tpu.vector_store_idx %arg5[%get3A_101], %max3A : memref<102400xf32, #tpu.memory_space<vmem>>[vector<16xi32>], vector<16xf32>,
        %gather3A_106 = tpu.vector_load_idx %arg5[%get3A_101] : memref<102400xf32, #tpu.memory_space<vmem>>[vector<16xi32>], vector<16xf32>,
        %gt3A = arith.cmpf ogt, %get3A_105, %gather3A_106 : vector<16xf32>
        %swap3A = arith.index_cast %scan3A_96 : i32 to index
        %swap3A_107 = tpu.vector_load %arg8[%swap3A] masked %gt3A {strides = array<i32>} : memref<2016xi32, #tpu.memory_space<vmem>>, vector<16xi32>, vector<16xi1>
        tpu.vector_store %arg8[%swap3A], %get3A_101 masked %gt3A {strides = array<i32>} : memref<2016xi32, #tpu.memory_space<vmem>>, vector<16xi32>, vector<16xi1>
        %swap3A_108 = arith.index_cast %scan3A_96 : i32 to index
        %swap3A_109 = tpu.vector_load %arg9[%swap3A_108] masked %gt3A {strides = array<i32>} : memref<2016xf32, #tpu.memory_space<vmem>>, vector<16xf32>, vector<16xi1>
        tpu.vector_store %arg9[%swap3A_108], %get3A_105 masked %gt3A {strides = array<i32>} : memref<2016xf32, #tpu.memory_space<vmem>>, vector<16xf32>, vector<16xi1>
        %convert_element_type3A = arith.extui %gt3A : vector<16xi1> to vector<16xi32>
        %reduce_sum3A = arith.constant true
        %reduce_sum3A_110 = vector.broadcast %reduce_sum3A : i1 to vector<16xi1>
        %reduce_sum3A_111 = tpu.scan <sum>, %convert_element_type3A masked %reduce_sum3A_110 : vector<16xi32>, vector<16xi1> -> vector<16xi32>
        %reduce_sum3A_112 = vector.extract %reduce_sum3A_111[15] : i32 from vector<16xi32>
        %add3A_113 = arith.addi %scan3A_96, %reduce_sum3A_112 : i32
        scf.yield %add3A_113 : i32
      }
      %scan3A_85 = arith.constant 125 : i32
      %while3A_86 = arith.constant 0 : i32
      %while3A_87 = arith.subi %scan3A_84, %while3A_86 : i32
      %while3A_88 = arith.addi %while3A_86, %while3A_87 : i32
      %while3A_89 = arith.constant 1 : i32
      %while3A_90 = arith.divsi %while3A_87, %while3A_89 : i32
      %while3A_91 = arith.muli %while3A_90, %while3A_89 : i32
      %while3A_92 = arith.addi %while3A_86, %while3A_91 : i32
      %while3A_93 = arith.constant 1 : i32
      scf.for %while3A_95 = %while3A_86 to %while3A_92 step %while3A_93  : i32 {
        %broadcast_in_dim3A_96 = arith.constant 0 : i32
        %broadcast_in_dim3A_97 = vector.broadcast %broadcast_in_dim3A_96 : i32 to vector<16xi32>
        %add3A_98 = vector.broadcast %while3A_95 : i32 to vector<16xi32>
        %add3A_99 = arith.addi %broadcast_in_dim3A_97, %add3A_98 : vector<16xi32>
        %gather3A = tpu.vector_load_idx %arg8[%add3A_99] : memref<2016xi32, #tpu.memory_space<vmem>>[vector<16xi32>], vector<16xi32>,
        %gather3A_100 = tpu.vector_load_idx %arg9[%add3A_99] : memref<2016xf32, #tpu.memory_space<vmem>>[vector<16xi32>], vector<16xf32>,
        %gather3A_101 = tpu.vector_load_idx %arg5[%gather3A] : memref<102400xf32, #tpu.memory_space<vmem>>[vector<16xi32>], vector<16xf32>,
        %max3A = arith.maximumf %gather3A_101, %gather3A_100 : vector<16xf32>
        tpu.vector_store_idx %arg5[%gather3A], %max3A : memref<102400xf32, #tpu.memory_space<vmem>>[vector<16xi32>], vector<16xf32>,
      }
      %while3A_94 = arith.constant 1 : i32
      scf.for %while3A_95 = %while3A_92 to %while3A_88 step %while3A_94  : i32 {
        %broadcast_in_dim3A_96 = arith.constant 0 : i32
        %broadcast_in_dim3A_97 = vector.broadcast %broadcast_in_dim3A_96 : i32 to vector<16xi32>
        %add3A_98 = vector.broadcast %while3A_95 : i32 to vector<16xi32>
        %add3A_99 = arith.addi %broadcast_in_dim3A_97, %add3A_98 : vector<16xi32>
        %gather3A = tpu.vector_load_idx %arg8[%add3A_99] : memref<2016xi32, #tpu.memory_space<vmem>>[vector<16xi32>], vector<16xi32>,
        %gather3A_100 = tpu.vector_load_idx %arg9[%add3A_99] : memref<2016xf32, #tpu.memory_space<vmem>>[vector<16xi32>], vector<16xf32>,
        %gather3A_101 = tpu.vector_load_idx %arg5[%gather3A] : memref<102400xf32, #tpu.memory_space<vmem>>[vector<16xi32>], vector<16xf32>,
        %max3A = arith.maximumf %gather3A_101, %gather3A_100 : vector<16xf32>
        tpu.vector_store_idx %arg5[%gather3A], %max3A : memref<102400xf32, #tpu.memory_space<vmem>>[vector<16xi32>], vector<16xf32>,
      }
    }
    %scan3A_12 = arith.constant 25 : i32
    %mul3A_13 = arith.constant 102400 : i32
    %mul3A_14 = arith.muli %add3A, %mul3A_13 : i32
    "tpu.region"() ({
      %run_scoped3A = tpu.sem_alloc : memref<!tpu.dma_semaphore, #tpu.memory_space<semaphore_mem>>
      %dma_start3A = tpu.memref_slice %arg4[%mul3A_14] : memref<3276800xf32, #tpu.memory_space<hbm>> -> memref<102400xf32, #tpu.memory_space<hbm>>
      %dma_start3A_15 = tpu.memref_slice %arg4[%mul3A_14] : memref<3276800xf32, #tpu.memory_space<hbm>> -> memref<102400xf32, #tpu.memory_space<hbm>>
      tpu.enqueue_dma source(%arg5 : memref<102400xf32, #tpu.memory_space<vmem>>) target(%dma_start3A_15 : memref<102400xf32, #tpu.memory_space<hbm>>) target_semaphore(%run_scoped3A : memref<!tpu.dma_semaphore, #tpu.memory_space<semaphore_mem>>)
      %dma_wait3A = tpu.memref_slice %arg4[%mul3A_14] : memref<3276800xf32, #tpu.memory_space<hbm>> -> memref<102400xf32, #tpu.memory_space<hbm>>
      %dma_wait3A_16 = tpu.memref_slice %arg4[%mul3A_14] : memref<3276800xf32, #tpu.memory_space<hbm>> -> memref<102400xf32, #tpu.memory_space<hbm>>
      tpu.wait_dma2 semaphore(%run_scoped3A : memref<!tpu.dma_semaphore, #tpu.memory_space<semaphore_mem>>) src(%arg5 : memref<102400xf32, #tpu.memory_space<vmem>>) dst(%dma_wait3A_16 : memref<102400xf32, #tpu.memory_space<hbm>>)
      tpu.yield
    }) : () -> ()
    return
  }
}

#map = affine_map<(d0, d1) -> (0)>
module attributes {stable_mosaic.version = 14 : i64} {
  func.func @vd_merge(%arg0: i32, %arg1: i32, %arg2: memref<3276800xf32, #tpu.memory_space<hbm>>, %arg3: memref<102400xf32, #tpu.memory_space<hbm>>, %arg4: memref<32x3200xf32, #tpu.memory_space<vmem>>, %arg5: memref<!tpu.dma_semaphore, #tpu.memory_space<semaphore_mem>>) attributes {dimension_semantics = [#tpu.dimension_semantics<core_parallel>, #tpu.dimension_semantics<subcore_parallel>], iteration_bounds = array<i64: 2, 16>, scalar_prefetch = 0 : i64, scratch_operands = 2 : i64, tpu.core_type = #tpu.core_type<sc_vector_subcore>, window_params = [{transform_indices = #map}, {transform_indices = #map}]} {
    %mul3A = arith.constant 2 : i32
    %mul3A_0 = arith.muli %arg1, %mul3A : i32
    %add3A = arith.addi %mul3A_0, %arg0 : i32
    %mul3A_1 = arith.constant 3200 : i32
    %mul3A_2 = arith.muli %add3A, %mul3A_1 : i32
    %add3A_3 = arith.constant 0 : i32
    %add3A_4 = arith.addi %add3A_3, %mul3A_2 : i32
    %dma_start3A = arith.constant 0 : i32
    %dma_start3A_5 = arith.constant 0 : i32
    %dma_start3A_6 = tpu.memref_slice %arg4[%dma_start3A, %dma_start3A_5] : memref<32x3200xf32, #tpu.memory_space<vmem>> -> memref<1x3200xf32, #tpu.memory_space<vmem>>
    %dma_start3A_7 = tpu.memref_squeeze %dma_start3A_6 : memref<1x3200xf32, #tpu.memory_space<vmem>> -> memref<3200xf32, #tpu.memory_space<vmem>>
    %dma_start3A_8 = tpu.memref_slice %arg2[%add3A_4] : memref<3276800xf32, #tpu.memory_space<hbm>> -> memref<3200xf32, #tpu.memory_space<hbm>>
    %dma_start3A_9 = arith.constant 0 : i32
    %dma_start3A_10 = tpu.memref_slice %arg4[%dma_start3A, %dma_start3A_9] : memref<32x3200xf32, #tpu.memory_space<vmem>> -> memref<1x3200xf32, #tpu.memory_space<vmem>>
    %dma_start3A_11 = tpu.memref_squeeze %dma_start3A_10 : memref<1x3200xf32, #tpu.memory_space<vmem>> -> memref<3200xf32, #tpu.memory_space<vmem>>
    %dma_start3A_12 = tpu.memref_slice %arg2[%add3A_4] : memref<3276800xf32, #tpu.memory_space<hbm>> -> memref<3200xf32, #tpu.memory_space<hbm>>
    tpu.enqueue_dma source(%dma_start3A_12 : memref<3200xf32, #tpu.memory_space<hbm>>) target(%dma_start3A_11 : memref<3200xf32, #tpu.memory_space<vmem>>) target_semaphore(%arg5 : memref<!tpu.dma_semaphore, #tpu.memory_space<semaphore_mem>>)
    %add3A_13 = arith.constant 102400 : i32
    %add3A_14 = arith.addi %add3A_13, %mul3A_2 : i32
    %dma_start3A_15 = arith.constant 1 : i32
    %dma_start3A_16 = arith.constant 0 : i32
    %dma_start3A_17 = tpu.memref_slice %arg4[%dma_start3A_15, %dma_start3A_16] : memref<32x3200xf32, #tpu.memory_space<vmem>> -> memref<1x3200xf32, #tpu.memory_space<vmem>>
    %dma_start3A_18 = tpu.memref_squeeze %dma_start3A_17 : memref<1x3200xf32, #tpu.memory_space<vmem>> -> memref<3200xf32, #tpu.memory_space<vmem>>
    %dma_start3A_19 = tpu.memref_slice %arg2[%add3A_14] : memref<3276800xf32, #tpu.memory_space<hbm>> -> memref<3200xf32, #tpu.memory_space<hbm>>
    %dma_start3A_20 = arith.constant 0 : i32
    %dma_start3A_21 = tpu.memref_slice %arg4[%dma_start3A_15, %dma_start3A_20] : memref<32x3200xf32, #tpu.memory_space<vmem>> -> memref<1x3200xf32, #tpu.memory_space<vmem>>
    %dma_start3A_22 = tpu.memref_squeeze %dma_start3A_21 : memref<1x3200xf32, #tpu.memory_space<vmem>> -> memref<3200xf32, #tpu.memory_space<vmem>>
    %dma_start3A_23 = tpu.memref_slice %arg2[%add3A_14] : memref<3276800xf32, #tpu.memory_space<hbm>> -> memref<3200xf32, #tpu.memory_space<hbm>>
    tpu.enqueue_dma source(%dma_start3A_23 : memref<3200xf32, #tpu.memory_space<hbm>>) target(%dma_start3A_22 : memref<3200xf32, #tpu.memory_space<vmem>>) target_semaphore(%arg5 : memref<!tpu.dma_semaphore, #tpu.memory_space<semaphore_mem>>)
    %add3A_24 = arith.constant 204800 : i32
    %add3A_25 = arith.addi %add3A_24, %mul3A_2 : i32
    %dma_start3A_26 = arith.constant 2 : i32
    %dma_start3A_27 = arith.constant 0 : i32
    %dma_start3A_28 = tpu.memref_slice %arg4[%dma_start3A_26, %dma_start3A_27] : memref<32x3200xf32, #tpu.memory_space<vmem>> -> memref<1x3200xf32, #tpu.memory_space<vmem>>
    %dma_start3A_29 = tpu.memref_squeeze %dma_start3A_28 : memref<1x3200xf32, #tpu.memory_space<vmem>> -> memref<3200xf32, #tpu.memory_space<vmem>>
    %dma_start3A_30 = tpu.memref_slice %arg2[%add3A_25] : memref<3276800xf32, #tpu.memory_space<hbm>> -> memref<3200xf32, #tpu.memory_space<hbm>>
    %dma_start3A_31 = arith.constant 0 : i32
    %dma_start3A_32 = tpu.memref_slice %arg4[%dma_start3A_26, %dma_start3A_31] : memref<32x3200xf32, #tpu.memory_space<vmem>> -> memref<1x3200xf32, #tpu.memory_space<vmem>>
    %dma_start3A_33 = tpu.memref_squeeze %dma_start3A_32 : memref<1x3200xf32, #tpu.memory_space<vmem>> -> memref<3200xf32, #tpu.memory_space<vmem>>
    %dma_start3A_34 = tpu.memref_slice %arg2[%add3A_25] : memref<3276800xf32, #tpu.memory_space<hbm>> -> memref<3200xf32, #tpu.memory_space<hbm>>
    tpu.enqueue_dma source(%dma_start3A_34 : memref<3200xf32, #tpu.memory_space<hbm>>) target(%dma_start3A_33 : memref<3200xf32, #tpu.memory_space<vmem>>) target_semaphore(%arg5 : memref<!tpu.dma_semaphore, #tpu.memory_space<semaphore_mem>>)
    %add3A_35 = arith.constant 307200 : i32
    %add3A_36 = arith.addi %add3A_35, %mul3A_2 : i32
    %dma_start3A_37 = arith.constant 3 : i32
    %dma_start3A_38 = arith.constant 0 : i32
    %dma_start3A_39 = tpu.memref_slice %arg4[%dma_start3A_37, %dma_start3A_38] : memref<32x3200xf32, #tpu.memory_space<vmem>> -> memref<1x3200xf32, #tpu.memory_space<vmem>>
    %dma_start3A_40 = tpu.memref_squeeze %dma_start3A_39 : memref<1x3200xf32, #tpu.memory_space<vmem>> -> memref<3200xf32, #tpu.memory_space<vmem>>
    %dma_start3A_41 = tpu.memref_slice %arg2[%add3A_36] : memref<3276800xf32, #tpu.memory_space<hbm>> -> memref<3200xf32, #tpu.memory_space<hbm>>
    %dma_start3A_42 = arith.constant 0 : i32
    %dma_start3A_43 = tpu.memref_slice %arg4[%dma_start3A_37, %dma_start3A_42] : memref<32x3200xf32, #tpu.memory_space<vmem>> -> memref<1x3200xf32, #tpu.memory_space<vmem>>
    %dma_start3A_44 = tpu.memref_squeeze %dma_start3A_43 : memref<1x3200xf32, #tpu.memory_space<vmem>> -> memref<3200xf32, #tpu.memory_space<vmem>>
    %dma_start3A_45 = tpu.memref_slice %arg2[%add3A_36] : memref<3276800xf32, #tpu.memory_space<hbm>> -> memref<3200xf32, #tpu.memory_space<hbm>>
    tpu.enqueue_dma source(%dma_start3A_45 : memref<3200xf32, #tpu.memory_space<hbm>>) target(%dma_start3A_44 : memref<3200xf32, #tpu.memory_space<vmem>>) target_semaphore(%arg5 : memref<!tpu.dma_semaphore, #tpu.memory_space<semaphore_mem>>)
    %add3A_46 = arith.constant 409600 : i32
    %add3A_47 = arith.addi %add3A_46, %mul3A_2 : i32
    %dma_start3A_48 = arith.constant 4 : i32
    %dma_start3A_49 = arith.constant 0 : i32
    %dma_start3A_50 = tpu.memref_slice %arg4[%dma_start3A_48, %dma_start3A_49] : memref<32x3200xf32, #tpu.memory_space<vmem>> -> memref<1x3200xf32, #tpu.memory_space<vmem>>
    %dma_start3A_51 = tpu.memref_squeeze %dma_start3A_50 : memref<1x3200xf32, #tpu.memory_space<vmem>> -> memref<3200xf32, #tpu.memory_space<vmem>>
    %dma_start3A_52 = tpu.memref_slice %arg2[%add3A_47] : memref<3276800xf32, #tpu.memory_space<hbm>> -> memref<3200xf32, #tpu.memory_space<hbm>>
    %dma_start3A_53 = arith.constant 0 : i32
    %dma_start3A_54 = tpu.memref_slice %arg4[%dma_start3A_48, %dma_start3A_53] : memref<32x3200xf32, #tpu.memory_space<vmem>> -> memref<1x3200xf32, #tpu.memory_space<vmem>>
    %dma_start3A_55 = tpu.memref_squeeze %dma_start3A_54 : memref<1x3200xf32, #tpu.memory_space<vmem>> -> memref<3200xf32, #tpu.memory_space<vmem>>
    %dma_start3A_56 = tpu.memref_slice %arg2[%add3A_47] : memref<3276800xf32, #tpu.memory_space<hbm>> -> memref<3200xf32, #tpu.memory_space<hbm>>
    tpu.enqueue_dma source(%dma_start3A_56 : memref<3200xf32, #tpu.memory_space<hbm>>) target(%dma_start3A_55 : memref<3200xf32, #tpu.memory_space<vmem>>) target_semaphore(%arg5 : memref<!tpu.dma_semaphore, #tpu.memory_space<semaphore_mem>>)
    %add3A_57 = arith.constant 512000 : i32
    %add3A_58 = arith.addi %add3A_57, %mul3A_2 : i32
    %dma_start3A_59 = arith.constant 5 : i32
    %dma_start3A_60 = arith.constant 0 : i32
    %dma_start3A_61 = tpu.memref_slice %arg4[%dma_start3A_59, %dma_start3A_60] : memref<32x3200xf32, #tpu.memory_space<vmem>> -> memref<1x3200xf32, #tpu.memory_space<vmem>>
    %dma_start3A_62 = tpu.memref_squeeze %dma_start3A_61 : memref<1x3200xf32, #tpu.memory_space<vmem>> -> memref<3200xf32, #tpu.memory_space<vmem>>
    %dma_start3A_63 = tpu.memref_slice %arg2[%add3A_58] : memref<3276800xf32, #tpu.memory_space<hbm>> -> memref<3200xf32, #tpu.memory_space<hbm>>
    %dma_start3A_64 = arith.constant 0 : i32
    %dma_start3A_65 = tpu.memref_slice %arg4[%dma_start3A_59, %dma_start3A_64] : memref<32x3200xf32, #tpu.memory_space<vmem>> -> memref<1x3200xf32, #tpu.memory_space<vmem>>
    %dma_start3A_66 = tpu.memref_squeeze %dma_start3A_65 : memref<1x3200xf32, #tpu.memory_space<vmem>> -> memref<3200xf32, #tpu.memory_space<vmem>>
    %dma_start3A_67 = tpu.memref_slice %arg2[%add3A_58] : memref<3276800xf32, #tpu.memory_space<hbm>> -> memref<3200xf32, #tpu.memory_space<hbm>>
    tpu.enqueue_dma source(%dma_start3A_67 : memref<3200xf32, #tpu.memory_space<hbm>>) target(%dma_start3A_66 : memref<3200xf32, #tpu.memory_space<vmem>>) target_semaphore(%arg5 : memref<!tpu.dma_semaphore, #tpu.memory_space<semaphore_mem>>)
    %add3A_68 = arith.constant 614400 : i32
    %add3A_69 = arith.addi %add3A_68, %mul3A_2 : i32
    %dma_start3A_70 = arith.constant 6 : i32
    %dma_start3A_71 = arith.constant 0 : i32
    %dma_start3A_72 = tpu.memref_slice %arg4[%dma_start3A_70, %dma_start3A_71] : memref<32x3200xf32, #tpu.memory_space<vmem>> -> memref<1x3200xf32, #tpu.memory_space<vmem>>
    %dma_start3A_73 = tpu.memref_squeeze %dma_start3A_72 : memref<1x3200xf32, #tpu.memory_space<vmem>> -> memref<3200xf32, #tpu.memory_space<vmem>>
    %dma_start3A_74 = tpu.memref_slice %arg2[%add3A_69] : memref<3276800xf32, #tpu.memory_space<hbm>> -> memref<3200xf32, #tpu.memory_space<hbm>>
    %dma_start3A_75 = arith.constant 0 : i32
    %dma_start3A_76 = tpu.memref_slice %arg4[%dma_start3A_70, %dma_start3A_75] : memref<32x3200xf32, #tpu.memory_space<vmem>> -> memref<1x3200xf32, #tpu.memory_space<vmem>>
    %dma_start3A_77 = tpu.memref_squeeze %dma_start3A_76 : memref<1x3200xf32, #tpu.memory_space<vmem>> -> memref<3200xf32, #tpu.memory_space<vmem>>
    %dma_start3A_78 = tpu.memref_slice %arg2[%add3A_69] : memref<3276800xf32, #tpu.memory_space<hbm>> -> memref<3200xf32, #tpu.memory_space<hbm>>
    tpu.enqueue_dma source(%dma_start3A_78 : memref<3200xf32, #tpu.memory_space<hbm>>) target(%dma_start3A_77 : memref<3200xf32, #tpu.memory_space<vmem>>) target_semaphore(%arg5 : memref<!tpu.dma_semaphore, #tpu.memory_space<semaphore_mem>>)
    %add3A_79 = arith.constant 716800 : i32
    %add3A_80 = arith.addi %add3A_79, %mul3A_2 : i32
    %dma_start3A_81 = arith.constant 7 : i32
    %dma_start3A_82 = arith.constant 0 : i32
    %dma_start3A_83 = tpu.memref_slice %arg4[%dma_start3A_81, %dma_start3A_82] : memref<32x3200xf32, #tpu.memory_space<vmem>> -> memref<1x3200xf32, #tpu.memory_space<vmem>>
    %dma_start3A_84 = tpu.memref_squeeze %dma_start3A_83 : memref<1x3200xf32, #tpu.memory_space<vmem>> -> memref<3200xf32, #tpu.memory_space<vmem>>
    %dma_start3A_85 = tpu.memref_slice %arg2[%add3A_80] : memref<3276800xf32, #tpu.memory_space<hbm>> -> memref<3200xf32, #tpu.memory_space<hbm>>
    %dma_start3A_86 = arith.constant 0 : i32
    %dma_start3A_87 = tpu.memref_slice %arg4[%dma_start3A_81, %dma_start3A_86] : memref<32x3200xf32, #tpu.memory_space<vmem>> -> memref<1x3200xf32, #tpu.memory_space<vmem>>
    %dma_start3A_88 = tpu.memref_squeeze %dma_start3A_87 : memref<1x3200xf32, #tpu.memory_space<vmem>> -> memref<3200xf32, #tpu.memory_space<vmem>>
    %dma_start3A_89 = tpu.memref_slice %arg2[%add3A_80] : memref<3276800xf32, #tpu.memory_space<hbm>> -> memref<3200xf32, #tpu.memory_space<hbm>>
    tpu.enqueue_dma source(%dma_start3A_89 : memref<3200xf32, #tpu.memory_space<hbm>>) target(%dma_start3A_88 : memref<3200xf32, #tpu.memory_space<vmem>>) target_semaphore(%arg5 : memref<!tpu.dma_semaphore, #tpu.memory_space<semaphore_mem>>)
    %add3A_90 = arith.constant 819200 : i32
    %add3A_91 = arith.addi %add3A_90, %mul3A_2 : i32
    %dma_start3A_92 = arith.constant 8 : i32
    %dma_start3A_93 = arith.constant 0 : i32
    %dma_start3A_94 = tpu.memref_slice %arg4[%dma_start3A_92, %dma_start3A_93] : memref<32x3200xf32, #tpu.memory_space<vmem>> -> memref<1x3200xf32, #tpu.memory_space<vmem>>
    %dma_start3A_95 = tpu.memref_squeeze %dma_start3A_94 : memref<1x3200xf32, #tpu.memory_space<vmem>> -> memref<3200xf32, #tpu.memory_space<vmem>>
    %dma_start3A_96 = tpu.memref_slice %arg2[%add3A_91] : memref<3276800xf32, #tpu.memory_space<hbm>> -> memref<3200xf32, #tpu.memory_space<hbm>>
    %dma_start3A_97 = arith.constant 0 : i32
    %dma_start3A_98 = tpu.memref_slice %arg4[%dma_start3A_92, %dma_start3A_97] : memref<32x3200xf32, #tpu.memory_space<vmem>> -> memref<1x3200xf32, #tpu.memory_space<vmem>>
    %dma_start3A_99 = tpu.memref_squeeze %dma_start3A_98 : memref<1x3200xf32, #tpu.memory_space<vmem>> -> memref<3200xf32, #tpu.memory_space<vmem>>
    %dma_start3A_100 = tpu.memref_slice %arg2[%add3A_91] : memref<3276800xf32, #tpu.memory_space<hbm>> -> memref<3200xf32, #tpu.memory_space<hbm>>
    tpu.enqueue_dma source(%dma_start3A_100 : memref<3200xf32, #tpu.memory_space<hbm>>) target(%dma_start3A_99 : memref<3200xf32, #tpu.memory_space<vmem>>) target_semaphore(%arg5 : memref<!tpu.dma_semaphore, #tpu.memory_space<semaphore_mem>>)
    %add3A_101 = arith.constant 921600 : i32
    %add3A_102 = arith.addi %add3A_101, %mul3A_2 : i32
    %dma_start3A_103 = arith.constant 9 : i32
    %dma_start3A_104 = arith.constant 0 : i32
    %dma_start3A_105 = tpu.memref_slice %arg4[%dma_start3A_103, %dma_start3A_104] : memref<32x3200xf32, #tpu.memory_space<vmem>> -> memref<1x3200xf32, #tpu.memory_space<vmem>>
    %dma_start3A_106 = tpu.memref_squeeze %dma_start3A_105 : memref<1x3200xf32, #tpu.memory_space<vmem>> -> memref<3200xf32, #tpu.memory_space<vmem>>
    %dma_start3A_107 = tpu.memref_slice %arg2[%add3A_102] : memref<3276800xf32, #tpu.memory_space<hbm>> -> memref<3200xf32, #tpu.memory_space<hbm>>
    %dma_start3A_108 = arith.constant 0 : i32
    %dma_start3A_109 = tpu.memref_slice %arg4[%dma_start3A_103, %dma_start3A_108] : memref<32x3200xf32, #tpu.memory_space<vmem>> -> memref<1x3200xf32, #tpu.memory_space<vmem>>
    %dma_start3A_110 = tpu.memref_squeeze %dma_start3A_109 : memref<1x3200xf32, #tpu.memory_space<vmem>> -> memref<3200xf32, #tpu.memory_space<vmem>>
    %dma_start3A_111 = tpu.memref_slice %arg2[%add3A_102] : memref<3276800xf32, #tpu.memory_space<hbm>> -> memref<3200xf32, #tpu.memory_space<hbm>>
    tpu.enqueue_dma source(%dma_start3A_111 : memref<3200xf32, #tpu.memory_space<hbm>>) target(%dma_start3A_110 : memref<3200xf32, #tpu.memory_space<vmem>>) target_semaphore(%arg5 : memref<!tpu.dma_semaphore, #tpu.memory_space<semaphore_mem>>)
    %add3A_112 = arith.constant 1024000 : i32
    %add3A_113 = arith.addi %add3A_112, %mul3A_2 : i32
    %dma_start3A_114 = arith.constant 10 : i32
    %dma_start3A_115 = arith.constant 0 : i32
    %dma_start3A_116 = tpu.memref_slice %arg4[%dma_start3A_114, %dma_start3A_115] : memref<32x3200xf32, #tpu.memory_space<vmem>> -> memref<1x3200xf32, #tpu.memory_space<vmem>>
    %dma_start3A_117 = tpu.memref_squeeze %dma_start3A_116 : memref<1x3200xf32, #tpu.memory_space<vmem>> -> memref<3200xf32, #tpu.memory_space<vmem>>
    %dma_start3A_118 = tpu.memref_slice %arg2[%add3A_113] : memref<3276800xf32, #tpu.memory_space<hbm>> -> memref<3200xf32, #tpu.memory_space<hbm>>
    %dma_start3A_119 = arith.constant 0 : i32
    %dma_start3A_120 = tpu.memref_slice %arg4[%dma_start3A_114, %dma_start3A_119] : memref<32x3200xf32, #tpu.memory_space<vmem>> -> memref<1x3200xf32, #tpu.memory_space<vmem>>
    %dma_start3A_121 = tpu.memref_squeeze %dma_start3A_120 : memref<1x3200xf32, #tpu.memory_space<vmem>> -> memref<3200xf32, #tpu.memory_space<vmem>>
    %dma_start3A_122 = tpu.memref_slice %arg2[%add3A_113] : memref<3276800xf32, #tpu.memory_space<hbm>> -> memref<3200xf32, #tpu.memory_space<hbm>>
    tpu.enqueue_dma source(%dma_start3A_122 : memref<3200xf32, #tpu.memory_space<hbm>>) target(%dma_start3A_121 : memref<3200xf32, #tpu.memory_space<vmem>>) target_semaphore(%arg5 : memref<!tpu.dma_semaphore, #tpu.memory_space<semaphore_mem>>)
    %add3A_123 = arith.constant 1126400 : i32
    %add3A_124 = arith.addi %add3A_123, %mul3A_2 : i32
    %dma_start3A_125 = arith.constant 11 : i32
    %dma_start3A_126 = arith.constant 0 : i32
    %dma_start3A_127 = tpu.memref_slice %arg4[%dma_start3A_125, %dma_start3A_126] : memref<32x3200xf32, #tpu.memory_space<vmem>> -> memref<1x3200xf32, #tpu.memory_space<vmem>>
    %dma_start3A_128 = tpu.memref_squeeze %dma_start3A_127 : memref<1x3200xf32, #tpu.memory_space<vmem>> -> memref<3200xf32, #tpu.memory_space<vmem>>
    %dma_start3A_129 = tpu.memref_slice %arg2[%add3A_124] : memref<3276800xf32, #tpu.memory_space<hbm>> -> memref<3200xf32, #tpu.memory_space<hbm>>
    %dma_start3A_130 = arith.constant 0 : i32
    %dma_start3A_131 = tpu.memref_slice %arg4[%dma_start3A_125, %dma_start3A_130] : memref<32x3200xf32, #tpu.memory_space<vmem>> -> memref<1x3200xf32, #tpu.memory_space<vmem>>
    %dma_start3A_132 = tpu.memref_squeeze %dma_start3A_131 : memref<1x3200xf32, #tpu.memory_space<vmem>> -> memref<3200xf32, #tpu.memory_space<vmem>>
    %dma_start3A_133 = tpu.memref_slice %arg2[%add3A_124] : memref<3276800xf32, #tpu.memory_space<hbm>> -> memref<3200xf32, #tpu.memory_space<hbm>>
    tpu.enqueue_dma source(%dma_start3A_133 : memref<3200xf32, #tpu.memory_space<hbm>>) target(%dma_start3A_132 : memref<3200xf32, #tpu.memory_space<vmem>>) target_semaphore(%arg5 : memref<!tpu.dma_semaphore, #tpu.memory_space<semaphore_mem>>)
    %add3A_134 = arith.constant 1228800 : i32
    %add3A_135 = arith.addi %add3A_134, %mul3A_2 : i32
    %dma_start3A_136 = arith.constant 12 : i32
    %dma_start3A_137 = arith.constant 0 : i32
    %dma_start3A_138 = tpu.memref_slice %arg4[%dma_start3A_136, %dma_start3A_137] : memref<32x3200xf32, #tpu.memory_space<vmem>> -> memref<1x3200xf32, #tpu.memory_space<vmem>>
    %dma_start3A_139 = tpu.memref_squeeze %dma_start3A_138 : memref<1x3200xf32, #tpu.memory_space<vmem>> -> memref<3200xf32, #tpu.memory_space<vmem>>
    %dma_start3A_140 = tpu.memref_slice %arg2[%add3A_135] : memref<3276800xf32, #tpu.memory_space<hbm>> -> memref<3200xf32, #tpu.memory_space<hbm>>
    %dma_start3A_141 = arith.constant 0 : i32
    %dma_start3A_142 = tpu.memref_slice %arg4[%dma_start3A_136, %dma_start3A_141] : memref<32x3200xf32, #tpu.memory_space<vmem>> -> memref<1x3200xf32, #tpu.memory_space<vmem>>
    %dma_start3A_143 = tpu.memref_squeeze %dma_start3A_142 : memref<1x3200xf32, #tpu.memory_space<vmem>> -> memref<3200xf32, #tpu.memory_space<vmem>>
    %dma_start3A_144 = tpu.memref_slice %arg2[%add3A_135] : memref<3276800xf32, #tpu.memory_space<hbm>> -> memref<3200xf32, #tpu.memory_space<hbm>>
    tpu.enqueue_dma source(%dma_start3A_144 : memref<3200xf32, #tpu.memory_space<hbm>>) target(%dma_start3A_143 : memref<3200xf32, #tpu.memory_space<vmem>>) target_semaphore(%arg5 : memref<!tpu.dma_semaphore, #tpu.memory_space<semaphore_mem>>)
    %add3A_145 = arith.constant 1331200 : i32
    %add3A_146 = arith.addi %add3A_145, %mul3A_2 : i32
    %dma_start3A_147 = arith.constant 13 : i32
    %dma_start3A_148 = arith.constant 0 : i32
    %dma_start3A_149 = tpu.memref_slice %arg4[%dma_start3A_147, %dma_start3A_148] : memref<32x3200xf32, #tpu.memory_space<vmem>> -> memref<1x3200xf32, #tpu.memory_space<vmem>>
    %dma_start3A_150 = tpu.memref_squeeze %dma_start3A_149 : memref<1x3200xf32, #tpu.memory_space<vmem>> -> memref<3200xf32, #tpu.memory_space<vmem>>
    %dma_start3A_151 = tpu.memref_slice %arg2[%add3A_146] : memref<3276800xf32, #tpu.memory_space<hbm>> -> memref<3200xf32, #tpu.memory_space<hbm>>
    %dma_start3A_152 = arith.constant 0 : i32
    %dma_start3A_153 = tpu.memref_slice %arg4[%dma_start3A_147, %dma_start3A_152] : memref<32x3200xf32, #tpu.memory_space<vmem>> -> memref<1x3200xf32, #tpu.memory_space<vmem>>
    %dma_start3A_154 = tpu.memref_squeeze %dma_start3A_153 : memref<1x3200xf32, #tpu.memory_space<vmem>> -> memref<3200xf32, #tpu.memory_space<vmem>>
    %dma_start3A_155 = tpu.memref_slice %arg2[%add3A_146] : memref<3276800xf32, #tpu.memory_space<hbm>> -> memref<3200xf32, #tpu.memory_space<hbm>>
    tpu.enqueue_dma source(%dma_start3A_155 : memref<3200xf32, #tpu.memory_space<hbm>>) target(%dma_start3A_154 : memref<3200xf32, #tpu.memory_space<vmem>>) target_semaphore(%arg5 : memref<!tpu.dma_semaphore, #tpu.memory_space<semaphore_mem>>)
    %add3A_156 = arith.constant 1433600 : i32
    %add3A_157 = arith.addi %add3A_156, %mul3A_2 : i32
    %dma_start3A_158 = arith.constant 14 : i32
    %dma_start3A_159 = arith.constant 0 : i32
    %dma_start3A_160 = tpu.memref_slice %arg4[%dma_start3A_158, %dma_start3A_159] : memref<32x3200xf32, #tpu.memory_space<vmem>> -> memref<1x3200xf32, #tpu.memory_space<vmem>>
    %dma_start3A_161 = tpu.memref_squeeze %dma_start3A_160 : memref<1x3200xf32, #tpu.memory_space<vmem>> -> memref<3200xf32, #tpu.memory_space<vmem>>
    %dma_start3A_162 = tpu.memref_slice %arg2[%add3A_157] : memref<3276800xf32, #tpu.memory_space<hbm>> -> memref<3200xf32, #tpu.memory_space<hbm>>
    %dma_start3A_163 = arith.constant 0 : i32
    %dma_start3A_164 = tpu.memref_slice %arg4[%dma_start3A_158, %dma_start3A_163] : memref<32x3200xf32, #tpu.memory_space<vmem>> -> memref<1x3200xf32, #tpu.memory_space<vmem>>
    %dma_start3A_165 = tpu.memref_squeeze %dma_start3A_164 : memref<1x3200xf32, #tpu.memory_space<vmem>> -> memref<3200xf32, #tpu.memory_space<vmem>>
    %dma_start3A_166 = tpu.memref_slice %arg2[%add3A_157] : memref<3276800xf32, #tpu.memory_space<hbm>> -> memref<3200xf32, #tpu.memory_space<hbm>>
    tpu.enqueue_dma source(%dma_start3A_166 : memref<3200xf32, #tpu.memory_space<hbm>>) target(%dma_start3A_165 : memref<3200xf32, #tpu.memory_space<vmem>>) target_semaphore(%arg5 : memref<!tpu.dma_semaphore, #tpu.memory_space<semaphore_mem>>)
    %add3A_167 = arith.constant 1536000 : i32
    %add3A_168 = arith.addi %add3A_167, %mul3A_2 : i32
    %dma_start3A_169 = arith.constant 15 : i32
    %dma_start3A_170 = arith.constant 0 : i32
    %dma_start3A_171 = tpu.memref_slice %arg4[%dma_start3A_169, %dma_start3A_170] : memref<32x3200xf32, #tpu.memory_space<vmem>> -> memref<1x3200xf32, #tpu.memory_space<vmem>>
    %dma_start3A_172 = tpu.memref_squeeze %dma_start3A_171 : memref<1x3200xf32, #tpu.memory_space<vmem>> -> memref<3200xf32, #tpu.memory_space<vmem>>
    %dma_start3A_173 = tpu.memref_slice %arg2[%add3A_168] : memref<3276800xf32, #tpu.memory_space<hbm>> -> memref<3200xf32, #tpu.memory_space<hbm>>
    %dma_start3A_174 = arith.constant 0 : i32
    %dma_start3A_175 = tpu.memref_slice %arg4[%dma_start3A_169, %dma_start3A_174] : memref<32x3200xf32, #tpu.memory_space<vmem>> -> memref<1x3200xf32, #tpu.memory_space<vmem>>
    %dma_start3A_176 = tpu.memref_squeeze %dma_start3A_175 : memref<1x3200xf32, #tpu.memory_space<vmem>> -> memref<3200xf32, #tpu.memory_space<vmem>>
    %dma_start3A_177 = tpu.memref_slice %arg2[%add3A_168] : memref<3276800xf32, #tpu.memory_space<hbm>> -> memref<3200xf32, #tpu.memory_space<hbm>>
    tpu.enqueue_dma source(%dma_start3A_177 : memref<3200xf32, #tpu.memory_space<hbm>>) target(%dma_start3A_176 : memref<3200xf32, #tpu.memory_space<vmem>>) target_semaphore(%arg5 : memref<!tpu.dma_semaphore, #tpu.memory_space<semaphore_mem>>)
    %add3A_178 = arith.constant 1638400 : i32
    %add3A_179 = arith.addi %add3A_178, %mul3A_2 : i32
    %dma_start3A_180 = arith.constant 16 : i32
    %dma_start3A_181 = arith.constant 0 : i32
    %dma_start3A_182 = tpu.memref_slice %arg4[%dma_start3A_180, %dma_start3A_181] : memref<32x3200xf32, #tpu.memory_space<vmem>> -> memref<1x3200xf32, #tpu.memory_space<vmem>>
    %dma_start3A_183 = tpu.memref_squeeze %dma_start3A_182 : memref<1x3200xf32, #tpu.memory_space<vmem>> -> memref<3200xf32, #tpu.memory_space<vmem>>
    %dma_start3A_184 = tpu.memref_slice %arg2[%add3A_179] : memref<3276800xf32, #tpu.memory_space<hbm>> -> memref<3200xf32, #tpu.memory_space<hbm>>
    %dma_start3A_185 = arith.constant 0 : i32
    %dma_start3A_186 = tpu.memref_slice %arg4[%dma_start3A_180, %dma_start3A_185] : memref<32x3200xf32, #tpu.memory_space<vmem>> -> memref<1x3200xf32, #tpu.memory_space<vmem>>
    %dma_start3A_187 = tpu.memref_squeeze %dma_start3A_186 : memref<1x3200xf32, #tpu.memory_space<vmem>> -> memref<3200xf32, #tpu.memory_space<vmem>>
    %dma_start3A_188 = tpu.memref_slice %arg2[%add3A_179] : memref<3276800xf32, #tpu.memory_space<hbm>> -> memref<3200xf32, #tpu.memory_space<hbm>>
    tpu.enqueue_dma source(%dma_start3A_188 : memref<3200xf32, #tpu.memory_space<hbm>>) target(%dma_start3A_187 : memref<3200xf32, #tpu.memory_space<vmem>>) target_semaphore(%arg5 : memref<!tpu.dma_semaphore, #tpu.memory_space<semaphore_mem>>)
    %add3A_189 = arith.constant 1740800 : i32
    %add3A_190 = arith.addi %add3A_189, %mul3A_2 : i32
    %dma_start3A_191 = arith.constant 17 : i32
    %dma_start3A_192 = arith.constant 0 : i32
    %dma_start3A_193 = tpu.memref_slice %arg4[%dma_start3A_191, %dma_start3A_192] : memref<32x3200xf32, #tpu.memory_space<vmem>> -> memref<1x3200xf32, #tpu.memory_space<vmem>>
    %dma_start3A_194 = tpu.memref_squeeze %dma_start3A_193 : memref<1x3200xf32, #tpu.memory_space<vmem>> -> memref<3200xf32, #tpu.memory_space<vmem>>
    %dma_start3A_195 = tpu.memref_slice %arg2[%add3A_190] : memref<3276800xf32, #tpu.memory_space<hbm>> -> memref<3200xf32, #tpu.memory_space<hbm>>
    %dma_start3A_196 = arith.constant 0 : i32
    %dma_start3A_197 = tpu.memref_slice %arg4[%dma_start3A_191, %dma_start3A_196] : memref<32x3200xf32, #tpu.memory_space<vmem>> -> memref<1x3200xf32, #tpu.memory_space<vmem>>
    %dma_start3A_198 = tpu.memref_squeeze %dma_start3A_197 : memref<1x3200xf32, #tpu.memory_space<vmem>> -> memref<3200xf32, #tpu.memory_space<vmem>>
    %dma_start3A_199 = tpu.memref_slice %arg2[%add3A_190] : memref<3276800xf32, #tpu.memory_space<hbm>> -> memref<3200xf32, #tpu.memory_space<hbm>>
    tpu.enqueue_dma source(%dma_start3A_199 : memref<3200xf32, #tpu.memory_space<hbm>>) target(%dma_start3A_198 : memref<3200xf32, #tpu.memory_space<vmem>>) target_semaphore(%arg5 : memref<!tpu.dma_semaphore, #tpu.memory_space<semaphore_mem>>)
    %add3A_200 = arith.constant 1843200 : i32
    %add3A_201 = arith.addi %add3A_200, %mul3A_2 : i32
    %dma_start3A_202 = arith.constant 18 : i32
    %dma_start3A_203 = arith.constant 0 : i32
    %dma_start3A_204 = tpu.memref_slice %arg4[%dma_start3A_202, %dma_start3A_203] : memref<32x3200xf32, #tpu.memory_space<vmem>> -> memref<1x3200xf32, #tpu.memory_space<vmem>>
    %dma_start3A_205 = tpu.memref_squeeze %dma_start3A_204 : memref<1x3200xf32, #tpu.memory_space<vmem>> -> memref<3200xf32, #tpu.memory_space<vmem>>
    %dma_start3A_206 = tpu.memref_slice %arg2[%add3A_201] : memref<3276800xf32, #tpu.memory_space<hbm>> -> memref<3200xf32, #tpu.memory_space<hbm>>
    %dma_start3A_207 = arith.constant 0 : i32
    %dma_start3A_208 = tpu.memref_slice %arg4[%dma_start3A_202, %dma_start3A_207] : memref<32x3200xf32, #tpu.memory_space<vmem>> -> memref<1x3200xf32, #tpu.memory_space<vmem>>
    %dma_start3A_209 = tpu.memref_squeeze %dma_start3A_208 : memref<1x3200xf32, #tpu.memory_space<vmem>> -> memref<3200xf32, #tpu.memory_space<vmem>>
    %dma_start3A_210 = tpu.memref_slice %arg2[%add3A_201] : memref<3276800xf32, #tpu.memory_space<hbm>> -> memref<3200xf32, #tpu.memory_space<hbm>>
    tpu.enqueue_dma source(%dma_start3A_210 : memref<3200xf32, #tpu.memory_space<hbm>>) target(%dma_start3A_209 : memref<3200xf32, #tpu.memory_space<vmem>>) target_semaphore(%arg5 : memref<!tpu.dma_semaphore, #tpu.memory_space<semaphore_mem>>)
    %add3A_211 = arith.constant 1945600 : i32
    %add3A_212 = arith.addi %add3A_211, %mul3A_2 : i32
    %dma_start3A_213 = arith.constant 19 : i32
    %dma_start3A_214 = arith.constant 0 : i32
    %dma_start3A_215 = tpu.memref_slice %arg4[%dma_start3A_213, %dma_start3A_214] : memref<32x3200xf32, #tpu.memory_space<vmem>> -> memref<1x3200xf32, #tpu.memory_space<vmem>>
    %dma_start3A_216 = tpu.memref_squeeze %dma_start3A_215 : memref<1x3200xf32, #tpu.memory_space<vmem>> -> memref<3200xf32, #tpu.memory_space<vmem>>
    %dma_start3A_217 = tpu.memref_slice %arg2[%add3A_212] : memref<3276800xf32, #tpu.memory_space<hbm>> -> memref<3200xf32, #tpu.memory_space<hbm>>
    %dma_start3A_218 = arith.constant 0 : i32
    %dma_start3A_219 = tpu.memref_slice %arg4[%dma_start3A_213, %dma_start3A_218] : memref<32x3200xf32, #tpu.memory_space<vmem>> -> memref<1x3200xf32, #tpu.memory_space<vmem>>
    %dma_start3A_220 = tpu.memref_squeeze %dma_start3A_219 : memref<1x3200xf32, #tpu.memory_space<vmem>> -> memref<3200xf32, #tpu.memory_space<vmem>>
    %dma_start3A_221 = tpu.memref_slice %arg2[%add3A_212] : memref<3276800xf32, #tpu.memory_space<hbm>> -> memref<3200xf32, #tpu.memory_space<hbm>>
    tpu.enqueue_dma source(%dma_start3A_221 : memref<3200xf32, #tpu.memory_space<hbm>>) target(%dma_start3A_220 : memref<3200xf32, #tpu.memory_space<vmem>>) target_semaphore(%arg5 : memref<!tpu.dma_semaphore, #tpu.memory_space<semaphore_mem>>)
    %add3A_222 = arith.constant 2048000 : i32
    %add3A_223 = arith.addi %add3A_222, %mul3A_2 : i32
    %dma_start3A_224 = arith.constant 20 : i32
    %dma_start3A_225 = arith.constant 0 : i32
    %dma_start3A_226 = tpu.memref_slice %arg4[%dma_start3A_224, %dma_start3A_225] : memref<32x3200xf32, #tpu.memory_space<vmem>> -> memref<1x3200xf32, #tpu.memory_space<vmem>>
    %dma_start3A_227 = tpu.memref_squeeze %dma_start3A_226 : memref<1x3200xf32, #tpu.memory_space<vmem>> -> memref<3200xf32, #tpu.memory_space<vmem>>
    %dma_start3A_228 = tpu.memref_slice %arg2[%add3A_223] : memref<3276800xf32, #tpu.memory_space<hbm>> -> memref<3200xf32, #tpu.memory_space<hbm>>
    %dma_start3A_229 = arith.constant 0 : i32
    %dma_start3A_230 = tpu.memref_slice %arg4[%dma_start3A_224, %dma_start3A_229] : memref<32x3200xf32, #tpu.memory_space<vmem>> -> memref<1x3200xf32, #tpu.memory_space<vmem>>
    %dma_start3A_231 = tpu.memref_squeeze %dma_start3A_230 : memref<1x3200xf32, #tpu.memory_space<vmem>> -> memref<3200xf32, #tpu.memory_space<vmem>>
    %dma_start3A_232 = tpu.memref_slice %arg2[%add3A_223] : memref<3276800xf32, #tpu.memory_space<hbm>> -> memref<3200xf32, #tpu.memory_space<hbm>>
    tpu.enqueue_dma source(%dma_start3A_232 : memref<3200xf32, #tpu.memory_space<hbm>>) target(%dma_start3A_231 : memref<3200xf32, #tpu.memory_space<vmem>>) target_semaphore(%arg5 : memref<!tpu.dma_semaphore, #tpu.memory_space<semaphore_mem>>)
    %add3A_233 = arith.constant 2150400 : i32
    %add3A_234 = arith.addi %add3A_233, %mul3A_2 : i32
    %dma_start3A_235 = arith.constant 21 : i32
    %dma_start3A_236 = arith.constant 0 : i32
    %dma_start3A_237 = tpu.memref_slice %arg4[%dma_start3A_235, %dma_start3A_236] : memref<32x3200xf32, #tpu.memory_space<vmem>> -> memref<1x3200xf32, #tpu.memory_space<vmem>>
    %dma_start3A_238 = tpu.memref_squeeze %dma_start3A_237 : memref<1x3200xf32, #tpu.memory_space<vmem>> -> memref<3200xf32, #tpu.memory_space<vmem>>
    %dma_start3A_239 = tpu.memref_slice %arg2[%add3A_234] : memref<3276800xf32, #tpu.memory_space<hbm>> -> memref<3200xf32, #tpu.memory_space<hbm>>
    %dma_start3A_240 = arith.constant 0 : i32
    %dma_start3A_241 = tpu.memref_slice %arg4[%dma_start3A_235, %dma_start3A_240] : memref<32x3200xf32, #tpu.memory_space<vmem>> -> memref<1x3200xf32, #tpu.memory_space<vmem>>
    %dma_start3A_242 = tpu.memref_squeeze %dma_start3A_241 : memref<1x3200xf32, #tpu.memory_space<vmem>> -> memref<3200xf32, #tpu.memory_space<vmem>>
    %dma_start3A_243 = tpu.memref_slice %arg2[%add3A_234] : memref<3276800xf32, #tpu.memory_space<hbm>> -> memref<3200xf32, #tpu.memory_space<hbm>>
    tpu.enqueue_dma source(%dma_start3A_243 : memref<3200xf32, #tpu.memory_space<hbm>>) target(%dma_start3A_242 : memref<3200xf32, #tpu.memory_space<vmem>>) target_semaphore(%arg5 : memref<!tpu.dma_semaphore, #tpu.memory_space<semaphore_mem>>)
    %add3A_244 = arith.constant 2252800 : i32
    %add3A_245 = arith.addi %add3A_244, %mul3A_2 : i32
    %dma_start3A_246 = arith.constant 22 : i32
    %dma_start3A_247 = arith.constant 0 : i32
    %dma_start3A_248 = tpu.memref_slice %arg4[%dma_start3A_246, %dma_start3A_247] : memref<32x3200xf32, #tpu.memory_space<vmem>> -> memref<1x3200xf32, #tpu.memory_space<vmem>>
    %dma_start3A_249 = tpu.memref_squeeze %dma_start3A_248 : memref<1x3200xf32, #tpu.memory_space<vmem>> -> memref<3200xf32, #tpu.memory_space<vmem>>
    %dma_start3A_250 = tpu.memref_slice %arg2[%add3A_245] : memref<3276800xf32, #tpu.memory_space<hbm>> -> memref<3200xf32, #tpu.memory_space<hbm>>
    %dma_start3A_251 = arith.constant 0 : i32
    %dma_start3A_252 = tpu.memref_slice %arg4[%dma_start3A_246, %dma_start3A_251] : memref<32x3200xf32, #tpu.memory_space<vmem>> -> memref<1x3200xf32, #tpu.memory_space<vmem>>
    %dma_start3A_253 = tpu.memref_squeeze %dma_start3A_252 : memref<1x3200xf32, #tpu.memory_space<vmem>> -> memref<3200xf32, #tpu.memory_space<vmem>>
    %dma_start3A_254 = tpu.memref_slice %arg2[%add3A_245] : memref<3276800xf32, #tpu.memory_space<hbm>> -> memref<3200xf32, #tpu.memory_space<hbm>>
    tpu.enqueue_dma source(%dma_start3A_254 : memref<3200xf32, #tpu.memory_space<hbm>>) target(%dma_start3A_253 : memref<3200xf32, #tpu.memory_space<vmem>>) target_semaphore(%arg5 : memref<!tpu.dma_semaphore, #tpu.memory_space<semaphore_mem>>)
    %add3A_255 = arith.constant 2355200 : i32
    %add3A_256 = arith.addi %add3A_255, %mul3A_2 : i32
    %dma_start3A_257 = arith.constant 23 : i32
    %dma_start3A_258 = arith.constant 0 : i32
    %dma_start3A_259 = tpu.memref_slice %arg4[%dma_start3A_257, %dma_start3A_258] : memref<32x3200xf32, #tpu.memory_space<vmem>> -> memref<1x3200xf32, #tpu.memory_space<vmem>>
    %dma_start3A_260 = tpu.memref_squeeze %dma_start3A_259 : memref<1x3200xf32, #tpu.memory_space<vmem>> -> memref<3200xf32, #tpu.memory_space<vmem>>
    %dma_start3A_261 = tpu.memref_slice %arg2[%add3A_256] : memref<3276800xf32, #tpu.memory_space<hbm>> -> memref<3200xf32, #tpu.memory_space<hbm>>
    %dma_start3A_262 = arith.constant 0 : i32
    %dma_start3A_263 = tpu.memref_slice %arg4[%dma_start3A_257, %dma_start3A_262] : memref<32x3200xf32, #tpu.memory_space<vmem>> -> memref<1x3200xf32, #tpu.memory_space<vmem>>
    %dma_start3A_264 = tpu.memref_squeeze %dma_start3A_263 : memref<1x3200xf32, #tpu.memory_space<vmem>> -> memref<3200xf32, #tpu.memory_space<vmem>>
    %dma_start3A_265 = tpu.memref_slice %arg2[%add3A_256] : memref<3276800xf32, #tpu.memory_space<hbm>> -> memref<3200xf32, #tpu.memory_space<hbm>>
    tpu.enqueue_dma source(%dma_start3A_265 : memref<3200xf32, #tpu.memory_space<hbm>>) target(%dma_start3A_264 : memref<3200xf32, #tpu.memory_space<vmem>>) target_semaphore(%arg5 : memref<!tpu.dma_semaphore, #tpu.memory_space<semaphore_mem>>)
    %add3A_266 = arith.constant 2457600 : i32
    %add3A_267 = arith.addi %add3A_266, %mul3A_2 : i32
    %dma_start3A_268 = arith.constant 24 : i32
    %dma_start3A_269 = arith.constant 0 : i32
    %dma_start3A_270 = tpu.memref_slice %arg4[%dma_start3A_268, %dma_start3A_269] : memref<32x3200xf32, #tpu.memory_space<vmem>> -> memref<1x3200xf32, #tpu.memory_space<vmem>>
    %dma_start3A_271 = tpu.memref_squeeze %dma_start3A_270 : memref<1x3200xf32, #tpu.memory_space<vmem>> -> memref<3200xf32, #tpu.memory_space<vmem>>
    %dma_start3A_272 = tpu.memref_slice %arg2[%add3A_267] : memref<3276800xf32, #tpu.memory_space<hbm>> -> memref<3200xf32, #tpu.memory_space<hbm>>
    %dma_start3A_273 = arith.constant 0 : i32
    %dma_start3A_274 = tpu.memref_slice %arg4[%dma_start3A_268, %dma_start3A_273] : memref<32x3200xf32, #tpu.memory_space<vmem>> -> memref<1x3200xf32, #tpu.memory_space<vmem>>
    %dma_start3A_275 = tpu.memref_squeeze %dma_start3A_274 : memref<1x3200xf32, #tpu.memory_space<vmem>> -> memref<3200xf32, #tpu.memory_space<vmem>>
    %dma_start3A_276 = tpu.memref_slice %arg2[%add3A_267] : memref<3276800xf32, #tpu.memory_space<hbm>> -> memref<3200xf32, #tpu.memory_space<hbm>>
    tpu.enqueue_dma source(%dma_start3A_276 : memref<3200xf32, #tpu.memory_space<hbm>>) target(%dma_start3A_275 : memref<3200xf32, #tpu.memory_space<vmem>>) target_semaphore(%arg5 : memref<!tpu.dma_semaphore, #tpu.memory_space<semaphore_mem>>)
    %add3A_277 = arith.constant 2560000 : i32
    %add3A_278 = arith.addi %add3A_277, %mul3A_2 : i32
    %dma_start3A_279 = arith.constant 25 : i32
    %dma_start3A_280 = arith.constant 0 : i32
    %dma_start3A_281 = tpu.memref_slice %arg4[%dma_start3A_279, %dma_start3A_280] : memref<32x3200xf32, #tpu.memory_space<vmem>> -> memref<1x3200xf32, #tpu.memory_space<vmem>>
    %dma_start3A_282 = tpu.memref_squeeze %dma_start3A_281 : memref<1x3200xf32, #tpu.memory_space<vmem>> -> memref<3200xf32, #tpu.memory_space<vmem>>
    %dma_start3A_283 = tpu.memref_slice %arg2[%add3A_278] : memref<3276800xf32, #tpu.memory_space<hbm>> -> memref<3200xf32, #tpu.memory_space<hbm>>
    %dma_start3A_284 = arith.constant 0 : i32
    %dma_start3A_285 = tpu.memref_slice %arg4[%dma_start3A_279, %dma_start3A_284] : memref<32x3200xf32, #tpu.memory_space<vmem>> -> memref<1x3200xf32, #tpu.memory_space<vmem>>
    %dma_start3A_286 = tpu.memref_squeeze %dma_start3A_285 : memref<1x3200xf32, #tpu.memory_space<vmem>> -> memref<3200xf32, #tpu.memory_space<vmem>>
    %dma_start3A_287 = tpu.memref_slice %arg2[%add3A_278] : memref<3276800xf32, #tpu.memory_space<hbm>> -> memref<3200xf32, #tpu.memory_space<hbm>>
    tpu.enqueue_dma source(%dma_start3A_287 : memref<3200xf32, #tpu.memory_space<hbm>>) target(%dma_start3A_286 : memref<3200xf32, #tpu.memory_space<vmem>>) target_semaphore(%arg5 : memref<!tpu.dma_semaphore, #tpu.memory_space<semaphore_mem>>)
    %add3A_288 = arith.constant 2662400 : i32
    %add3A_289 = arith.addi %add3A_288, %mul3A_2 : i32
    %dma_start3A_290 = arith.constant 26 : i32
    %dma_start3A_291 = arith.constant 0 : i32
    %dma_start3A_292 = tpu.memref_slice %arg4[%dma_start3A_290, %dma_start3A_291] : memref<32x3200xf32, #tpu.memory_space<vmem>> -> memref<1x3200xf32, #tpu.memory_space<vmem>>
    %dma_start3A_293 = tpu.memref_squeeze %dma_start3A_292 : memref<1x3200xf32, #tpu.memory_space<vmem>> -> memref<3200xf32, #tpu.memory_space<vmem>>
    %dma_start3A_294 = tpu.memref_slice %arg2[%add3A_289] : memref<3276800xf32, #tpu.memory_space<hbm>> -> memref<3200xf32, #tpu.memory_space<hbm>>
    %dma_start3A_295 = arith.constant 0 : i32
    %dma_start3A_296 = tpu.memref_slice %arg4[%dma_start3A_290, %dma_start3A_295] : memref<32x3200xf32, #tpu.memory_space<vmem>> -> memref<1x3200xf32, #tpu.memory_space<vmem>>
    %dma_start3A_297 = tpu.memref_squeeze %dma_start3A_296 : memref<1x3200xf32, #tpu.memory_space<vmem>> -> memref<3200xf32, #tpu.memory_space<vmem>>
    %dma_start3A_298 = tpu.memref_slice %arg2[%add3A_289] : memref<3276800xf32, #tpu.memory_space<hbm>> -> memref<3200xf32, #tpu.memory_space<hbm>>
    tpu.enqueue_dma source(%dma_start3A_298 : memref<3200xf32, #tpu.memory_space<hbm>>) target(%dma_start3A_297 : memref<3200xf32, #tpu.memory_space<vmem>>) target_semaphore(%arg5 : memref<!tpu.dma_semaphore, #tpu.memory_space<semaphore_mem>>)
    %add3A_299 = arith.constant 2764800 : i32
    %add3A_300 = arith.addi %add3A_299, %mul3A_2 : i32
    %dma_start3A_301 = arith.constant 27 : i32
    %dma_start3A_302 = arith.constant 0 : i32
    %dma_start3A_303 = tpu.memref_slice %arg4[%dma_start3A_301, %dma_start3A_302] : memref<32x3200xf32, #tpu.memory_space<vmem>> -> memref<1x3200xf32, #tpu.memory_space<vmem>>
    %dma_start3A_304 = tpu.memref_squeeze %dma_start3A_303 : memref<1x3200xf32, #tpu.memory_space<vmem>> -> memref<3200xf32, #tpu.memory_space<vmem>>
    %dma_start3A_305 = tpu.memref_slice %arg2[%add3A_300] : memref<3276800xf32, #tpu.memory_space<hbm>> -> memref<3200xf32, #tpu.memory_space<hbm>>
    %dma_start3A_306 = arith.constant 0 : i32
    %dma_start3A_307 = tpu.memref_slice %arg4[%dma_start3A_301, %dma_start3A_306] : memref<32x3200xf32, #tpu.memory_space<vmem>> -> memref<1x3200xf32, #tpu.memory_space<vmem>>
    %dma_start3A_308 = tpu.memref_squeeze %dma_start3A_307 : memref<1x3200xf32, #tpu.memory_space<vmem>> -> memref<3200xf32, #tpu.memory_space<vmem>>
    %dma_start3A_309 = tpu.memref_slice %arg2[%add3A_300] : memref<3276800xf32, #tpu.memory_space<hbm>> -> memref<3200xf32, #tpu.memory_space<hbm>>
    tpu.enqueue_dma source(%dma_start3A_309 : memref<3200xf32, #tpu.memory_space<hbm>>) target(%dma_start3A_308 : memref<3200xf32, #tpu.memory_space<vmem>>) target_semaphore(%arg5 : memref<!tpu.dma_semaphore, #tpu.memory_space<semaphore_mem>>)
    %add3A_310 = arith.constant 2867200 : i32
    %add3A_311 = arith.addi %add3A_310, %mul3A_2 : i32
    %dma_start3A_312 = arith.constant 28 : i32
    %dma_start3A_313 = arith.constant 0 : i32
    %dma_start3A_314 = tpu.memref_slice %arg4[%dma_start3A_312, %dma_start3A_313] : memref<32x3200xf32, #tpu.memory_space<vmem>> -> memref<1x3200xf32, #tpu.memory_space<vmem>>
    %dma_start3A_315 = tpu.memref_squeeze %dma_start3A_314 : memref<1x3200xf32, #tpu.memory_space<vmem>> -> memref<3200xf32, #tpu.memory_space<vmem>>
    %dma_start3A_316 = tpu.memref_slice %arg2[%add3A_311] : memref<3276800xf32, #tpu.memory_space<hbm>> -> memref<3200xf32, #tpu.memory_space<hbm>>
    %dma_start3A_317 = arith.constant 0 : i32
    %dma_start3A_318 = tpu.memref_slice %arg4[%dma_start3A_312, %dma_start3A_317] : memref<32x3200xf32, #tpu.memory_space<vmem>> -> memref<1x3200xf32, #tpu.memory_space<vmem>>
    %dma_start3A_319 = tpu.memref_squeeze %dma_start3A_318 : memref<1x3200xf32, #tpu.memory_space<vmem>> -> memref<3200xf32, #tpu.memory_space<vmem>>
    %dma_start3A_320 = tpu.memref_slice %arg2[%add3A_311] : memref<3276800xf32, #tpu.memory_space<hbm>> -> memref<3200xf32, #tpu.memory_space<hbm>>
    tpu.enqueue_dma source(%dma_start3A_320 : memref<3200xf32, #tpu.memory_space<hbm>>) target(%dma_start3A_319 : memref<3200xf32, #tpu.memory_space<vmem>>) target_semaphore(%arg5 : memref<!tpu.dma_semaphore, #tpu.memory_space<semaphore_mem>>)
    %add3A_321 = arith.constant 2969600 : i32
    %add3A_322 = arith.addi %add3A_321, %mul3A_2 : i32
    %dma_start3A_323 = arith.constant 29 : i32
    %dma_start3A_324 = arith.constant 0 : i32
    %dma_start3A_325 = tpu.memref_slice %arg4[%dma_start3A_323, %dma_start3A_324] : memref<32x3200xf32, #tpu.memory_space<vmem>> -> memref<1x3200xf32, #tpu.memory_space<vmem>>
    %dma_start3A_326 = tpu.memref_squeeze %dma_start3A_325 : memref<1x3200xf32, #tpu.memory_space<vmem>> -> memref<3200xf32, #tpu.memory_space<vmem>>
    %dma_start3A_327 = tpu.memref_slice %arg2[%add3A_322] : memref<3276800xf32, #tpu.memory_space<hbm>> -> memref<3200xf32, #tpu.memory_space<hbm>>
    %dma_start3A_328 = arith.constant 0 : i32
    %dma_start3A_329 = tpu.memref_slice %arg4[%dma_start3A_323, %dma_start3A_328] : memref<32x3200xf32, #tpu.memory_space<vmem>> -> memref<1x3200xf32, #tpu.memory_space<vmem>>
    %dma_start3A_330 = tpu.memref_squeeze %dma_start3A_329 : memref<1x3200xf32, #tpu.memory_space<vmem>> -> memref<3200xf32, #tpu.memory_space<vmem>>
    %dma_start3A_331 = tpu.memref_slice %arg2[%add3A_322] : memref<3276800xf32, #tpu.memory_space<hbm>> -> memref<3200xf32, #tpu.memory_space<hbm>>
    tpu.enqueue_dma source(%dma_start3A_331 : memref<3200xf32, #tpu.memory_space<hbm>>) target(%dma_start3A_330 : memref<3200xf32, #tpu.memory_space<vmem>>) target_semaphore(%arg5 : memref<!tpu.dma_semaphore, #tpu.memory_space<semaphore_mem>>)
    %add3A_332 = arith.constant 3072000 : i32
    %add3A_333 = arith.addi %add3A_332, %mul3A_2 : i32
    %dma_start3A_334 = arith.constant 30 : i32
    %dma_start3A_335 = arith.constant 0 : i32
    %dma_start3A_336 = tpu.memref_slice %arg4[%dma_start3A_334, %dma_start3A_335] : memref<32x3200xf32, #tpu.memory_space<vmem>> -> memref<1x3200xf32, #tpu.memory_space<vmem>>
    %dma_start3A_337 = tpu.memref_squeeze %dma_start3A_336 : memref<1x3200xf32, #tpu.memory_space<vmem>> -> memref<3200xf32, #tpu.memory_space<vmem>>
    %dma_start3A_338 = tpu.memref_slice %arg2[%add3A_333] : memref<3276800xf32, #tpu.memory_space<hbm>> -> memref<3200xf32, #tpu.memory_space<hbm>>
    %dma_start3A_339 = arith.constant 0 : i32
    %dma_start3A_340 = tpu.memref_slice %arg4[%dma_start3A_334, %dma_start3A_339] : memref<32x3200xf32, #tpu.memory_space<vmem>> -> memref<1x3200xf32, #tpu.memory_space<vmem>>
    %dma_start3A_341 = tpu.memref_squeeze %dma_start3A_340 : memref<1x3200xf32, #tpu.memory_space<vmem>> -> memref<3200xf32, #tpu.memory_space<vmem>>
    %dma_start3A_342 = tpu.memref_slice %arg2[%add3A_333] : memref<3276800xf32, #tpu.memory_space<hbm>> -> memref<3200xf32, #tpu.memory_space<hbm>>
    tpu.enqueue_dma source(%dma_start3A_342 : memref<3200xf32, #tpu.memory_space<hbm>>) target(%dma_start3A_341 : memref<3200xf32, #tpu.memory_space<vmem>>) target_semaphore(%arg5 : memref<!tpu.dma_semaphore, #tpu.memory_space<semaphore_mem>>)
    %add3A_343 = arith.constant 3174400 : i32
    %add3A_344 = arith.addi %add3A_343, %mul3A_2 : i32
    %dma_start3A_345 = arith.constant 31 : i32
    %dma_start3A_346 = arith.constant 0 : i32
    %dma_start3A_347 = tpu.memref_slice %arg4[%dma_start3A_345, %dma_start3A_346] : memref<32x3200xf32, #tpu.memory_space<vmem>> -> memref<1x3200xf32, #tpu.memory_space<vmem>>
    %dma_start3A_348 = tpu.memref_squeeze %dma_start3A_347 : memref<1x3200xf32, #tpu.memory_space<vmem>> -> memref<3200xf32, #tpu.memory_space<vmem>>
    %dma_start3A_349 = tpu.memref_slice %arg2[%add3A_344] : memref<3276800xf32, #tpu.memory_space<hbm>> -> memref<3200xf32, #tpu.memory_space<hbm>>
    %dma_start3A_350 = arith.constant 0 : i32
    %dma_start3A_351 = tpu.memref_slice %arg4[%dma_start3A_345, %dma_start3A_350] : memref<32x3200xf32, #tpu.memory_space<vmem>> -> memref<1x3200xf32, #tpu.memory_space<vmem>>
    %dma_start3A_352 = tpu.memref_squeeze %dma_start3A_351 : memref<1x3200xf32, #tpu.memory_space<vmem>> -> memref<3200xf32, #tpu.memory_space<vmem>>
    %dma_start3A_353 = tpu.memref_slice %arg2[%add3A_344] : memref<3276800xf32, #tpu.memory_space<hbm>> -> memref<3200xf32, #tpu.memory_space<hbm>>
    tpu.enqueue_dma source(%dma_start3A_353 : memref<3200xf32, #tpu.memory_space<hbm>>) target(%dma_start3A_352 : memref<3200xf32, #tpu.memory_space<vmem>>) target_semaphore(%arg5 : memref<!tpu.dma_semaphore, #tpu.memory_space<semaphore_mem>>)
    %dma_wait3A = arith.constant 0 : i32
    %dma_wait3A_354 = arith.constant 0 : i32
    %dma_wait3A_355 = tpu.memref_slice %arg4[%dma_wait3A, %dma_wait3A_354] : memref<32x3200xf32, #tpu.memory_space<vmem>> -> memref<1x3200xf32, #tpu.memory_space<vmem>>
    %dma_wait3A_356 = tpu.memref_squeeze %dma_wait3A_355 : memref<1x3200xf32, #tpu.memory_space<vmem>> -> memref<3200xf32, #tpu.memory_space<vmem>>
    %dma_wait3A_357 = tpu.memref_slice %arg2[%add3A_4] : memref<3276800xf32, #tpu.memory_space<hbm>> -> memref<3200xf32, #tpu.memory_space<hbm>>
    %dma_wait3A_358 = arith.constant 0 : i32
    %dma_wait3A_359 = tpu.memref_slice %arg4[%dma_wait3A, %dma_wait3A_358] : memref<32x3200xf32, #tpu.memory_space<vmem>> -> memref<1x3200xf32, #tpu.memory_space<vmem>>
    %dma_wait3A_360 = tpu.memref_squeeze %dma_wait3A_359 : memref<1x3200xf32, #tpu.memory_space<vmem>> -> memref<3200xf32, #tpu.memory_space<vmem>>
    %dma_wait3A_361 = tpu.memref_slice %arg2[%add3A_4] : memref<3276800xf32, #tpu.memory_space<hbm>> -> memref<3200xf32, #tpu.memory_space<hbm>>
    tpu.wait_dma2 semaphore(%arg5 : memref<!tpu.dma_semaphore, #tpu.memory_space<semaphore_mem>>) src(%dma_wait3A_361 : memref<3200xf32, #tpu.memory_space<hbm>>) dst(%dma_wait3A_360 : memref<3200xf32, #tpu.memory_space<vmem>>)
    %dma_wait3A_362 = arith.constant 1 : i32
    %dma_wait3A_363 = arith.constant 0 : i32
    %dma_wait3A_364 = tpu.memref_slice %arg4[%dma_wait3A_362, %dma_wait3A_363] : memref<32x3200xf32, #tpu.memory_space<vmem>> -> memref<1x3200xf32, #tpu.memory_space<vmem>>
    %dma_wait3A_365 = tpu.memref_squeeze %dma_wait3A_364 : memref<1x3200xf32, #tpu.memory_space<vmem>> -> memref<3200xf32, #tpu.memory_space<vmem>>
    %dma_wait3A_366 = tpu.memref_slice %arg2[%add3A_14] : memref<3276800xf32, #tpu.memory_space<hbm>> -> memref<3200xf32, #tpu.memory_space<hbm>>
    %dma_wait3A_367 = arith.constant 0 : i32
    %dma_wait3A_368 = tpu.memref_slice %arg4[%dma_wait3A_362, %dma_wait3A_367] : memref<32x3200xf32, #tpu.memory_space<vmem>> -> memref<1x3200xf32, #tpu.memory_space<vmem>>
    %dma_wait3A_369 = tpu.memref_squeeze %dma_wait3A_368 : memref<1x3200xf32, #tpu.memory_space<vmem>> -> memref<3200xf32, #tpu.memory_space<vmem>>
    %dma_wait3A_370 = tpu.memref_slice %arg2[%add3A_14] : memref<3276800xf32, #tpu.memory_space<hbm>> -> memref<3200xf32, #tpu.memory_space<hbm>>
    tpu.wait_dma2 semaphore(%arg5 : memref<!tpu.dma_semaphore, #tpu.memory_space<semaphore_mem>>) src(%dma_wait3A_370 : memref<3200xf32, #tpu.memory_space<hbm>>) dst(%dma_wait3A_369 : memref<3200xf32, #tpu.memory_space<vmem>>)
    %dma_wait3A_371 = arith.constant 2 : i32
    %dma_wait3A_372 = arith.constant 0 : i32
    %dma_wait3A_373 = tpu.memref_slice %arg4[%dma_wait3A_371, %dma_wait3A_372] : memref<32x3200xf32, #tpu.memory_space<vmem>> -> memref<1x3200xf32, #tpu.memory_space<vmem>>
    %dma_wait3A_374 = tpu.memref_squeeze %dma_wait3A_373 : memref<1x3200xf32, #tpu.memory_space<vmem>> -> memref<3200xf32, #tpu.memory_space<vmem>>
    %dma_wait3A_375 = tpu.memref_slice %arg2[%add3A_25] : memref<3276800xf32, #tpu.memory_space<hbm>> -> memref<3200xf32, #tpu.memory_space<hbm>>
    %dma_wait3A_376 = arith.constant 0 : i32
    %dma_wait3A_377 = tpu.memref_slice %arg4[%dma_wait3A_371, %dma_wait3A_376] : memref<32x3200xf32, #tpu.memory_space<vmem>> -> memref<1x3200xf32, #tpu.memory_space<vmem>>
    %dma_wait3A_378 = tpu.memref_squeeze %dma_wait3A_377 : memref<1x3200xf32, #tpu.memory_space<vmem>> -> memref<3200xf32, #tpu.memory_space<vmem>>
    %dma_wait3A_379 = tpu.memref_slice %arg2[%add3A_25] : memref<3276800xf32, #tpu.memory_space<hbm>> -> memref<3200xf32, #tpu.memory_space<hbm>>
    tpu.wait_dma2 semaphore(%arg5 : memref<!tpu.dma_semaphore, #tpu.memory_space<semaphore_mem>>) src(%dma_wait3A_379 : memref<3200xf32, #tpu.memory_space<hbm>>) dst(%dma_wait3A_378 : memref<3200xf32, #tpu.memory_space<vmem>>)
    %dma_wait3A_380 = arith.constant 3 : i32
    %dma_wait3A_381 = arith.constant 0 : i32
    %dma_wait3A_382 = tpu.memref_slice %arg4[%dma_wait3A_380, %dma_wait3A_381] : memref<32x3200xf32, #tpu.memory_space<vmem>> -> memref<1x3200xf32, #tpu.memory_space<vmem>>
    %dma_wait3A_383 = tpu.memref_squeeze %dma_wait3A_382 : memref<1x3200xf32, #tpu.memory_space<vmem>> -> memref<3200xf32, #tpu.memory_space<vmem>>
    %dma_wait3A_384 = tpu.memref_slice %arg2[%add3A_36] : memref<3276800xf32, #tpu.memory_space<hbm>> -> memref<3200xf32, #tpu.memory_space<hbm>>
    %dma_wait3A_385 = arith.constant 0 : i32
    %dma_wait3A_386 = tpu.memref_slice %arg4[%dma_wait3A_380, %dma_wait3A_385] : memref<32x3200xf32, #tpu.memory_space<vmem>> -> memref<1x3200xf32, #tpu.memory_space<vmem>>
    %dma_wait3A_387 = tpu.memref_squeeze %dma_wait3A_386 : memref<1x3200xf32, #tpu.memory_space<vmem>> -> memref<3200xf32, #tpu.memory_space<vmem>>
    %dma_wait3A_388 = tpu.memref_slice %arg2[%add3A_36] : memref<3276800xf32, #tpu.memory_space<hbm>> -> memref<3200xf32, #tpu.memory_space<hbm>>
    tpu.wait_dma2 semaphore(%arg5 : memref<!tpu.dma_semaphore, #tpu.memory_space<semaphore_mem>>) src(%dma_wait3A_388 : memref<3200xf32, #tpu.memory_space<hbm>>) dst(%dma_wait3A_387 : memref<3200xf32, #tpu.memory_space<vmem>>)
    %dma_wait3A_389 = arith.constant 4 : i32
    %dma_wait3A_390 = arith.constant 0 : i32
    %dma_wait3A_391 = tpu.memref_slice %arg4[%dma_wait3A_389, %dma_wait3A_390] : memref<32x3200xf32, #tpu.memory_space<vmem>> -> memref<1x3200xf32, #tpu.memory_space<vmem>>
    %dma_wait3A_392 = tpu.memref_squeeze %dma_wait3A_391 : memref<1x3200xf32, #tpu.memory_space<vmem>> -> memref<3200xf32, #tpu.memory_space<vmem>>
    %dma_wait3A_393 = tpu.memref_slice %arg2[%add3A_47] : memref<3276800xf32, #tpu.memory_space<hbm>> -> memref<3200xf32, #tpu.memory_space<hbm>>
    %dma_wait3A_394 = arith.constant 0 : i32
    %dma_wait3A_395 = tpu.memref_slice %arg4[%dma_wait3A_389, %dma_wait3A_394] : memref<32x3200xf32, #tpu.memory_space<vmem>> -> memref<1x3200xf32, #tpu.memory_space<vmem>>
    %dma_wait3A_396 = tpu.memref_squeeze %dma_wait3A_395 : memref<1x3200xf32, #tpu.memory_space<vmem>> -> memref<3200xf32, #tpu.memory_space<vmem>>
    %dma_wait3A_397 = tpu.memref_slice %arg2[%add3A_47] : memref<3276800xf32, #tpu.memory_space<hbm>> -> memref<3200xf32, #tpu.memory_space<hbm>>
    tpu.wait_dma2 semaphore(%arg5 : memref<!tpu.dma_semaphore, #tpu.memory_space<semaphore_mem>>) src(%dma_wait3A_397 : memref<3200xf32, #tpu.memory_space<hbm>>) dst(%dma_wait3A_396 : memref<3200xf32, #tpu.memory_space<vmem>>)
    %dma_wait3A_398 = arith.constant 5 : i32
    %dma_wait3A_399 = arith.constant 0 : i32
    %dma_wait3A_400 = tpu.memref_slice %arg4[%dma_wait3A_398, %dma_wait3A_399] : memref<32x3200xf32, #tpu.memory_space<vmem>> -> memref<1x3200xf32, #tpu.memory_space<vmem>>
    %dma_wait3A_401 = tpu.memref_squeeze %dma_wait3A_400 : memref<1x3200xf32, #tpu.memory_space<vmem>> -> memref<3200xf32, #tpu.memory_space<vmem>>
    %dma_wait3A_402 = tpu.memref_slice %arg2[%add3A_58] : memref<3276800xf32, #tpu.memory_space<hbm>> -> memref<3200xf32, #tpu.memory_space<hbm>>
    %dma_wait3A_403 = arith.constant 0 : i32
    %dma_wait3A_404 = tpu.memref_slice %arg4[%dma_wait3A_398, %dma_wait3A_403] : memref<32x3200xf32, #tpu.memory_space<vmem>> -> memref<1x3200xf32, #tpu.memory_space<vmem>>
    %dma_wait3A_405 = tpu.memref_squeeze %dma_wait3A_404 : memref<1x3200xf32, #tpu.memory_space<vmem>> -> memref<3200xf32, #tpu.memory_space<vmem>>
    %dma_wait3A_406 = tpu.memref_slice %arg2[%add3A_58] : memref<3276800xf32, #tpu.memory_space<hbm>> -> memref<3200xf32, #tpu.memory_space<hbm>>
    tpu.wait_dma2 semaphore(%arg5 : memref<!tpu.dma_semaphore, #tpu.memory_space<semaphore_mem>>) src(%dma_wait3A_406 : memref<3200xf32, #tpu.memory_space<hbm>>) dst(%dma_wait3A_405 : memref<3200xf32, #tpu.memory_space<vmem>>)
    %dma_wait3A_407 = arith.constant 6 : i32
    %dma_wait3A_408 = arith.constant 0 : i32
    %dma_wait3A_409 = tpu.memref_slice %arg4[%dma_wait3A_407, %dma_wait3A_408] : memref<32x3200xf32, #tpu.memory_space<vmem>> -> memref<1x3200xf32, #tpu.memory_space<vmem>>
    %dma_wait3A_410 = tpu.memref_squeeze %dma_wait3A_409 : memref<1x3200xf32, #tpu.memory_space<vmem>> -> memref<3200xf32, #tpu.memory_space<vmem>>
    %dma_wait3A_411 = tpu.memref_slice %arg2[%add3A_69] : memref<3276800xf32, #tpu.memory_space<hbm>> -> memref<3200xf32, #tpu.memory_space<hbm>>
    %dma_wait3A_412 = arith.constant 0 : i32
    %dma_wait3A_413 = tpu.memref_slice %arg4[%dma_wait3A_407, %dma_wait3A_412] : memref<32x3200xf32, #tpu.memory_space<vmem>> -> memref<1x3200xf32, #tpu.memory_space<vmem>>
    %dma_wait3A_414 = tpu.memref_squeeze %dma_wait3A_413 : memref<1x3200xf32, #tpu.memory_space<vmem>> -> memref<3200xf32, #tpu.memory_space<vmem>>
    %dma_wait3A_415 = tpu.memref_slice %arg2[%add3A_69] : memref<3276800xf32, #tpu.memory_space<hbm>> -> memref<3200xf32, #tpu.memory_space<hbm>>
    tpu.wait_dma2 semaphore(%arg5 : memref<!tpu.dma_semaphore, #tpu.memory_space<semaphore_mem>>) src(%dma_wait3A_415 : memref<3200xf32, #tpu.memory_space<hbm>>) dst(%dma_wait3A_414 : memref<3200xf32, #tpu.memory_space<vmem>>)
    %dma_wait3A_416 = arith.constant 7 : i32
    %dma_wait3A_417 = arith.constant 0 : i32
    %dma_wait3A_418 = tpu.memref_slice %arg4[%dma_wait3A_416, %dma_wait3A_417] : memref<32x3200xf32, #tpu.memory_space<vmem>> -> memref<1x3200xf32, #tpu.memory_space<vmem>>
    %dma_wait3A_419 = tpu.memref_squeeze %dma_wait3A_418 : memref<1x3200xf32, #tpu.memory_space<vmem>> -> memref<3200xf32, #tpu.memory_space<vmem>>
    %dma_wait3A_420 = tpu.memref_slice %arg2[%add3A_80] : memref<3276800xf32, #tpu.memory_space<hbm>> -> memref<3200xf32, #tpu.memory_space<hbm>>
    %dma_wait3A_421 = arith.constant 0 : i32
    %dma_wait3A_422 = tpu.memref_slice %arg4[%dma_wait3A_416, %dma_wait3A_421] : memref<32x3200xf32, #tpu.memory_space<vmem>> -> memref<1x3200xf32, #tpu.memory_space<vmem>>
    %dma_wait3A_423 = tpu.memref_squeeze %dma_wait3A_422 : memref<1x3200xf32, #tpu.memory_space<vmem>> -> memref<3200xf32, #tpu.memory_space<vmem>>
    %dma_wait3A_424 = tpu.memref_slice %arg2[%add3A_80] : memref<3276800xf32, #tpu.memory_space<hbm>> -> memref<3200xf32, #tpu.memory_space<hbm>>
    tpu.wait_dma2 semaphore(%arg5 : memref<!tpu.dma_semaphore, #tpu.memory_space<semaphore_mem>>) src(%dma_wait3A_424 : memref<3200xf32, #tpu.memory_space<hbm>>) dst(%dma_wait3A_423 : memref<3200xf32, #tpu.memory_space<vmem>>)
    %dma_wait3A_425 = arith.constant 8 : i32
    %dma_wait3A_426 = arith.constant 0 : i32
    %dma_wait3A_427 = tpu.memref_slice %arg4[%dma_wait3A_425, %dma_wait3A_426] : memref<32x3200xf32, #tpu.memory_space<vmem>> -> memref<1x3200xf32, #tpu.memory_space<vmem>>
    %dma_wait3A_428 = tpu.memref_squeeze %dma_wait3A_427 : memref<1x3200xf32, #tpu.memory_space<vmem>> -> memref<3200xf32, #tpu.memory_space<vmem>>
    %dma_wait3A_429 = tpu.memref_slice %arg2[%add3A_91] : memref<3276800xf32, #tpu.memory_space<hbm>> -> memref<3200xf32, #tpu.memory_space<hbm>>
    %dma_wait3A_430 = arith.constant 0 : i32
    %dma_wait3A_431 = tpu.memref_slice %arg4[%dma_wait3A_425, %dma_wait3A_430] : memref<32x3200xf32, #tpu.memory_space<vmem>> -> memref<1x3200xf32, #tpu.memory_space<vmem>>
    %dma_wait3A_432 = tpu.memref_squeeze %dma_wait3A_431 : memref<1x3200xf32, #tpu.memory_space<vmem>> -> memref<3200xf32, #tpu.memory_space<vmem>>
    %dma_wait3A_433 = tpu.memref_slice %arg2[%add3A_91] : memref<3276800xf32, #tpu.memory_space<hbm>> -> memref<3200xf32, #tpu.memory_space<hbm>>
    tpu.wait_dma2 semaphore(%arg5 : memref<!tpu.dma_semaphore, #tpu.memory_space<semaphore_mem>>) src(%dma_wait3A_433 : memref<3200xf32, #tpu.memory_space<hbm>>) dst(%dma_wait3A_432 : memref<3200xf32, #tpu.memory_space<vmem>>)
    %dma_wait3A_434 = arith.constant 9 : i32
    %dma_wait3A_435 = arith.constant 0 : i32
    %dma_wait3A_436 = tpu.memref_slice %arg4[%dma_wait3A_434, %dma_wait3A_435] : memref<32x3200xf32, #tpu.memory_space<vmem>> -> memref<1x3200xf32, #tpu.memory_space<vmem>>
    %dma_wait3A_437 = tpu.memref_squeeze %dma_wait3A_436 : memref<1x3200xf32, #tpu.memory_space<vmem>> -> memref<3200xf32, #tpu.memory_space<vmem>>
    %dma_wait3A_438 = tpu.memref_slice %arg2[%add3A_102] : memref<3276800xf32, #tpu.memory_space<hbm>> -> memref<3200xf32, #tpu.memory_space<hbm>>
    %dma_wait3A_439 = arith.constant 0 : i32
    %dma_wait3A_440 = tpu.memref_slice %arg4[%dma_wait3A_434, %dma_wait3A_439] : memref<32x3200xf32, #tpu.memory_space<vmem>> -> memref<1x3200xf32, #tpu.memory_space<vmem>>
    %dma_wait3A_441 = tpu.memref_squeeze %dma_wait3A_440 : memref<1x3200xf32, #tpu.memory_space<vmem>> -> memref<3200xf32, #tpu.memory_space<vmem>>
    %dma_wait3A_442 = tpu.memref_slice %arg2[%add3A_102] : memref<3276800xf32, #tpu.memory_space<hbm>> -> memref<3200xf32, #tpu.memory_space<hbm>>
    tpu.wait_dma2 semaphore(%arg5 : memref<!tpu.dma_semaphore, #tpu.memory_space<semaphore_mem>>) src(%dma_wait3A_442 : memref<3200xf32, #tpu.memory_space<hbm>>) dst(%dma_wait3A_441 : memref<3200xf32, #tpu.memory_space<vmem>>)
    %dma_wait3A_443 = arith.constant 10 : i32
    %dma_wait3A_444 = arith.constant 0 : i32
    %dma_wait3A_445 = tpu.memref_slice %arg4[%dma_wait3A_443, %dma_wait3A_444] : memref<32x3200xf32, #tpu.memory_space<vmem>> -> memref<1x3200xf32, #tpu.memory_space<vmem>>
    %dma_wait3A_446 = tpu.memref_squeeze %dma_wait3A_445 : memref<1x3200xf32, #tpu.memory_space<vmem>> -> memref<3200xf32, #tpu.memory_space<vmem>>
    %dma_wait3A_447 = tpu.memref_slice %arg2[%add3A_113] : memref<3276800xf32, #tpu.memory_space<hbm>> -> memref<3200xf32, #tpu.memory_space<hbm>>
    %dma_wait3A_448 = arith.constant 0 : i32
    %dma_wait3A_449 = tpu.memref_slice %arg4[%dma_wait3A_443, %dma_wait3A_448] : memref<32x3200xf32, #tpu.memory_space<vmem>> -> memref<1x3200xf32, #tpu.memory_space<vmem>>
    %dma_wait3A_450 = tpu.memref_squeeze %dma_wait3A_449 : memref<1x3200xf32, #tpu.memory_space<vmem>> -> memref<3200xf32, #tpu.memory_space<vmem>>
    %dma_wait3A_451 = tpu.memref_slice %arg2[%add3A_113] : memref<3276800xf32, #tpu.memory_space<hbm>> -> memref<3200xf32, #tpu.memory_space<hbm>>
    tpu.wait_dma2 semaphore(%arg5 : memref<!tpu.dma_semaphore, #tpu.memory_space<semaphore_mem>>) src(%dma_wait3A_451 : memref<3200xf32, #tpu.memory_space<hbm>>) dst(%dma_wait3A_450 : memref<3200xf32, #tpu.memory_space<vmem>>)
    %dma_wait3A_452 = arith.constant 11 : i32
    %dma_wait3A_453 = arith.constant 0 : i32
    %dma_wait3A_454 = tpu.memref_slice %arg4[%dma_wait3A_452, %dma_wait3A_453] : memref<32x3200xf32, #tpu.memory_space<vmem>> -> memref<1x3200xf32, #tpu.memory_space<vmem>>
    %dma_wait3A_455 = tpu.memref_squeeze %dma_wait3A_454 : memref<1x3200xf32, #tpu.memory_space<vmem>> -> memref<3200xf32, #tpu.memory_space<vmem>>
    %dma_wait3A_456 = tpu.memref_slice %arg2[%add3A_124] : memref<3276800xf32, #tpu.memory_space<hbm>> -> memref<3200xf32, #tpu.memory_space<hbm>>
    %dma_wait3A_457 = arith.constant 0 : i32
    %dma_wait3A_458 = tpu.memref_slice %arg4[%dma_wait3A_452, %dma_wait3A_457] : memref<32x3200xf32, #tpu.memory_space<vmem>> -> memref<1x3200xf32, #tpu.memory_space<vmem>>
    %dma_wait3A_459 = tpu.memref_squeeze %dma_wait3A_458 : memref<1x3200xf32, #tpu.memory_space<vmem>> -> memref<3200xf32, #tpu.memory_space<vmem>>
    %dma_wait3A_460 = tpu.memref_slice %arg2[%add3A_124] : memref<3276800xf32, #tpu.memory_space<hbm>> -> memref<3200xf32, #tpu.memory_space<hbm>>
    tpu.wait_dma2 semaphore(%arg5 : memref<!tpu.dma_semaphore, #tpu.memory_space<semaphore_mem>>) src(%dma_wait3A_460 : memref<3200xf32, #tpu.memory_space<hbm>>) dst(%dma_wait3A_459 : memref<3200xf32, #tpu.memory_space<vmem>>)
    %dma_wait3A_461 = arith.constant 12 : i32
    %dma_wait3A_462 = arith.constant 0 : i32
    %dma_wait3A_463 = tpu.memref_slice %arg4[%dma_wait3A_461, %dma_wait3A_462] : memref<32x3200xf32, #tpu.memory_space<vmem>> -> memref<1x3200xf32, #tpu.memory_space<vmem>>
    %dma_wait3A_464 = tpu.memref_squeeze %dma_wait3A_463 : memref<1x3200xf32, #tpu.memory_space<vmem>> -> memref<3200xf32, #tpu.memory_space<vmem>>
    %dma_wait3A_465 = tpu.memref_slice %arg2[%add3A_135] : memref<3276800xf32, #tpu.memory_space<hbm>> -> memref<3200xf32, #tpu.memory_space<hbm>>
    %dma_wait3A_466 = arith.constant 0 : i32
    %dma_wait3A_467 = tpu.memref_slice %arg4[%dma_wait3A_461, %dma_wait3A_466] : memref<32x3200xf32, #tpu.memory_space<vmem>> -> memref<1x3200xf32, #tpu.memory_space<vmem>>
    %dma_wait3A_468 = tpu.memref_squeeze %dma_wait3A_467 : memref<1x3200xf32, #tpu.memory_space<vmem>> -> memref<3200xf32, #tpu.memory_space<vmem>>
    %dma_wait3A_469 = tpu.memref_slice %arg2[%add3A_135] : memref<3276800xf32, #tpu.memory_space<hbm>> -> memref<3200xf32, #tpu.memory_space<hbm>>
    tpu.wait_dma2 semaphore(%arg5 : memref<!tpu.dma_semaphore, #tpu.memory_space<semaphore_mem>>) src(%dma_wait3A_469 : memref<3200xf32, #tpu.memory_space<hbm>>) dst(%dma_wait3A_468 : memref<3200xf32, #tpu.memory_space<vmem>>)
    %dma_wait3A_470 = arith.constant 13 : i32
    %dma_wait3A_471 = arith.constant 0 : i32
    %dma_wait3A_472 = tpu.memref_slice %arg4[%dma_wait3A_470, %dma_wait3A_471] : memref<32x3200xf32, #tpu.memory_space<vmem>> -> memref<1x3200xf32, #tpu.memory_space<vmem>>
    %dma_wait3A_473 = tpu.memref_squeeze %dma_wait3A_472 : memref<1x3200xf32, #tpu.memory_space<vmem>> -> memref<3200xf32, #tpu.memory_space<vmem>>
    %dma_wait3A_474 = tpu.memref_slice %arg2[%add3A_146] : memref<3276800xf32, #tpu.memory_space<hbm>> -> memref<3200xf32, #tpu.memory_space<hbm>>
    %dma_wait3A_475 = arith.constant 0 : i32
    %dma_wait3A_476 = tpu.memref_slice %arg4[%dma_wait3A_470, %dma_wait3A_475] : memref<32x3200xf32, #tpu.memory_space<vmem>> -> memref<1x3200xf32, #tpu.memory_space<vmem>>
    %dma_wait3A_477 = tpu.memref_squeeze %dma_wait3A_476 : memref<1x3200xf32, #tpu.memory_space<vmem>> -> memref<3200xf32, #tpu.memory_space<vmem>>
    %dma_wait3A_478 = tpu.memref_slice %arg2[%add3A_146] : memref<3276800xf32, #tpu.memory_space<hbm>> -> memref<3200xf32, #tpu.memory_space<hbm>>
    tpu.wait_dma2 semaphore(%arg5 : memref<!tpu.dma_semaphore, #tpu.memory_space<semaphore_mem>>) src(%dma_wait3A_478 : memref<3200xf32, #tpu.memory_space<hbm>>) dst(%dma_wait3A_477 : memref<3200xf32, #tpu.memory_space<vmem>>)
    %dma_wait3A_479 = arith.constant 14 : i32
    %dma_wait3A_480 = arith.constant 0 : i32
    %dma_wait3A_481 = tpu.memref_slice %arg4[%dma_wait3A_479, %dma_wait3A_480] : memref<32x3200xf32, #tpu.memory_space<vmem>> -> memref<1x3200xf32, #tpu.memory_space<vmem>>
    %dma_wait3A_482 = tpu.memref_squeeze %dma_wait3A_481 : memref<1x3200xf32, #tpu.memory_space<vmem>> -> memref<3200xf32, #tpu.memory_space<vmem>>
    %dma_wait3A_483 = tpu.memref_slice %arg2[%add3A_157] : memref<3276800xf32, #tpu.memory_space<hbm>> -> memref<3200xf32, #tpu.memory_space<hbm>>
    %dma_wait3A_484 = arith.constant 0 : i32
    %dma_wait3A_485 = tpu.memref_slice %arg4[%dma_wait3A_479, %dma_wait3A_484] : memref<32x3200xf32, #tpu.memory_space<vmem>> -> memref<1x3200xf32, #tpu.memory_space<vmem>>
    %dma_wait3A_486 = tpu.memref_squeeze %dma_wait3A_485 : memref<1x3200xf32, #tpu.memory_space<vmem>> -> memref<3200xf32, #tpu.memory_space<vmem>>
    %dma_wait3A_487 = tpu.memref_slice %arg2[%add3A_157] : memref<3276800xf32, #tpu.memory_space<hbm>> -> memref<3200xf32, #tpu.memory_space<hbm>>
    tpu.wait_dma2 semaphore(%arg5 : memref<!tpu.dma_semaphore, #tpu.memory_space<semaphore_mem>>) src(%dma_wait3A_487 : memref<3200xf32, #tpu.memory_space<hbm>>) dst(%dma_wait3A_486 : memref<3200xf32, #tpu.memory_space<vmem>>)
    %dma_wait3A_488 = arith.constant 15 : i32
    %dma_wait3A_489 = arith.constant 0 : i32
    %dma_wait3A_490 = tpu.memref_slice %arg4[%dma_wait3A_488, %dma_wait3A_489] : memref<32x3200xf32, #tpu.memory_space<vmem>> -> memref<1x3200xf32, #tpu.memory_space<vmem>>
    %dma_wait3A_491 = tpu.memref_squeeze %dma_wait3A_490 : memref<1x3200xf32, #tpu.memory_space<vmem>> -> memref<3200xf32, #tpu.memory_space<vmem>>
    %dma_wait3A_492 = tpu.memref_slice %arg2[%add3A_168] : memref<3276800xf32, #tpu.memory_space<hbm>> -> memref<3200xf32, #tpu.memory_space<hbm>>
    %dma_wait3A_493 = arith.constant 0 : i32
    %dma_wait3A_494 = tpu.memref_slice %arg4[%dma_wait3A_488, %dma_wait3A_493] : memref<32x3200xf32, #tpu.memory_space<vmem>> -> memref<1x3200xf32, #tpu.memory_space<vmem>>
    %dma_wait3A_495 = tpu.memref_squeeze %dma_wait3A_494 : memref<1x3200xf32, #tpu.memory_space<vmem>> -> memref<3200xf32, #tpu.memory_space<vmem>>
    %dma_wait3A_496 = tpu.memref_slice %arg2[%add3A_168] : memref<3276800xf32, #tpu.memory_space<hbm>> -> memref<3200xf32, #tpu.memory_space<hbm>>
    tpu.wait_dma2 semaphore(%arg5 : memref<!tpu.dma_semaphore, #tpu.memory_space<semaphore_mem>>) src(%dma_wait3A_496 : memref<3200xf32, #tpu.memory_space<hbm>>) dst(%dma_wait3A_495 : memref<3200xf32, #tpu.memory_space<vmem>>)
    %dma_wait3A_497 = arith.constant 16 : i32
    %dma_wait3A_498 = arith.constant 0 : i32
    %dma_wait3A_499 = tpu.memref_slice %arg4[%dma_wait3A_497, %dma_wait3A_498] : memref<32x3200xf32, #tpu.memory_space<vmem>> -> memref<1x3200xf32, #tpu.memory_space<vmem>>
    %dma_wait3A_500 = tpu.memref_squeeze %dma_wait3A_499 : memref<1x3200xf32, #tpu.memory_space<vmem>> -> memref<3200xf32, #tpu.memory_space<vmem>>
    %dma_wait3A_501 = tpu.memref_slice %arg2[%add3A_179] : memref<3276800xf32, #tpu.memory_space<hbm>> -> memref<3200xf32, #tpu.memory_space<hbm>>
    %dma_wait3A_502 = arith.constant 0 : i32
    %dma_wait3A_503 = tpu.memref_slice %arg4[%dma_wait3A_497, %dma_wait3A_502] : memref<32x3200xf32, #tpu.memory_space<vmem>> -> memref<1x3200xf32, #tpu.memory_space<vmem>>
    %dma_wait3A_504 = tpu.memref_squeeze %dma_wait3A_503 : memref<1x3200xf32, #tpu.memory_space<vmem>> -> memref<3200xf32, #tpu.memory_space<vmem>>
    %dma_wait3A_505 = tpu.memref_slice %arg2[%add3A_179] : memref<3276800xf32, #tpu.memory_space<hbm>> -> memref<3200xf32, #tpu.memory_space<hbm>>
    tpu.wait_dma2 semaphore(%arg5 : memref<!tpu.dma_semaphore, #tpu.memory_space<semaphore_mem>>) src(%dma_wait3A_505 : memref<3200xf32, #tpu.memory_space<hbm>>) dst(%dma_wait3A_504 : memref<3200xf32, #tpu.memory_space<vmem>>)
    %dma_wait3A_506 = arith.constant 17 : i32
    %dma_wait3A_507 = arith.constant 0 : i32
    %dma_wait3A_508 = tpu.memref_slice %arg4[%dma_wait3A_506, %dma_wait3A_507] : memref<32x3200xf32, #tpu.memory_space<vmem>> -> memref<1x3200xf32, #tpu.memory_space<vmem>>
    %dma_wait3A_509 = tpu.memref_squeeze %dma_wait3A_508 : memref<1x3200xf32, #tpu.memory_space<vmem>> -> memref<3200xf32, #tpu.memory_space<vmem>>
    %dma_wait3A_510 = tpu.memref_slice %arg2[%add3A_190] : memref<3276800xf32, #tpu.memory_space<hbm>> -> memref<3200xf32, #tpu.memory_space<hbm>>
    %dma_wait3A_511 = arith.constant 0 : i32
    %dma_wait3A_512 = tpu.memref_slice %arg4[%dma_wait3A_506, %dma_wait3A_511] : memref<32x3200xf32, #tpu.memory_space<vmem>> -> memref<1x3200xf32, #tpu.memory_space<vmem>>
    %dma_wait3A_513 = tpu.memref_squeeze %dma_wait3A_512 : memref<1x3200xf32, #tpu.memory_space<vmem>> -> memref<3200xf32, #tpu.memory_space<vmem>>
    %dma_wait3A_514 = tpu.memref_slice %arg2[%add3A_190] : memref<3276800xf32, #tpu.memory_space<hbm>> -> memref<3200xf32, #tpu.memory_space<hbm>>
    tpu.wait_dma2 semaphore(%arg5 : memref<!tpu.dma_semaphore, #tpu.memory_space<semaphore_mem>>) src(%dma_wait3A_514 : memref<3200xf32, #tpu.memory_space<hbm>>) dst(%dma_wait3A_513 : memref<3200xf32, #tpu.memory_space<vmem>>)
    %dma_wait3A_515 = arith.constant 18 : i32
    %dma_wait3A_516 = arith.constant 0 : i32
    %dma_wait3A_517 = tpu.memref_slice %arg4[%dma_wait3A_515, %dma_wait3A_516] : memref<32x3200xf32, #tpu.memory_space<vmem>> -> memref<1x3200xf32, #tpu.memory_space<vmem>>
    %dma_wait3A_518 = tpu.memref_squeeze %dma_wait3A_517 : memref<1x3200xf32, #tpu.memory_space<vmem>> -> memref<3200xf32, #tpu.memory_space<vmem>>
    %dma_wait3A_519 = tpu.memref_slice %arg2[%add3A_201] : memref<3276800xf32, #tpu.memory_space<hbm>> -> memref<3200xf32, #tpu.memory_space<hbm>>
    %dma_wait3A_520 = arith.constant 0 : i32
    %dma_wait3A_521 = tpu.memref_slice %arg4[%dma_wait3A_515, %dma_wait3A_520] : memref<32x3200xf32, #tpu.memory_space<vmem>> -> memref<1x3200xf32, #tpu.memory_space<vmem>>
    %dma_wait3A_522 = tpu.memref_squeeze %dma_wait3A_521 : memref<1x3200xf32, #tpu.memory_space<vmem>> -> memref<3200xf32, #tpu.memory_space<vmem>>
    %dma_wait3A_523 = tpu.memref_slice %arg2[%add3A_201] : memref<3276800xf32, #tpu.memory_space<hbm>> -> memref<3200xf32, #tpu.memory_space<hbm>>
    tpu.wait_dma2 semaphore(%arg5 : memref<!tpu.dma_semaphore, #tpu.memory_space<semaphore_mem>>) src(%dma_wait3A_523 : memref<3200xf32, #tpu.memory_space<hbm>>) dst(%dma_wait3A_522 : memref<3200xf32, #tpu.memory_space<vmem>>)
    %dma_wait3A_524 = arith.constant 19 : i32
    %dma_wait3A_525 = arith.constant 0 : i32
    %dma_wait3A_526 = tpu.memref_slice %arg4[%dma_wait3A_524, %dma_wait3A_525] : memref<32x3200xf32, #tpu.memory_space<vmem>> -> memref<1x3200xf32, #tpu.memory_space<vmem>>
    %dma_wait3A_527 = tpu.memref_squeeze %dma_wait3A_526 : memref<1x3200xf32, #tpu.memory_space<vmem>> -> memref<3200xf32, #tpu.memory_space<vmem>>
    %dma_wait3A_528 = tpu.memref_slice %arg2[%add3A_212] : memref<3276800xf32, #tpu.memory_space<hbm>> -> memref<3200xf32, #tpu.memory_space<hbm>>
    %dma_wait3A_529 = arith.constant 0 : i32
    %dma_wait3A_530 = tpu.memref_slice %arg4[%dma_wait3A_524, %dma_wait3A_529] : memref<32x3200xf32, #tpu.memory_space<vmem>> -> memref<1x3200xf32, #tpu.memory_space<vmem>>
    %dma_wait3A_531 = tpu.memref_squeeze %dma_wait3A_530 : memref<1x3200xf32, #tpu.memory_space<vmem>> -> memref<3200xf32, #tpu.memory_space<vmem>>
    %dma_wait3A_532 = tpu.memref_slice %arg2[%add3A_212] : memref<3276800xf32, #tpu.memory_space<hbm>> -> memref<3200xf32, #tpu.memory_space<hbm>>
    tpu.wait_dma2 semaphore(%arg5 : memref<!tpu.dma_semaphore, #tpu.memory_space<semaphore_mem>>) src(%dma_wait3A_532 : memref<3200xf32, #tpu.memory_space<hbm>>) dst(%dma_wait3A_531 : memref<3200xf32, #tpu.memory_space<vmem>>)
    %dma_wait3A_533 = arith.constant 20 : i32
    %dma_wait3A_534 = arith.constant 0 : i32
    %dma_wait3A_535 = tpu.memref_slice %arg4[%dma_wait3A_533, %dma_wait3A_534] : memref<32x3200xf32, #tpu.memory_space<vmem>> -> memref<1x3200xf32, #tpu.memory_space<vmem>>
    %dma_wait3A_536 = tpu.memref_squeeze %dma_wait3A_535 : memref<1x3200xf32, #tpu.memory_space<vmem>> -> memref<3200xf32, #tpu.memory_space<vmem>>
    %dma_wait3A_537 = tpu.memref_slice %arg2[%add3A_223] : memref<3276800xf32, #tpu.memory_space<hbm>> -> memref<3200xf32, #tpu.memory_space<hbm>>
    %dma_wait3A_538 = arith.constant 0 : i32
    %dma_wait3A_539 = tpu.memref_slice %arg4[%dma_wait3A_533, %dma_wait3A_538] : memref<32x3200xf32, #tpu.memory_space<vmem>> -> memref<1x3200xf32, #tpu.memory_space<vmem>>
    %dma_wait3A_540 = tpu.memref_squeeze %dma_wait3A_539 : memref<1x3200xf32, #tpu.memory_space<vmem>> -> memref<3200xf32, #tpu.memory_space<vmem>>
    %dma_wait3A_541 = tpu.memref_slice %arg2[%add3A_223] : memref<3276800xf32, #tpu.memory_space<hbm>> -> memref<3200xf32, #tpu.memory_space<hbm>>
    tpu.wait_dma2 semaphore(%arg5 : memref<!tpu.dma_semaphore, #tpu.memory_space<semaphore_mem>>) src(%dma_wait3A_541 : memref<3200xf32, #tpu.memory_space<hbm>>) dst(%dma_wait3A_540 : memref<3200xf32, #tpu.memory_space<vmem>>)
    %dma_wait3A_542 = arith.constant 21 : i32
    %dma_wait3A_543 = arith.constant 0 : i32
    %dma_wait3A_544 = tpu.memref_slice %arg4[%dma_wait3A_542, %dma_wait3A_543] : memref<32x3200xf32, #tpu.memory_space<vmem>> -> memref<1x3200xf32, #tpu.memory_space<vmem>>
    %dma_wait3A_545 = tpu.memref_squeeze %dma_wait3A_544 : memref<1x3200xf32, #tpu.memory_space<vmem>> -> memref<3200xf32, #tpu.memory_space<vmem>>
    %dma_wait3A_546 = tpu.memref_slice %arg2[%add3A_234] : memref<3276800xf32, #tpu.memory_space<hbm>> -> memref<3200xf32, #tpu.memory_space<hbm>>
    %dma_wait3A_547 = arith.constant 0 : i32
    %dma_wait3A_548 = tpu.memref_slice %arg4[%dma_wait3A_542, %dma_wait3A_547] : memref<32x3200xf32, #tpu.memory_space<vmem>> -> memref<1x3200xf32, #tpu.memory_space<vmem>>
    %dma_wait3A_549 = tpu.memref_squeeze %dma_wait3A_548 : memref<1x3200xf32, #tpu.memory_space<vmem>> -> memref<3200xf32, #tpu.memory_space<vmem>>
    %dma_wait3A_550 = tpu.memref_slice %arg2[%add3A_234] : memref<3276800xf32, #tpu.memory_space<hbm>> -> memref<3200xf32, #tpu.memory_space<hbm>>
    tpu.wait_dma2 semaphore(%arg5 : memref<!tpu.dma_semaphore, #tpu.memory_space<semaphore_mem>>) src(%dma_wait3A_550 : memref<3200xf32, #tpu.memory_space<hbm>>) dst(%dma_wait3A_549 : memref<3200xf32, #tpu.memory_space<vmem>>)
    %dma_wait3A_551 = arith.constant 22 : i32
    %dma_wait3A_552 = arith.constant 0 : i32
    %dma_wait3A_553 = tpu.memref_slice %arg4[%dma_wait3A_551, %dma_wait3A_552] : memref<32x3200xf32, #tpu.memory_space<vmem>> -> memref<1x3200xf32, #tpu.memory_space<vmem>>
    %dma_wait3A_554 = tpu.memref_squeeze %dma_wait3A_553 : memref<1x3200xf32, #tpu.memory_space<vmem>> -> memref<3200xf32, #tpu.memory_space<vmem>>
    %dma_wait3A_555 = tpu.memref_slice %arg2[%add3A_245] : memref<3276800xf32, #tpu.memory_space<hbm>> -> memref<3200xf32, #tpu.memory_space<hbm>>
    %dma_wait3A_556 = arith.constant 0 : i32
    %dma_wait3A_557 = tpu.memref_slice %arg4[%dma_wait3A_551, %dma_wait3A_556] : memref<32x3200xf32, #tpu.memory_space<vmem>> -> memref<1x3200xf32, #tpu.memory_space<vmem>>
    %dma_wait3A_558 = tpu.memref_squeeze %dma_wait3A_557 : memref<1x3200xf32, #tpu.memory_space<vmem>> -> memref<3200xf32, #tpu.memory_space<vmem>>
    %dma_wait3A_559 = tpu.memref_slice %arg2[%add3A_245] : memref<3276800xf32, #tpu.memory_space<hbm>> -> memref<3200xf32, #tpu.memory_space<hbm>>
    tpu.wait_dma2 semaphore(%arg5 : memref<!tpu.dma_semaphore, #tpu.memory_space<semaphore_mem>>) src(%dma_wait3A_559 : memref<3200xf32, #tpu.memory_space<hbm>>) dst(%dma_wait3A_558 : memref<3200xf32, #tpu.memory_space<vmem>>)
    %dma_wait3A_560 = arith.constant 23 : i32
    %dma_wait3A_561 = arith.constant 0 : i32
    %dma_wait3A_562 = tpu.memref_slice %arg4[%dma_wait3A_560, %dma_wait3A_561] : memref<32x3200xf32, #tpu.memory_space<vmem>> -> memref<1x3200xf32, #tpu.memory_space<vmem>>
    %dma_wait3A_563 = tpu.memref_squeeze %dma_wait3A_562 : memref<1x3200xf32, #tpu.memory_space<vmem>> -> memref<3200xf32, #tpu.memory_space<vmem>>
    %dma_wait3A_564 = tpu.memref_slice %arg2[%add3A_256] : memref<3276800xf32, #tpu.memory_space<hbm>> -> memref<3200xf32, #tpu.memory_space<hbm>>
    %dma_wait3A_565 = arith.constant 0 : i32
    %dma_wait3A_566 = tpu.memref_slice %arg4[%dma_wait3A_560, %dma_wait3A_565] : memref<32x3200xf32, #tpu.memory_space<vmem>> -> memref<1x3200xf32, #tpu.memory_space<vmem>>
    %dma_wait3A_567 = tpu.memref_squeeze %dma_wait3A_566 : memref<1x3200xf32, #tpu.memory_space<vmem>> -> memref<3200xf32, #tpu.memory_space<vmem>>
    %dma_wait3A_568 = tpu.memref_slice %arg2[%add3A_256] : memref<3276800xf32, #tpu.memory_space<hbm>> -> memref<3200xf32, #tpu.memory_space<hbm>>
    tpu.wait_dma2 semaphore(%arg5 : memref<!tpu.dma_semaphore, #tpu.memory_space<semaphore_mem>>) src(%dma_wait3A_568 : memref<3200xf32, #tpu.memory_space<hbm>>) dst(%dma_wait3A_567 : memref<3200xf32, #tpu.memory_space<vmem>>)
    %dma_wait3A_569 = arith.constant 24 : i32
    %dma_wait3A_570 = arith.constant 0 : i32
    %dma_wait3A_571 = tpu.memref_slice %arg4[%dma_wait3A_569, %dma_wait3A_570] : memref<32x3200xf32, #tpu.memory_space<vmem>> -> memref<1x3200xf32, #tpu.memory_space<vmem>>
    %dma_wait3A_572 = tpu.memref_squeeze %dma_wait3A_571 : memref<1x3200xf32, #tpu.memory_space<vmem>> -> memref<3200xf32, #tpu.memory_space<vmem>>
    %dma_wait3A_573 = tpu.memref_slice %arg2[%add3A_267] : memref<3276800xf32, #tpu.memory_space<hbm>> -> memref<3200xf32, #tpu.memory_space<hbm>>
    %dma_wait3A_574 = arith.constant 0 : i32
    %dma_wait3A_575 = tpu.memref_slice %arg4[%dma_wait3A_569, %dma_wait3A_574] : memref<32x3200xf32, #tpu.memory_space<vmem>> -> memref<1x3200xf32, #tpu.memory_space<vmem>>
    %dma_wait3A_576 = tpu.memref_squeeze %dma_wait3A_575 : memref<1x3200xf32, #tpu.memory_space<vmem>> -> memref<3200xf32, #tpu.memory_space<vmem>>
    %dma_wait3A_577 = tpu.memref_slice %arg2[%add3A_267] : memref<3276800xf32, #tpu.memory_space<hbm>> -> memref<3200xf32, #tpu.memory_space<hbm>>
    tpu.wait_dma2 semaphore(%arg5 : memref<!tpu.dma_semaphore, #tpu.memory_space<semaphore_mem>>) src(%dma_wait3A_577 : memref<3200xf32, #tpu.memory_space<hbm>>) dst(%dma_wait3A_576 : memref<3200xf32, #tpu.memory_space<vmem>>)
    %dma_wait3A_578 = arith.constant 25 : i32
    %dma_wait3A_579 = arith.constant 0 : i32
    %dma_wait3A_580 = tpu.memref_slice %arg4[%dma_wait3A_578, %dma_wait3A_579] : memref<32x3200xf32, #tpu.memory_space<vmem>> -> memref<1x3200xf32, #tpu.memory_space<vmem>>
    %dma_wait3A_581 = tpu.memref_squeeze %dma_wait3A_580 : memref<1x3200xf32, #tpu.memory_space<vmem>> -> memref<3200xf32, #tpu.memory_space<vmem>>
    %dma_wait3A_582 = tpu.memref_slice %arg2[%add3A_278] : memref<3276800xf32, #tpu.memory_space<hbm>> -> memref<3200xf32, #tpu.memory_space<hbm>>
    %dma_wait3A_583 = arith.constant 0 : i32
    %dma_wait3A_584 = tpu.memref_slice %arg4[%dma_wait3A_578, %dma_wait3A_583] : memref<32x3200xf32, #tpu.memory_space<vmem>> -> memref<1x3200xf32, #tpu.memory_space<vmem>>
    %dma_wait3A_585 = tpu.memref_squeeze %dma_wait3A_584 : memref<1x3200xf32, #tpu.memory_space<vmem>> -> memref<3200xf32, #tpu.memory_space<vmem>>
    %dma_wait3A_586 = tpu.memref_slice %arg2[%add3A_278] : memref<3276800xf32, #tpu.memory_space<hbm>> -> memref<3200xf32, #tpu.memory_space<hbm>>
    tpu.wait_dma2 semaphore(%arg5 : memref<!tpu.dma_semaphore, #tpu.memory_space<semaphore_mem>>) src(%dma_wait3A_586 : memref<3200xf32, #tpu.memory_space<hbm>>) dst(%dma_wait3A_585 : memref<3200xf32, #tpu.memory_space<vmem>>)
    %dma_wait3A_587 = arith.constant 26 : i32
    %dma_wait3A_588 = arith.constant 0 : i32
    %dma_wait3A_589 = tpu.memref_slice %arg4[%dma_wait3A_587, %dma_wait3A_588] : memref<32x3200xf32, #tpu.memory_space<vmem>> -> memref<1x3200xf32, #tpu.memory_space<vmem>>
    %dma_wait3A_590 = tpu.memref_squeeze %dma_wait3A_589 : memref<1x3200xf32, #tpu.memory_space<vmem>> -> memref<3200xf32, #tpu.memory_space<vmem>>
    %dma_wait3A_591 = tpu.memref_slice %arg2[%add3A_289] : memref<3276800xf32, #tpu.memory_space<hbm>> -> memref<3200xf32, #tpu.memory_space<hbm>>
    %dma_wait3A_592 = arith.constant 0 : i32
    %dma_wait3A_593 = tpu.memref_slice %arg4[%dma_wait3A_587, %dma_wait3A_592] : memref<32x3200xf32, #tpu.memory_space<vmem>> -> memref<1x3200xf32, #tpu.memory_space<vmem>>
    %dma_wait3A_594 = tpu.memref_squeeze %dma_wait3A_593 : memref<1x3200xf32, #tpu.memory_space<vmem>> -> memref<3200xf32, #tpu.memory_space<vmem>>
    %dma_wait3A_595 = tpu.memref_slice %arg2[%add3A_289] : memref<3276800xf32, #tpu.memory_space<hbm>> -> memref<3200xf32, #tpu.memory_space<hbm>>
    tpu.wait_dma2 semaphore(%arg5 : memref<!tpu.dma_semaphore, #tpu.memory_space<semaphore_mem>>) src(%dma_wait3A_595 : memref<3200xf32, #tpu.memory_space<hbm>>) dst(%dma_wait3A_594 : memref<3200xf32, #tpu.memory_space<vmem>>)
    %dma_wait3A_596 = arith.constant 27 : i32
    %dma_wait3A_597 = arith.constant 0 : i32
    %dma_wait3A_598 = tpu.memref_slice %arg4[%dma_wait3A_596, %dma_wait3A_597] : memref<32x3200xf32, #tpu.memory_space<vmem>> -> memref<1x3200xf32, #tpu.memory_space<vmem>>
    %dma_wait3A_599 = tpu.memref_squeeze %dma_wait3A_598 : memref<1x3200xf32, #tpu.memory_space<vmem>> -> memref<3200xf32, #tpu.memory_space<vmem>>
    %dma_wait3A_600 = tpu.memref_slice %arg2[%add3A_300] : memref<3276800xf32, #tpu.memory_space<hbm>> -> memref<3200xf32, #tpu.memory_space<hbm>>
    %dma_wait3A_601 = arith.constant 0 : i32
    %dma_wait3A_602 = tpu.memref_slice %arg4[%dma_wait3A_596, %dma_wait3A_601] : memref<32x3200xf32, #tpu.memory_space<vmem>> -> memref<1x3200xf32, #tpu.memory_space<vmem>>
    %dma_wait3A_603 = tpu.memref_squeeze %dma_wait3A_602 : memref<1x3200xf32, #tpu.memory_space<vmem>> -> memref<3200xf32, #tpu.memory_space<vmem>>
    %dma_wait3A_604 = tpu.memref_slice %arg2[%add3A_300] : memref<3276800xf32, #tpu.memory_space<hbm>> -> memref<3200xf32, #tpu.memory_space<hbm>>
    tpu.wait_dma2 semaphore(%arg5 : memref<!tpu.dma_semaphore, #tpu.memory_space<semaphore_mem>>) src(%dma_wait3A_604 : memref<3200xf32, #tpu.memory_space<hbm>>) dst(%dma_wait3A_603 : memref<3200xf32, #tpu.memory_space<vmem>>)
    %dma_wait3A_605 = arith.constant 28 : i32
    %dma_wait3A_606 = arith.constant 0 : i32
    %dma_wait3A_607 = tpu.memref_slice %arg4[%dma_wait3A_605, %dma_wait3A_606] : memref<32x3200xf32, #tpu.memory_space<vmem>> -> memref<1x3200xf32, #tpu.memory_space<vmem>>
    %dma_wait3A_608 = tpu.memref_squeeze %dma_wait3A_607 : memref<1x3200xf32, #tpu.memory_space<vmem>> -> memref<3200xf32, #tpu.memory_space<vmem>>
    %dma_wait3A_609 = tpu.memref_slice %arg2[%add3A_311] : memref<3276800xf32, #tpu.memory_space<hbm>> -> memref<3200xf32, #tpu.memory_space<hbm>>
    %dma_wait3A_610 = arith.constant 0 : i32
    %dma_wait3A_611 = tpu.memref_slice %arg4[%dma_wait3A_605, %dma_wait3A_610] : memref<32x3200xf32, #tpu.memory_space<vmem>> -> memref<1x3200xf32, #tpu.memory_space<vmem>>
    %dma_wait3A_612 = tpu.memref_squeeze %dma_wait3A_611 : memref<1x3200xf32, #tpu.memory_space<vmem>> -> memref<3200xf32, #tpu.memory_space<vmem>>
    %dma_wait3A_613 = tpu.memref_slice %arg2[%add3A_311] : memref<3276800xf32, #tpu.memory_space<hbm>> -> memref<3200xf32, #tpu.memory_space<hbm>>
    tpu.wait_dma2 semaphore(%arg5 : memref<!tpu.dma_semaphore, #tpu.memory_space<semaphore_mem>>) src(%dma_wait3A_613 : memref<3200xf32, #tpu.memory_space<hbm>>) dst(%dma_wait3A_612 : memref<3200xf32, #tpu.memory_space<vmem>>)
    %dma_wait3A_614 = arith.constant 29 : i32
    %dma_wait3A_615 = arith.constant 0 : i32
    %dma_wait3A_616 = tpu.memref_slice %arg4[%dma_wait3A_614, %dma_wait3A_615] : memref<32x3200xf32, #tpu.memory_space<vmem>> -> memref<1x3200xf32, #tpu.memory_space<vmem>>
    %dma_wait3A_617 = tpu.memref_squeeze %dma_wait3A_616 : memref<1x3200xf32, #tpu.memory_space<vmem>> -> memref<3200xf32, #tpu.memory_space<vmem>>
    %dma_wait3A_618 = tpu.memref_slice %arg2[%add3A_322] : memref<3276800xf32, #tpu.memory_space<hbm>> -> memref<3200xf32, #tpu.memory_space<hbm>>
    %dma_wait3A_619 = arith.constant 0 : i32
    %dma_wait3A_620 = tpu.memref_slice %arg4[%dma_wait3A_614, %dma_wait3A_619] : memref<32x3200xf32, #tpu.memory_space<vmem>> -> memref<1x3200xf32, #tpu.memory_space<vmem>>
    %dma_wait3A_621 = tpu.memref_squeeze %dma_wait3A_620 : memref<1x3200xf32, #tpu.memory_space<vmem>> -> memref<3200xf32, #tpu.memory_space<vmem>>
    %dma_wait3A_622 = tpu.memref_slice %arg2[%add3A_322] : memref<3276800xf32, #tpu.memory_space<hbm>> -> memref<3200xf32, #tpu.memory_space<hbm>>
    tpu.wait_dma2 semaphore(%arg5 : memref<!tpu.dma_semaphore, #tpu.memory_space<semaphore_mem>>) src(%dma_wait3A_622 : memref<3200xf32, #tpu.memory_space<hbm>>) dst(%dma_wait3A_621 : memref<3200xf32, #tpu.memory_space<vmem>>)
    %dma_wait3A_623 = arith.constant 30 : i32
    %dma_wait3A_624 = arith.constant 0 : i32
    %dma_wait3A_625 = tpu.memref_slice %arg4[%dma_wait3A_623, %dma_wait3A_624] : memref<32x3200xf32, #tpu.memory_space<vmem>> -> memref<1x3200xf32, #tpu.memory_space<vmem>>
    %dma_wait3A_626 = tpu.memref_squeeze %dma_wait3A_625 : memref<1x3200xf32, #tpu.memory_space<vmem>> -> memref<3200xf32, #tpu.memory_space<vmem>>
    %dma_wait3A_627 = tpu.memref_slice %arg2[%add3A_333] : memref<3276800xf32, #tpu.memory_space<hbm>> -> memref<3200xf32, #tpu.memory_space<hbm>>
    %dma_wait3A_628 = arith.constant 0 : i32
    %dma_wait3A_629 = tpu.memref_slice %arg4[%dma_wait3A_623, %dma_wait3A_628] : memref<32x3200xf32, #tpu.memory_space<vmem>> -> memref<1x3200xf32, #tpu.memory_space<vmem>>
    %dma_wait3A_630 = tpu.memref_squeeze %dma_wait3A_629 : memref<1x3200xf32, #tpu.memory_space<vmem>> -> memref<3200xf32, #tpu.memory_space<vmem>>
    %dma_wait3A_631 = tpu.memref_slice %arg2[%add3A_333] : memref<3276800xf32, #tpu.memory_space<hbm>> -> memref<3200xf32, #tpu.memory_space<hbm>>
    tpu.wait_dma2 semaphore(%arg5 : memref<!tpu.dma_semaphore, #tpu.memory_space<semaphore_mem>>) src(%dma_wait3A_631 : memref<3200xf32, #tpu.memory_space<hbm>>) dst(%dma_wait3A_630 : memref<3200xf32, #tpu.memory_space<vmem>>)
    %dma_wait3A_632 = arith.constant 31 : i32
    %dma_wait3A_633 = arith.constant 0 : i32
    %dma_wait3A_634 = tpu.memref_slice %arg4[%dma_wait3A_632, %dma_wait3A_633] : memref<32x3200xf32, #tpu.memory_space<vmem>> -> memref<1x3200xf32, #tpu.memory_space<vmem>>
    %dma_wait3A_635 = tpu.memref_squeeze %dma_wait3A_634 : memref<1x3200xf32, #tpu.memory_space<vmem>> -> memref<3200xf32, #tpu.memory_space<vmem>>
    %dma_wait3A_636 = tpu.memref_slice %arg2[%add3A_344] : memref<3276800xf32, #tpu.memory_space<hbm>> -> memref<3200xf32, #tpu.memory_space<hbm>>
    %dma_wait3A_637 = arith.constant 0 : i32
    %dma_wait3A_638 = tpu.memref_slice %arg4[%dma_wait3A_632, %dma_wait3A_637] : memref<32x3200xf32, #tpu.memory_space<vmem>> -> memref<1x3200xf32, #tpu.memory_space<vmem>>
    %dma_wait3A_639 = tpu.memref_squeeze %dma_wait3A_638 : memref<1x3200xf32, #tpu.memory_space<vmem>> -> memref<3200xf32, #tpu.memory_space<vmem>>
    %dma_wait3A_640 = tpu.memref_slice %arg2[%add3A_344] : memref<3276800xf32, #tpu.memory_space<hbm>> -> memref<3200xf32, #tpu.memory_space<hbm>>
    tpu.wait_dma2 semaphore(%arg5 : memref<!tpu.dma_semaphore, #tpu.memory_space<semaphore_mem>>) src(%dma_wait3A_640 : memref<3200xf32, #tpu.memory_space<hbm>>) dst(%dma_wait3A_639 : memref<3200xf32, #tpu.memory_space<vmem>>)
    %scan3A = arith.constant 0 : i32
    %scan3A_641 = arith.constant 200 : i32
    %scan3A_642 = arith.addi %scan3A, %scan3A_641 : i32
    %scan3A_643 = arith.constant 1 : i32
    scf.for %scan3A_645 = %scan3A to %scan3A_642 step %scan3A_643  : i32 {
      %mul3A_646 = arith.constant 16 : i32
      %mul3A_647 = arith.muli %scan3A_645, %mul3A_646 : i32
      %get3A = arith.constant 0 : i32
      %get3A_648 = arith.index_cast %get3A : i32 to index
      %get3A_649 = arith.index_cast %mul3A_647 : i32 to index
      %get3A_650 = tpu.vector_load %arg4[%get3A_648, %get3A_649] {strides = array<i32>} : memref<32x3200xf32, #tpu.memory_space<vmem>>, vector<16xf32>,
      %get3A_651 = arith.constant 1 : i32
      %get3A_652 = arith.index_cast %get3A_651 : i32 to index
      %get3A_653 = arith.index_cast %mul3A_647 : i32 to index
      %get3A_654 = tpu.vector_load %arg4[%get3A_652, %get3A_653] {strides = array<i32>} : memref<32x3200xf32, #tpu.memory_space<vmem>>, vector<16xf32>,
      %max3A = arith.maximumf %get3A_650, %get3A_654 : vector<16xf32>
      %get3A_655 = arith.constant 2 : i32
      %get3A_656 = arith.index_cast %get3A_655 : i32 to index
      %get3A_657 = arith.index_cast %mul3A_647 : i32 to index
      %get3A_658 = tpu.vector_load %arg4[%get3A_656, %get3A_657] {strides = array<i32>} : memref<32x3200xf32, #tpu.memory_space<vmem>>, vector<16xf32>,
      %max3A_659 = arith.maximumf %max3A, %get3A_658 : vector<16xf32>
      %get3A_660 = arith.constant 3 : i32
      %get3A_661 = arith.index_cast %get3A_660 : i32 to index
      %get3A_662 = arith.index_cast %mul3A_647 : i32 to index
      %get3A_663 = tpu.vector_load %arg4[%get3A_661, %get3A_662] {strides = array<i32>} : memref<32x3200xf32, #tpu.memory_space<vmem>>, vector<16xf32>,
      %max3A_664 = arith.maximumf %max3A_659, %get3A_663 : vector<16xf32>
      %get3A_665 = arith.constant 4 : i32
      %get3A_666 = arith.index_cast %get3A_665 : i32 to index
      %get3A_667 = arith.index_cast %mul3A_647 : i32 to index
      %get3A_668 = tpu.vector_load %arg4[%get3A_666, %get3A_667] {strides = array<i32>} : memref<32x3200xf32, #tpu.memory_space<vmem>>, vector<16xf32>,
      %max3A_669 = arith.maximumf %max3A_664, %get3A_668 : vector<16xf32>
      %get3A_670 = arith.constant 5 : i32
      %get3A_671 = arith.index_cast %get3A_670 : i32 to index
      %get3A_672 = arith.index_cast %mul3A_647 : i32 to index
      %get3A_673 = tpu.vector_load %arg4[%get3A_671, %get3A_672] {strides = array<i32>} : memref<32x3200xf32, #tpu.memory_space<vmem>>, vector<16xf32>,
      %max3A_674 = arith.maximumf %max3A_669, %get3A_673 : vector<16xf32>
      %get3A_675 = arith.constant 6 : i32
      %get3A_676 = arith.index_cast %get3A_675 : i32 to index
      %get3A_677 = arith.index_cast %mul3A_647 : i32 to index
      %get3A_678 = tpu.vector_load %arg4[%get3A_676, %get3A_677] {strides = array<i32>} : memref<32x3200xf32, #tpu.memory_space<vmem>>, vector<16xf32>,
      %max3A_679 = arith.maximumf %max3A_674, %get3A_678 : vector<16xf32>
      %get3A_680 = arith.constant 7 : i32
      %get3A_681 = arith.index_cast %get3A_680 : i32 to index
      %get3A_682 = arith.index_cast %mul3A_647 : i32 to index
      %get3A_683 = tpu.vector_load %arg4[%get3A_681, %get3A_682] {strides = array<i32>} : memref<32x3200xf32, #tpu.memory_space<vmem>>, vector<16xf32>,
      %max3A_684 = arith.maximumf %max3A_679, %get3A_683 : vector<16xf32>
      %get3A_685 = arith.constant 8 : i32
      %get3A_686 = arith.index_cast %get3A_685 : i32 to index
      %get3A_687 = arith.index_cast %mul3A_647 : i32 to index
      %get3A_688 = tpu.vector_load %arg4[%get3A_686, %get3A_687] {strides = array<i32>} : memref<32x3200xf32, #tpu.memory_space<vmem>>, vector<16xf32>,
      %max3A_689 = arith.maximumf %max3A_684, %get3A_688 : vector<16xf32>
      %get3A_690 = arith.constant 9 : i32
      %get3A_691 = arith.index_cast %get3A_690 : i32 to index
      %get3A_692 = arith.index_cast %mul3A_647 : i32 to index
      %get3A_693 = tpu.vector_load %arg4[%get3A_691, %get3A_692] {strides = array<i32>} : memref<32x3200xf32, #tpu.memory_space<vmem>>, vector<16xf32>,
      %max3A_694 = arith.maximumf %max3A_689, %get3A_693 : vector<16xf32>
      %get3A_695 = arith.constant 10 : i32
      %get3A_696 = arith.index_cast %get3A_695 : i32 to index
      %get3A_697 = arith.index_cast %mul3A_647 : i32 to index
      %get3A_698 = tpu.vector_load %arg4[%get3A_696, %get3A_697] {strides = array<i32>} : memref<32x3200xf32, #tpu.memory_space<vmem>>, vector<16xf32>,
      %max3A_699 = arith.maximumf %max3A_694, %get3A_698 : vector<16xf32>
      %get3A_700 = arith.constant 11 : i32
      %get3A_701 = arith.index_cast %get3A_700 : i32 to index
      %get3A_702 = arith.index_cast %mul3A_647 : i32 to index
      %get3A_703 = tpu.vector_load %arg4[%get3A_701, %get3A_702] {strides = array<i32>} : memref<32x3200xf32, #tpu.memory_space<vmem>>, vector<16xf32>,
      %max3A_704 = arith.maximumf %max3A_699, %get3A_703 : vector<16xf32>
      %get3A_705 = arith.constant 12 : i32
      %get3A_706 = arith.index_cast %get3A_705 : i32 to index
      %get3A_707 = arith.index_cast %mul3A_647 : i32 to index
      %get3A_708 = tpu.vector_load %arg4[%get3A_706, %get3A_707] {strides = array<i32>} : memref<32x3200xf32, #tpu.memory_space<vmem>>, vector<16xf32>,
      %max3A_709 = arith.maximumf %max3A_704, %get3A_708 : vector<16xf32>
      %get3A_710 = arith.constant 13 : i32
      %get3A_711 = arith.index_cast %get3A_710 : i32 to index
      %get3A_712 = arith.index_cast %mul3A_647 : i32 to index
      %get3A_713 = tpu.vector_load %arg4[%get3A_711, %get3A_712] {strides = array<i32>} : memref<32x3200xf32, #tpu.memory_space<vmem>>, vector<16xf32>,
      %max3A_714 = arith.maximumf %max3A_709, %get3A_713 : vector<16xf32>
      %get3A_715 = arith.constant 14 : i32
      %get3A_716 = arith.index_cast %get3A_715 : i32 to index
      %get3A_717 = arith.index_cast %mul3A_647 : i32 to index
      %get3A_718 = tpu.vector_load %arg4[%get3A_716, %get3A_717] {strides = array<i32>} : memref<32x3200xf32, #tpu.memory_space<vmem>>, vector<16xf32>,
      %max3A_719 = arith.maximumf %max3A_714, %get3A_718 : vector<16xf32>
      %get3A_720 = arith.constant 15 : i32
      %get3A_721 = arith.index_cast %get3A_720 : i32 to index
      %get3A_722 = arith.index_cast %mul3A_647 : i32 to index
      %get3A_723 = tpu.vector_load %arg4[%get3A_721, %get3A_722] {strides = array<i32>} : memref<32x3200xf32, #tpu.memory_space<vmem>>, vector<16xf32>,
      %max3A_724 = arith.maximumf %max3A_719, %get3A_723 : vector<16xf32>
      %get3A_725 = arith.constant 16 : i32
      %get3A_726 = arith.index_cast %get3A_725 : i32 to index
      %get3A_727 = arith.index_cast %mul3A_647 : i32 to index
      %get3A_728 = tpu.vector_load %arg4[%get3A_726, %get3A_727] {strides = array<i32>} : memref<32x3200xf32, #tpu.memory_space<vmem>>, vector<16xf32>,
      %max3A_729 = arith.maximumf %max3A_724, %get3A_728 : vector<16xf32>
      %get3A_730 = arith.constant 17 : i32
      %get3A_731 = arith.index_cast %get3A_730 : i32 to index
      %get3A_732 = arith.index_cast %mul3A_647 : i32 to index
      %get3A_733 = tpu.vector_load %arg4[%get3A_731, %get3A_732] {strides = array<i32>} : memref<32x3200xf32, #tpu.memory_space<vmem>>, vector<16xf32>,
      %max3A_734 = arith.maximumf %max3A_729, %get3A_733 : vector<16xf32>
      %get3A_735 = arith.constant 18 : i32
      %get3A_736 = arith.index_cast %get3A_735 : i32 to index
      %get3A_737 = arith.index_cast %mul3A_647 : i32 to index
      %get3A_738 = tpu.vector_load %arg4[%get3A_736, %get3A_737] {strides = array<i32>} : memref<32x3200xf32, #tpu.memory_space<vmem>>, vector<16xf32>,
      %max3A_739 = arith.maximumf %max3A_734, %get3A_738 : vector<16xf32>
      %get3A_740 = arith.constant 19 : i32
      %get3A_741 = arith.index_cast %get3A_740 : i32 to index
      %get3A_742 = arith.index_cast %mul3A_647 : i32 to index
      %get3A_743 = tpu.vector_load %arg4[%get3A_741, %get3A_742] {strides = array<i32>} : memref<32x3200xf32, #tpu.memory_space<vmem>>, vector<16xf32>,
      %max3A_744 = arith.maximumf %max3A_739, %get3A_743 : vector<16xf32>
      %get3A_745 = arith.constant 20 : i32
      %get3A_746 = arith.index_cast %get3A_745 : i32 to index
      %get3A_747 = arith.index_cast %mul3A_647 : i32 to index
      %get3A_748 = tpu.vector_load %arg4[%get3A_746, %get3A_747] {strides = array<i32>} : memref<32x3200xf32, #tpu.memory_space<vmem>>, vector<16xf32>,
      %max3A_749 = arith.maximumf %max3A_744, %get3A_748 : vector<16xf32>
      %get3A_750 = arith.constant 21 : i32
      %get3A_751 = arith.index_cast %get3A_750 : i32 to index
      %get3A_752 = arith.index_cast %mul3A_647 : i32 to index
      %get3A_753 = tpu.vector_load %arg4[%get3A_751, %get3A_752] {strides = array<i32>} : memref<32x3200xf32, #tpu.memory_space<vmem>>, vector<16xf32>,
      %max3A_754 = arith.maximumf %max3A_749, %get3A_753 : vector<16xf32>
      %get3A_755 = arith.constant 22 : i32
      %get3A_756 = arith.index_cast %get3A_755 : i32 to index
      %get3A_757 = arith.index_cast %mul3A_647 : i32 to index
      %get3A_758 = tpu.vector_load %arg4[%get3A_756, %get3A_757] {strides = array<i32>} : memref<32x3200xf32, #tpu.memory_space<vmem>>, vector<16xf32>,
      %max3A_759 = arith.maximumf %max3A_754, %get3A_758 : vector<16xf32>
      %get3A_760 = arith.constant 23 : i32
      %get3A_761 = arith.index_cast %get3A_760 : i32 to index
      %get3A_762 = arith.index_cast %mul3A_647 : i32 to index
      %get3A_763 = tpu.vector_load %arg4[%get3A_761, %get3A_762] {strides = array<i32>} : memref<32x3200xf32, #tpu.memory_space<vmem>>, vector<16xf32>,
      %max3A_764 = arith.maximumf %max3A_759, %get3A_763 : vector<16xf32>
      %get3A_765 = arith.constant 24 : i32
      %get3A_766 = arith.index_cast %get3A_765 : i32 to index
      %get3A_767 = arith.index_cast %mul3A_647 : i32 to index
      %get3A_768 = tpu.vector_load %arg4[%get3A_766, %get3A_767] {strides = array<i32>} : memref<32x3200xf32, #tpu.memory_space<vmem>>, vector<16xf32>,
      %max3A_769 = arith.maximumf %max3A_764, %get3A_768 : vector<16xf32>
      %get3A_770 = arith.constant 25 : i32
      %get3A_771 = arith.index_cast %get3A_770 : i32 to index
      %get3A_772 = arith.index_cast %mul3A_647 : i32 to index
      %get3A_773 = tpu.vector_load %arg4[%get3A_771, %get3A_772] {strides = array<i32>} : memref<32x3200xf32, #tpu.memory_space<vmem>>, vector<16xf32>,
      %max3A_774 = arith.maximumf %max3A_769, %get3A_773 : vector<16xf32>
      %get3A_775 = arith.constant 26 : i32
      %get3A_776 = arith.index_cast %get3A_775 : i32 to index
      %get3A_777 = arith.index_cast %mul3A_647 : i32 to index
      %get3A_778 = tpu.vector_load %arg4[%get3A_776, %get3A_777] {strides = array<i32>} : memref<32x3200xf32, #tpu.memory_space<vmem>>, vector<16xf32>,
      %max3A_779 = arith.maximumf %max3A_774, %get3A_778 : vector<16xf32>
      %get3A_780 = arith.constant 27 : i32
      %get3A_781 = arith.index_cast %get3A_780 : i32 to index
      %get3A_782 = arith.index_cast %mul3A_647 : i32 to index
      %get3A_783 = tpu.vector_load %arg4[%get3A_781, %get3A_782] {strides = array<i32>} : memref<32x3200xf32, #tpu.memory_space<vmem>>, vector<16xf32>,
      %max3A_784 = arith.maximumf %max3A_779, %get3A_783 : vector<16xf32>
      %get3A_785 = arith.constant 28 : i32
      %get3A_786 = arith.index_cast %get3A_785 : i32 to index
      %get3A_787 = arith.index_cast %mul3A_647 : i32 to index
      %get3A_788 = tpu.vector_load %arg4[%get3A_786, %get3A_787] {strides = array<i32>} : memref<32x3200xf32, #tpu.memory_space<vmem>>, vector<16xf32>,
      %max3A_789 = arith.maximumf %max3A_784, %get3A_788 : vector<16xf32>
      %get3A_790 = arith.constant 29 : i32
      %get3A_791 = arith.index_cast %get3A_790 : i32 to index
      %get3A_792 = arith.index_cast %mul3A_647 : i32 to index
      %get3A_793 = tpu.vector_load %arg4[%get3A_791, %get3A_792] {strides = array<i32>} : memref<32x3200xf32, #tpu.memory_space<vmem>>, vector<16xf32>,
      %max3A_794 = arith.maximumf %max3A_789, %get3A_793 : vector<16xf32>
      %get3A_795 = arith.constant 30 : i32
      %get3A_796 = arith.index_cast %get3A_795 : i32 to index
      %get3A_797 = arith.index_cast %mul3A_647 : i32 to index
      %get3A_798 = tpu.vector_load %arg4[%get3A_796, %get3A_797] {strides = array<i32>} : memref<32x3200xf32, #tpu.memory_space<vmem>>, vector<16xf32>,
      %max3A_799 = arith.maximumf %max3A_794, %get3A_798 : vector<16xf32>
      %get3A_800 = arith.constant 31 : i32
      %get3A_801 = arith.index_cast %get3A_800 : i32 to index
      %get3A_802 = arith.index_cast %mul3A_647 : i32 to index
      %get3A_803 = tpu.vector_load %arg4[%get3A_801, %get3A_802] {strides = array<i32>} : memref<32x3200xf32, #tpu.memory_space<vmem>>, vector<16xf32>,
      %max3A_804 = arith.maximumf %max3A_799, %get3A_803 : vector<16xf32>
      %swap3A = arith.constant 0 : i32
      %swap3A_805 = arith.index_cast %swap3A : i32 to index
      %swap3A_806 = arith.index_cast %mul3A_647 : i32 to index
      %swap3A_807 = tpu.vector_load %arg4[%swap3A_805, %swap3A_806] {strides = array<i32>} : memref<32x3200xf32, #tpu.memory_space<vmem>>, vector<16xf32>,
      tpu.vector_store %arg4[%swap3A_805, %swap3A_806], %max3A_804 {strides = array<i32>} : memref<32x3200xf32, #tpu.memory_space<vmem>>, vector<16xf32>,
    }
    %scan3A_644 = arith.constant 200 : i32
    %run_scoped3A = arith.constant 0 : i32
    "tpu.region"() ({
      %run_scoped3A_645 = tpu.sem_alloc : memref<!tpu.dma_semaphore, #tpu.memory_space<semaphore_mem>>
      %dma_start3A_646 = arith.constant 0 : i32
      %dma_start3A_647 = tpu.memref_slice %arg4[%run_scoped3A, %dma_start3A_646] : memref<32x3200xf32, #tpu.memory_space<vmem>> -> memref<1x3200xf32, #tpu.memory_space<vmem>>
      %dma_start3A_648 = tpu.memref_squeeze %dma_start3A_647 : memref<1x3200xf32, #tpu.memory_space<vmem>> -> memref<3200xf32, #tpu.memory_space<vmem>>
      %dma_start3A_649 = tpu.memref_slice %arg3[%mul3A_2] : memref<102400xf32, #tpu.memory_space<hbm>> -> memref<3200xf32, #tpu.memory_space<hbm>>
      %dma_start3A_650 = tpu.memref_slice %arg3[%mul3A_2] : memref<102400xf32, #tpu.memory_space<hbm>> -> memref<3200xf32, #tpu.memory_space<hbm>>
      %dma_start3A_651 = arith.constant 0 : i32
      %dma_start3A_652 = tpu.memref_slice %arg4[%run_scoped3A, %dma_start3A_651] : memref<32x3200xf32, #tpu.memory_space<vmem>> -> memref<1x3200xf32, #tpu.memory_space<vmem>>
      %dma_start3A_653 = tpu.memref_squeeze %dma_start3A_652 : memref<1x3200xf32, #tpu.memory_space<vmem>> -> memref<3200xf32, #tpu.memory_space<vmem>>
      tpu.enqueue_dma source(%dma_start3A_653 : memref<3200xf32, #tpu.memory_space<vmem>>) target(%dma_start3A_650 : memref<3200xf32, #tpu.memory_space<hbm>>) target_semaphore(%run_scoped3A_645 : memref<!tpu.dma_semaphore, #tpu.memory_space<semaphore_mem>>)
      %dma_wait3A_654 = arith.constant 0 : i32
      %dma_wait3A_655 = tpu.memref_slice %arg4[%run_scoped3A, %dma_wait3A_654] : memref<32x3200xf32, #tpu.memory_space<vmem>> -> memref<1x3200xf32, #tpu.memory_space<vmem>>
      %dma_wait3A_656 = tpu.memref_squeeze %dma_wait3A_655 : memref<1x3200xf32, #tpu.memory_space<vmem>> -> memref<3200xf32, #tpu.memory_space<vmem>>
      %dma_wait3A_657 = tpu.memref_slice %arg3[%mul3A_2] : memref<102400xf32, #tpu.memory_space<hbm>> -> memref<3200xf32, #tpu.memory_space<hbm>>
      %dma_wait3A_658 = tpu.memref_slice %arg3[%mul3A_2] : memref<102400xf32, #tpu.memory_space<hbm>> -> memref<3200xf32, #tpu.memory_space<hbm>>
      %dma_wait3A_659 = arith.constant 0 : i32
      %dma_wait3A_660 = tpu.memref_slice %arg4[%run_scoped3A, %dma_wait3A_659] : memref<32x3200xf32, #tpu.memory_space<vmem>> -> memref<1x3200xf32, #tpu.memory_space<vmem>>
      %dma_wait3A_661 = tpu.memref_squeeze %dma_wait3A_660 : memref<1x3200xf32, #tpu.memory_space<vmem>> -> memref<3200xf32, #tpu.memory_space<vmem>>
      tpu.wait_dma2 semaphore(%run_scoped3A_645 : memref<!tpu.dma_semaphore, #tpu.memory_space<semaphore_mem>>) src(%dma_wait3A_661 : memref<3200xf32, #tpu.memory_space<vmem>>) dst(%dma_wait3A_658 : memref<3200xf32, #tpu.memory_space<hbm>>)
      tpu.yield
    }) : () -> ()
    return
  }
}

#map = affine_map<(d0, d1) -> (0)>
module attributes {stable_mosaic.version = 14 : i64} {
  func.func @gather_neigh(%arg0: i32, %arg1: i32, %arg2: memref<102400xf32, #tpu.memory_space<hbm>>, %arg3: memref<102400xf32, #tpu.memory_space<hbm>>, %arg4: memref<102400xf32, #tpu.memory_space<hbm>>, %arg5: memref<102400xf32, #tpu.memory_space<hbm>>, %arg6: memref<6400000xi32, #tpu.memory_space<hbm>>, %arg7: memref<6400000xf32, #tpu.memory_space<hbm>>, %arg8: memref<6400000xf32, #tpu.memory_space<hbm>>, %arg9: memref<6400000xf32, #tpu.memory_space<hbm>>, %arg10: memref<1600000xf32, #tpu.memory_space<hbm>>, %arg11: memref<102400xf32, #tpu.memory_space<vmem>>, %arg12: memref<8000xi32, #tpu.memory_space<vmem>>, %arg13: memref<2000xf32, #tpu.memory_space<vmem>>) attributes {dimension_semantics = [#tpu.dimension_semantics<core_parallel>, #tpu.dimension_semantics<subcore_parallel>], iteration_bounds = array<i64: 2, 16>, scalar_prefetch = 0 : i64, scratch_operands = 3 : i64, tpu.core_type = #tpu.core_type<sc_vector_subcore>, window_params = [{transform_indices = #map}, {transform_indices = #map}, {transform_indices = #map}, {transform_indices = #map}, {transform_indices = #map}, {transform_indices = #map}, {transform_indices = #map}, {transform_indices = #map}, {transform_indices = #map}]} {
    %mul3A = arith.constant 2 : i32
    %mul3A_0 = arith.muli %arg1, %mul3A : i32
    %add3A = arith.addi %mul3A_0, %arg0 : i32
    %mul3A_1 = arith.constant 50000 : i32
    %mul3A_2 = arith.muli %add3A, %mul3A_1 : i32
    %iota3A = tpu.iota {dimensions = array<i32: 0>} : vector<16xi32>
    "tpu.region"() ({
      %run_scoped3A = tpu.sem_alloc : memref<!tpu.dma_semaphore, #tpu.memory_space<semaphore_mem>>
      tpu.enqueue_dma source(%arg2 : memref<102400xf32, #tpu.memory_space<hbm>>) target(%arg11 : memref<102400xf32, #tpu.memory_space<vmem>>) target_semaphore(%run_scoped3A : memref<!tpu.dma_semaphore, #tpu.memory_space<semaphore_mem>>)
      tpu.wait_dma2 semaphore(%run_scoped3A : memref<!tpu.dma_semaphore, #tpu.memory_space<semaphore_mem>>) src(%arg2 : memref<102400xf32, #tpu.memory_space<hbm>>) dst(%arg11 : memref<102400xf32, #tpu.memory_space<vmem>>)
      tpu.yield
    }) : () -> ()
    %scan3A = arith.constant 0 : i32
    %scan3A_3 = arith.constant 25 : i32
    %scan3A_4 = arith.addi %scan3A, %scan3A_3 : i32
    %scan3A_5 = arith.constant 1 : i32
    scf.for %scan3A_22 = %scan3A to %scan3A_4 step %scan3A_5  : i32 {
      %mul3A_23 = arith.constant 2000 : i32
      %mul3A_24 = arith.muli %scan3A_22, %mul3A_23 : i32
      %add3A_25 = arith.addi %mul3A_2, %mul3A_24 : i32
      %add3A_26 = arith.constant 0 : i32
      %add3A_27 = arith.addi %add3A_26, %add3A_25 : i32
      "tpu.region"() ({
        %run_scoped3A = tpu.sem_alloc : memref<!tpu.dma_semaphore, #tpu.memory_space<semaphore_mem>>
        %dma_start3A = arith.constant 0 : i32
        %dma_start3A_62 = tpu.memref_slice %arg12[%dma_start3A] : memref<8000xi32, #tpu.memory_space<vmem>> -> memref<2000xi32, #tpu.memory_space<vmem>>
        %dma_start3A_63 = tpu.memref_slice %arg6[%add3A_27] : memref<6400000xi32, #tpu.memory_space<hbm>> -> memref<2000xi32, #tpu.memory_space<hbm>>
        %dma_start3A_64 = arith.constant 0 : i32
        %dma_start3A_65 = tpu.memref_slice %arg12[%dma_start3A_64] : memref<8000xi32, #tpu.memory_space<vmem>> -> memref<2000xi32, #tpu.memory_space<vmem>>
        %dma_start3A_66 = tpu.memref_slice %arg6[%add3A_27] : memref<6400000xi32, #tpu.memory_space<hbm>> -> memref<2000xi32, #tpu.memory_space<hbm>>
        tpu.enqueue_dma source(%dma_start3A_66 : memref<2000xi32, #tpu.memory_space<hbm>>) target(%dma_start3A_65 : memref<2000xi32, #tpu.memory_space<vmem>>) target_semaphore(%run_scoped3A : memref<!tpu.dma_semaphore, #tpu.memory_space<semaphore_mem>>)
        %dma_wait3A = arith.constant 0 : i32
        %dma_wait3A_67 = tpu.memref_slice %arg12[%dma_wait3A] : memref<8000xi32, #tpu.memory_space<vmem>> -> memref<2000xi32, #tpu.memory_space<vmem>>
        %dma_wait3A_68 = tpu.memref_slice %arg6[%add3A_27] : memref<6400000xi32, #tpu.memory_space<hbm>> -> memref<2000xi32, #tpu.memory_space<hbm>>
        %dma_wait3A_69 = arith.constant 0 : i32
        %dma_wait3A_70 = tpu.memref_slice %arg12[%dma_wait3A_69] : memref<8000xi32, #tpu.memory_space<vmem>> -> memref<2000xi32, #tpu.memory_space<vmem>>
        %dma_wait3A_71 = tpu.memref_slice %arg6[%add3A_27] : memref<6400000xi32, #tpu.memory_space<hbm>> -> memref<2000xi32, #tpu.memory_space<hbm>>
        tpu.wait_dma2 semaphore(%run_scoped3A : memref<!tpu.dma_semaphore, #tpu.memory_space<semaphore_mem>>) src(%dma_wait3A_71 : memref<2000xi32, #tpu.memory_space<hbm>>) dst(%dma_wait3A_70 : memref<2000xi32, #tpu.memory_space<vmem>>)
        tpu.yield
      }) : () -> ()
      %add3A_28 = arith.constant 1600000 : i32
      %add3A_29 = arith.addi %add3A_28, %add3A_25 : i32
      "tpu.region"() ({
        %run_scoped3A = tpu.sem_alloc : memref<!tpu.dma_semaphore, #tpu.memory_space<semaphore_mem>>
        %dma_start3A = arith.constant 2000 : i32
        %dma_start3A_62 = tpu.memref_slice %arg12[%dma_start3A] : memref<8000xi32, #tpu.memory_space<vmem>> -> memref<2000xi32, #tpu.memory_space<vmem>>
        %dma_start3A_63 = tpu.memref_slice %arg6[%add3A_29] : memref<6400000xi32, #tpu.memory_space<hbm>> -> memref<2000xi32, #tpu.memory_space<hbm>>
        %dma_start3A_64 = arith.constant 2000 : i32
        %dma_start3A_65 = tpu.memref_slice %arg12[%dma_start3A_64] : memref<8000xi32, #tpu.memory_space<vmem>> -> memref<2000xi32, #tpu.memory_space<vmem>>
        %dma_start3A_66 = tpu.memref_slice %arg6[%add3A_29] : memref<6400000xi32, #tpu.memory_space<hbm>> -> memref<2000xi32, #tpu.memory_space<hbm>>
        tpu.enqueue_dma source(%dma_start3A_66 : memref<2000xi32, #tpu.memory_space<hbm>>) target(%dma_start3A_65 : memref<2000xi32, #tpu.memory_space<vmem>>) target_semaphore(%run_scoped3A : memref<!tpu.dma_semaphore, #tpu.memory_space<semaphore_mem>>)
        %dma_wait3A = arith.constant 2000 : i32
        %dma_wait3A_67 = tpu.memref_slice %arg12[%dma_wait3A] : memref<8000xi32, #tpu.memory_space<vmem>> -> memref<2000xi32, #tpu.memory_space<vmem>>
        %dma_wait3A_68 = tpu.memref_slice %arg6[%add3A_29] : memref<6400000xi32, #tpu.memory_space<hbm>> -> memref<2000xi32, #tpu.memory_space<hbm>>
        %dma_wait3A_69 = arith.constant 2000 : i32
        %dma_wait3A_70 = tpu.memref_slice %arg12[%dma_wait3A_69] : memref<8000xi32, #tpu.memory_space<vmem>> -> memref<2000xi32, #tpu.memory_space<vmem>>
        %dma_wait3A_71 = tpu.memref_slice %arg6[%add3A_29] : memref<6400000xi32, #tpu.memory_space<hbm>> -> memref<2000xi32, #tpu.memory_space<hbm>>
        tpu.wait_dma2 semaphore(%run_scoped3A : memref<!tpu.dma_semaphore, #tpu.memory_space<semaphore_mem>>) src(%dma_wait3A_71 : memref<2000xi32, #tpu.memory_space<hbm>>) dst(%dma_wait3A_70 : memref<2000xi32, #tpu.memory_space<vmem>>)
        tpu.yield
      }) : () -> ()
      %add3A_30 = arith.constant 3200000 : i32
      %add3A_31 = arith.addi %add3A_30, %add3A_25 : i32
      "tpu.region"() ({
        %run_scoped3A = tpu.sem_alloc : memref<!tpu.dma_semaphore, #tpu.memory_space<semaphore_mem>>
        %dma_start3A = arith.constant 4000 : i32
        %dma_start3A_62 = tpu.memref_slice %arg12[%dma_start3A] : memref<8000xi32, #tpu.memory_space<vmem>> -> memref<2000xi32, #tpu.memory_space<vmem>>
        %dma_start3A_63 = tpu.memref_slice %arg6[%add3A_31] : memref<6400000xi32, #tpu.memory_space<hbm>> -> memref<2000xi32, #tpu.memory_space<hbm>>
        %dma_start3A_64 = arith.constant 4000 : i32
        %dma_start3A_65 = tpu.memref_slice %arg12[%dma_start3A_64] : memref<8000xi32, #tpu.memory_space<vmem>> -> memref<2000xi32, #tpu.memory_space<vmem>>
        %dma_start3A_66 = tpu.memref_slice %arg6[%add3A_31] : memref<6400000xi32, #tpu.memory_space<hbm>> -> memref<2000xi32, #tpu.memory_space<hbm>>
        tpu.enqueue_dma source(%dma_start3A_66 : memref<2000xi32, #tpu.memory_space<hbm>>) target(%dma_start3A_65 : memref<2000xi32, #tpu.memory_space<vmem>>) target_semaphore(%run_scoped3A : memref<!tpu.dma_semaphore, #tpu.memory_space<semaphore_mem>>)
        %dma_wait3A = arith.constant 4000 : i32
        %dma_wait3A_67 = tpu.memref_slice %arg12[%dma_wait3A] : memref<8000xi32, #tpu.memory_space<vmem>> -> memref<2000xi32, #tpu.memory_space<vmem>>
        %dma_wait3A_68 = tpu.memref_slice %arg6[%add3A_31] : memref<6400000xi32, #tpu.memory_space<hbm>> -> memref<2000xi32, #tpu.memory_space<hbm>>
        %dma_wait3A_69 = arith.constant 4000 : i32
        %dma_wait3A_70 = tpu.memref_slice %arg12[%dma_wait3A_69] : memref<8000xi32, #tpu.memory_space<vmem>> -> memref<2000xi32, #tpu.memory_space<vmem>>
        %dma_wait3A_71 = tpu.memref_slice %arg6[%add3A_31] : memref<6400000xi32, #tpu.memory_space<hbm>> -> memref<2000xi32, #tpu.memory_space<hbm>>
        tpu.wait_dma2 semaphore(%run_scoped3A : memref<!tpu.dma_semaphore, #tpu.memory_space<semaphore_mem>>) src(%dma_wait3A_71 : memref<2000xi32, #tpu.memory_space<hbm>>) dst(%dma_wait3A_70 : memref<2000xi32, #tpu.memory_space<vmem>>)
        tpu.yield
      }) : () -> ()
      %add3A_32 = arith.constant 4800000 : i32
      %add3A_33 = arith.addi %add3A_32, %add3A_25 : i32
      "tpu.region"() ({
        %run_scoped3A = tpu.sem_alloc : memref<!tpu.dma_semaphore, #tpu.memory_space<semaphore_mem>>
        %dma_start3A = arith.constant 6000 : i32
        %dma_start3A_62 = tpu.memref_slice %arg12[%dma_start3A] : memref<8000xi32, #tpu.memory_space<vmem>> -> memref<2000xi32, #tpu.memory_space<vmem>>
        %dma_start3A_63 = tpu.memref_slice %arg6[%add3A_33] : memref<6400000xi32, #tpu.memory_space<hbm>> -> memref<2000xi32, #tpu.memory_space<hbm>>
        %dma_start3A_64 = arith.constant 6000 : i32
        %dma_start3A_65 = tpu.memref_slice %arg12[%dma_start3A_64] : memref<8000xi32, #tpu.memory_space<vmem>> -> memref<2000xi32, #tpu.memory_space<vmem>>
        %dma_start3A_66 = tpu.memref_slice %arg6[%add3A_33] : memref<6400000xi32, #tpu.memory_space<hbm>> -> memref<2000xi32, #tpu.memory_space<hbm>>
        tpu.enqueue_dma source(%dma_start3A_66 : memref<2000xi32, #tpu.memory_space<hbm>>) target(%dma_start3A_65 : memref<2000xi32, #tpu.memory_space<vmem>>) target_semaphore(%run_scoped3A : memref<!tpu.dma_semaphore, #tpu.memory_space<semaphore_mem>>)
        %dma_wait3A = arith.constant 6000 : i32
        %dma_wait3A_67 = tpu.memref_slice %arg12[%dma_wait3A] : memref<8000xi32, #tpu.memory_space<vmem>> -> memref<2000xi32, #tpu.memory_space<vmem>>
        %dma_wait3A_68 = tpu.memref_slice %arg6[%add3A_33] : memref<6400000xi32, #tpu.memory_space<hbm>> -> memref<2000xi32, #tpu.memory_space<hbm>>
        %dma_wait3A_69 = arith.constant 6000 : i32
        %dma_wait3A_70 = tpu.memref_slice %arg12[%dma_wait3A_69] : memref<8000xi32, #tpu.memory_space<vmem>> -> memref<2000xi32, #tpu.memory_space<vmem>>
        %dma_wait3A_71 = tpu.memref_slice %arg6[%add3A_33] : memref<6400000xi32, #tpu.memory_space<hbm>> -> memref<2000xi32, #tpu.memory_space<hbm>>
        tpu.wait_dma2 semaphore(%run_scoped3A : memref<!tpu.dma_semaphore, #tpu.memory_space<semaphore_mem>>) src(%dma_wait3A_71 : memref<2000xi32, #tpu.memory_space<hbm>>) dst(%dma_wait3A_70 : memref<2000xi32, #tpu.memory_space<vmem>>)
        tpu.yield
      }) : () -> ()
      %scan3A_34 = arith.constant 0 : i32
      %scan3A_35 = arith.constant 125 : i32
      %scan3A_36 = arith.addi %scan3A_34, %scan3A_35 : i32
      %scan3A_37 = arith.constant 1 : i32
      scf.for %scan3A_62 = %scan3A_34 to %scan3A_36 step %scan3A_37  : i32 {
        %mul3A_63 = arith.constant 16 : i32
        %mul3A_64 = arith.muli %scan3A_62, %mul3A_63 : i32
        %add3A_65 = arith.constant 0 : i32
        %add3A_66 = arith.addi %add3A_65, %mul3A_64 : i32
        %get3A = arith.index_cast %add3A_66 : i32 to index
        %get3A_67 = tpu.vector_load %arg12[%get3A] {strides = array<i32>} : memref<8000xi32, #tpu.memory_space<vmem>>, vector<16xi32>,
        %gather3A = tpu.vector_load_idx %arg11[%get3A_67] : memref<102400xf32, #tpu.memory_space<vmem>>[vector<16xi32>], vector<16xf32>,
        %mul3A_68 = arith.constant 16 : i32
        %mul3A_69 = arith.muli %scan3A_62, %mul3A_68 : i32
        %swap3A = arith.index_cast %mul3A_69 : i32 to index
        %swap3A_70 = tpu.vector_load %arg13[%swap3A] {strides = array<i32>} : memref<2000xf32, #tpu.memory_space<vmem>>, vector<16xf32>,
        tpu.vector_store %arg13[%swap3A], %gather3A {strides = array<i32>} : memref<2000xf32, #tpu.memory_space<vmem>>, vector<16xf32>,
      }
      %scan3A_38 = arith.constant 125 : i32
      %add3A_39 = arith.constant 0 : i32
      %add3A_40 = arith.addi %add3A_39, %add3A_25 : i32
      "tpu.region"() ({
        %run_scoped3A = tpu.sem_alloc : memref<!tpu.dma_semaphore, #tpu.memory_space<semaphore_mem>>
        %dma_start3A = tpu.memref_slice %arg7[%add3A_40] : memref<6400000xf32, #tpu.memory_space<hbm>> -> memref<2000xf32, #tpu.memory_space<hbm>>
        %dma_start3A_62 = tpu.memref_slice %arg7[%add3A_40] : memref<6400000xf32, #tpu.memory_space<hbm>> -> memref<2000xf32, #tpu.memory_space<hbm>>
        tpu.enqueue_dma source(%arg13 : memref<2000xf32, #tpu.memory_space<vmem>>) target(%dma_start3A_62 : memref<2000xf32, #tpu.memory_space<hbm>>) target_semaphore(%run_scoped3A : memref<!tpu.dma_semaphore, #tpu.memory_space<semaphore_mem>>)
        %dma_wait3A = tpu.memref_slice %arg7[%add3A_40] : memref<6400000xf32, #tpu.memory_space<hbm>> -> memref<2000xf32, #tpu.memory_space<hbm>>
        %dma_wait3A_63 = tpu.memref_slice %arg7[%add3A_40] : memref<6400000xf32, #tpu.memory_space<hbm>> -> memref<2000xf32, #tpu.memory_space<hbm>>
        tpu.wait_dma2 semaphore(%run_scoped3A : memref<!tpu.dma_semaphore, #tpu.memory_space<semaphore_mem>>) src(%arg13 : memref<2000xf32, #tpu.memory_space<vmem>>) dst(%dma_wait3A_63 : memref<2000xf32, #tpu.memory_space<hbm>>)
        tpu.yield
      }) : () -> ()
      %scan3A_41 = arith.constant 0 : i32
      %scan3A_42 = arith.constant 125 : i32
      %scan3A_43 = arith.addi %scan3A_41, %scan3A_42 : i32
      %scan3A_44 = arith.constant 1 : i32
      scf.for %scan3A_62 = %scan3A_41 to %scan3A_43 step %scan3A_44  : i32 {
        %mul3A_63 = arith.constant 16 : i32
        %mul3A_64 = arith.muli %scan3A_62, %mul3A_63 : i32
        %add3A_65 = arith.constant 2000 : i32
        %add3A_66 = arith.addi %add3A_65, %mul3A_64 : i32
        %get3A = arith.index_cast %add3A_66 : i32 to index
        %get3A_67 = tpu.vector_load %arg12[%get3A] {strides = array<i32>} : memref<8000xi32, #tpu.memory_space<vmem>>, vector<16xi32>,
        %gather3A = tpu.vector_load_idx %arg11[%get3A_67] : memref<102400xf32, #tpu.memory_space<vmem>>[vector<16xi32>], vector<16xf32>,
        %mul3A_68 = arith.constant 16 : i32
        %mul3A_69 = arith.muli %scan3A_62, %mul3A_68 : i32
        %swap3A = arith.index_cast %mul3A_69 : i32 to index
        %swap3A_70 = tpu.vector_load %arg13[%swap3A] {strides = array<i32>} : memref<2000xf32, #tpu.memory_space<vmem>>, vector<16xf32>,
        tpu.vector_store %arg13[%swap3A], %gather3A {strides = array<i32>} : memref<2000xf32, #tpu.memory_space<vmem>>, vector<16xf32>,
      }
      %scan3A_45 = arith.constant 125 : i32
      %add3A_46 = arith.constant 1600000 : i32
      %add3A_47 = arith.addi %add3A_46, %add3A_25 : i32
      "tpu.region"() ({
        %run_scoped3A = tpu.sem_alloc : memref<!tpu.dma_semaphore, #tpu.memory_space<semaphore_mem>>
        %dma_start3A = tpu.memref_slice %arg7[%add3A_47] : memref<6400000xf32, #tpu.memory_space<hbm>> -> memref<2000xf32, #tpu.memory_space<hbm>>
        %dma_start3A_62 = tpu.memref_slice %arg7[%add3A_47] : memref<6400000xf32, #tpu.memory_space<hbm>> -> memref<2000xf32, #tpu.memory_space<hbm>>
        tpu.enqueue_dma source(%arg13 : memref<2000xf32, #tpu.memory_space<vmem>>) target(%dma_start3A_62 : memref<2000xf32, #tpu.memory_space<hbm>>) target_semaphore(%run_scoped3A : memref<!tpu.dma_semaphore, #tpu.memory_space<semaphore_mem>>)
        %dma_wait3A = tpu.memref_slice %arg7[%add3A_47] : memref<6400000xf32, #tpu.memory_space<hbm>> -> memref<2000xf32, #tpu.memory_space<hbm>>
        %dma_wait3A_63 = tpu.memref_slice %arg7[%add3A_47] : memref<6400000xf32, #tpu.memory_space<hbm>> -> memref<2000xf32, #tpu.memory_space<hbm>>
        tpu.wait_dma2 semaphore(%run_scoped3A : memref<!tpu.dma_semaphore, #tpu.memory_space<semaphore_mem>>) src(%arg13 : memref<2000xf32, #tpu.memory_space<vmem>>) dst(%dma_wait3A_63 : memref<2000xf32, #tpu.memory_space<hbm>>)
        tpu.yield
      }) : () -> ()
      %scan3A_48 = arith.constant 0 : i32
      %scan3A_49 = arith.constant 125 : i32
      %scan3A_50 = arith.addi %scan3A_48, %scan3A_49 : i32
      %scan3A_51 = arith.constant 1 : i32
      scf.for %scan3A_62 = %scan3A_48 to %scan3A_50 step %scan3A_51  : i32 {
        %mul3A_63 = arith.constant 16 : i32
        %mul3A_64 = arith.muli %scan3A_62, %mul3A_63 : i32
        %add3A_65 = arith.constant 4000 : i32
        %add3A_66 = arith.addi %add3A_65, %mul3A_64 : i32
        %get3A = arith.index_cast %add3A_66 : i32 to index
        %get3A_67 = tpu.vector_load %arg12[%get3A] {strides = array<i32>} : memref<8000xi32, #tpu.memory_space<vmem>>, vector<16xi32>,
        %gather3A = tpu.vector_load_idx %arg11[%get3A_67] : memref<102400xf32, #tpu.memory_space<vmem>>[vector<16xi32>], vector<16xf32>,
        %mul3A_68 = arith.constant 16 : i32
        %mul3A_69 = arith.muli %scan3A_62, %mul3A_68 : i32
        %swap3A = arith.index_cast %mul3A_69 : i32 to index
        %swap3A_70 = tpu.vector_load %arg13[%swap3A] {strides = array<i32>} : memref<2000xf32, #tpu.memory_space<vmem>>, vector<16xf32>,
        tpu.vector_store %arg13[%swap3A], %gather3A {strides = array<i32>} : memref<2000xf32, #tpu.memory_space<vmem>>, vector<16xf32>,
      }
      %scan3A_52 = arith.constant 125 : i32
      %add3A_53 = arith.constant 3200000 : i32
      %add3A_54 = arith.addi %add3A_53, %add3A_25 : i32
      "tpu.region"() ({
        %run_scoped3A = tpu.sem_alloc : memref<!tpu.dma_semaphore, #tpu.memory_space<semaphore_mem>>
        %dma_start3A = tpu.memref_slice %arg7[%add3A_54] : memref<6400000xf32, #tpu.memory_space<hbm>> -> memref<2000xf32, #tpu.memory_space<hbm>>
        %dma_start3A_62 = tpu.memref_slice %arg7[%add3A_54] : memref<6400000xf32, #tpu.memory_space<hbm>> -> memref<2000xf32, #tpu.memory_space<hbm>>
        tpu.enqueue_dma source(%arg13 : memref<2000xf32, #tpu.memory_space<vmem>>) target(%dma_start3A_62 : memref<2000xf32, #tpu.memory_space<hbm>>) target_semaphore(%run_scoped3A : memref<!tpu.dma_semaphore, #tpu.memory_space<semaphore_mem>>)
        %dma_wait3A = tpu.memref_slice %arg7[%add3A_54] : memref<6400000xf32, #tpu.memory_space<hbm>> -> memref<2000xf32, #tpu.memory_space<hbm>>
        %dma_wait3A_63 = tpu.memref_slice %arg7[%add3A_54] : memref<6400000xf32, #tpu.memory_space<hbm>> -> memref<2000xf32, #tpu.memory_space<hbm>>
        tpu.wait_dma2 semaphore(%run_scoped3A : memref<!tpu.dma_semaphore, #tpu.memory_space<semaphore_mem>>) src(%arg13 : memref<2000xf32, #tpu.memory_space<vmem>>) dst(%dma_wait3A_63 : memref<2000xf32, #tpu.memory_space<hbm>>)
        tpu.yield
      }) : () -> ()
      %scan3A_55 = arith.constant 0 : i32
      %scan3A_56 = arith.constant 125 : i32
      %scan3A_57 = arith.addi %scan3A_55, %scan3A_56 : i32
      %scan3A_58 = arith.constant 1 : i32
      scf.for %scan3A_62 = %scan3A_55 to %scan3A_57 step %scan3A_58  : i32 {
        %mul3A_63 = arith.constant 16 : i32
        %mul3A_64 = arith.muli %scan3A_62, %mul3A_63 : i32
        %add3A_65 = arith.constant 6000 : i32
        %add3A_66 = arith.addi %add3A_65, %mul3A_64 : i32
        %get3A = arith.index_cast %add3A_66 : i32 to index
        %get3A_67 = tpu.vector_load %arg12[%get3A] {strides = array<i32>} : memref<8000xi32, #tpu.memory_space<vmem>>, vector<16xi32>,
        %gather3A = tpu.vector_load_idx %arg11[%get3A_67] : memref<102400xf32, #tpu.memory_space<vmem>>[vector<16xi32>], vector<16xf32>,
        %mul3A_68 = arith.constant 16 : i32
        %mul3A_69 = arith.muli %scan3A_62, %mul3A_68 : i32
        %swap3A = arith.index_cast %mul3A_69 : i32 to index
        %swap3A_70 = tpu.vector_load %arg13[%swap3A] {strides = array<i32>} : memref<2000xf32, #tpu.memory_space<vmem>>, vector<16xf32>,
        tpu.vector_store %arg13[%swap3A], %gather3A {strides = array<i32>} : memref<2000xf32, #tpu.memory_space<vmem>>, vector<16xf32>,
      }
      %scan3A_59 = arith.constant 125 : i32
      %add3A_60 = arith.constant 4800000 : i32
      %add3A_61 = arith.addi %add3A_60, %add3A_25 : i32
      "tpu.region"() ({
        %run_scoped3A = tpu.sem_alloc : memref<!tpu.dma_semaphore, #tpu.memory_space<semaphore_mem>>
        %dma_start3A = tpu.memref_slice %arg7[%add3A_61] : memref<6400000xf32, #tpu.memory_space<hbm>> -> memref<2000xf32, #tpu.memory_space<hbm>>
        %dma_start3A_62 = tpu.memref_slice %arg7[%add3A_61] : memref<6400000xf32, #tpu.memory_space<hbm>> -> memref<2000xf32, #tpu.memory_space<hbm>>
        tpu.enqueue_dma source(%arg13 : memref<2000xf32, #tpu.memory_space<vmem>>) target(%dma_start3A_62 : memref<2000xf32, #tpu.memory_space<hbm>>) target_semaphore(%run_scoped3A : memref<!tpu.dma_semaphore, #tpu.memory_space<semaphore_mem>>)
        %dma_wait3A = tpu.memref_slice %arg7[%add3A_61] : memref<6400000xf32, #tpu.memory_space<hbm>> -> memref<2000xf32, #tpu.memory_space<hbm>>
        %dma_wait3A_63 = tpu.memref_slice %arg7[%add3A_61] : memref<6400000xf32, #tpu.memory_space<hbm>> -> memref<2000xf32, #tpu.memory_space<hbm>>
        tpu.wait_dma2 semaphore(%run_scoped3A : memref<!tpu.dma_semaphore, #tpu.memory_space<semaphore_mem>>) src(%arg13 : memref<2000xf32, #tpu.memory_space<vmem>>) dst(%dma_wait3A_63 : memref<2000xf32, #tpu.memory_space<hbm>>)
        tpu.yield
      }) : () -> ()
    }
    %scan3A_6 = arith.constant 25 : i32
    "tpu.region"() ({
      %run_scoped3A = tpu.sem_alloc : memref<!tpu.dma_semaphore, #tpu.memory_space<semaphore_mem>>
      tpu.enqueue_dma source(%arg3 : memref<102400xf32, #tpu.memory_space<hbm>>) target(%arg11 : memref<102400xf32, #tpu.memory_space<vmem>>) target_semaphore(%run_scoped3A : memref<!tpu.dma_semaphore, #tpu.memory_space<semaphore_mem>>)
      tpu.wait_dma2 semaphore(%run_scoped3A : memref<!tpu.dma_semaphore, #tpu.memory_space<semaphore_mem>>) src(%arg3 : memref<102400xf32, #tpu.memory_space<hbm>>) dst(%arg11 : memref<102400xf32, #tpu.memory_space<vmem>>)
      tpu.yield
    }) : () -> ()
    %scan3A_7 = arith.constant 0 : i32
    %scan3A_8 = arith.constant 25 : i32
    %scan3A_9 = arith.addi %scan3A_7, %scan3A_8 : i32
    %scan3A_10 = arith.constant 1 : i32
    scf.for %scan3A_22 = %scan3A_7 to %scan3A_9 step %scan3A_10  : i32 {
      %mul3A_23 = arith.constant 2000 : i32
      %mul3A_24 = arith.muli %scan3A_22, %mul3A_23 : i32
      %add3A_25 = arith.addi %mul3A_2, %mul3A_24 : i32
      %add3A_26 = arith.constant 0 : i32
      %add3A_27 = arith.addi %add3A_26, %add3A_25 : i32
      "tpu.region"() ({
        %run_scoped3A = tpu.sem_alloc : memref<!tpu.dma_semaphore, #tpu.memory_space<semaphore_mem>>
        %dma_start3A = arith.constant 0 : i32
        %dma_start3A_62 = tpu.memref_slice %arg12[%dma_start3A] : memref<8000xi32, #tpu.memory_space<vmem>> -> memref<2000xi32, #tpu.memory_space<vmem>>
        %dma_start3A_63 = tpu.memref_slice %arg6[%add3A_27] : memref<6400000xi32, #tpu.memory_space<hbm>> -> memref<2000xi32, #tpu.memory_space<hbm>>
        %dma_start3A_64 = arith.constant 0 : i32
        %dma_start3A_65 = tpu.memref_slice %arg12[%dma_start3A_64] : memref<8000xi32, #tpu.memory_space<vmem>> -> memref<2000xi32, #tpu.memory_space<vmem>>
        %dma_start3A_66 = tpu.memref_slice %arg6[%add3A_27] : memref<6400000xi32, #tpu.memory_space<hbm>> -> memref<2000xi32, #tpu.memory_space<hbm>>
        tpu.enqueue_dma source(%dma_start3A_66 : memref<2000xi32, #tpu.memory_space<hbm>>) target(%dma_start3A_65 : memref<2000xi32, #tpu.memory_space<vmem>>) target_semaphore(%run_scoped3A : memref<!tpu.dma_semaphore, #tpu.memory_space<semaphore_mem>>)
        %dma_wait3A = arith.constant 0 : i32
        %dma_wait3A_67 = tpu.memref_slice %arg12[%dma_wait3A] : memref<8000xi32, #tpu.memory_space<vmem>> -> memref<2000xi32, #tpu.memory_space<vmem>>
        %dma_wait3A_68 = tpu.memref_slice %arg6[%add3A_27] : memref<6400000xi32, #tpu.memory_space<hbm>> -> memref<2000xi32, #tpu.memory_space<hbm>>
        %dma_wait3A_69 = arith.constant 0 : i32
        %dma_wait3A_70 = tpu.memref_slice %arg12[%dma_wait3A_69] : memref<8000xi32, #tpu.memory_space<vmem>> -> memref<2000xi32, #tpu.memory_space<vmem>>
        %dma_wait3A_71 = tpu.memref_slice %arg6[%add3A_27] : memref<6400000xi32, #tpu.memory_space<hbm>> -> memref<2000xi32, #tpu.memory_space<hbm>>
        tpu.wait_dma2 semaphore(%run_scoped3A : memref<!tpu.dma_semaphore, #tpu.memory_space<semaphore_mem>>) src(%dma_wait3A_71 : memref<2000xi32, #tpu.memory_space<hbm>>) dst(%dma_wait3A_70 : memref<2000xi32, #tpu.memory_space<vmem>>)
        tpu.yield
      }) : () -> ()
      %add3A_28 = arith.constant 1600000 : i32
      %add3A_29 = arith.addi %add3A_28, %add3A_25 : i32
      "tpu.region"() ({
        %run_scoped3A = tpu.sem_alloc : memref<!tpu.dma_semaphore, #tpu.memory_space<semaphore_mem>>
        %dma_start3A = arith.constant 2000 : i32
        %dma_start3A_62 = tpu.memref_slice %arg12[%dma_start3A] : memref<8000xi32, #tpu.memory_space<vmem>> -> memref<2000xi32, #tpu.memory_space<vmem>>
        %dma_start3A_63 = tpu.memref_slice %arg6[%add3A_29] : memref<6400000xi32, #tpu.memory_space<hbm>> -> memref<2000xi32, #tpu.memory_space<hbm>>
        %dma_start3A_64 = arith.constant 2000 : i32
        %dma_start3A_65 = tpu.memref_slice %arg12[%dma_start3A_64] : memref<8000xi32, #tpu.memory_space<vmem>> -> memref<2000xi32, #tpu.memory_space<vmem>>
        %dma_start3A_66 = tpu.memref_slice %arg6[%add3A_29] : memref<6400000xi32, #tpu.memory_space<hbm>> -> memref<2000xi32, #tpu.memory_space<hbm>>
        tpu.enqueue_dma source(%dma_start3A_66 : memref<2000xi32, #tpu.memory_space<hbm>>) target(%dma_start3A_65 : memref<2000xi32, #tpu.memory_space<vmem>>) target_semaphore(%run_scoped3A : memref<!tpu.dma_semaphore, #tpu.memory_space<semaphore_mem>>)
        %dma_wait3A = arith.constant 2000 : i32
        %dma_wait3A_67 = tpu.memref_slice %arg12[%dma_wait3A] : memref<8000xi32, #tpu.memory_space<vmem>> -> memref<2000xi32, #tpu.memory_space<vmem>>
        %dma_wait3A_68 = tpu.memref_slice %arg6[%add3A_29] : memref<6400000xi32, #tpu.memory_space<hbm>> -> memref<2000xi32, #tpu.memory_space<hbm>>
        %dma_wait3A_69 = arith.constant 2000 : i32
        %dma_wait3A_70 = tpu.memref_slice %arg12[%dma_wait3A_69] : memref<8000xi32, #tpu.memory_space<vmem>> -> memref<2000xi32, #tpu.memory_space<vmem>>
        %dma_wait3A_71 = tpu.memref_slice %arg6[%add3A_29] : memref<6400000xi32, #tpu.memory_space<hbm>> -> memref<2000xi32, #tpu.memory_space<hbm>>
        tpu.wait_dma2 semaphore(%run_scoped3A : memref<!tpu.dma_semaphore, #tpu.memory_space<semaphore_mem>>) src(%dma_wait3A_71 : memref<2000xi32, #tpu.memory_space<hbm>>) dst(%dma_wait3A_70 : memref<2000xi32, #tpu.memory_space<vmem>>)
        tpu.yield
      }) : () -> ()
      %add3A_30 = arith.constant 3200000 : i32
      %add3A_31 = arith.addi %add3A_30, %add3A_25 : i32
      "tpu.region"() ({
        %run_scoped3A = tpu.sem_alloc : memref<!tpu.dma_semaphore, #tpu.memory_space<semaphore_mem>>
        %dma_start3A = arith.constant 4000 : i32
        %dma_start3A_62 = tpu.memref_slice %arg12[%dma_start3A] : memref<8000xi32, #tpu.memory_space<vmem>> -> memref<2000xi32, #tpu.memory_space<vmem>>
        %dma_start3A_63 = tpu.memref_slice %arg6[%add3A_31] : memref<6400000xi32, #tpu.memory_space<hbm>> -> memref<2000xi32, #tpu.memory_space<hbm>>
        %dma_start3A_64 = arith.constant 4000 : i32
        %dma_start3A_65 = tpu.memref_slice %arg12[%dma_start3A_64] : memref<8000xi32, #tpu.memory_space<vmem>> -> memref<2000xi32, #tpu.memory_space<vmem>>
        %dma_start3A_66 = tpu.memref_slice %arg6[%add3A_31] : memref<6400000xi32, #tpu.memory_space<hbm>> -> memref<2000xi32, #tpu.memory_space<hbm>>
        tpu.enqueue_dma source(%dma_start3A_66 : memref<2000xi32, #tpu.memory_space<hbm>>) target(%dma_start3A_65 : memref<2000xi32, #tpu.memory_space<vmem>>) target_semaphore(%run_scoped3A : memref<!tpu.dma_semaphore, #tpu.memory_space<semaphore_mem>>)
        %dma_wait3A = arith.constant 4000 : i32
        %dma_wait3A_67 = tpu.memref_slice %arg12[%dma_wait3A] : memref<8000xi32, #tpu.memory_space<vmem>> -> memref<2000xi32, #tpu.memory_space<vmem>>
        %dma_wait3A_68 = tpu.memref_slice %arg6[%add3A_31] : memref<6400000xi32, #tpu.memory_space<hbm>> -> memref<2000xi32, #tpu.memory_space<hbm>>
        %dma_wait3A_69 = arith.constant 4000 : i32
        %dma_wait3A_70 = tpu.memref_slice %arg12[%dma_wait3A_69] : memref<8000xi32, #tpu.memory_space<vmem>> -> memref<2000xi32, #tpu.memory_space<vmem>>
        %dma_wait3A_71 = tpu.memref_slice %arg6[%add3A_31] : memref<6400000xi32, #tpu.memory_space<hbm>> -> memref<2000xi32, #tpu.memory_space<hbm>>
        tpu.wait_dma2 semaphore(%run_scoped3A : memref<!tpu.dma_semaphore, #tpu.memory_space<semaphore_mem>>) src(%dma_wait3A_71 : memref<2000xi32, #tpu.memory_space<hbm>>) dst(%dma_wait3A_70 : memref<2000xi32, #tpu.memory_space<vmem>>)
        tpu.yield
      }) : () -> ()
      %add3A_32 = arith.constant 4800000 : i32
      %add3A_33 = arith.addi %add3A_32, %add3A_25 : i32
      "tpu.region"() ({
        %run_scoped3A = tpu.sem_alloc : memref<!tpu.dma_semaphore, #tpu.memory_space<semaphore_mem>>
        %dma_start3A = arith.constant 6000 : i32
        %dma_start3A_62 = tpu.memref_slice %arg12[%dma_start3A] : memref<8000xi32, #tpu.memory_space<vmem>> -> memref<2000xi32, #tpu.memory_space<vmem>>
        %dma_start3A_63 = tpu.memref_slice %arg6[%add3A_33] : memref<6400000xi32, #tpu.memory_space<hbm>> -> memref<2000xi32, #tpu.memory_space<hbm>>
        %dma_start3A_64 = arith.constant 6000 : i32
        %dma_start3A_65 = tpu.memref_slice %arg12[%dma_start3A_64] : memref<8000xi32, #tpu.memory_space<vmem>> -> memref<2000xi32, #tpu.memory_space<vmem>>
        %dma_start3A_66 = tpu.memref_slice %arg6[%add3A_33] : memref<6400000xi32, #tpu.memory_space<hbm>> -> memref<2000xi32, #tpu.memory_space<hbm>>
        tpu.enqueue_dma source(%dma_start3A_66 : memref<2000xi32, #tpu.memory_space<hbm>>) target(%dma_start3A_65 : memref<2000xi32, #tpu.memory_space<vmem>>) target_semaphore(%run_scoped3A : memref<!tpu.dma_semaphore, #tpu.memory_space<semaphore_mem>>)
        %dma_wait3A = arith.constant 6000 : i32
        %dma_wait3A_67 = tpu.memref_slice %arg12[%dma_wait3A] : memref<8000xi32, #tpu.memory_space<vmem>> -> memref<2000xi32, #tpu.memory_space<vmem>>
        %dma_wait3A_68 = tpu.memref_slice %arg6[%add3A_33] : memref<6400000xi32, #tpu.memory_space<hbm>> -> memref<2000xi32, #tpu.memory_space<hbm>>
        %dma_wait3A_69 = arith.constant 6000 : i32
        %dma_wait3A_70 = tpu.memref_slice %arg12[%dma_wait3A_69] : memref<8000xi32, #tpu.memory_space<vmem>> -> memref<2000xi32, #tpu.memory_space<vmem>>
        %dma_wait3A_71 = tpu.memref_slice %arg6[%add3A_33] : memref<6400000xi32, #tpu.memory_space<hbm>> -> memref<2000xi32, #tpu.memory_space<hbm>>
        tpu.wait_dma2 semaphore(%run_scoped3A : memref<!tpu.dma_semaphore, #tpu.memory_space<semaphore_mem>>) src(%dma_wait3A_71 : memref<2000xi32, #tpu.memory_space<hbm>>) dst(%dma_wait3A_70 : memref<2000xi32, #tpu.memory_space<vmem>>)
        tpu.yield
      }) : () -> ()
      %scan3A_34 = arith.constant 0 : i32
      %scan3A_35 = arith.constant 125 : i32
      %scan3A_36 = arith.addi %scan3A_34, %scan3A_35 : i32
      %scan3A_37 = arith.constant 1 : i32
      scf.for %scan3A_62 = %scan3A_34 to %scan3A_36 step %scan3A_37  : i32 {
        %mul3A_63 = arith.constant 16 : i32
        %mul3A_64 = arith.muli %scan3A_62, %mul3A_63 : i32
        %add3A_65 = arith.constant 0 : i32
        %add3A_66 = arith.addi %add3A_65, %mul3A_64 : i32
        %get3A = arith.index_cast %add3A_66 : i32 to index
        %get3A_67 = tpu.vector_load %arg12[%get3A] {strides = array<i32>} : memref<8000xi32, #tpu.memory_space<vmem>>, vector<16xi32>,
        %gather3A = tpu.vector_load_idx %arg11[%get3A_67] : memref<102400xf32, #tpu.memory_space<vmem>>[vector<16xi32>], vector<16xf32>,
        %mul3A_68 = arith.constant 16 : i32
        %mul3A_69 = arith.muli %scan3A_62, %mul3A_68 : i32
        %swap3A = arith.index_cast %mul3A_69 : i32 to index
        %swap3A_70 = tpu.vector_load %arg13[%swap3A] {strides = array<i32>} : memref<2000xf32, #tpu.memory_space<vmem>>, vector<16xf32>,
        tpu.vector_store %arg13[%swap3A], %gather3A {strides = array<i32>} : memref<2000xf32, #tpu.memory_space<vmem>>, vector<16xf32>,
      }
      %scan3A_38 = arith.constant 125 : i32
      %add3A_39 = arith.constant 0 : i32
      %add3A_40 = arith.addi %add3A_39, %add3A_25 : i32
      "tpu.region"() ({
        %run_scoped3A = tpu.sem_alloc : memref<!tpu.dma_semaphore, #tpu.memory_space<semaphore_mem>>
        %dma_start3A = tpu.memref_slice %arg8[%add3A_40] : memref<6400000xf32, #tpu.memory_space<hbm>> -> memref<2000xf32, #tpu.memory_space<hbm>>
        %dma_start3A_62 = tpu.memref_slice %arg8[%add3A_40] : memref<6400000xf32, #tpu.memory_space<hbm>> -> memref<2000xf32, #tpu.memory_space<hbm>>
        tpu.enqueue_dma source(%arg13 : memref<2000xf32, #tpu.memory_space<vmem>>) target(%dma_start3A_62 : memref<2000xf32, #tpu.memory_space<hbm>>) target_semaphore(%run_scoped3A : memref<!tpu.dma_semaphore, #tpu.memory_space<semaphore_mem>>)
        %dma_wait3A = tpu.memref_slice %arg8[%add3A_40] : memref<6400000xf32, #tpu.memory_space<hbm>> -> memref<2000xf32, #tpu.memory_space<hbm>>
        %dma_wait3A_63 = tpu.memref_slice %arg8[%add3A_40] : memref<6400000xf32, #tpu.memory_space<hbm>> -> memref<2000xf32, #tpu.memory_space<hbm>>
        tpu.wait_dma2 semaphore(%run_scoped3A : memref<!tpu.dma_semaphore, #tpu.memory_space<semaphore_mem>>) src(%arg13 : memref<2000xf32, #tpu.memory_space<vmem>>) dst(%dma_wait3A_63 : memref<2000xf32, #tpu.memory_space<hbm>>)
        tpu.yield
      }) : () -> ()
      %scan3A_41 = arith.constant 0 : i32
      %scan3A_42 = arith.constant 125 : i32
      %scan3A_43 = arith.addi %scan3A_41, %scan3A_42 : i32
      %scan3A_44 = arith.constant 1 : i32
      scf.for %scan3A_62 = %scan3A_41 to %scan3A_43 step %scan3A_44  : i32 {
        %mul3A_63 = arith.constant 16 : i32
        %mul3A_64 = arith.muli %scan3A_62, %mul3A_63 : i32
        %add3A_65 = arith.constant 2000 : i32
        %add3A_66 = arith.addi %add3A_65, %mul3A_64 : i32
        %get3A = arith.index_cast %add3A_66 : i32 to index
        %get3A_67 = tpu.vector_load %arg12[%get3A] {strides = array<i32>} : memref<8000xi32, #tpu.memory_space<vmem>>, vector<16xi32>,
        %gather3A = tpu.vector_load_idx %arg11[%get3A_67] : memref<102400xf32, #tpu.memory_space<vmem>>[vector<16xi32>], vector<16xf32>,
        %mul3A_68 = arith.constant 16 : i32
        %mul3A_69 = arith.muli %scan3A_62, %mul3A_68 : i32
        %swap3A = arith.index_cast %mul3A_69 : i32 to index
        %swap3A_70 = tpu.vector_load %arg13[%swap3A] {strides = array<i32>} : memref<2000xf32, #tpu.memory_space<vmem>>, vector<16xf32>,
        tpu.vector_store %arg13[%swap3A], %gather3A {strides = array<i32>} : memref<2000xf32, #tpu.memory_space<vmem>>, vector<16xf32>,
      }
      %scan3A_45 = arith.constant 125 : i32
      %add3A_46 = arith.constant 1600000 : i32
      %add3A_47 = arith.addi %add3A_46, %add3A_25 : i32
      "tpu.region"() ({
        %run_scoped3A = tpu.sem_alloc : memref<!tpu.dma_semaphore, #tpu.memory_space<semaphore_mem>>
        %dma_start3A = tpu.memref_slice %arg8[%add3A_47] : memref<6400000xf32, #tpu.memory_space<hbm>> -> memref<2000xf32, #tpu.memory_space<hbm>>
        %dma_start3A_62 = tpu.memref_slice %arg8[%add3A_47] : memref<6400000xf32, #tpu.memory_space<hbm>> -> memref<2000xf32, #tpu.memory_space<hbm>>
        tpu.enqueue_dma source(%arg13 : memref<2000xf32, #tpu.memory_space<vmem>>) target(%dma_start3A_62 : memref<2000xf32, #tpu.memory_space<hbm>>) target_semaphore(%run_scoped3A : memref<!tpu.dma_semaphore, #tpu.memory_space<semaphore_mem>>)
        %dma_wait3A = tpu.memref_slice %arg8[%add3A_47] : memref<6400000xf32, #tpu.memory_space<hbm>> -> memref<2000xf32, #tpu.memory_space<hbm>>
        %dma_wait3A_63 = tpu.memref_slice %arg8[%add3A_47] : memref<6400000xf32, #tpu.memory_space<hbm>> -> memref<2000xf32, #tpu.memory_space<hbm>>
        tpu.wait_dma2 semaphore(%run_scoped3A : memref<!tpu.dma_semaphore, #tpu.memory_space<semaphore_mem>>) src(%arg13 : memref<2000xf32, #tpu.memory_space<vmem>>) dst(%dma_wait3A_63 : memref<2000xf32, #tpu.memory_space<hbm>>)
        tpu.yield
      }) : () -> ()
      %scan3A_48 = arith.constant 0 : i32
      %scan3A_49 = arith.constant 125 : i32
      %scan3A_50 = arith.addi %scan3A_48, %scan3A_49 : i32
      %scan3A_51 = arith.constant 1 : i32
      scf.for %scan3A_62 = %scan3A_48 to %scan3A_50 step %scan3A_51  : i32 {
        %mul3A_63 = arith.constant 16 : i32
        %mul3A_64 = arith.muli %scan3A_62, %mul3A_63 : i32
        %add3A_65 = arith.constant 4000 : i32
        %add3A_66 = arith.addi %add3A_65, %mul3A_64 : i32
        %get3A = arith.index_cast %add3A_66 : i32 to index
        %get3A_67 = tpu.vector_load %arg12[%get3A] {strides = array<i32>} : memref<8000xi32, #tpu.memory_space<vmem>>, vector<16xi32>,
        %gather3A = tpu.vector_load_idx %arg11[%get3A_67] : memref<102400xf32, #tpu.memory_space<vmem>>[vector<16xi32>], vector<16xf32>,
        %mul3A_68 = arith.constant 16 : i32
        %mul3A_69 = arith.muli %scan3A_62, %mul3A_68 : i32
        %swap3A = arith.index_cast %mul3A_69 : i32 to index
        %swap3A_70 = tpu.vector_load %arg13[%swap3A] {strides = array<i32>} : memref<2000xf32, #tpu.memory_space<vmem>>, vector<16xf32>,
        tpu.vector_store %arg13[%swap3A], %gather3A {strides = array<i32>} : memref<2000xf32, #tpu.memory_space<vmem>>, vector<16xf32>,
      }
      %scan3A_52 = arith.constant 125 : i32
      %add3A_53 = arith.constant 3200000 : i32
      %add3A_54 = arith.addi %add3A_53, %add3A_25 : i32
      "tpu.region"() ({
        %run_scoped3A = tpu.sem_alloc : memref<!tpu.dma_semaphore, #tpu.memory_space<semaphore_mem>>
        %dma_start3A = tpu.memref_slice %arg8[%add3A_54] : memref<6400000xf32, #tpu.memory_space<hbm>> -> memref<2000xf32, #tpu.memory_space<hbm>>
        %dma_start3A_62 = tpu.memref_slice %arg8[%add3A_54] : memref<6400000xf32, #tpu.memory_space<hbm>> -> memref<2000xf32, #tpu.memory_space<hbm>>
        tpu.enqueue_dma source(%arg13 : memref<2000xf32, #tpu.memory_space<vmem>>) target(%dma_start3A_62 : memref<2000xf32, #tpu.memory_space<hbm>>) target_semaphore(%run_scoped3A : memref<!tpu.dma_semaphore, #tpu.memory_space<semaphore_mem>>)
        %dma_wait3A = tpu.memref_slice %arg8[%add3A_54] : memref<6400000xf32, #tpu.memory_space<hbm>> -> memref<2000xf32, #tpu.memory_space<hbm>>
        %dma_wait3A_63 = tpu.memref_slice %arg8[%add3A_54] : memref<6400000xf32, #tpu.memory_space<hbm>> -> memref<2000xf32, #tpu.memory_space<hbm>>
        tpu.wait_dma2 semaphore(%run_scoped3A : memref<!tpu.dma_semaphore, #tpu.memory_space<semaphore_mem>>) src(%arg13 : memref<2000xf32, #tpu.memory_space<vmem>>) dst(%dma_wait3A_63 : memref<2000xf32, #tpu.memory_space<hbm>>)
        tpu.yield
      }) : () -> ()
      %scan3A_55 = arith.constant 0 : i32
      %scan3A_56 = arith.constant 125 : i32
      %scan3A_57 = arith.addi %scan3A_55, %scan3A_56 : i32
      %scan3A_58 = arith.constant 1 : i32
      scf.for %scan3A_62 = %scan3A_55 to %scan3A_57 step %scan3A_58  : i32 {
        %mul3A_63 = arith.constant 16 : i32
        %mul3A_64 = arith.muli %scan3A_62, %mul3A_63 : i32
        %add3A_65 = arith.constant 6000 : i32
        %add3A_66 = arith.addi %add3A_65, %mul3A_64 : i32
        %get3A = arith.index_cast %add3A_66 : i32 to index
        %get3A_67 = tpu.vector_load %arg12[%get3A] {strides = array<i32>} : memref<8000xi32, #tpu.memory_space<vmem>>, vector<16xi32>,
        %gather3A = tpu.vector_load_idx %arg11[%get3A_67] : memref<102400xf32, #tpu.memory_space<vmem>>[vector<16xi32>], vector<16xf32>,
        %mul3A_68 = arith.constant 16 : i32
        %mul3A_69 = arith.muli %scan3A_62, %mul3A_68 : i32
        %swap3A = arith.index_cast %mul3A_69 : i32 to index
        %swap3A_70 = tpu.vector_load %arg13[%swap3A] {strides = array<i32>} : memref<2000xf32, #tpu.memory_space<vmem>>, vector<16xf32>,
        tpu.vector_store %arg13[%swap3A], %gather3A {strides = array<i32>} : memref<2000xf32, #tpu.memory_space<vmem>>, vector<16xf32>,
      }
      %scan3A_59 = arith.constant 125 : i32
      %add3A_60 = arith.constant 4800000 : i32
      %add3A_61 = arith.addi %add3A_60, %add3A_25 : i32
      "tpu.region"() ({
        %run_scoped3A = tpu.sem_alloc : memref<!tpu.dma_semaphore, #tpu.memory_space<semaphore_mem>>
        %dma_start3A = tpu.memref_slice %arg8[%add3A_61] : memref<6400000xf32, #tpu.memory_space<hbm>> -> memref<2000xf32, #tpu.memory_space<hbm>>
        %dma_start3A_62 = tpu.memref_slice %arg8[%add3A_61] : memref<6400000xf32, #tpu.memory_space<hbm>> -> memref<2000xf32, #tpu.memory_space<hbm>>
        tpu.enqueue_dma source(%arg13 : memref<2000xf32, #tpu.memory_space<vmem>>) target(%dma_start3A_62 : memref<2000xf32, #tpu.memory_space<hbm>>) target_semaphore(%run_scoped3A : memref<!tpu.dma_semaphore, #tpu.memory_space<semaphore_mem>>)
        %dma_wait3A = tpu.memref_slice %arg8[%add3A_61] : memref<6400000xf32, #tpu.memory_space<hbm>> -> memref<2000xf32, #tpu.memory_space<hbm>>
        %dma_wait3A_63 = tpu.memref_slice %arg8[%add3A_61] : memref<6400000xf32, #tpu.memory_space<hbm>> -> memref<2000xf32, #tpu.memory_space<hbm>>
        tpu.wait_dma2 semaphore(%run_scoped3A : memref<!tpu.dma_semaphore, #tpu.memory_space<semaphore_mem>>) src(%arg13 : memref<2000xf32, #tpu.memory_space<vmem>>) dst(%dma_wait3A_63 : memref<2000xf32, #tpu.memory_space<hbm>>)
        tpu.yield
      }) : () -> ()
    }
    %scan3A_11 = arith.constant 25 : i32
    "tpu.region"() ({
      %run_scoped3A = tpu.sem_alloc : memref<!tpu.dma_semaphore, #tpu.memory_space<semaphore_mem>>
      tpu.enqueue_dma source(%arg4 : memref<102400xf32, #tpu.memory_space<hbm>>) target(%arg11 : memref<102400xf32, #tpu.memory_space<vmem>>) target_semaphore(%run_scoped3A : memref<!tpu.dma_semaphore, #tpu.memory_space<semaphore_mem>>)
      tpu.wait_dma2 semaphore(%run_scoped3A : memref<!tpu.dma_semaphore, #tpu.memory_space<semaphore_mem>>) src(%arg4 : memref<102400xf32, #tpu.memory_space<hbm>>) dst(%arg11 : memref<102400xf32, #tpu.memory_space<vmem>>)
      tpu.yield
    }) : () -> ()
    %scan3A_12 = arith.constant 0 : i32
    %scan3A_13 = arith.constant 25 : i32
    %scan3A_14 = arith.addi %scan3A_12, %scan3A_13 : i32
    %scan3A_15 = arith.constant 1 : i32
    scf.for %scan3A_22 = %scan3A_12 to %scan3A_14 step %scan3A_15  : i32 {
      %mul3A_23 = arith.constant 2000 : i32
      %mul3A_24 = arith.muli %scan3A_22, %mul3A_23 : i32
      %add3A_25 = arith.addi %mul3A_2, %mul3A_24 : i32
      %add3A_26 = arith.constant 0 : i32
      %add3A_27 = arith.addi %add3A_26, %add3A_25 : i32
      "tpu.region"() ({
        %run_scoped3A = tpu.sem_alloc : memref<!tpu.dma_semaphore, #tpu.memory_space<semaphore_mem>>
        %dma_start3A = arith.constant 0 : i32
        %dma_start3A_62 = tpu.memref_slice %arg12[%dma_start3A] : memref<8000xi32, #tpu.memory_space<vmem>> -> memref<2000xi32, #tpu.memory_space<vmem>>
        %dma_start3A_63 = tpu.memref_slice %arg6[%add3A_27] : memref<6400000xi32, #tpu.memory_space<hbm>> -> memref<2000xi32, #tpu.memory_space<hbm>>
        %dma_start3A_64 = arith.constant 0 : i32
        %dma_start3A_65 = tpu.memref_slice %arg12[%dma_start3A_64] : memref<8000xi32, #tpu.memory_space<vmem>> -> memref<2000xi32, #tpu.memory_space<vmem>>
        %dma_start3A_66 = tpu.memref_slice %arg6[%add3A_27] : memref<6400000xi32, #tpu.memory_space<hbm>> -> memref<2000xi32, #tpu.memory_space<hbm>>
        tpu.enqueue_dma source(%dma_start3A_66 : memref<2000xi32, #tpu.memory_space<hbm>>) target(%dma_start3A_65 : memref<2000xi32, #tpu.memory_space<vmem>>) target_semaphore(%run_scoped3A : memref<!tpu.dma_semaphore, #tpu.memory_space<semaphore_mem>>)
        %dma_wait3A = arith.constant 0 : i32
        %dma_wait3A_67 = tpu.memref_slice %arg12[%dma_wait3A] : memref<8000xi32, #tpu.memory_space<vmem>> -> memref<2000xi32, #tpu.memory_space<vmem>>
        %dma_wait3A_68 = tpu.memref_slice %arg6[%add3A_27] : memref<6400000xi32, #tpu.memory_space<hbm>> -> memref<2000xi32, #tpu.memory_space<hbm>>
        %dma_wait3A_69 = arith.constant 0 : i32
        %dma_wait3A_70 = tpu.memref_slice %arg12[%dma_wait3A_69] : memref<8000xi32, #tpu.memory_space<vmem>> -> memref<2000xi32, #tpu.memory_space<vmem>>
        %dma_wait3A_71 = tpu.memref_slice %arg6[%add3A_27] : memref<6400000xi32, #tpu.memory_space<hbm>> -> memref<2000xi32, #tpu.memory_space<hbm>>
        tpu.wait_dma2 semaphore(%run_scoped3A : memref<!tpu.dma_semaphore, #tpu.memory_space<semaphore_mem>>) src(%dma_wait3A_71 : memref<2000xi32, #tpu.memory_space<hbm>>) dst(%dma_wait3A_70 : memref<2000xi32, #tpu.memory_space<vmem>>)
        tpu.yield
      }) : () -> ()
      %add3A_28 = arith.constant 1600000 : i32
      %add3A_29 = arith.addi %add3A_28, %add3A_25 : i32
      "tpu.region"() ({
        %run_scoped3A = tpu.sem_alloc : memref<!tpu.dma_semaphore, #tpu.memory_space<semaphore_mem>>
        %dma_start3A = arith.constant 2000 : i32
        %dma_start3A_62 = tpu.memref_slice %arg12[%dma_start3A] : memref<8000xi32, #tpu.memory_space<vmem>> -> memref<2000xi32, #tpu.memory_space<vmem>>
        %dma_start3A_63 = tpu.memref_slice %arg6[%add3A_29] : memref<6400000xi32, #tpu.memory_space<hbm>> -> memref<2000xi32, #tpu.memory_space<hbm>>
        %dma_start3A_64 = arith.constant 2000 : i32
        %dma_start3A_65 = tpu.memref_slice %arg12[%dma_start3A_64] : memref<8000xi32, #tpu.memory_space<vmem>> -> memref<2000xi32, #tpu.memory_space<vmem>>
        %dma_start3A_66 = tpu.memref_slice %arg6[%add3A_29] : memref<6400000xi32, #tpu.memory_space<hbm>> -> memref<2000xi32, #tpu.memory_space<hbm>>
        tpu.enqueue_dma source(%dma_start3A_66 : memref<2000xi32, #tpu.memory_space<hbm>>) target(%dma_start3A_65 : memref<2000xi32, #tpu.memory_space<vmem>>) target_semaphore(%run_scoped3A : memref<!tpu.dma_semaphore, #tpu.memory_space<semaphore_mem>>)
        %dma_wait3A = arith.constant 2000 : i32
        %dma_wait3A_67 = tpu.memref_slice %arg12[%dma_wait3A] : memref<8000xi32, #tpu.memory_space<vmem>> -> memref<2000xi32, #tpu.memory_space<vmem>>
        %dma_wait3A_68 = tpu.memref_slice %arg6[%add3A_29] : memref<6400000xi32, #tpu.memory_space<hbm>> -> memref<2000xi32, #tpu.memory_space<hbm>>
        %dma_wait3A_69 = arith.constant 2000 : i32
        %dma_wait3A_70 = tpu.memref_slice %arg12[%dma_wait3A_69] : memref<8000xi32, #tpu.memory_space<vmem>> -> memref<2000xi32, #tpu.memory_space<vmem>>
        %dma_wait3A_71 = tpu.memref_slice %arg6[%add3A_29] : memref<6400000xi32, #tpu.memory_space<hbm>> -> memref<2000xi32, #tpu.memory_space<hbm>>
        tpu.wait_dma2 semaphore(%run_scoped3A : memref<!tpu.dma_semaphore, #tpu.memory_space<semaphore_mem>>) src(%dma_wait3A_71 : memref<2000xi32, #tpu.memory_space<hbm>>) dst(%dma_wait3A_70 : memref<2000xi32, #tpu.memory_space<vmem>>)
        tpu.yield
      }) : () -> ()
      %add3A_30 = arith.constant 3200000 : i32
      %add3A_31 = arith.addi %add3A_30, %add3A_25 : i32
      "tpu.region"() ({
        %run_scoped3A = tpu.sem_alloc : memref<!tpu.dma_semaphore, #tpu.memory_space<semaphore_mem>>
        %dma_start3A = arith.constant 4000 : i32
        %dma_start3A_62 = tpu.memref_slice %arg12[%dma_start3A] : memref<8000xi32, #tpu.memory_space<vmem>> -> memref<2000xi32, #tpu.memory_space<vmem>>
        %dma_start3A_63 = tpu.memref_slice %arg6[%add3A_31] : memref<6400000xi32, #tpu.memory_space<hbm>> -> memref<2000xi32, #tpu.memory_space<hbm>>
        %dma_start3A_64 = arith.constant 4000 : i32
        %dma_start3A_65 = tpu.memref_slice %arg12[%dma_start3A_64] : memref<8000xi32, #tpu.memory_space<vmem>> -> memref<2000xi32, #tpu.memory_space<vmem>>
        %dma_start3A_66 = tpu.memref_slice %arg6[%add3A_31] : memref<6400000xi32, #tpu.memory_space<hbm>> -> memref<2000xi32, #tpu.memory_space<hbm>>
        tpu.enqueue_dma source(%dma_start3A_66 : memref<2000xi32, #tpu.memory_space<hbm>>) target(%dma_start3A_65 : memref<2000xi32, #tpu.memory_space<vmem>>) target_semaphore(%run_scoped3A : memref<!tpu.dma_semaphore, #tpu.memory_space<semaphore_mem>>)
        %dma_wait3A = arith.constant 4000 : i32
        %dma_wait3A_67 = tpu.memref_slice %arg12[%dma_wait3A] : memref<8000xi32, #tpu.memory_space<vmem>> -> memref<2000xi32, #tpu.memory_space<vmem>>
        %dma_wait3A_68 = tpu.memref_slice %arg6[%add3A_31] : memref<6400000xi32, #tpu.memory_space<hbm>> -> memref<2000xi32, #tpu.memory_space<hbm>>
        %dma_wait3A_69 = arith.constant 4000 : i32
        %dma_wait3A_70 = tpu.memref_slice %arg12[%dma_wait3A_69] : memref<8000xi32, #tpu.memory_space<vmem>> -> memref<2000xi32, #tpu.memory_space<vmem>>
        %dma_wait3A_71 = tpu.memref_slice %arg6[%add3A_31] : memref<6400000xi32, #tpu.memory_space<hbm>> -> memref<2000xi32, #tpu.memory_space<hbm>>
        tpu.wait_dma2 semaphore(%run_scoped3A : memref<!tpu.dma_semaphore, #tpu.memory_space<semaphore_mem>>) src(%dma_wait3A_71 : memref<2000xi32, #tpu.memory_space<hbm>>) dst(%dma_wait3A_70 : memref<2000xi32, #tpu.memory_space<vmem>>)
        tpu.yield
      }) : () -> ()
      %add3A_32 = arith.constant 4800000 : i32
      %add3A_33 = arith.addi %add3A_32, %add3A_25 : i32
      "tpu.region"() ({
        %run_scoped3A = tpu.sem_alloc : memref<!tpu.dma_semaphore, #tpu.memory_space<semaphore_mem>>
        %dma_start3A = arith.constant 6000 : i32
        %dma_start3A_62 = tpu.memref_slice %arg12[%dma_start3A] : memref<8000xi32, #tpu.memory_space<vmem>> -> memref<2000xi32, #tpu.memory_space<vmem>>
        %dma_start3A_63 = tpu.memref_slice %arg6[%add3A_33] : memref<6400000xi32, #tpu.memory_space<hbm>> -> memref<2000xi32, #tpu.memory_space<hbm>>
        %dma_start3A_64 = arith.constant 6000 : i32
        %dma_start3A_65 = tpu.memref_slice %arg12[%dma_start3A_64] : memref<8000xi32, #tpu.memory_space<vmem>> -> memref<2000xi32, #tpu.memory_space<vmem>>
        %dma_start3A_66 = tpu.memref_slice %arg6[%add3A_33] : memref<6400000xi32, #tpu.memory_space<hbm>> -> memref<2000xi32, #tpu.memory_space<hbm>>
        tpu.enqueue_dma source(%dma_start3A_66 : memref<2000xi32, #tpu.memory_space<hbm>>) target(%dma_start3A_65 : memref<2000xi32, #tpu.memory_space<vmem>>) target_semaphore(%run_scoped3A : memref<!tpu.dma_semaphore, #tpu.memory_space<semaphore_mem>>)
        %dma_wait3A = arith.constant 6000 : i32
        %dma_wait3A_67 = tpu.memref_slice %arg12[%dma_wait3A] : memref<8000xi32, #tpu.memory_space<vmem>> -> memref<2000xi32, #tpu.memory_space<vmem>>
        %dma_wait3A_68 = tpu.memref_slice %arg6[%add3A_33] : memref<6400000xi32, #tpu.memory_space<hbm>> -> memref<2000xi32, #tpu.memory_space<hbm>>
        %dma_wait3A_69 = arith.constant 6000 : i32
        %dma_wait3A_70 = tpu.memref_slice %arg12[%dma_wait3A_69] : memref<8000xi32, #tpu.memory_space<vmem>> -> memref<2000xi32, #tpu.memory_space<vmem>>
        %dma_wait3A_71 = tpu.memref_slice %arg6[%add3A_33] : memref<6400000xi32, #tpu.memory_space<hbm>> -> memref<2000xi32, #tpu.memory_space<hbm>>
        tpu.wait_dma2 semaphore(%run_scoped3A : memref<!tpu.dma_semaphore, #tpu.memory_space<semaphore_mem>>) src(%dma_wait3A_71 : memref<2000xi32, #tpu.memory_space<hbm>>) dst(%dma_wait3A_70 : memref<2000xi32, #tpu.memory_space<vmem>>)
        tpu.yield
      }) : () -> ()
      %scan3A_34 = arith.constant 0 : i32
      %scan3A_35 = arith.constant 125 : i32
      %scan3A_36 = arith.addi %scan3A_34, %scan3A_35 : i32
      %scan3A_37 = arith.constant 1 : i32
      scf.for %scan3A_62 = %scan3A_34 to %scan3A_36 step %scan3A_37  : i32 {
        %mul3A_63 = arith.constant 16 : i32
        %mul3A_64 = arith.muli %scan3A_62, %mul3A_63 : i32
        %add3A_65 = arith.constant 0 : i32
        %add3A_66 = arith.addi %add3A_65, %mul3A_64 : i32
        %get3A = arith.index_cast %add3A_66 : i32 to index
        %get3A_67 = tpu.vector_load %arg12[%get3A] {strides = array<i32>} : memref<8000xi32, #tpu.memory_space<vmem>>, vector<16xi32>,
        %gather3A = tpu.vector_load_idx %arg11[%get3A_67] : memref<102400xf32, #tpu.memory_space<vmem>>[vector<16xi32>], vector<16xf32>,
        %mul3A_68 = arith.constant 16 : i32
        %mul3A_69 = arith.muli %scan3A_62, %mul3A_68 : i32
        %swap3A = arith.index_cast %mul3A_69 : i32 to index
        %swap3A_70 = tpu.vector_load %arg13[%swap3A] {strides = array<i32>} : memref<2000xf32, #tpu.memory_space<vmem>>, vector<16xf32>,
        tpu.vector_store %arg13[%swap3A], %gather3A {strides = array<i32>} : memref<2000xf32, #tpu.memory_space<vmem>>, vector<16xf32>,
      }
      %scan3A_38 = arith.constant 125 : i32
      %add3A_39 = arith.constant 0 : i32
      %add3A_40 = arith.addi %add3A_39, %add3A_25 : i32
      "tpu.region"() ({
        %run_scoped3A = tpu.sem_alloc : memref<!tpu.dma_semaphore, #tpu.memory_space<semaphore_mem>>
        %dma_start3A = tpu.memref_slice %arg9[%add3A_40] : memref<6400000xf32, #tpu.memory_space<hbm>> -> memref<2000xf32, #tpu.memory_space<hbm>>
        %dma_start3A_62 = tpu.memref_slice %arg9[%add3A_40] : memref<6400000xf32, #tpu.memory_space<hbm>> -> memref<2000xf32, #tpu.memory_space<hbm>>
        tpu.enqueue_dma source(%arg13 : memref<2000xf32, #tpu.memory_space<vmem>>) target(%dma_start3A_62 : memref<2000xf32, #tpu.memory_space<hbm>>) target_semaphore(%run_scoped3A : memref<!tpu.dma_semaphore, #tpu.memory_space<semaphore_mem>>)
        %dma_wait3A = tpu.memref_slice %arg9[%add3A_40] : memref<6400000xf32, #tpu.memory_space<hbm>> -> memref<2000xf32, #tpu.memory_space<hbm>>
        %dma_wait3A_63 = tpu.memref_slice %arg9[%add3A_40] : memref<6400000xf32, #tpu.memory_space<hbm>> -> memref<2000xf32, #tpu.memory_space<hbm>>
        tpu.wait_dma2 semaphore(%run_scoped3A : memref<!tpu.dma_semaphore, #tpu.memory_space<semaphore_mem>>) src(%arg13 : memref<2000xf32, #tpu.memory_space<vmem>>) dst(%dma_wait3A_63 : memref<2000xf32, #tpu.memory_space<hbm>>)
        tpu.yield
      }) : () -> ()
      %scan3A_41 = arith.constant 0 : i32
      %scan3A_42 = arith.constant 125 : i32
      %scan3A_43 = arith.addi %scan3A_41, %scan3A_42 : i32
      %scan3A_44 = arith.constant 1 : i32
      scf.for %scan3A_62 = %scan3A_41 to %scan3A_43 step %scan3A_44  : i32 {
        %mul3A_63 = arith.constant 16 : i32
        %mul3A_64 = arith.muli %scan3A_62, %mul3A_63 : i32
        %add3A_65 = arith.constant 2000 : i32
        %add3A_66 = arith.addi %add3A_65, %mul3A_64 : i32
        %get3A = arith.index_cast %add3A_66 : i32 to index
        %get3A_67 = tpu.vector_load %arg12[%get3A] {strides = array<i32>} : memref<8000xi32, #tpu.memory_space<vmem>>, vector<16xi32>,
        %gather3A = tpu.vector_load_idx %arg11[%get3A_67] : memref<102400xf32, #tpu.memory_space<vmem>>[vector<16xi32>], vector<16xf32>,
        %mul3A_68 = arith.constant 16 : i32
        %mul3A_69 = arith.muli %scan3A_62, %mul3A_68 : i32
        %swap3A = arith.index_cast %mul3A_69 : i32 to index
        %swap3A_70 = tpu.vector_load %arg13[%swap3A] {strides = array<i32>} : memref<2000xf32, #tpu.memory_space<vmem>>, vector<16xf32>,
        tpu.vector_store %arg13[%swap3A], %gather3A {strides = array<i32>} : memref<2000xf32, #tpu.memory_space<vmem>>, vector<16xf32>,
      }
      %scan3A_45 = arith.constant 125 : i32
      %add3A_46 = arith.constant 1600000 : i32
      %add3A_47 = arith.addi %add3A_46, %add3A_25 : i32
      "tpu.region"() ({
        %run_scoped3A = tpu.sem_alloc : memref<!tpu.dma_semaphore, #tpu.memory_space<semaphore_mem>>
        %dma_start3A = tpu.memref_slice %arg9[%add3A_47] : memref<6400000xf32, #tpu.memory_space<hbm>> -> memref<2000xf32, #tpu.memory_space<hbm>>
        %dma_start3A_62 = tpu.memref_slice %arg9[%add3A_47] : memref<6400000xf32, #tpu.memory_space<hbm>> -> memref<2000xf32, #tpu.memory_space<hbm>>
        tpu.enqueue_dma source(%arg13 : memref<2000xf32, #tpu.memory_space<vmem>>) target(%dma_start3A_62 : memref<2000xf32, #tpu.memory_space<hbm>>) target_semaphore(%run_scoped3A : memref<!tpu.dma_semaphore, #tpu.memory_space<semaphore_mem>>)
        %dma_wait3A = tpu.memref_slice %arg9[%add3A_47] : memref<6400000xf32, #tpu.memory_space<hbm>> -> memref<2000xf32, #tpu.memory_space<hbm>>
        %dma_wait3A_63 = tpu.memref_slice %arg9[%add3A_47] : memref<6400000xf32, #tpu.memory_space<hbm>> -> memref<2000xf32, #tpu.memory_space<hbm>>
        tpu.wait_dma2 semaphore(%run_scoped3A : memref<!tpu.dma_semaphore, #tpu.memory_space<semaphore_mem>>) src(%arg13 : memref<2000xf32, #tpu.memory_space<vmem>>) dst(%dma_wait3A_63 : memref<2000xf32, #tpu.memory_space<hbm>>)
        tpu.yield
      }) : () -> ()
      %scan3A_48 = arith.constant 0 : i32
      %scan3A_49 = arith.constant 125 : i32
      %scan3A_50 = arith.addi %scan3A_48, %scan3A_49 : i32
      %scan3A_51 = arith.constant 1 : i32
      scf.for %scan3A_62 = %scan3A_48 to %scan3A_50 step %scan3A_51  : i32 {
        %mul3A_63 = arith.constant 16 : i32
        %mul3A_64 = arith.muli %scan3A_62, %mul3A_63 : i32
        %add3A_65 = arith.constant 4000 : i32
        %add3A_66 = arith.addi %add3A_65, %mul3A_64 : i32
        %get3A = arith.index_cast %add3A_66 : i32 to index
        %get3A_67 = tpu.vector_load %arg12[%get3A] {strides = array<i32>} : memref<8000xi32, #tpu.memory_space<vmem>>, vector<16xi32>,
        %gather3A = tpu.vector_load_idx %arg11[%get3A_67] : memref<102400xf32, #tpu.memory_space<vmem>>[vector<16xi32>], vector<16xf32>,
        %mul3A_68 = arith.constant 16 : i32
        %mul3A_69 = arith.muli %scan3A_62, %mul3A_68 : i32
        %swap3A = arith.index_cast %mul3A_69 : i32 to index
        %swap3A_70 = tpu.vector_load %arg13[%swap3A] {strides = array<i32>} : memref<2000xf32, #tpu.memory_space<vmem>>, vector<16xf32>,
        tpu.vector_store %arg13[%swap3A], %gather3A {strides = array<i32>} : memref<2000xf32, #tpu.memory_space<vmem>>, vector<16xf32>,
      }
      %scan3A_52 = arith.constant 125 : i32
      %add3A_53 = arith.constant 3200000 : i32
      %add3A_54 = arith.addi %add3A_53, %add3A_25 : i32
      "tpu.region"() ({
        %run_scoped3A = tpu.sem_alloc : memref<!tpu.dma_semaphore, #tpu.memory_space<semaphore_mem>>
        %dma_start3A = tpu.memref_slice %arg9[%add3A_54] : memref<6400000xf32, #tpu.memory_space<hbm>> -> memref<2000xf32, #tpu.memory_space<hbm>>
        %dma_start3A_62 = tpu.memref_slice %arg9[%add3A_54] : memref<6400000xf32, #tpu.memory_space<hbm>> -> memref<2000xf32, #tpu.memory_space<hbm>>
        tpu.enqueue_dma source(%arg13 : memref<2000xf32, #tpu.memory_space<vmem>>) target(%dma_start3A_62 : memref<2000xf32, #tpu.memory_space<hbm>>) target_semaphore(%run_scoped3A : memref<!tpu.dma_semaphore, #tpu.memory_space<semaphore_mem>>)
        %dma_wait3A = tpu.memref_slice %arg9[%add3A_54] : memref<6400000xf32, #tpu.memory_space<hbm>> -> memref<2000xf32, #tpu.memory_space<hbm>>
        %dma_wait3A_63 = tpu.memref_slice %arg9[%add3A_54] : memref<6400000xf32, #tpu.memory_space<hbm>> -> memref<2000xf32, #tpu.memory_space<hbm>>
        tpu.wait_dma2 semaphore(%run_scoped3A : memref<!tpu.dma_semaphore, #tpu.memory_space<semaphore_mem>>) src(%arg13 : memref<2000xf32, #tpu.memory_space<vmem>>) dst(%dma_wait3A_63 : memref<2000xf32, #tpu.memory_space<hbm>>)
        tpu.yield
      }) : () -> ()
      %scan3A_55 = arith.constant 0 : i32
      %scan3A_56 = arith.constant 125 : i32
      %scan3A_57 = arith.addi %scan3A_55, %scan3A_56 : i32
      %scan3A_58 = arith.constant 1 : i32
      scf.for %scan3A_62 = %scan3A_55 to %scan3A_57 step %scan3A_58  : i32 {
        %mul3A_63 = arith.constant 16 : i32
        %mul3A_64 = arith.muli %scan3A_62, %mul3A_63 : i32
        %add3A_65 = arith.constant 6000 : i32
        %add3A_66 = arith.addi %add3A_65, %mul3A_64 : i32
        %get3A = arith.index_cast %add3A_66 : i32 to index
        %get3A_67 = tpu.vector_load %arg12[%get3A] {strides = array<i32>} : memref<8000xi32, #tpu.memory_space<vmem>>, vector<16xi32>,
        %gather3A = tpu.vector_load_idx %arg11[%get3A_67] : memref<102400xf32, #tpu.memory_space<vmem>>[vector<16xi32>], vector<16xf32>,
        %mul3A_68 = arith.constant 16 : i32
        %mul3A_69 = arith.muli %scan3A_62, %mul3A_68 : i32
        %swap3A = arith.index_cast %mul3A_69 : i32 to index
        %swap3A_70 = tpu.vector_load %arg13[%swap3A] {strides = array<i32>} : memref<2000xf32, #tpu.memory_space<vmem>>, vector<16xf32>,
        tpu.vector_store %arg13[%swap3A], %gather3A {strides = array<i32>} : memref<2000xf32, #tpu.memory_space<vmem>>, vector<16xf32>,
      }
      %scan3A_59 = arith.constant 125 : i32
      %add3A_60 = arith.constant 4800000 : i32
      %add3A_61 = arith.addi %add3A_60, %add3A_25 : i32
      "tpu.region"() ({
        %run_scoped3A = tpu.sem_alloc : memref<!tpu.dma_semaphore, #tpu.memory_space<semaphore_mem>>
        %dma_start3A = tpu.memref_slice %arg9[%add3A_61] : memref<6400000xf32, #tpu.memory_space<hbm>> -> memref<2000xf32, #tpu.memory_space<hbm>>
        %dma_start3A_62 = tpu.memref_slice %arg9[%add3A_61] : memref<6400000xf32, #tpu.memory_space<hbm>> -> memref<2000xf32, #tpu.memory_space<hbm>>
        tpu.enqueue_dma source(%arg13 : memref<2000xf32, #tpu.memory_space<vmem>>) target(%dma_start3A_62 : memref<2000xf32, #tpu.memory_space<hbm>>) target_semaphore(%run_scoped3A : memref<!tpu.dma_semaphore, #tpu.memory_space<semaphore_mem>>)
        %dma_wait3A = tpu.memref_slice %arg9[%add3A_61] : memref<6400000xf32, #tpu.memory_space<hbm>> -> memref<2000xf32, #tpu.memory_space<hbm>>
        %dma_wait3A_63 = tpu.memref_slice %arg9[%add3A_61] : memref<6400000xf32, #tpu.memory_space<hbm>> -> memref<2000xf32, #tpu.memory_space<hbm>>
        tpu.wait_dma2 semaphore(%run_scoped3A : memref<!tpu.dma_semaphore, #tpu.memory_space<semaphore_mem>>) src(%arg13 : memref<2000xf32, #tpu.memory_space<vmem>>) dst(%dma_wait3A_63 : memref<2000xf32, #tpu.memory_space<hbm>>)
        tpu.yield
      }) : () -> ()
    }
    %scan3A_16 = arith.constant 25 : i32
    "tpu.region"() ({
      %run_scoped3A = tpu.sem_alloc : memref<!tpu.dma_semaphore, #tpu.memory_space<semaphore_mem>>
      tpu.enqueue_dma source(%arg5 : memref<102400xf32, #tpu.memory_space<hbm>>) target(%arg11 : memref<102400xf32, #tpu.memory_space<vmem>>) target_semaphore(%run_scoped3A : memref<!tpu.dma_semaphore, #tpu.memory_space<semaphore_mem>>)
      tpu.wait_dma2 semaphore(%run_scoped3A : memref<!tpu.dma_semaphore, #tpu.memory_space<semaphore_mem>>) src(%arg5 : memref<102400xf32, #tpu.memory_space<hbm>>) dst(%arg11 : memref<102400xf32, #tpu.memory_space<vmem>>)
      tpu.yield
    }) : () -> ()
    %scan3A_17 = arith.constant 0 : i32
    %scan3A_18 = arith.constant 25 : i32
    %scan3A_19 = arith.addi %scan3A_17, %scan3A_18 : i32
    %scan3A_20 = arith.constant 1 : i32
    scf.for %scan3A_22 = %scan3A_17 to %scan3A_19 step %scan3A_20  : i32 {
      %mul3A_23 = arith.constant 2000 : i32
      %mul3A_24 = arith.muli %scan3A_22, %mul3A_23 : i32
      %add3A_25 = arith.addi %mul3A_2, %mul3A_24 : i32
      %add3A_26 = arith.constant 0 : i32
      %add3A_27 = arith.addi %add3A_26, %add3A_25 : i32
      "tpu.region"() ({
        %run_scoped3A = tpu.sem_alloc : memref<!tpu.dma_semaphore, #tpu.memory_space<semaphore_mem>>
        %dma_start3A = arith.constant 0 : i32
        %dma_start3A_39 = tpu.memref_slice %arg12[%dma_start3A] : memref<8000xi32, #tpu.memory_space<vmem>> -> memref<2000xi32, #tpu.memory_space<vmem>>
        %dma_start3A_40 = tpu.memref_slice %arg6[%add3A_27] : memref<6400000xi32, #tpu.memory_space<hbm>> -> memref<2000xi32, #tpu.memory_space<hbm>>
        %dma_start3A_41 = arith.constant 0 : i32
        %dma_start3A_42 = tpu.memref_slice %arg12[%dma_start3A_41] : memref<8000xi32, #tpu.memory_space<vmem>> -> memref<2000xi32, #tpu.memory_space<vmem>>
        %dma_start3A_43 = tpu.memref_slice %arg6[%add3A_27] : memref<6400000xi32, #tpu.memory_space<hbm>> -> memref<2000xi32, #tpu.memory_space<hbm>>
        tpu.enqueue_dma source(%dma_start3A_43 : memref<2000xi32, #tpu.memory_space<hbm>>) target(%dma_start3A_42 : memref<2000xi32, #tpu.memory_space<vmem>>) target_semaphore(%run_scoped3A : memref<!tpu.dma_semaphore, #tpu.memory_space<semaphore_mem>>)
        %dma_wait3A = arith.constant 0 : i32
        %dma_wait3A_44 = tpu.memref_slice %arg12[%dma_wait3A] : memref<8000xi32, #tpu.memory_space<vmem>> -> memref<2000xi32, #tpu.memory_space<vmem>>
        %dma_wait3A_45 = tpu.memref_slice %arg6[%add3A_27] : memref<6400000xi32, #tpu.memory_space<hbm>> -> memref<2000xi32, #tpu.memory_space<hbm>>
        %dma_wait3A_46 = arith.constant 0 : i32
        %dma_wait3A_47 = tpu.memref_slice %arg12[%dma_wait3A_46] : memref<8000xi32, #tpu.memory_space<vmem>> -> memref<2000xi32, #tpu.memory_space<vmem>>
        %dma_wait3A_48 = tpu.memref_slice %arg6[%add3A_27] : memref<6400000xi32, #tpu.memory_space<hbm>> -> memref<2000xi32, #tpu.memory_space<hbm>>
        tpu.wait_dma2 semaphore(%run_scoped3A : memref<!tpu.dma_semaphore, #tpu.memory_space<semaphore_mem>>) src(%dma_wait3A_48 : memref<2000xi32, #tpu.memory_space<hbm>>) dst(%dma_wait3A_47 : memref<2000xi32, #tpu.memory_space<vmem>>)
        tpu.yield
      }) : () -> ()
      %add3A_28 = arith.constant 1600000 : i32
      %add3A_29 = arith.addi %add3A_28, %add3A_25 : i32
      "tpu.region"() ({
        %run_scoped3A = tpu.sem_alloc : memref<!tpu.dma_semaphore, #tpu.memory_space<semaphore_mem>>
        %dma_start3A = arith.constant 2000 : i32
        %dma_start3A_39 = tpu.memref_slice %arg12[%dma_start3A] : memref<8000xi32, #tpu.memory_space<vmem>> -> memref<2000xi32, #tpu.memory_space<vmem>>
        %dma_start3A_40 = tpu.memref_slice %arg6[%add3A_29] : memref<6400000xi32, #tpu.memory_space<hbm>> -> memref<2000xi32, #tpu.memory_space<hbm>>
        %dma_start3A_41 = arith.constant 2000 : i32
        %dma_start3A_42 = tpu.memref_slice %arg12[%dma_start3A_41] : memref<8000xi32, #tpu.memory_space<vmem>> -> memref<2000xi32, #tpu.memory_space<vmem>>
        %dma_start3A_43 = tpu.memref_slice %arg6[%add3A_29] : memref<6400000xi32, #tpu.memory_space<hbm>> -> memref<2000xi32, #tpu.memory_space<hbm>>
        tpu.enqueue_dma source(%dma_start3A_43 : memref<2000xi32, #tpu.memory_space<hbm>>) target(%dma_start3A_42 : memref<2000xi32, #tpu.memory_space<vmem>>) target_semaphore(%run_scoped3A : memref<!tpu.dma_semaphore, #tpu.memory_space<semaphore_mem>>)
        %dma_wait3A = arith.constant 2000 : i32
        %dma_wait3A_44 = tpu.memref_slice %arg12[%dma_wait3A] : memref<8000xi32, #tpu.memory_space<vmem>> -> memref<2000xi32, #tpu.memory_space<vmem>>
        %dma_wait3A_45 = tpu.memref_slice %arg6[%add3A_29] : memref<6400000xi32, #tpu.memory_space<hbm>> -> memref<2000xi32, #tpu.memory_space<hbm>>
        %dma_wait3A_46 = arith.constant 2000 : i32
        %dma_wait3A_47 = tpu.memref_slice %arg12[%dma_wait3A_46] : memref<8000xi32, #tpu.memory_space<vmem>> -> memref<2000xi32, #tpu.memory_space<vmem>>
        %dma_wait3A_48 = tpu.memref_slice %arg6[%add3A_29] : memref<6400000xi32, #tpu.memory_space<hbm>> -> memref<2000xi32, #tpu.memory_space<hbm>>
        tpu.wait_dma2 semaphore(%run_scoped3A : memref<!tpu.dma_semaphore, #tpu.memory_space<semaphore_mem>>) src(%dma_wait3A_48 : memref<2000xi32, #tpu.memory_space<hbm>>) dst(%dma_wait3A_47 : memref<2000xi32, #tpu.memory_space<vmem>>)
        tpu.yield
      }) : () -> ()
      %add3A_30 = arith.constant 3200000 : i32
      %add3A_31 = arith.addi %add3A_30, %add3A_25 : i32
      "tpu.region"() ({
        %run_scoped3A = tpu.sem_alloc : memref<!tpu.dma_semaphore, #tpu.memory_space<semaphore_mem>>
        %dma_start3A = arith.constant 4000 : i32
        %dma_start3A_39 = tpu.memref_slice %arg12[%dma_start3A] : memref<8000xi32, #tpu.memory_space<vmem>> -> memref<2000xi32, #tpu.memory_space<vmem>>
        %dma_start3A_40 = tpu.memref_slice %arg6[%add3A_31] : memref<6400000xi32, #tpu.memory_space<hbm>> -> memref<2000xi32, #tpu.memory_space<hbm>>
        %dma_start3A_41 = arith.constant 4000 : i32
        %dma_start3A_42 = tpu.memref_slice %arg12[%dma_start3A_41] : memref<8000xi32, #tpu.memory_space<vmem>> -> memref<2000xi32, #tpu.memory_space<vmem>>
        %dma_start3A_43 = tpu.memref_slice %arg6[%add3A_31] : memref<6400000xi32, #tpu.memory_space<hbm>> -> memref<2000xi32, #tpu.memory_space<hbm>>
        tpu.enqueue_dma source(%dma_start3A_43 : memref<2000xi32, #tpu.memory_space<hbm>>) target(%dma_start3A_42 : memref<2000xi32, #tpu.memory_space<vmem>>) target_semaphore(%run_scoped3A : memref<!tpu.dma_semaphore, #tpu.memory_space<semaphore_mem>>)
        %dma_wait3A = arith.constant 4000 : i32
        %dma_wait3A_44 = tpu.memref_slice %arg12[%dma_wait3A] : memref<8000xi32, #tpu.memory_space<vmem>> -> memref<2000xi32, #tpu.memory_space<vmem>>
        %dma_wait3A_45 = tpu.memref_slice %arg6[%add3A_31] : memref<6400000xi32, #tpu.memory_space<hbm>> -> memref<2000xi32, #tpu.memory_space<hbm>>
        %dma_wait3A_46 = arith.constant 4000 : i32
        %dma_wait3A_47 = tpu.memref_slice %arg12[%dma_wait3A_46] : memref<8000xi32, #tpu.memory_space<vmem>> -> memref<2000xi32, #tpu.memory_space<vmem>>
        %dma_wait3A_48 = tpu.memref_slice %arg6[%add3A_31] : memref<6400000xi32, #tpu.memory_space<hbm>> -> memref<2000xi32, #tpu.memory_space<hbm>>
        tpu.wait_dma2 semaphore(%run_scoped3A : memref<!tpu.dma_semaphore, #tpu.memory_space<semaphore_mem>>) src(%dma_wait3A_48 : memref<2000xi32, #tpu.memory_space<hbm>>) dst(%dma_wait3A_47 : memref<2000xi32, #tpu.memory_space<vmem>>)
        tpu.yield
      }) : () -> ()
      %add3A_32 = arith.constant 4800000 : i32
      %add3A_33 = arith.addi %add3A_32, %add3A_25 : i32
      "tpu.region"() ({
        %run_scoped3A = tpu.sem_alloc : memref<!tpu.dma_semaphore, #tpu.memory_space<semaphore_mem>>
        %dma_start3A = arith.constant 6000 : i32
        %dma_start3A_39 = tpu.memref_slice %arg12[%dma_start3A] : memref<8000xi32, #tpu.memory_space<vmem>> -> memref<2000xi32, #tpu.memory_space<vmem>>
        %dma_start3A_40 = tpu.memref_slice %arg6[%add3A_33] : memref<6400000xi32, #tpu.memory_space<hbm>> -> memref<2000xi32, #tpu.memory_space<hbm>>
        %dma_start3A_41 = arith.constant 6000 : i32
        %dma_start3A_42 = tpu.memref_slice %arg12[%dma_start3A_41] : memref<8000xi32, #tpu.memory_space<vmem>> -> memref<2000xi32, #tpu.memory_space<vmem>>
        %dma_start3A_43 = tpu.memref_slice %arg6[%add3A_33] : memref<6400000xi32, #tpu.memory_space<hbm>> -> memref<2000xi32, #tpu.memory_space<hbm>>
        tpu.enqueue_dma source(%dma_start3A_43 : memref<2000xi32, #tpu.memory_space<hbm>>) target(%dma_start3A_42 : memref<2000xi32, #tpu.memory_space<vmem>>) target_semaphore(%run_scoped3A : memref<!tpu.dma_semaphore, #tpu.memory_space<semaphore_mem>>)
        %dma_wait3A = arith.constant 6000 : i32
        %dma_wait3A_44 = tpu.memref_slice %arg12[%dma_wait3A] : memref<8000xi32, #tpu.memory_space<vmem>> -> memref<2000xi32, #tpu.memory_space<vmem>>
        %dma_wait3A_45 = tpu.memref_slice %arg6[%add3A_33] : memref<6400000xi32, #tpu.memory_space<hbm>> -> memref<2000xi32, #tpu.memory_space<hbm>>
        %dma_wait3A_46 = arith.constant 6000 : i32
        %dma_wait3A_47 = tpu.memref_slice %arg12[%dma_wait3A_46] : memref<8000xi32, #tpu.memory_space<vmem>> -> memref<2000xi32, #tpu.memory_space<vmem>>
        %dma_wait3A_48 = tpu.memref_slice %arg6[%add3A_33] : memref<6400000xi32, #tpu.memory_space<hbm>> -> memref<2000xi32, #tpu.memory_space<hbm>>
        tpu.wait_dma2 semaphore(%run_scoped3A : memref<!tpu.dma_semaphore, #tpu.memory_space<semaphore_mem>>) src(%dma_wait3A_48 : memref<2000xi32, #tpu.memory_space<hbm>>) dst(%dma_wait3A_47 : memref<2000xi32, #tpu.memory_space<vmem>>)
        tpu.yield
      }) : () -> ()
      %scan3A_34 = arith.constant 0 : i32
      %scan3A_35 = arith.constant 125 : i32
      %scan3A_36 = arith.addi %scan3A_34, %scan3A_35 : i32
      %scan3A_37 = arith.constant 1 : i32
      scf.for %scan3A_39 = %scan3A_34 to %scan3A_36 step %scan3A_37  : i32 {
        %mul3A_40 = arith.constant 16 : i32
        %mul3A_41 = arith.muli %scan3A_39, %mul3A_40 : i32
        %add3A_42 = arith.constant 0 : i32
        %add3A_43 = arith.addi %add3A_42, %mul3A_41 : i32
        %get3A = arith.index_cast %add3A_43 : i32 to index
        %get3A_44 = tpu.vector_load %arg12[%get3A] {strides = array<i32>} : memref<8000xi32, #tpu.memory_space<vmem>>, vector<16xi32>,
        %gather3A = tpu.vector_load_idx %arg11[%get3A_44] : memref<102400xf32, #tpu.memory_space<vmem>>[vector<16xi32>], vector<16xf32>,
        %mul3A_45 = arith.constant 16 : i32
        %mul3A_46 = arith.muli %scan3A_39, %mul3A_45 : i32
        %add3A_47 = arith.constant 2000 : i32
        %add3A_48 = arith.addi %add3A_47, %mul3A_46 : i32
        %get3A_49 = arith.index_cast %add3A_48 : i32 to index
        %get3A_50 = tpu.vector_load %arg12[%get3A_49] {strides = array<i32>} : memref<8000xi32, #tpu.memory_space<vmem>>, vector<16xi32>,
        %gather3A_51 = tpu.vector_load_idx %arg11[%get3A_50] : memref<102400xf32, #tpu.memory_space<vmem>>[vector<16xi32>], vector<16xf32>,
        %max3A = arith.maximumf %gather3A, %gather3A_51 : vector<16xf32>
        %mul3A_52 = arith.constant 16 : i32
        %mul3A_53 = arith.muli %scan3A_39, %mul3A_52 : i32
        %add3A_54 = arith.constant 4000 : i32
        %add3A_55 = arith.addi %add3A_54, %mul3A_53 : i32
        %get3A_56 = arith.index_cast %add3A_55 : i32 to index
        %get3A_57 = tpu.vector_load %arg12[%get3A_56] {strides = array<i32>} : memref<8000xi32, #tpu.memory_space<vmem>>, vector<16xi32>,
        %gather3A_58 = tpu.vector_load_idx %arg11[%get3A_57] : memref<102400xf32, #tpu.memory_space<vmem>>[vector<16xi32>], vector<16xf32>,
        %max3A_59 = arith.maximumf %max3A, %gather3A_58 : vector<16xf32>
        %mul3A_60 = arith.constant 16 : i32
        %mul3A_61 = arith.muli %scan3A_39, %mul3A_60 : i32
        %add3A_62 = arith.constant 6000 : i32
        %add3A_63 = arith.addi %add3A_62, %mul3A_61 : i32
        %get3A_64 = arith.index_cast %add3A_63 : i32 to index
        %get3A_65 = tpu.vector_load %arg12[%get3A_64] {strides = array<i32>} : memref<8000xi32, #tpu.memory_space<vmem>>, vector<16xi32>,
        %gather3A_66 = tpu.vector_load_idx %arg11[%get3A_65] : memref<102400xf32, #tpu.memory_space<vmem>>[vector<16xi32>], vector<16xf32>,
        %max3A_67 = arith.maximumf %max3A_59, %gather3A_66 : vector<16xf32>
        %mul3A_68 = arith.constant 16 : i32
        %mul3A_69 = arith.muli %scan3A_39, %mul3A_68 : i32
        %swap3A = arith.index_cast %mul3A_69 : i32 to index
        %swap3A_70 = tpu.vector_load %arg13[%swap3A] {strides = array<i32>} : memref<2000xf32, #tpu.memory_space<vmem>>, vector<16xf32>,
        tpu.vector_store %arg13[%swap3A], %max3A_67 {strides = array<i32>} : memref<2000xf32, #tpu.memory_space<vmem>>, vector<16xf32>,
      }
      %scan3A_38 = arith.constant 125 : i32
      "tpu.region"() ({
        %run_scoped3A = tpu.sem_alloc : memref<!tpu.dma_semaphore, #tpu.memory_space<semaphore_mem>>
        %dma_start3A = tpu.memref_slice %arg10[%add3A_25] : memref<1600000xf32, #tpu.memory_space<hbm>> -> memref<2000xf32, #tpu.memory_space<hbm>>
        %dma_start3A_39 = tpu.memref_slice %arg10[%add3A_25] : memref<1600000xf32, #tpu.memory_space<hbm>> -> memref<2000xf32, #tpu.memory_space<hbm>>
        tpu.enqueue_dma source(%arg13 : memref<2000xf32, #tpu.memory_space<vmem>>) target(%dma_start3A_39 : memref<2000xf32, #tpu.memory_space<hbm>>) target_semaphore(%run_scoped3A : memref<!tpu.dma_semaphore, #tpu.memory_space<semaphore_mem>>)
        %dma_wait3A = tpu.memref_slice %arg10[%add3A_25] : memref<1600000xf32, #tpu.memory_space<hbm>> -> memref<2000xf32, #tpu.memory_space<hbm>>
        %dma_wait3A_40 = tpu.memref_slice %arg10[%add3A_25] : memref<1600000xf32, #tpu.memory_space<hbm>> -> memref<2000xf32, #tpu.memory_space<hbm>>
        tpu.wait_dma2 semaphore(%run_scoped3A : memref<!tpu.dma_semaphore, #tpu.memory_space<semaphore_mem>>) src(%arg13 : memref<2000xf32, #tpu.memory_space<vmem>>) dst(%dma_wait3A_40 : memref<2000xf32, #tpu.memory_space<hbm>>)
        tpu.yield
      }) : () -> ()
    }
    %scan3A_21 = arith.constant 25 : i32
    return
  }
}

module attributes {stable_mosaic.version = 14 : i64} {
  func.func @_assemble_body(%arg0: i32, %arg1: memref<512xf32, #tpu.memory_space<vmem>>, %arg2: memref<512x3xf32, #tpu.memory_space<vmem>>, %arg3: memref<512x3xf32, #tpu.memory_space<vmem>>, %arg4: memref<512x24xf32, #tpu.memory_space<vmem>>, %arg5: memref<512xf32, #tpu.memory_space<vmem>>, %arg6: memref<512xf32, #tpu.memory_space<vmem>>, %arg7: memref<512xf32, #tpu.memory_space<vmem>>, %arg8: memref<512xf32, #tpu.memory_space<vmem>>, %arg9: memref<512xf32, #tpu.memory_space<vmem>>, %arg10: memref<512xf32, #tpu.memory_space<vmem>>, %arg11: memref<512xf32, #tpu.memory_space<vmem>>, %arg12: memref<512xf32, #tpu.memory_space<vmem>>, %arg13: memref<512xf32, #tpu.memory_space<vmem>>, %arg14: memref<512xf32, #tpu.memory_space<vmem>>, %arg15: memref<512xf32, #tpu.memory_space<vmem>>, %arg16: memref<512xf32, #tpu.memory_space<vmem>>, %arg17: memref<512xf32, #tpu.memory_space<vmem>>, %arg18: memref<1x3xf32, #tpu.memory_space<vmem>>, %arg19: memref<8x36xf32, #tpu.memory_space<vmem>>, %arg20: memref<512x36xf32, #tpu.memory_space<vmem>>) attributes {dimension_semantics = [#tpu.dimension_semantics<arbitrary>], iteration_bounds = array<i64: 3125>, scalar_prefetch = 0 : i64, scratch_operands = 0 : i64, tpu.core_type = #tpu.core_type<tc>, window_params = [{transform_indices = @transform_0, window_bounds = array<i64: 512>}, {transform_indices = @transform_1, window_bounds = array<i64: 512, 3>}, {transform_indices = @transform_2, window_bounds = array<i64: 512, 3>}, {transform_indices = @transform_3, window_bounds = array<i64: 512, 24>}, {transform_indices = @transform_4, window_bounds = array<i64: 512>}, {transform_indices = @transform_5, window_bounds = array<i64: 512>}, {transform_indices = @transform_6, window_bounds = array<i64: 512>}, {transform_indices = @transform_7, window_bounds = array<i64: 512>}, {transform_indices = @transform_8, window_bounds = array<i64: 512>}, {transform_indices = @transform_9, window_bounds = array<i64: 512>}, {transform_indices = @transform_10, window_bounds = array<i64: 512>}, {transform_indices = @transform_11, window_bounds = array<i64: 512>}, {transform_indices = @transform_12, window_bounds = array<i64: 512>}, {transform_indices = @transform_13, window_bounds = array<i64: 512>}, {transform_indices = @transform_14, window_bounds = array<i64: 512>}, {transform_indices = @transform_15, window_bounds = array<i64: 512>}, {transform_indices = @transform_16, window_bounds = array<i64: 512>}, {pipeline_mode = #tpu.pipeline_mode<synchronous>, transform_indices = @transform_17, window_bounds = array<i64: 1, 3>}, {pipeline_mode = #tpu.pipeline_mode<synchronous>, transform_indices = @transform_18, window_bounds = array<i64: 8, 36>}, {transform_indices = @transform_19, window_bounds = array<i64: 512, 36>}]} {
    %get3A = arith.constant 0 : index
    %get3A_0 = vector.load %arg5[%get3A] : memref<512xf32, #tpu.memory_space<vmem>>, vector<512xf32>
    %get3A_1 = arith.constant 0 : index
    %get3A_2 = vector.load %arg6[%get3A_1] : memref<512xf32, #tpu.memory_space<vmem>>, vector<512xf32>
    %get3A_3 = arith.constant 0 : index
    %get3A_4 = vector.load %arg7[%get3A_3] : memref<512xf32, #tpu.memory_space<vmem>>, vector<512xf32>
    %get3A_5 = arith.constant 0 : index
    %get3A_6 = vector.load %arg8[%get3A_5] : memref<512xf32, #tpu.memory_space<vmem>>, vector<512xf32>
    %get3A_7 = arith.constant 0 : index
    %get3A_8 = vector.load %arg9[%get3A_7] : memref<512xf32, #tpu.memory_space<vmem>>, vector<512xf32>
    %get3A_9 = arith.constant 0 : index
    %get3A_10 = vector.load %arg10[%get3A_9] : memref<512xf32, #tpu.memory_space<vmem>>, vector<512xf32>
    %get3A_11 = arith.constant 0 : index
    %get3A_12 = vector.load %arg11[%get3A_11] : memref<512xf32, #tpu.memory_space<vmem>>, vector<512xf32>
    %get3A_13 = arith.constant 0 : index
    %get3A_14 = vector.load %arg12[%get3A_13] : memref<512xf32, #tpu.memory_space<vmem>>, vector<512xf32>
    %get3A_15 = arith.constant 0 : index
    %get3A_16 = vector.load %arg13[%get3A_15] : memref<512xf32, #tpu.memory_space<vmem>>, vector<512xf32>
    %get3A_17 = arith.constant 0 : index
    %get3A_18 = vector.load %arg14[%get3A_17] : memref<512xf32, #tpu.memory_space<vmem>>, vector<512xf32>
    %get3A_19 = arith.constant 0 : index
    %get3A_20 = vector.load %arg15[%get3A_19] : memref<512xf32, #tpu.memory_space<vmem>>, vector<512xf32>
    %get3A_21 = arith.constant 0 : index
    %get3A_22 = vector.load %arg16[%get3A_21] : memref<512xf32, #tpu.memory_space<vmem>>, vector<512xf32>
    %get3A_23 = arith.constant 0 : index
    %get3A_24 = arith.constant 0 : index
    %get3A_25 = vector.load %arg18[%get3A_23, %get3A_24] : memref<1x3xf32, #tpu.memory_space<vmem>>, vector<1x1xf32>
    %get3A_26 = vector.extract %get3A_25[0, 0] : f32 from vector<1x1xf32>
    %get3A_27 = arith.constant 0 : index
    %get3A_28 = arith.constant 1 : index
    %get3A_29 = vector.load %arg18[%get3A_27, %get3A_28] : memref<1x3xf32, #tpu.memory_space<vmem>>, vector<1x1xf32>
    %get3A_30 = vector.extract %get3A_29[0, 0] : f32 from vector<1x1xf32>
    %get3A_31 = arith.constant 0 : index
    %get3A_32 = arith.constant 2 : index
    %get3A_33 = vector.load %arg18[%get3A_31, %get3A_32] : memref<1x3xf32, #tpu.memory_space<vmem>>, vector<1x1xf32>
    %get3A_34 = vector.extract %get3A_33[0, 0] : f32 from vector<1x1xf32>
    %add3A = arith.addf %get3A_0, %get3A_2 : vector<512xf32>
    %add3A_35 = arith.addf %add3A, %get3A_4 : vector<512xf32>
    %add3A_36 = arith.addf %add3A_35, %get3A_6 : vector<512xf32>
    %mul3A = arith.constant 2.500000e-01 : f32
    %mul3A_37 = vector.broadcast %mul3A : f32 to vector<512xf32>
    %mul3A_38 = arith.mulf %mul3A_37, %add3A_36 : vector<512xf32>
    %sub3A = vector.broadcast %get3A_26 : f32 to vector<512xf32>
    %sub3A_39 = arith.subf %mul3A_38, %sub3A : vector<512xf32>
    %mul3A_40 = arith.constant 1.000000e+00 : f32
    %mul3A_41 = vector.broadcast %mul3A_40 : f32 to vector<512xf32>
    %mul3A_42 = arith.mulf %sub3A_39, %mul3A_41 : vector<512xf32>
    %add3A_43 = arith.addf %get3A_8, %get3A_10 : vector<512xf32>
    %add3A_44 = arith.addf %add3A_43, %get3A_12 : vector<512xf32>
    %add3A_45 = arith.addf %add3A_44, %get3A_14 : vector<512xf32>
    %mul3A_46 = arith.constant 2.500000e-01 : f32
    %mul3A_47 = vector.broadcast %mul3A_46 : f32 to vector<512xf32>
    %mul3A_48 = arith.mulf %mul3A_47, %add3A_45 : vector<512xf32>
    %sub3A_49 = vector.broadcast %get3A_30 : f32 to vector<512xf32>
    %sub3A_50 = arith.subf %mul3A_48, %sub3A_49 : vector<512xf32>
    %mul3A_51 = arith.constant 1.000000e+00 : f32
    %mul3A_52 = vector.broadcast %mul3A_51 : f32 to vector<512xf32>
    %mul3A_53 = arith.mulf %sub3A_50, %mul3A_52 : vector<512xf32>
    %add3A_54 = arith.addf %get3A_16, %get3A_18 : vector<512xf32>
    %add3A_55 = arith.addf %add3A_54, %get3A_20 : vector<512xf32>
    %add3A_56 = arith.addf %add3A_55, %get3A_22 : vector<512xf32>
    %mul3A_57 = arith.constant 2.500000e-01 : f32
    %mul3A_58 = vector.broadcast %mul3A_57 : f32 to vector<512xf32>
    %mul3A_59 = arith.mulf %mul3A_58, %add3A_56 : vector<512xf32>
    %sub3A_60 = vector.broadcast %get3A_34 : f32 to vector<512xf32>
    %sub3A_61 = arith.subf %mul3A_59, %sub3A_60 : vector<512xf32>
    %mul3A_62 = arith.constant 1.000000e+00 : f32
    %mul3A_63 = vector.broadcast %mul3A_62 : f32 to vector<512xf32>
    %mul3A_64 = arith.mulf %sub3A_61, %mul3A_63 : vector<512xf32>
    %sub3A_65 = arith.subf %get3A_2, %get3A_0 : vector<512xf32>
    %sub3A_66 = arith.subf %get3A_10, %get3A_8 : vector<512xf32>
    %sub3A_67 = arith.subf %get3A_18, %get3A_16 : vector<512xf32>
    %sub3A_68 = arith.subf %get3A_4, %get3A_0 : vector<512xf32>
    %sub3A_69 = arith.subf %get3A_12, %get3A_8 : vector<512xf32>
    %sub3A_70 = arith.subf %get3A_20, %get3A_16 : vector<512xf32>
    %sub3A_71 = arith.subf %get3A_6, %get3A_0 : vector<512xf32>
    %sub3A_72 = arith.subf %get3A_14, %get3A_8 : vector<512xf32>
    %sub3A_73 = arith.subf %get3A_22, %get3A_16 : vector<512xf32>
    %mul3A_74 = arith.mulf %sub3A_69, %sub3A_73 : vector<512xf32>
    %mul3A_75 = arith.mulf %sub3A_70, %sub3A_72 : vector<512xf32>
    %sub3A_76 = arith.subf %mul3A_74, %mul3A_75 : vector<512xf32>
    %mul3A_77 = arith.mulf %sub3A_65, %sub3A_76 : vector<512xf32>
    %mul3A_78 = arith.mulf %sub3A_68, %sub3A_73 : vector<512xf32>
    %mul3A_79 = arith.mulf %sub3A_70, %sub3A_71 : vector<512xf32>
    %sub3A_80 = arith.subf %mul3A_78, %mul3A_79 : vector<512xf32>
    %mul3A_81 = arith.mulf %sub3A_66, %sub3A_80 : vector<512xf32>
    %sub3A_82 = arith.subf %mul3A_77, %mul3A_81 : vector<512xf32>
    %mul3A_83 = arith.mulf %sub3A_68, %sub3A_72 : vector<512xf32>
    %mul3A_84 = arith.mulf %sub3A_69, %sub3A_71 : vector<512xf32>
    %sub3A_85 = arith.subf %mul3A_83, %mul3A_84 : vector<512xf32>
    %mul3A_86 = arith.mulf %sub3A_67, %sub3A_85 : vector<512xf32>
    %add3A_87 = arith.addf %sub3A_82, %mul3A_86 : vector<512xf32>
    %abs3A = math.absf %add3A_87 : vector<512xf32>
    %mul3A_88 = arith.constant 0.166666672 : f32
    %mul3A_89 = vector.broadcast %mul3A_88 : f32 to vector<512xf32>
    %mul3A_90 = arith.mulf %abs3A, %mul3A_89 : vector<512xf32>
    %get3A_91 = arith.constant 0 : index
    %get3A_92 = vector.load %arg1[%get3A_91] : memref<512xf32, #tpu.memory_space<vmem>>, vector<512xf32>
    %jit3A = arith.constant 9.99999997E-7 : f32
    %max3A = vector.broadcast %jit3A : f32 to vector<512xf32>
    %max3A_93 = arith.maximumf %max3A, %get3A_92 : vector<512xf32>
    %log3A = math.log %max3A_93 : vector<512xf32>
    %jit3A_94 = arith.constant 1.500000e+01 : f32
    %min3A = vector.broadcast %jit3A_94 : f32 to vector<512xf32>
    %min3A_95 = arith.minimumf %min3A, %log3A : vector<512xf32>
    %exp3A = math.exp %min3A_95 : vector<512xf32>
    %get3A_96 = arith.constant 0 : index
    %get3A_97 = arith.constant 0 : index
    %get3A_98 = vector.load %arg3[%get3A_96, %get3A_97] : memref<512x3xf32, #tpu.memory_space<vmem>>, vector<512x3xf32>
    %jit3A_99 = arith.constant -9.900000e-01 : f32
    %jit3A_100 = arith.constant 9.900000e-01 : f32
    %max3A_101 = vector.broadcast %jit3A_99 : f32 to vector<512x3xf32>
    %max3A_102 = arith.maximumf %max3A_101, %get3A_98 : vector<512x3xf32>
    %min3A_103 = vector.broadcast %jit3A_100 : f32 to vector<512x3xf32>
    %min3A_104 = arith.minimumf %min3A_103, %max3A_102 : vector<512x3xf32>
    %broadcast_in_dim3A = vector.shape_cast %mul3A_42 : vector<512xf32> to vector<1x512xf32>
    %broadcast_in_dim3A_105 = vector.shape_cast %mul3A_53 : vector<512xf32> to vector<1x512xf32>
    %broadcast_in_dim3A_106 = vector.shape_cast %mul3A_64 : vector<512xf32> to vector<1x512xf32>
    %broadcast_in_dim3A_107 = vector.shape_cast %exp3A : vector<512xf32> to vector<1x512xf32>
    %broadcast_in_dim3A_108 = vector.shape_cast %mul3A_90 : vector<512xf32> to vector<1x512xf32>
    %get3A_109 = arith.constant 0 : index
    %get3A_110 = vector.load %arg17[%get3A_109] : memref<512xf32, #tpu.memory_space<vmem>>, vector<512xf32>
    %broadcast_in_dim3A_111 = vector.shape_cast %get3A_110 : vector<512xf32> to vector<1x512xf32>
    %broadcast_in_dim3A_112 = arith.constant 0.000000e+00 : f32
    %broadcast_in_dim3A_113 = vector.broadcast %broadcast_in_dim3A_112 : f32 to vector<2x512xf32>
    %concatenate3A = tpu.concatenate %broadcast_in_dim3A, %broadcast_in_dim3A_105, %broadcast_in_dim3A_106, %broadcast_in_dim3A_107, %broadcast_in_dim3A_108, %broadcast_in_dim3A_111, %broadcast_in_dim3A_113 in 0 : vector<1x512xf32>, vector<1x512xf32>, vector<1x512xf32>, vector<1x512xf32>, vector<1x512xf32>, vector<1x512xf32>, vector<2x512xf32> -> vector<8x512xf32>
    %get3A_114 = arith.constant 0 : index
    %get3A_115 = arith.constant 0 : index
    %get3A_116 = vector.load %arg19[%get3A_114, %get3A_115] : memref<8x36xf32, #tpu.memory_space<vmem>>, vector<8x36xf32>
    %dot_general3A = arith.constant dense<0.000000e+00> : vector<512x36xf32>
    %dot_general3A_117 = tpu.matmul %concatenate3A, %get3A_116, %dot_general3A {dimension_numbers = #tpu.dot_dimension_numbers<[0], [0], [1], [1], [0, 1, 1, 1], [], []>, precision = #tpu.contract_precision<fp32>, transpose_lhs_hint = false} : vector<8x512xf32>, vector<8x36xf32>, vector<512x36xf32> -> vector<512x36xf32>
    %broadcast_in_dim3A_118 = arith.constant 0.000000e+00 : f32
    %broadcast_in_dim3A_119 = vector.broadcast %broadcast_in_dim3A_118 : f32 to vector<512x4xf32>
    %get3A_120 = arith.constant 0 : index
    %get3A_121 = arith.constant 0 : index
    %get3A_122 = vector.load %arg2[%get3A_120, %get3A_121] : memref<512x3xf32, #tpu.memory_space<vmem>>, vector<512x3xf32>
    %get3A_123 = arith.constant 0 : index
    %get3A_124 = arith.constant 0 : index
    %get3A_125 = vector.load %arg4[%get3A_123, %get3A_124] : memref<512x24xf32, #tpu.memory_space<vmem>>, vector<512x24xf32>
    %broadcast_in_dim3A_126 = arith.constant 0.000000e+00 : f32
    %broadcast_in_dim3A_127 = vector.broadcast %broadcast_in_dim3A_126 : f32 to vector<512x2xf32>
    %concatenate3A_128 = tpu.concatenate %broadcast_in_dim3A_119, %get3A_122, %min3A_104, %get3A_125, %broadcast_in_dim3A_127 in 1 : vector<512x4xf32>, vector<512x3xf32>, vector<512x3xf32>, vector<512x24xf32>, vector<512x2xf32> -> vector<512x36xf32>
    %add3A_129 = arith.addf %concatenate3A_128, %dot_general3A_117 : vector<512x36xf32>
    %swap3A = arith.constant 0 : index
    %swap3A_130 = arith.constant 0 : index
    %swap3A_131 = vector.load %arg20[%swap3A, %swap3A_130] : memref<512x36xf32, #tpu.memory_space<vmem>>, vector<512x36xf32>
    tpu.vector_store %arg20[%swap3A, %swap3A_130], %add3A_129 {strides = array<i32>} : memref<512x36xf32, #tpu.memory_space<vmem>>, vector<512x36xf32>,
    return
  }
  func.func @transform_0(%arg0: i32) -> i32 {
    %c0_i32 = arith.constant 0 : i32
    return %arg0 : i32
  }
  func.func @transform_1(%arg0: i32) -> (i32, i32) {
    %c0_i32 = arith.constant 0 : i32
    %c0_i32_0 = arith.constant 0 : i32
    return %arg0, %c0_i32 : i32, i32
  }
  func.func @transform_2(%arg0: i32) -> (i32, i32) {
    %c0_i32 = arith.constant 0 : i32
    %c0_i32_0 = arith.constant 0 : i32
    return %arg0, %c0_i32 : i32, i32
  }
  func.func @transform_3(%arg0: i32) -> (i32, i32) {
    %c0_i32 = arith.constant 0 : i32
    %c0_i32_0 = arith.constant 0 : i32
    return %arg0, %c0_i32 : i32, i32
  }
  func.func @transform_4(%arg0: i32) -> i32 {
    %add3A = arith.constant 0 : i32
    %add3A_0 = arith.addi %add3A, %arg0 : i32
    %c0_i32 = arith.constant 0 : i32
    return %add3A_0 : i32
  }
  func.func @transform_5(%arg0: i32) -> i32 {
    %add3A = arith.constant 3125 : i32
    %add3A_0 = arith.addi %add3A, %arg0 : i32
    %c0_i32 = arith.constant 0 : i32
    return %add3A_0 : i32
  }
  func.func @transform_6(%arg0: i32) -> i32 {
    %add3A = arith.constant 6250 : i32
    %add3A_0 = arith.addi %add3A, %arg0 : i32
    %c0_i32 = arith.constant 0 : i32
    return %add3A_0 : i32
  }
  func.func @transform_7(%arg0: i32) -> i32 {
    %add3A = arith.constant 9375 : i32
    %add3A_0 = arith.addi %add3A, %arg0 : i32
    %c0_i32 = arith.constant 0 : i32
    return %add3A_0 : i32
  }
  func.func @transform_8(%arg0: i32) -> i32 {
    %add3A = arith.constant 0 : i32
    %add3A_0 = arith.addi %add3A, %arg0 : i32
    %c0_i32 = arith.constant 0 : i32
    return %add3A_0 : i32
  }
  func.func @transform_9(%arg0: i32) -> i32 {
    %add3A = arith.constant 3125 : i32
    %add3A_0 = arith.addi %add3A, %arg0 : i32
    %c0_i32 = arith.constant 0 : i32
    return %add3A_0 : i32
  }
  func.func @transform_10(%arg0: i32) -> i32 {
    %add3A = arith.constant 6250 : i32
    %add3A_0 = arith.addi %add3A, %arg0 : i32
    %c0_i32 = arith.constant 0 : i32
    return %add3A_0 : i32
  }
  func.func @transform_11(%arg0: i32) -> i32 {
    %add3A = arith.constant 9375 : i32
    %add3A_0 = arith.addi %add3A, %arg0 : i32
    %c0_i32 = arith.constant 0 : i32
    return %add3A_0 : i32
  }
  func.func @transform_12(%arg0: i32) -> i32 {
    %add3A = arith.constant 0 : i32
    %add3A_0 = arith.addi %add3A, %arg0 : i32
    %c0_i32 = arith.constant 0 : i32
    return %add3A_0 : i32
  }
  func.func @transform_13(%arg0: i32) -> i32 {
    %add3A = arith.constant 3125 : i32
    %add3A_0 = arith.addi %add3A, %arg0 : i32
    %c0_i32 = arith.constant 0 : i32
    return %add3A_0 : i32
  }
  func.func @transform_14(%arg0: i32) -> i32 {
    %add3A = arith.constant 6250 : i32
    %add3A_0 = arith.addi %add3A, %arg0 : i32
    %c0_i32 = arith.constant 0 : i32
    return %add3A_0 : i32
  }
  func.func @transform_15(%arg0: i32) -> i32 {
    %add3A = arith.constant 9375 : i32
    %add3A_0 = arith.addi %add3A, %arg0 : i32
    %c0_i32 = arith.constant 0 : i32
    return %add3A_0 : i32
  }
  func.func @transform_16(%arg0: i32) -> i32 {
    %c0_i32 = arith.constant 0 : i32
    return %arg0 : i32
  }
  func.func @transform_17(%arg0: i32) -> (i32, i32) {
    %c0_i32 = arith.constant 0 : i32
    %c0_i32_0 = arith.constant 0 : i32
    %c0_i32_1 = arith.constant 0 : i32
    return %c0_i32, %c0_i32_0 : i32, i32
  }
  func.func @transform_18(%arg0: i32) -> (i32, i32) {
    %c0_i32 = arith.constant 0 : i32
    %c0_i32_0 = arith.constant 0 : i32
    %c0_i32_1 = arith.constant 0 : i32
    return %c0_i32, %c0_i32_0 : i32, i32
  }
  func.func @transform_19(%arg0: i32) -> (i32, i32) {
    %c0_i32 = arith.constant 0 : i32
    %c0_i32_0 = arith.constant 0 : i32
    return %arg0, %c0_i32 : i32, i32
  }
}

</mosaic_0001>

<sc_bundles>
// kernel: kernel.12.cloned.1.call-start
scs
__scs_entry_jumppad:
0x0: {  	(pc) =	sbr.rel $0x88, $3  }
0x1: {  	(tag) =	ssettag $0x0;
	lr =	simm.s32 $0x1  }
0x2: {  	[smem:$0x3F99] =	sst lr;
	_ =	strace $0xD0000000  }
0x3: {  	_ = 	snop  }
0x4: {  	_ = 	snop  }
0x5: {  	_ = 	snop  }
0x6: {  	_ = 	snop  }
0x7: {  	_ = 	snop  }
__scs_overlays_trampoline_lowered:
0x8: {  	[smem:$0x3FA8] =	sst s0  }
0x9: {  	[smem:$0x3FA9] =	sst s1  }
0xa: {  	[smem:$0x3FAA] =	sst s2  }
0xb: {  	[smem:$0x3FAB] =	sst s3  }
0xc: {  	[smem:$0x3FAC] =	sst s4  }
0xd: {  	[smem:$0x3FAD] =	sst s5  }
0xe: {  	[smem:$0x3FAE] =	sst s6  }
0xf: {  	[smem:$0x3FAF] =	sst s7  }
0x10: {  	[smem:$0x3FB0] =	sst s8  }
0x11: {  	[smem:$0x3FB1] =	sst s9;
	s0 =	simm.s32 @!p0 $0x0  }
0x12: {  	s1 =	sld [smem:$0x3F97];
	s0 =	simm.s32 @p0 $0x1  }
0x13: {  	[smem:$0x3FB2] =	sst s0;
	s0 =	simm.s32 @!p1 $0x0  }
0x14: {  	s2 =	sld [smem:$0x3F96];
	s0 =	simm.s32 @p1 $0x1  }
0x15: {  	[smem:$0x3FB3] =	sst s0;
	s0 =	simm.s32 @!p2 $0x0  }
0x16: {  	s3 =	sld [smem:$0x3FDB];
	s0 =	simm.s32 @p2 $0x1  }
0x17: {  	s4 =	simm.s32 $0x1BF5;
	[smem:$0x3FB5] =	sst s0  }
0x18: {  	s0 =	sld [smem:$0x3F98];
	_ =	swait.ge [sflag:s4], $0x0  }
0x19: {  	s7 =	sld [smem:$0x3F99]  }
0x1a: {  	s8 =	sadd.s32 $0xFFFFE003, lr  }
0x1b: {  	s9 =	sadd.s32 $0xFFFFFEF7, lr;
	s5 =	simm.s32 $0xFFFFFFFF;
	p2 =	slt.u32 s8, $0xFFFFF086  }
0x1c: {  	p1 =	slt.u32 s9, $0xF7A;
	s5 =	simm.s32 @!p2 $0x0  }
0x1d: {  	s5 =	simm.s32 @p1 $0x1;
	p0 =	seq.s32 s7, s2  }
0x1e: {  	s7 =	smul.u32 @!p0 $0xF7A, s2;
	p2 =	seq.s32 @!p0 s5, $0x0  }
0x1f: {  	s9 =	smul.u32 $0xF7A, s1;
	s8 =	simm.s32 @!p0 $0x1BF5;
	p2 =	por !p2, p0  }
0x20: {  	[sflag:s8] =	ssyncset.s32 @!p0 $0xFFFFF086;
	s6 =	sadd.s32 @!p0 s3, s7;
	s7 =	simm.s32 @!p0 $0x108  }
0x21: {  	s3 =	sadd.s32 s3, s9;
	s6 =	sadd.s32 @!p0 $0x88, s6;
	s7 =	simm.s32 @p2 $0x1082  }
0x22: {  	[simem:s7], [sflag:s8] =	dma.local @!p0 [hbm:s6], $0xF7A  }
0x23: {  	s9 =	sor.u32 $0xD0000000, s2;
	s6 =	simm.s32 $0x108;
	_ =	swait.ge @!p0 [sflag:s8], $0x0  }
0x24: {  	s3 =	sadd.s32 $0x88, s3;
	s6 =	simm.s32 @!p1 $0x1082;
	[sflag:s4] =	ssyncset.s32 $0xFFFFF086  }
0x25: {  	[simem:s6], [sflag:s4] =	dma.local [hbm:s3], $0xF7A  }
0x26: {  	[smem:$0x3F99] =	sst s1;
	(tag) =	ssettag s2;
	_ =	strace s9  }
0x27: {  	s1 =	sld [smem:$0x3FA9]  }
0x28: {  	s2 =	sld [smem:$0x3FAA]  }
0x29: {  	s4 =	sld [smem:$0x3FAC]  }
0x2a: {  	p0 =	seq.s32 s5, $0x0;
	s5 =	sld [smem:$0x3FAD]  }
0x2b: {  	s6 =	sld [smem:$0x3FAE]  }
0x2c: {  	s7 =	sld [smem:$0x3FAF]  }
0x2d: {  	s3 =	simm.s32 $0x108;
	s8 =	sld [smem:$0x3FB0]  }
0x2e: {  	s3 =	simm.s32 @!p0 $0x1082;
	s9 =	sld [smem:$0x3FB1]  }
0x2f: {  	lr =	sadd.s32 s0, s3;
	s0 =	sld [smem:$0x3FA8]  }
0x30: {  	s3 =	sld [smem:$0x3FAB]  }
0x31: {  	[smem:$0x3FB4] =	sst s10  }
0x32: {  	s10 =	sld [smem:$0x3FB2];
	_ =	sdelay $0x3  }
0x33: {  	p0 =	seq.s32 s10, $0x1;
	s10 =	sld [smem:$0x3FB4];
	_ =	sdelay $0x3  }
0x34: {  	[smem:$0x3FB4] =	sst s10  }
0x35: {  	s10 =	sld [smem:$0x3FB3];
	_ =	sdelay $0x3  }
0x36: {  	p1 =	seq.s32 s10, $0x1;
	s10 =	sld [smem:$0x3FB4];
	_ =	sdelay $0x3  }
0x37: {  	[smem:$0x3FB4] =	sst s10  }
0x38: {  	s10 =	sld [smem:$0x3FB5]  }
0x39: {  	_ = 	snop;
	(pc) =	sbr.ind lr, $3  }
0x3a: {  	_ = 	snop  }
0x3b: {  	_ = 	snop  }
0x3c: {  	p2 =	seq.s32 s10, $0x1;
	s10 =	sld [smem:$0x3FB4]  }
0x3d: {  	_ =	shalt  }
0x3e: {  	_ =	shalt  }
0x3f: {  	_ =	shalt  }
0x40: {  	_ =	shalt  }
0x41: {  	_ =	shalt  }
0x42: {  	_ =	shalt  }
0x43: {  	_ =	shalt  }
0x44: {  	_ =	shalt  }
0x45: {  	_ =	shalt  }
0x46: {  	_ =	shalt  }
0x47: {  	_ =	shalt  }
0x48: {  	_ =	shalt  }
0x49: {  	_ =	shalt  }
0x4a: {  	_ =	shalt  }
0x4b: {  	_ =	shalt  }
0x4c: {  	_ =	shalt  }
0x4d: {  	_ =	shalt  }
0x4e: {  	_ =	shalt  }
0x4f: {  	_ =	shalt  }
0x50: {  	_ =	shalt  }
0x51: {  	_ =	shalt  }
0x52: {  	_ =	shalt  }
0x53: {  	_ =	shalt  }
0x54: {  	_ =	shalt  }
0x55: {  	_ =	shalt  }
0x56: {  	_ =	shalt  }
0x57: {  	_ =	shalt  }
0x58: {  	_ =	shalt  }
0x59: {  	_ =	shalt  }
0x5a: {  	_ =	shalt  }
0x5b: {  	_ =	shalt  }
0x5c: {  	_ =	shalt  }
0x5d: {  	_ =	shalt  }
0x5e: {  	_ =	shalt  }
0x5f: {  	_ =	shalt  }
0x60: {  	_ =	shalt  }
0x61: {  	_ =	shalt  }
0x62: {  	_ =	shalt  }
0x63: {  	_ =	shalt  }
0x64: {  	_ =	shalt  }
0x65: {  	_ =	shalt  }
0x66: {  	_ =	shalt  }
0x67: {  	_ =	shalt  }
0x68: {  	_ =	shalt  }
0x69: {  	_ =	shalt  }
0x6a: {  	_ =	shalt  }
0x6b: {  	_ =	shalt  }
0x6c: {  	_ =	shalt  }
0x6d: {  	_ =	shalt  }
0x6e: {  	_ =	shalt  }
0x6f: {  	_ =	shalt  }
0x70: {  	_ =	shalt  }
0x71: {  	_ =	shalt  }
0x72: {  	_ =	shalt  }
0x73: {  	_ =	shalt  }
0x74: {  	_ =	shalt  }
0x75: {  	_ =	shalt  }
0x76: {  	_ =	shalt  }
0x77: {  	_ =	shalt  }
0x78: {  	_ =	shalt  }
0x79: {  	_ =	shalt  }
0x7a: {  	_ =	shalt  }
0x7b: {  	_ =	shalt  }
0x7c: {  	_ =	shalt  }
0x7d: {  	_ =	shalt  }
0x7e: {  	_ =	shalt  }
0x7f: {  	_ =	shalt  }
0x80: {  	_ =	shalt  }
0x81: {  	_ =	shalt  }
0x82: {  	_ =	shalt  }
0x83: {  	_ =	shalt  }
0x84: {  	_ =	shalt  }
0x85: {  	_ =	shalt  }
0x86: {  	_ =	shalt  }
0x87: {  	_ =	shalt  }
.Lfunc_end0:
.L_simem_size_0:
called_computation.2_lowered:
.L_overlay_start_0:
0x88: {  	s2 =	sld [smem:$0x3FD9]  }
0x89: {  	s3 =	sld [smem:$0x3FFE];
	_ =	sdelay $0x1  }
0x8a: {  	s1 =	srdreg.scid  }
0x8b: {  	s0 =	sand.u32 $0x1, s1  }
0x8c: {  	s17 =	sshll.u32 s0, $0xA;
	s2 =	sadd.s32 s3, s2  }
0x8d: {  	s2 =	sadd.s32 s2, s17  }
0x8e: {  	[smem:$0x3FC0] =	sst s2  }
0x8f: {  	_ = 	snop  }
0x90: {  	s2 =	sld [smem:$0x3FD0];
	(tm) =	ssettm $0x1  }
0x91: {  	s18 =	sld [smem:$0x3FFB];
	_ =	sdelay $0x3  }
0x92: {  	_ =	strace s18  }
0x93: {  	s3 =	sld [smem:$0x3FFC];
	_ =	sdelay $0x3  }
0x94: {  	_ =	strace s3  }
0x95: {  	s3 =	sld [smem:$0x3FFD];
	_ =	sdelay $0x3  }
0x96: {  	_ =	strace s3  }
0x97: {  	_ =	strace $0x8FFFFFFF  }
0x98: {  	s19 =	sld [smem:$0x3FDB];
	_ =	sdelay $0x1  }
0x99: {  	s4 =	simm.s32 $_scs_section_size  }
0x9a: {  	s5 =	simm.s32 $_size__tile_overlayer_lowered;
	s6 =	simm.s32 $_tile_overlayer_lowered  }
0x9b: {  	s22 =	simm.s32 $0x1BFF;
	s21 =	sshll.u32 s6, $0x1;
	s3 =	sadd.s32 s4, s19  }
0x9c: {  	s7 =	simm.s32 $0x0;
	s20 =	sshll.u32 s5, $0x1;
	s5 =	sadd.s32 s21, s3  }
0x9d: {  	[timem:s7], [sflag:s22] =	dma.local [hbm:s5], s20  }
0x9e: {  	_ =	swait.ge [sflag:s22], s20  }
0x9f: {  	s4 =	ssub.s32 $0x0, s20;
	[sflag:s22] =	ssyncset.done $0x0  }
0xa0: {  	[sflag:s22] =	ssyncadd.s32 s4;
	_ =	sdelay $0x1  }
0xa1: {  	s23 =	simm.s32 $0x1B8B  }
0xa2: {  	_ =	swait.ge [sflag:s23], $0x1  }
0xa3: {  	[sflag:s23] =	ssyncset.done $0x0  }
0xa4: {  	s25 =	simm.s32 $0x1B8E;
	s24 =	sld [smem:$0x3FFE];
	[sflag:s23] =	ssyncadd.s32 $0xFFFFFFFF  }
0xa5: {  	s26 =	simm.s32 $execute0_lowered;
	[smem:$0x3FD2] =	sst s25  }
0xa6: {  	s5 =	sshll.u32 s26, $0x1;
	_ =	strace $0x8000004C;
	[dreg:$0x1] =	wrdreg $0xFFFFFFFF  }
0xa7: {  	s28 =	simm.s32 $_size_execute0_lowered;
	s3 =	sadd.s32 s3, s5;
	[dreg:$0x0] =	wrdreg $0x0  }
0xa8: {  	s5 =	sshll.u32 s28, $0x1;
	[dreg:$0x2] =	wrdreg s3  }
0xa9: {  	[dreg:$0x3] =	wrdreg s5  }
0xaa: {  	[dreg:$0x4] =	wrdreg $0xC0  }
0xab: {  	_ =	task [dreg:s7], $0x5FFFF  }
0xac: {  	[dreg:$0x1] =	wrdreg $0xFFFFFFFF  }
0xad: {  	[dreg:$0x0] =	wrdreg $0x60  }
0xae: {  	[dreg:$0x2] =	wrdreg s24  }
0xaf: {  	[dreg:$0x3] =	wrdreg s2  }
0xb0: {  	[dreg:$0x4] =	wrdreg $0x9  }
0xb1: {  	_ =	task.clear_ibuf [dreg:s7], $0x5FFFF;
	_ =	strace $0x9000004C  }
0xb2: {  	s29 =	simm.s32 $0x9;
	_ =	strace $0x8000004E  }
0xb3: {  	_ =	swait.ge [sflag:s29], $0x1  }
0xb4: {  	[sflag:s29] =	ssyncadd.s32 $0xFFFFFFFF  }
0xb5: {  	_ =	strace $0x9000004E  }
0xb6: {  	_ =	sfence  }
0xb7: {  	s30 =	sld [smem:$0x0];
	_ =	sdelay $0x2  }
0xb8: {  	s31 =	sshll.u32 s1, $0xD;
	s1 =	sshrl.u32 s1, $0x2  }
0xb9: {  	s3 =	sand.u32 $0x4000, s31;
	s1 =	sadd.s32 s1, s30  }
0xba: {  	s0 =	sor.u32 s3, s0;
	s1 =	sshll.u32 s1, $0x11  }
0xbb: {  	s0 =	sor.u32 s1, s0  }
0xbc: {  	s0 =	sadd.s32 $0x8F2B, s0  }
0xbd: {  	[sflag:s0] =	ssyncadd.remote.s32 $0x1  }
0xbe: {  	_ =	sfence.sel $0xFFFF  }
0xbf: {  	[dreg:$0x0] =	wrdreg $0xFFFFFFFF;
	(pc) =	sbr.abs _section_cstart, $3  }
0xc0: {  	[dreg:$0x1] =	wrdreg $0xFFFFFFFF  }
0xc1: {  	_ =	task.clear_ibuf [dreg:s7], $0x2FFFF;
	_ =	strace $0x9FFFFFFF  }
0xc2: {  	(tm) =	ssettm $0x7FFFFFFF  }
0xc3: {  	_ =	shalt  }
tec
execute0_lowered:
.L_overlay_start_1:
0x0: {  	(tag) =	ssettag $0x1  }
0x1: {  	s11 =	rddreg [dreg:$0x0]  }
0x2: {  	s1 =	rddreg [dreg:$0x1]  }
0x3: {  	s0 =	rddreg [dreg:$0x2];
	s2 =	simm.s32 $0x0  }
0x4: {  	s6 =	srdreg.scid;
	s16 =	simm.s32 $0x197D0;
	s17 =	simm.s32 $0x19FA0  }
0x5: {  	s18 =	simm.s32 $0x1A770;
	s19 =	simm.s32 $0x1AF80;
	s20 =	simm.s32 $0x0  }
0x6: {  	[smem:$0x7FF] =	sst s2;
	s3 =	sadd.s32 $0x6FC00, s11;
	s4 =	sadd.s32 $0x6CA00, s11  }
0x7: {  	s5 =	sadd.s32 $0x69800, s11;
	s7 =	sadd.s32 $0x66600, s11;
	s8 =	sadd.s32 $0x72E00, s11  }
0x8: {  	s12 =	sand.u32 $0x1, s6;
	s9 =	sadd.s32 $0x136400, s11;
	s6 =	stileid.u32  }
0x9: {  	s10 =	sadd.s32 $0x1F9A00, s11;
	s11 =	sadd.s32 $0x2600, s11;
	s13 =	ssub.s32 $0x2, s12  }
0xa: {  	_ =	strace $0x8000004D;
	s15 =	sshll.u32 s6, $0x1;
	s14 =	sshrl.u32 s13, $0x1  }
0xb: {  	s12 =	sor.u32 s12, s15;
	s15 =	simm.s32 $0x19000;
	s13 =	ssub.s32 s13, s14  }
0xc: {  	s12 =	smul.u32 $0xC350, s12;
	s14 =	simm.s32 $0x1;
	s13 =	smax.u32 s13, $0x1  }
.LBB2_1:
0xd: {  	[tilespmem:s2], [sflag:$0x1] =	stream.linear.gather [hbm4b:s3+s2], $0x19000, $0x38;
	[tilespmem:$0x1B780] =	vst v63  }
0xe: {  	_ =	swait.ge [sflag:s14], $0x19000  }
0xf: {  	[sflag:s14] =	ssyncset.done $0x0  }
0x10: {  	s21 =	simm.s32 $0x0;
	[sflag:s14] =	ssyncadd.s32 $0xFFFE7000  }
.LBB2_2:
0x11: {  	s22 =	smul.u32 $0x7D0, s21;
	_ =	sdelay $0x1  }
0x12: {  	s22 =	sadd.s32 s12, s22  }
0x13: {  	s25 =	sshrl.u32 s22, $0x3  }
0x14: {  	s26 =	simm.s32 $0x0;
	s22 =	sadd.s32 s1, s25  }
0x15: {  	[tilespmem:s15], [sflag:$0x1] =	stream.linear.gather [hbm4b:s22+s26], $0x7D0, $0x38;
	[tilespmem:$0x1B780] =	vst v63  }
0x16: {  	_ =	swait.ge [sflag:s14], $0x7D0  }
0x17: {  	s24 =	sadd.s32 $0x30D40, s25;
	[sflag:s14] =	ssyncset.done $0x0  }
0x18: {  	s30 =	sadd.s32 s1, s24;
	[sflag:s14] =	ssyncadd.s32 $0xFFFFF830  }
0x19: {  	[tilespmem:s16], [sflag:$0x1] =	stream.linear.gather [hbm4b:s30+s26], $0x7D0, $0x38;
	[tilespmem:$0x1B780] =	vst v63  }
0x1a: {  	_ =	swait.ge [sflag:s14], $0x7D0  }
0x1b: {  	s23 =	sadd.s32 $0x61A80, s25;
	[sflag:s14] =	ssyncset.done $0x0  }
0x1c: {  	s31 =	sadd.s32 s1, s23;
	[sflag:s14] =	ssyncadd.s32 $0xFFFFF830  }
0x1d: {  	[tilespmem:s17], [sflag:$0x1] =	stream.linear.gather [hbm4b:s31+s26], $0x7D0, $0x38;
	[tilespmem:$0x1B780] =	vst v63  }
0x1e: {  	_ =	swait.ge [sflag:s14], $0x7D0  }
0x1f: {  	s22 =	sadd.s32 $0x927C0, s25;
	[sflag:s14] =	ssyncset.done $0x0  }
0x20: {  	s28 =	sadd.s32 s1, s22;
	[sflag:s14] =	ssyncadd.s32 $0xFFFFF830  }
0x21: {  	[tilespmem:s18], [sflag:$0x1] =	stream.linear.gather [hbm4b:s28+s26], $0x7D0, $0x38;
	[tilespmem:$0x1B780] =	vst v63  }
0x22: {  	_ =	swait.ge [sflag:s14], $0x7D0  }
0x23: {  	[sflag:s14] =	ssyncset.done $0x0  }
0x24: {  	s26 =	simm.s32 $0x0;
	[sflag:s14] =	ssyncadd.s32 $0xFFFFF830  }
0x25: {  	v0 =	vld [tilespmem:s26+$0x19000];
	_ =	sdelay $0x7  }
0x26: {  	s29 =	simm.s32 $0x80;
	s28 =	simm.s32 $0x10;
	v0 =	vld.idx.msk [tilespmem:v0+s2+$0x0], $0xffff  }
.LBB2_3:
0x27: {  	p0 =	sne.s32 s29, $0x1F00;
	v1 =	vld [tilespmem:s28+$0x19000];
	_ =	sdelay $0x3  }
.Ltmp0:
0x28: {  	(pc) =	sbr.rel @p0 .LBB2_3-.Ltmp0, $2  }
0x29: {  	[tilespmem:s26+$0x1AF80] =	vst v0;
	s26 =	smov.u32 s28;
	_ =	sdelay $0x2  }
0x2a: {  	s28 =	sshra.s32 s29, $0x2;
	s29 =	sadd.s32 $0x40, s29;
	v0 =	vld.idx.msk [tilespmem:v1+s2+$0x0], $0xffff  }
0x2b: {  	v1 =	vld [tilespmem:s28+$0x19000];
	_ =	sdelay $0x6  }
0x2c: {  	[tilespmem:s26+$0x1AF80] =	vst v0  }
0x2d: {  	v0 =	vld.idx.msk [tilespmem:v1+s2+$0x0], $0xffff;
	_ =	sdelay $0x4  }
0x2e: {  	s25 =	sadd.s32 s8, s25;
	s31 =	simm.s32 $0x0;
	[tilespmem:s28+$0x1AF80] =	vst v0  }
0x2f: {  	[hbm4b:s25+s31] =	stream.linear.scatter [tilespmem:s19], [sflag:$0x1], $0x7D0, $0x38;
	[tilespmem:$0x1B780] =	vst v63  }
0x30: {  	_ =	swait.ge [sflag:s14], $0x7D0  }
0x31: {  	[sflag:s14] =	ssyncset.done $0x0  }
0x32: {  	s25 =	simm.s32 $0x0;
	[sflag:s14] =	ssyncadd.s32 $0xFFFFF830  }
0x33: {  	v0 =	vld [tilespmem:s25+$0x197D0];
	_ =	sdelay $0x7  }
0x34: {  	s26 =	simm.s32 $0x10;
	s28 =	simm.s32 $0x80;
	v0 =	vld.idx.msk [tilespmem:v0+s2+$0x0], $0xffff  }
.LBB2_5:
0x35: {  	p0 =	sne.s32 s28, $0x1F00;
	v1 =	vld [tilespmem:s26+$0x197D0];
	_ =	sdelay $0x3  }
.Ltmp1:
0x36: {  	(pc) =	sbr.rel @p0 .LBB2_5-.Ltmp1, $2  }
0x37: {  	[tilespmem:s25+$0x1AF80] =	vst v0;
	s25 =	smov.u32 s26;
	_ =	sdelay $0x2  }
0x38: {  	s26 =	sshra.s32 s28, $0x2;
	s28 =	sadd.s32 $0x40, s28;
	v0 =	vld.idx.msk [tilespmem:v1+s2+$0x0], $0xffff  }
0x39: {  	v1 =	vld [tilespmem:s26+$0x197D0];
	_ =	sdelay $0x6  }
0x3a: {  	[tilespmem:s25+$0x1AF80] =	vst v0  }
0x3b: {  	v0 =	vld.idx.msk [tilespmem:v1+s2+$0x0], $0xffff;
	_ =	sdelay $0x4  }
0x3c: {  	s24 =	sadd.s32 s8, s24;
	s31 =	simm.s32 $0x0;
	[tilespmem:s26+$0x1AF80] =	vst v0  }
0x3d: {  	[hbm4b:s24+s31] =	stream.linear.scatter [tilespmem:s19], [sflag:$0x1], $0x7D0, $0x38;
	[tilespmem:$0x1B780] =	vst v63  }
0x3e: {  	_ =	swait.ge [sflag:s14], $0x7D0  }
0x3f: {  	[sflag:s14] =	ssyncset.done $0x0  }
0x40: {  	s24 =	simm.s32 $0x0;
	[sflag:s14] =	ssyncadd.s32 $0xFFFFF830  }
0x41: {  	v0 =	vld [tilespmem:s24+$0x19FA0];
	_ =	sdelay $0x7  }
0x42: {  	s25 =	simm.s32 $0x10;
	s26 =	simm.s32 $0x80;
	v0 =	vld.idx.msk [tilespmem:v0+s2+$0x0], $0xffff  }
.LBB2_7:
0x43: {  	p0 =	sne.s32 s26, $0x1F00;
	v1 =	vld [tilespmem:s25+$0x19FA0];
	_ =	sdelay $0x3  }
.Ltmp2:
0x44: {  	(pc) =	sbr.rel @p0 .LBB2_7-.Ltmp2, $2  }
0x45: {  	[tilespmem:s24+$0x1AF80] =	vst v0;
	s24 =	smov.u32 s25;
	_ =	sdelay $0x2  }
0x46: {  	s25 =	sshra.s32 s26, $0x2;
	s26 =	sadd.s32 $0x40, s26;
	v0 =	vld.idx.msk [tilespmem:v1+s2+$0x0], $0xffff  }
0x47: {  	v1 =	vld [tilespmem:s25+$0x19FA0];
	_ =	sdelay $0x6  }
0x48: {  	[tilespmem:s24+$0x1AF80] =	vst v0  }
0x49: {  	v0 =	vld.idx.msk [tilespmem:v1+s2+$0x0], $0xffff;
	_ =	sdelay $0x4  }
0x4a: {  	s23 =	sadd.s32 s8, s23;
	s31 =	simm.s32 $0x0;
	[tilespmem:s25+$0x1AF80] =	vst v0  }
0x4b: {  	[hbm4b:s23+s31] =	stream.linear.scatter [tilespmem:s19], [sflag:$0x1], $0x7D0, $0x38;
	[tilespmem:$0x1B780] =	vst v63  }
0x4c: {  	_ =	swait.ge [sflag:s14], $0x7D0  }
0x4d: {  	[sflag:s14] =	ssyncset.done $0x0  }
0x4e: {  	s23 =	simm.s32 $0x0;
	[sflag:s14] =	ssyncadd.s32 $0xFFFFF830  }
0x4f: {  	v0 =	vld [tilespmem:s23+$0x1A770];
	_ =	sdelay $0x7  }
0x50: {  	s24 =	simm.s32 $0x10;
	s25 =	simm.s32 $0x80;
	v0 =	vld.idx.msk [tilespmem:v0+s2+$0x0], $0xffff  }
.LBB2_9:
0x51: {  	p0 =	sne.s32 s25, $0x1F00;
	v1 =	vld [tilespmem:s24+$0x1A770];
	_ =	sdelay $0x3  }
.Ltmp3:
0x52: {  	(pc) =	sbr.rel @p0 .LBB2_9-.Ltmp3, $2  }
0x53: {  	[tilespmem:s23+$0x1AF80] =	vst v0;
	s23 =	smov.u32 s24;
	_ =	sdelay $0x2  }
0x54: {  	s24 =	sshra.s32 s25, $0x2;
	s25 =	sadd.s32 $0x40, s25;
	v0 =	vld.idx.msk [tilespmem:v1+s2+$0x0], $0xffff  }
0x55: {  	v1 =	vld [tilespmem:s24+$0x1A770];
	_ =	sdelay $0x6  }
0x56: {  	[tilespmem:s23+$0x1AF80] =	vst v0  }
0x57: {  	v0 =	vld.idx.msk [tilespmem:v1+s2+$0x0], $0xffff;
	_ =	sdelay $0x2  }
0x58: {  	s21 =	sadd.s32 $0x1, s21  }
0x59: {  	p0 =	sne.s32 s21, $0x19  }
.Ltmp4:
0x5a: {  	s22 =	sadd.s32 s8, s22;
	[tilespmem:s24+$0x1AF80] =	vst v0;
	(pc) =	sbr.rel @p0 .LBB2_2-.Ltmp4, $4  }
0x5b: {  	[hbm4b:s22+s2] =	stream.linear.scatter [tilespmem:s19], [sflag:$0x1], $0x7D0, $0x38;
	[tilespmem:$0x1B780] =	vst v63  }
0x5c: {  	_ =	swait.ge [sflag:s14], $0x7D0  }
0x5d: {  	[sflag:s14] =	ssyncset.done $0x0  }
0x5e: {  	[sflag:s14] =	ssyncadd.s32 $0xFFFFF830  }
0x5f: {  	s21 =	simm.s32 $0x0  }
0x60: {  	[tilespmem:s21], [sflag:$0x1] =	stream.linear.gather [hbm4b:s4+s21], $0x19000, $0x38;
	[tilespmem:$0x1B780] =	vst v63  }
0x61: {  	_ =	swait.ge [sflag:s14], $0x19000  }
0x62: {  	[sflag:s14] =	ssyncset.done $0x0  }
0x63: {  	s22 =	simm.s32 $0x0;
	[sflag:s14] =	ssyncadd.s32 $0xFFFE7000  }
.LBB2_12:
0x64: {  	s23 =	smul.u32 $0x7D0, s22;
	_ =	sdelay $0x1  }
0x65: {  	s23 =	sadd.s32 s12, s23  }
0x66: {  	s26 =	sshrl.u32 s23, $0x3  }
0x67: {  	s23 =	sadd.s32 s1, s26  }
0x68: {  	[tilespmem:s15], [sflag:$0x1] =	stream.linear.gather [hbm4b:s23+s21], $0x7D0, $0x38;
	[tilespmem:$0x1B780] =	vst v63  }
0x69: {  	_ =	swait.ge [sflag:s14], $0x7D0  }
0x6a: {  	s25 =	sadd.s32 $0x30D40, s26;
	[sflag:s14] =	ssyncset.done $0x0  }
0x6b: {  	s24 =	sadd.s32 s1, s25;
	[sflag:s14] =	ssyncadd.s32 $0xFFFFF830  }
0x6c: {  	[tilespmem:s16], [sflag:$0x1] =	stream.linear.gather [hbm4b:s24+s21], $0x7D0, $0x38;
	[tilespmem:$0x1B780] =	vst v63  }
0x6d: {  	_ =	swait.ge [sflag:s14], $0x7D0  }
0x6e: {  	s24 =	sadd.s32 $0x61A80, s26;
	[sflag:s14] =	ssyncset.done $0x0  }
0x6f: {  	s31 =	sadd.s32 s1, s24;
	[sflag:s14] =	ssyncadd.s32 $0xFFFFF830  }
0x70: {  	[tilespmem:s17], [sflag:$0x1] =	stream.linear.gather [hbm4b:s31+s21], $0x7D0, $0x38;
	[tilespmem:$0x1B780] =	vst v63  }
0x71: {  	_ =	swait.ge [sflag:s14], $0x7D0  }
0x72: {  	s23 =	sadd.s32 $0x927C0, s26;
	[sflag:s14] =	ssyncset.done $0x0  }
0x73: {  	s28 =	sadd.s32 s1, s23;
	[sflag:s14] =	ssyncadd.s32 $0xFFFFF830  }
0x74: {  	[tilespmem:s18], [sflag:$0x1] =	stream.linear.gather [hbm4b:s28+s21], $0x7D0, $0x38;
	[tilespmem:$0x1B780] =	vst v63  }
0x75: {  	_ =	swait.ge [sflag:s14], $0x7D0  }
0x76: {  	[sflag:s14] =	ssyncset.done $0x0  }
0x77: {  	s28 =	simm.s32 $0x0;
	[sflag:s14] =	ssyncadd.s32 $0xFFFFF830  }
0x78: {  	v0 =	vld [tilespmem:s28+$0x19000];
	_ =	sdelay $0x7  }
0x79: {  	s29 =	simm.s32 $0x10;
	s30 =	simm.s32 $0x80;
	v0 =	vld.idx.msk [tilespmem:v0+s2+$0x0], $0xffff  }
.LBB2_13:
0x7a: {  	p0 =	sne.s32 s30, $0x1F00;
	v1 =	vld [tilespmem:s29+$0x19000];
	_ =	sdelay $0x3  }
.Ltmp5:
0x7b: {  	(pc) =	sbr.rel @p0 .LBB2_13-.Ltmp5, $2  }
0x7c: {  	[tilespmem:s28+$0x1AF80] =	vst v0;
	s28 =	smov.u32 s29;
	_ =	sdelay $0x2  }
0x7d: {  	s29 =	sshra.s32 s30, $0x2;
	s30 =	sadd.s32 $0x40, s30;
	v0 =	vld.idx.msk [tilespmem:v1+s2+$0x0], $0xffff  }
0x7e: {  	v1 =	vld [tilespmem:s29+$0x19000];
	_ =	sdelay $0x6  }
0x7f: {  	[tilespmem:s28+$0x1AF80] =	vst v0  }
0x80: {  	v0 =	vld.idx.msk [tilespmem:v1+s2+$0x0], $0xffff;
	_ =	sdelay $0x4  }
0x81: {  	s26 =	sadd.s32 s9, s26;
	s28 =	simm.s32 $0x0;
	[tilespmem:s29+$0x1AF80] =	vst v0  }
0x82: {  	[hbm4b:s26+s28] =	stream.linear.scatter [tilespmem:s19], [sflag:$0x1], $0x7D0, $0x38;
	[tilespmem:$0x1B780] =	vst v63  }
0x83: {  	_ =	swait.ge [sflag:s14], $0x7D0  }
0x84: {  	[sflag:s14] =	ssyncset.done $0x0  }
0x85: {  	s26 =	simm.s32 $0x0;
	[sflag:s14] =	ssyncadd.s32 $0xFFFFF830  }
0x86: {  	v0 =	vld [tilespmem:s26+$0x197D0];
	_ =	sdelay $0x7  }
0x87: {  	s29 =	simm.s32 $0x80;
	s28 =	simm.s32 $0x10;
	v0 =	vld.idx.msk [tilespmem:v0+s2+$0x0], $0xffff  }
.LBB2_15:
0x88: {  	p0 =	sne.s32 s29, $0x1F00;
	v1 =	vld [tilespmem:s28+$0x197D0];
	_ =	sdelay $0x3  }
.Ltmp6:
0x89: {  	(pc) =	sbr.rel @p0 .LBB2_15-.Ltmp6, $2  }
0x8a: {  	[tilespmem:s26+$0x1AF80] =	vst v0;
	s26 =	smov.u32 s28;
	_ =	sdelay $0x2  }
0x8b: {  	s28 =	sshra.s32 s29, $0x2;
	s29 =	sadd.s32 $0x40, s29;
	v0 =	vld.idx.msk [tilespmem:v1+s2+$0x0], $0xffff  }
0x8c: {  	v1 =	vld [tilespmem:s28+$0x197D0];
	_ =	sdelay $0x6  }
0x8d: {  	[tilespmem:s26+$0x1AF80] =	vst v0  }
0x8e: {  	v0 =	vld.idx.msk [tilespmem:v1+s2+$0x0], $0xffff;
	_ =	sdelay $0x4  }
0x8f: {  	s25 =	sadd.s32 s9, s25;
	s31 =	simm.s32 $0x0;
	[tilespmem:s28+$0x1AF80] =	vst v0  }
0x90: {  	[hbm4b:s25+s31] =	stream.linear.scatter [tilespmem:s19], [sflag:$0x1], $0x7D0, $0x38;
	[tilespmem:$0x1B780] =	vst v63  }
0x91: {  	_ =	swait.ge [sflag:s14], $0x7D0  }
0x92: {  	[sflag:s14] =	ssyncset.done $0x0  }
0x93: {  	s25 =	simm.s32 $0x0;
	[sflag:s14] =	ssyncadd.s32 $0xFFFFF830  }
0x94: {  	v0 =	vld [tilespmem:s25+$0x19FA0];
	_ =	sdelay $0x7  }
0x95: {  	s26 =	simm.s32 $0x10;
	s28 =	simm.s32 $0x80;
	v0 =	vld.idx.msk [tilespmem:v0+s2+$0x0], $0xffff  }
.LBB2_17:
0x96: {  	p0 =	sne.s32 s28, $0x1F00;
	v1 =	vld [tilespmem:s26+$0x19FA0];
	_ =	sdelay $0x3  }
.Ltmp7:
0x97: {  	(pc) =	sbr.rel @p0 .LBB2_17-.Ltmp7, $2  }
0x98: {  	[tilespmem:s25+$0x1AF80] =	vst v0;
	s25 =	smov.u32 s26;
	_ =	sdelay $0x2  }
0x99: {  	s26 =	sshra.s32 s28, $0x2;
	s28 =	sadd.s32 $0x40, s28;
	v0 =	vld.idx.msk [tilespmem:v1+s2+$0x0], $0xffff  }
0x9a: {  	v1 =	vld [tilespmem:s26+$0x19FA0];
	_ =	sdelay $0x6  }
0x9b: {  	[tilespmem:s25+$0x1AF80] =	vst v0  }
0x9c: {  	v0 =	vld.idx.msk [tilespmem:v1+s2+$0x0], $0xffff;
	_ =	sdelay $0x4  }
0x9d: {  	s24 =	sadd.s32 s9, s24;
	s31 =	simm.s32 $0x0;
	[tilespmem:s26+$0x1AF80] =	vst v0  }
0x9e: {  	[hbm4b:s24+s31] =	stream.linear.scatter [tilespmem:s19], [sflag:$0x1], $0x7D0, $0x38;
	[tilespmem:$0x1B780] =	vst v63  }
0x9f: {  	_ =	swait.ge [sflag:s14], $0x7D0  }
0xa0: {  	[sflag:s14] =	ssyncset.done $0x0  }
0xa1: {  	s24 =	simm.s32 $0x0;
	[sflag:s14] =	ssyncadd.s32 $0xFFFFF830  }
0xa2: {  	v0 =	vld [tilespmem:s24+$0x1A770];
	_ =	sdelay $0x7  }
0xa3: {  	s25 =	simm.s32 $0x10;
	s26 =	simm.s32 $0x80;
	v0 =	vld.idx.msk [tilespmem:v0+s2+$0x0], $0xffff  }
.LBB2_19:
0xa4: {  	p0 =	sne.s32 s26, $0x1F00;
	v1 =	vld [tilespmem:s25+$0x1A770];
	_ =	sdelay $0x3  }
.Ltmp8:
0xa5: {  	(pc) =	sbr.rel @p0 .LBB2_19-.Ltmp8, $2  }
0xa6: {  	[tilespmem:s24+$0x1AF80] =	vst v0;
	s24 =	smov.u32 s25;
	_ =	sdelay $0x2  }
0xa7: {  	s25 =	sshra.s32 s26, $0x2;
	s26 =	sadd.s32 $0x40, s26;
	v0 =	vld.idx.msk [tilespmem:v1+s2+$0x0], $0xffff  }
0xa8: {  	v1 =	vld [tilespmem:s25+$0x1A770];
	_ =	sdelay $0x6  }
0xa9: {  	[tilespmem:s24+$0x1AF80] =	vst v0  }
0xaa: {  	v0 =	vld.idx.msk [tilespmem:v1+s2+$0x0], $0xffff;
	_ =	sdelay $0x2  }
0xab: {  	s22 =	sadd.s32 $0x1, s22  }
0xac: {  	p0 =	sne.s32 s22, $0x19  }
.Ltmp9:
0xad: {  	s23 =	sadd.s32 s9, s23;
	[tilespmem:s25+$0x1AF80] =	vst v0;
	(pc) =	sbr.rel @p0 .LBB2_12-.Ltmp9, $4  }
0xae: {  	[hbm4b:s23+s2] =	stream.linear.scatter [tilespmem:s19], [sflag:$0x1], $0x7D0, $0x38;
	[tilespmem:$0x1B780] =	vst v63  }
0xaf: {  	_ =	swait.ge [sflag:s14], $0x7D0  }
0xb0: {  	[sflag:s14] =	ssyncset.done $0x0  }
0xb1: {  	[sflag:s14] =	ssyncadd.s32 $0xFFFFF830  }
0xb2: {  	s21 =	simm.s32 $0x0  }
0xb3: {  	[tilespmem:s21], [sflag:$0x1] =	stream.linear.gather [hbm4b:s5+s21], $0x19000, $0x38;
	[tilespmem:$0x1B780] =	vst v63  }
0xb4: {  	_ =	swait.ge [sflag:s14], $0x19000  }
0xb5: {  	[sflag:s14] =	ssyncset.done $0x0  }
0xb6: {  	s22 =	simm.s32 $0x0;
	[sflag:s14] =	ssyncadd.s32 $0xFFFE7000  }
.LBB2_22:
0xb7: {  	s23 =	smul.u32 $0x7D0, s22;
	_ =	sdelay $0x1  }
0xb8: {  	s23 =	sadd.s32 s12, s23  }
0xb9: {  	s26 =	sshrl.u32 s23, $0x3  }
0xba: {  	s23 =	sadd.s32 s1, s26  }
0xbb: {  	[tilespmem:s15], [sflag:$0x1] =	stream.linear.gather [hbm4b:s23+s21], $0x7D0, $0x38;
	[tilespmem:$0x1B780] =	vst v63  }
0xbc: {  	_ =	swait.ge [sflag:s14], $0x7D0  }
0xbd: {  	s25 =	sadd.s32 $0x30D40, s26;
	[sflag:s14] =	ssyncset.done $0x0  }
0xbe: {  	s24 =	sadd.s32 s1, s25;
	[sflag:s14] =	ssyncadd.s32 $0xFFFFF830  }
0xbf: {  	[tilespmem:s16], [sflag:$0x1] =	stream.linear.gather [hbm4b:s24+s21], $0x7D0, $0x38;
	[tilespmem:$0x1B780] =	vst v63  }
0xc0: {  	_ =	swait.ge [sflag:s14], $0x7D0  }
0xc1: {  	s24 =	sadd.s32 $0x61A80, s26;
	[sflag:s14] =	ssyncset.done $0x0  }
0xc2: {  	s31 =	sadd.s32 s1, s24;
	[sflag:s14] =	ssyncadd.s32 $0xFFFFF830  }
0xc3: {  	[tilespmem:s17], [sflag:$0x1] =	stream.linear.gather [hbm4b:s31+s21], $0x7D0, $0x38;
	[tilespmem:$0x1B780] =	vst v63  }
0xc4: {  	_ =	swait.ge [sflag:s14], $0x7D0  }
0xc5: {  	s23 =	sadd.s32 $0x927C0, s26;
	[sflag:s14] =	ssyncset.done $0x0  }
0xc6: {  	s28 =	sadd.s32 s1, s23;
	[sflag:s14] =	ssyncadd.s32 $0xFFFFF830  }
0xc7: {  	[tilespmem:s18], [sflag:$0x1] =	stream.linear.gather [hbm4b:s28+s21], $0x7D0, $0x38;
	[tilespmem:$0x1B780] =	vst v63  }
0xc8: {  	_ =	swait.ge [sflag:s14], $0x7D0  }
0xc9: {  	[sflag:s14] =	ssyncset.done $0x0  }
0xca: {  	s28 =	simm.s32 $0x0;
	[sflag:s14] =	ssyncadd.s32 $0xFFFFF830  }
0xcb: {  	v0 =	vld [tilespmem:s28+$0x19000];
	_ =	sdelay $0x7  }
0xcc: {  	s29 =	simm.s32 $0x10;
	s30 =	simm.s32 $0x80;
	v0 =	vld.idx.msk [tilespmem:v0+s2+$0x0], $0xffff  }
.LBB2_23:
0xcd: {  	p0 =	sne.s32 s30, $0x1F00;
	v1 =	vld [tilespmem:s29+$0x19000];
	_ =	sdelay $0x3  }
.Ltmp10:
0xce: {  	(pc) =	sbr.rel @p0 .LBB2_23-.Ltmp10, $2  }
0xcf: {  	[tilespmem:s28+$0x1AF80] =	vst v0;
	s28 =	smov.u32 s29;
	_ =	sdelay $0x2  }
0xd0: {  	s29 =	sshra.s32 s30, $0x2;
	s30 =	sadd.s32 $0x40, s30;
	v0 =	vld.idx.msk [tilespmem:v1+s2+$0x0], $0xffff  }
0xd1: {  	v1 =	vld [tilespmem:s29+$0x19000];
	_ =	sdelay $0x6  }
0xd2: {  	[tilespmem:s28+$0x1AF80] =	vst v0  }
0xd3: {  	v0 =	vld.idx.msk [tilespmem:v1+s2+$0x0], $0xffff;
	_ =	sdelay $0x4  }
0xd4: {  	s26 =	sadd.s32 s10, s26;
	s28 =	simm.s32 $0x0;
	[tilespmem:s29+$0x1AF80] =	vst v0  }
0xd5: {  	[hbm4b:s26+s28] =	stream.linear.scatter [tilespmem:s19], [sflag:$0x1], $0x7D0, $0x38;
	[tilespmem:$0x1B780] =	vst v63  }
0xd6: {  	_ =	swait.ge [sflag:s14], $0x7D0  }
0xd7: {  	[sflag:s14] =	ssyncset.done $0x0  }
0xd8: {  	s26 =	simm.s32 $0x0;
	[sflag:s14] =	ssyncadd.s32 $0xFFFFF830  }
0xd9: {  	v0 =	vld [tilespmem:s26+$0x197D0];
	_ =	sdelay $0x7  }
0xda: {  	s29 =	simm.s32 $0x80;
	s28 =	simm.s32 $0x10;
	v0 =	vld.idx.msk [tilespmem:v0+s2+$0x0], $0xffff  }
.LBB2_25:
0xdb: {  	p0 =	sne.s32 s29, $0x1F00;
	v1 =	vld [tilespmem:s28+$0x197D0];
	_ =	sdelay $0x3  }
.Ltmp11:
0xdc: {  	(pc) =	sbr.rel @p0 .LBB2_25-.Ltmp11, $2  }
0xdd: {  	[tilespmem:s26+$0x1AF80] =	vst v0;
	s26 =	smov.u32 s28;
	_ =	sdelay $0x2  }
0xde: {  	s28 =	sshra.s32 s29, $0x2;
	s29 =	sadd.s32 $0x40, s29;
	v0 =	vld.idx.msk [tilespmem:v1+s2+$0x0], $0xffff  }
0xdf: {  	v1 =	vld [tilespmem:s28+$0x197D0];
	_ =	sdelay $0x6  }
0xe0: {  	[tilespmem:s26+$0x1AF80] =	vst v0  }
0xe1: {  	v0 =	vld.idx.msk [tilespmem:v1+s2+$0x0], $0xffff;
	_ =	sdelay $0x4  }
0xe2: {  	s25 =	sadd.s32 s10, s25;
	s31 =	simm.s32 $0x0;
	[tilespmem:s28+$0x1AF80] =	vst v0  }
0xe3: {  	[hbm4b:s25+s31] =	stream.linear.scatter [tilespmem:s19], [sflag:$0x1], $0x7D0, $0x38;
	[tilespmem:$0x1B780] =	vst v63  }
0xe4: {  	_ =	swait.ge [sflag:s14], $0x7D0  }
0xe5: {  	[sflag:s14] =	ssyncset.done $0x0  }
0xe6: {  	s25 =	simm.s32 $0x0;
	[sflag:s14] =	ssyncadd.s32 $0xFFFFF830  }
0xe7: {  	v0 =	vld [tilespmem:s25+$0x19FA0];
	_ =	sdelay $0x7  }
0xe8: {  	s26 =	simm.s32 $0x10;
	s28 =	simm.s32 $0x80;
	v0 =	vld.idx.msk [tilespmem:v0+s2+$0x0], $0xffff  }
.LBB2_27:
0xe9: {  	p0 =	sne.s32 s28, $0x1F00;
	v1 =	vld [tilespmem:s26+$0x19FA0];
	_ =	sdelay $0x3  }
.Ltmp12:
0xea: {  	(pc) =	sbr.rel @p0 .LBB2_27-.Ltmp12, $2  }
0xeb: {  	[tilespmem:s25+$0x1AF80] =	vst v0;
	s25 =	smov.u32 s26;
	_ =	sdelay $0x2  }
0xec: {  	s26 =	sshra.s32 s28, $0x2;
	s28 =	sadd.s32 $0x40, s28;
	v0 =	vld.idx.msk [tilespmem:v1+s2+$0x0], $0xffff  }
0xed: {  	v1 =	vld [tilespmem:s26+$0x19FA0];
	_ =	sdelay $0x6  }
0xee: {  	[tilespmem:s25+$0x1AF80] =	vst v0  }
0xef: {  	v0 =	vld.idx.msk [tilespmem:v1+s2+$0x0], $0xffff;
	_ =	sdelay $0x4  }
0xf0: {  	s24 =	sadd.s32 s10, s24;
	s31 =	simm.s32 $0x0;
	[tilespmem:s26+$0x1AF80] =	vst v0  }
0xf1: {  	[hbm4b:s24+s31] =	stream.linear.scatter [tilespmem:s19], [sflag:$0x1], $0x7D0, $0x38;
	[tilespmem:$0x1B780] =	vst v63  }
0xf2: {  	_ =	swait.ge [sflag:s14], $0x7D0  }
0xf3: {  	[sflag:s14] =	ssyncset.done $0x0  }
0xf4: {  	s24 =	simm.s32 $0x0;
	[sflag:s14] =	ssyncadd.s32 $0xFFFFF830  }
0xf5: {  	v0 =	vld [tilespmem:s24+$0x1A770];
	_ =	sdelay $0x7  }
0xf6: {  	s25 =	simm.s32 $0x10;
	s26 =	simm.s32 $0x80;
	v0 =	vld.idx.msk [tilespmem:v0+s2+$0x0], $0xffff  }
.LBB2_29:
0xf7: {  	p0 =	sne.s32 s26, $0x1F00;
	v1 =	vld [tilespmem:s25+$0x1A770];
	_ =	sdelay $0x3  }
.Ltmp13:
0xf8: {  	(pc) =	sbr.rel @p0 .LBB2_29-.Ltmp13, $2  }
0xf9: {  	[tilespmem:s24+$0x1AF80] =	vst v0;
	s24 =	smov.u32 s25;
	_ =	sdelay $0x2  }
0xfa: {  	s25 =	sshra.s32 s26, $0x2;
	s26 =	sadd.s32 $0x40, s26;
	v0 =	vld.idx.msk [tilespmem:v1+s2+$0x0], $0xffff  }
0xfb: {  	v1 =	vld [tilespmem:s25+$0x1A770];
	_ =	sdelay $0x6  }
0xfc: {  	[tilespmem:s24+$0x1AF80] =	vst v0  }
0xfd: {  	v0 =	vld.idx.msk [tilespmem:v1+s2+$0x0], $0xffff;
	_ =	sdelay $0x2  }
0xfe: {  	s22 =	sadd.s32 $0x1, s22  }
0xff: {  	p0 =	sne.s32 s22, $0x19  }
.Ltmp14:
0x100: {  	s23 =	sadd.s32 s10, s23;
	[tilespmem:s25+$0x1AF80] =	vst v0;
	(pc) =	sbr.rel @p0 .LBB2_22-.Ltmp14, $4  }
0x101: {  	[hbm4b:s23+s2] =	stream.linear.scatter [tilespmem:s19], [sflag:$0x1], $0x7D0, $0x38;
	[tilespmem:$0x1B780] =	vst v63  }
0x102: {  	_ =	swait.ge [sflag:s14], $0x7D0  }
0x103: {  	[sflag:s14] =	ssyncset.done $0x0  }
0x104: {  	[sflag:s14] =	ssyncadd.s32 $0xFFFFF830  }
0x105: {  	s21 =	simm.s32 $0x0  }
0x106: {  	[tilespmem:s21], [sflag:$0x1] =	stream.linear.gather [hbm4b:s7+s21], $0x19000, $0x38;
	[tilespmem:$0x1B780] =	vst v63  }
0x107: {  	_ =	swait.ge [sflag:s14], $0x19000  }
0x108: {  	[sflag:s14] =	ssyncset.done $0x0  }
0x109: {  	s22 =	simm.s32 $0x0;
	[sflag:s14] =	ssyncadd.s32 $0xFFFE7000  }
.LBB2_32:
0x10a: {  	s23 =	smul.u32 $0x7D0, s22;
	_ =	sdelay $0x1  }
0x10b: {  	s23 =	sadd.s32 s12, s23  }
0x10c: {  	s23 =	sshrl.u32 s23, $0x3  }
0x10d: {  	s24 =	sadd.s32 s1, s23  }
0x10e: {  	[tilespmem:s15], [sflag:$0x1] =	stream.linear.gather [hbm4b:s24+s21], $0x7D0, $0x38;
	[tilespmem:$0x1B780] =	vst v63  }
0x10f: {  	_ =	swait.ge [sflag:s14], $0x7D0  }
0x110: {  	[sflag:s14] =	ssyncset.done $0x0  }
0x111: {  	s25 =	sadd.s32 $0x30D40, s24;
	[sflag:s14] =	ssyncadd.s32 $0xFFFFF830  }
0x112: {  	[tilespmem:s16], [sflag:$0x1] =	stream.linear.gather [hbm4b:s25+s21], $0x7D0, $0x38;
	[tilespmem:$0x1B780] =	vst v63  }
0x113: {  	_ =	swait.ge [sflag:s14], $0x7D0  }
0x114: {  	[sflag:s14] =	ssyncset.done $0x0  }
0x115: {  	s31 =	sadd.s32 $0x61A80, s24;
	[sflag:s14] =	ssyncadd.s32 $0xFFFFF830  }
0x116: {  	[tilespmem:s17], [sflag:$0x1] =	stream.linear.gather [hbm4b:s31+s21], $0x7D0, $0x38;
	[tilespmem:$0x1B780] =	vst v63  }
0x117: {  	_ =	swait.ge [sflag:s14], $0x7D0  }
0x118: {  	[sflag:s14] =	ssyncset.done $0x0  }
0x119: {  	s24 =	sadd.s32 $0x927C0, s24;
	[sflag:s14] =	ssyncadd.s32 $0xFFFFF830  }
0x11a: {  	[tilespmem:s18], [sflag:$0x1] =	stream.linear.gather [hbm4b:s24+s21], $0x7D0, $0x38;
	[tilespmem:$0x1B780] =	vst v63  }
0x11b: {  	_ =	swait.ge [sflag:s14], $0x7D0  }
0x11c: {  	[sflag:s14] =	ssyncset.done $0x0  }
0x11d: {  	s25 =	simm.s32 $0x0;
	[sflag:s14] =	ssyncadd.s32 $0xFFFFF830  }
0x11e: {  	v1 =	vld [tilespmem:s25+$0x197D0]  }
0x11f: {  	v2 =	vld [tilespmem:s25+$0x19000]  }
0x120: {  	v3 =	vld [tilespmem:s25+$0x19FA0]  }
0x121: {  	v4 =	vld [tilespmem:s25+$0x1A770];
	_ =	sdelay $0x2  }
0x122: {  	s24 =	simm.s32 $0x10  }
0x123: {  	v0 =	vld [tilespmem:s24+$0x197D0]  }
0x124: {  	v1 =	vld.idx.msk [tilespmem:v1+s2+$0x0], $0xffff  }
0x125: {  	v2 =	vld.idx.msk [tilespmem:v2+s2+$0x0], $0xffff  }
0x126: {  	v3 =	vld.idx.msk [tilespmem:v3+s2+$0x0], $0xffff  }
0x127: {  	s26 =	simm.s32 $0x80;
	v4 =	vld.idx.msk [tilespmem:v4+s2+$0x0], $0xffff  }
.LBB2_33:
0x128: {  	p0 =	sne.s32 s26, $0x1F00;
	v5 =	vld [tilespmem:s24+$0x19000];
	v6 =	vmov v0  }
0x129: {  	v7 =	vld [tilespmem:s24+$0x19FA0]  }
0x12a: {  	v8 =	vld [tilespmem:s24+$0x1A770]  }
0x12b: {  	v0 =	vmax.f32 v2, v1  }
0x12c: {  	v0 =	vmax.f32 v0, v3  }
0x12d: {  	s28 =	sshra.s32 s26, $0x2;
	v1 =	vmax.f32 v0, v4  }
.Ltmp15:
0x12e: {  	v0 =	vld [tilespmem:s28+$0x197D0];
	[tilespmem:s25+$0x1AF80] =	vst v1;
	s25 =	smov.u32 s24;
	s24 =	smov.u32 s28;
	(pc) =	sbr.rel @p0 .LBB2_33-.Ltmp15, $4  }
0x12f: {  	v1 =	vld.idx.msk [tilespmem:v6+s2+$0x0], $0xffff  }
0x130: {  	v2 =	vld.idx.msk [tilespmem:v5+s2+$0x0], $0xffff  }
0x131: {  	v3 =	vld.idx.msk [tilespmem:v7+s2+$0x0], $0xffff  }
0x132: {  	s26 =	sadd.s32 $0x40, s26;
	v4 =	vld.idx.msk [tilespmem:v8+s2+$0x0], $0xffff  }
0x133: {  	v5 =	vld [tilespmem:s24+$0x19000]  }
0x134: {  	v6 =	vld [tilespmem:s24+$0x19FA0]  }
0x135: {  	v7 =	vld [tilespmem:s24+$0x1A770]  }
0x136: {  	v1 =	vmax.f32 v2, v1  }
0x137: {  	v1 =	vmax.f32 v1, v3  }
0x138: {  	v1 =	vmax.f32 v1, v4  }
0x139: {  	[tilespmem:s25+$0x1AF80] =	vst v1  }
0x13a: {  	v0 =	vld.idx.msk [tilespmem:v0+s2+$0x0], $0xffff  }
0x13b: {  	v1 =	vld.idx.msk [tilespmem:v5+s2+$0x0], $0xffff  }
0x13c: {  	v62 =	vld.idx.msk [tilespmem:v6+s2+$0x0], $0xffff  }
0x13d: {  	v63 =	vld.idx.msk [tilespmem:v7+s2+$0x0], $0xffff;
	_ =	sdelay $0x2  }
0x13e: {  	v0 =	vmax.f32 v1, v0  }
0x13f: {  	s22 =	sadd.s32 $0x1, s22;
	v0 =	vmax.f32 v0, v62  }
0x140: {  	p0 =	sne.s32 s22, $0x19;
	v0 =	vmax.f32 v0, v63  }
.Ltmp16:
0x141: {  	s23 =	sadd.s32 s11, s23;
	[tilespmem:s24+$0x1AF80] =	vst v0;
	(pc) =	sbr.rel @p0 .LBB2_32-.Ltmp16, $4  }
0x142: {  	[hbm4b:s23+s2] =	stream.linear.scatter [tilespmem:s19], [sflag:$0x1], $0x7D0, $0x38;
	[tilespmem:$0x1B780] =	vst v63  }
0x143: {  	_ =	swait.ge [sflag:s14], $0x7D0  }
0x144: {  	[sflag:s14] =	ssyncset.done $0x0  }
0x145: {  	[sflag:s14] =	ssyncadd.s32 $0xFFFFF830  }
0x146: {  	s20 =	sadd.s32 $0x1, s20  }
0x147: {  	p0 =	sne.s32 s20, s13  }
.Ltmp17:
0x148: {  	_ = 	snop;
	(pc) =	sbr.rel @p0 .LBB2_1-.Ltmp17, $1  }
0x149: {  	_ =	sdelay $0x3  }
0x14a: {  	_ =	sfence.sel $0x180000  }
0x14b: {  	[bflag:$0x0] =	sbarrier.arrive $0xFFFF  }
0x14c: {  	p0 =	sne.s32 s6, $0x0;
	_ =	strace $0x9000004D  }
0x14d: {  	s0 =	sadd.s32 @!p0 $0x100000, s0;
	[bflag:$0x2] =	sbarrier.arrive $0xFFFF  }
0x14e: {  	[sflag:s0] =	ssyncadd.tile.s32 @!p0 $0x1;
	_ =	shalt  }
.Lfunc_end2:
_tile_overlayer_lowered:
.L_overlay_start_2:
0x14f: {  	(tag) =	ssettag $0x2  }
0x150: {  	s0 =	rddreg [dreg:$0x0];
	s2 =	stileid.u32  }
0x151: {  	s1 =	rddreg [dreg:$0x1];
	p0 =	sne.s32 s2, $0x0  }
0x152: {  	s3 =	rddreg [dreg:$0x2];
	[bflag:$0x3] =	sbarrier.arrive $0xFFFF;
	s2 =	simm.s32 @!p0 $0x1C01  }
0x153: {  	[timem:s3], [sflag:s2] =	dma.local @!p0 [hbm:s0], s1  }
0x154: {  	s0 =	simm.s32 @!p0 $0x1  }
0x155: {  	_ =	swait.ge @!p0 [sflag:s0], s1  }
0x156: {  	s1 =	ssub.s32 @!p0 $0x0, s1;
	[sflag:s0] =	ssyncset.done @!p0 $0x0  }
0x157: {  	[sflag:s0] =	ssyncadd.s32 @!p0 s1  }
0x158: {  	[bflag:$0x3] =	sbarrier.arrive $0xFFFF  }
0x159: {  	_ =	shalt  }

// kernel: kernel.6.cloned.1.call-start
scs
__scs_entry_jumppad:
0x0: {  	(pc) =	sbr.rel $0x88, $3  }
0x1: {  	(tag) =	ssettag $0x0;
	lr =	simm.s32 $0x1  }
0x2: {  	[smem:$0x3F99] =	sst lr;
	_ =	strace $0xD0000000  }
0x3: {  	_ = 	snop  }
0x4: {  	_ = 	snop  }
0x5: {  	_ = 	snop  }
0x6: {  	_ = 	snop  }
0x7: {  	_ = 	snop  }
__scs_overlays_trampoline_lowered:
0x8: {  	[smem:$0x3FA8] =	sst s0  }
0x9: {  	[smem:$0x3FA9] =	sst s1  }
0xa: {  	[smem:$0x3FAA] =	sst s2  }
0xb: {  	[smem:$0x3FAB] =	sst s3  }
0xc: {  	[smem:$0x3FAC] =	sst s4  }
0xd: {  	[smem:$0x3FAD] =	sst s5  }
0xe: {  	[smem:$0x3FAE] =	sst s6  }
0xf: {  	[smem:$0x3FAF] =	sst s7  }
0x10: {  	[smem:$0x3FB0] =	sst s8  }
0x11: {  	[smem:$0x3FB1] =	sst s9;
	s0 =	simm.s32 @!p0 $0x0  }
0x12: {  	s1 =	sld [smem:$0x3F97];
	s0 =	simm.s32 @p0 $0x1  }
0x13: {  	[smem:$0x3FB2] =	sst s0;
	s0 =	simm.s32 @!p1 $0x0  }
0x14: {  	s2 =	sld [smem:$0x3F96];
	s0 =	simm.s32 @p1 $0x1  }
0x15: {  	[smem:$0x3FB3] =	sst s0;
	s0 =	simm.s32 @!p2 $0x0  }
0x16: {  	s3 =	sld [smem:$0x3FDB];
	s0 =	simm.s32 @p2 $0x1  }
0x17: {  	s4 =	simm.s32 $0x1BF5;
	[smem:$0x3FB5] =	sst s0  }
0x18: {  	s0 =	sld [smem:$0x3F98];
	_ =	swait.ge [sflag:s4], $0x0  }
0x19: {  	s7 =	sld [smem:$0x3F99]  }
0x1a: {  	s8 =	sadd.s32 $0xFFFFE003, lr  }
0x1b: {  	s9 =	sadd.s32 $0xFFFFFEF7, lr;
	s5 =	simm.s32 $0xFFFFFFFF;
	p2 =	slt.u32 s8, $0xFFFFF086  }
0x1c: {  	p1 =	slt.u32 s9, $0xF7A;
	s5 =	simm.s32 @!p2 $0x0  }
0x1d: {  	s5 =	simm.s32 @p1 $0x1;
	p0 =	seq.s32 s7, s2  }
0x1e: {  	s7 =	smul.u32 @!p0 $0xF7A, s2;
	p2 =	seq.s32 @!p0 s5, $0x0  }
0x1f: {  	s9 =	smul.u32 $0xF7A, s1;
	s8 =	simm.s32 @!p0 $0x1BF5;
	p2 =	por !p2, p0  }
0x20: {  	[sflag:s8] =	ssyncset.s32 @!p0 $0xFFFFF086;
	s6 =	sadd.s32 @!p0 s3, s7;
	s7 =	simm.s32 @!p0 $0x108  }
0x21: {  	s3 =	sadd.s32 s3, s9;
	s6 =	sadd.s32 @!p0 $0x88, s6;
	s7 =	simm.s32 @p2 $0x1082  }
0x22: {  	[simem:s7], [sflag:s8] =	dma.local @!p0 [hbm:s6], $0xF7A  }
0x23: {  	s9 =	sor.u32 $0xD0000000, s2;
	s6 =	simm.s32 $0x108;
	_ =	swait.ge @!p0 [sflag:s8], $0x0  }
0x24: {  	s3 =	sadd.s32 $0x88, s3;
	s6 =	simm.s32 @!p1 $0x1082;
	[sflag:s4] =	ssyncset.s32 $0xFFFFF086  }
0x25: {  	[simem:s6], [sflag:s4] =	dma.local [hbm:s3], $0xF7A  }
0x26: {  	[smem:$0x3F99] =	sst s1;
	(tag) =	ssettag s2;
	_ =	strace s9  }
0x27: {  	s1 =	sld [smem:$0x3FA9]  }
0x28: {  	s2 =	sld [smem:$0x3FAA]  }
0x29: {  	s4 =	sld [smem:$0x3FAC]  }
0x2a: {  	p0 =	seq.s32 s5, $0x0;
	s5 =	sld [smem:$0x3FAD]  }
0x2b: {  	s6 =	sld [smem:$0x3FAE]  }
0x2c: {  	s7 =	sld [smem:$0x3FAF]  }
0x2d: {  	s3 =	simm.s32 $0x108;
	s8 =	sld [smem:$0x3FB0]  }
0x2e: {  	s3 =	simm.s32 @!p0 $0x1082;
	s9 =	sld [smem:$0x3FB1]  }
0x2f: {  	lr =	sadd.s32 s0, s3;
	s0 =	sld [smem:$0x3FA8]  }
0x30: {  	s3 =	sld [smem:$0x3FAB]  }
0x31: {  	[smem:$0x3FB4] =	sst s10  }
0x32: {  	s10 =	sld [smem:$0x3FB2];
	_ =	sdelay $0x3  }
0x33: {  	p0 =	seq.s32 s10, $0x1;
	s10 =	sld [smem:$0x3FB4];
	_ =	sdelay $0x3  }
0x34: {  	[smem:$0x3FB4] =	sst s10  }
0x35: {  	s10 =	sld [smem:$0x3FB3];
	_ =	sdelay $0x3  }
0x36: {  	p1 =	seq.s32 s10, $0x1;
	s10 =	sld [smem:$0x3FB4];
	_ =	sdelay $0x3  }
0x37: {  	[smem:$0x3FB4] =	sst s10  }
0x38: {  	s10 =	sld [smem:$0x3FB5]  }
0x39: {  	_ = 	snop;
	(pc) =	sbr.ind lr, $3  }
0x3a: {  	_ = 	snop  }
0x3b: {  	_ = 	snop  }
0x3c: {  	p2 =	seq.s32 s10, $0x1;
	s10 =	sld [smem:$0x3FB4]  }
0x3d: {  	_ =	shalt  }
0x3e: {  	_ =	shalt  }
0x3f: {  	_ =	shalt  }
0x40: {  	_ =	shalt  }
0x41: {  	_ =	shalt  }
0x42: {  	_ =	shalt  }
0x43: {  	_ =	shalt  }
0x44: {  	_ =	shalt  }
0x45: {  	_ =	shalt  }
0x46: {  	_ =	shalt  }
0x47: {  	_ =	shalt  }
0x48: {  	_ =	shalt  }
0x49: {  	_ =	shalt  }
0x4a: {  	_ =	shalt  }
0x4b: {  	_ =	shalt  }
0x4c: {  	_ =	shalt  }
0x4d: {  	_ =	shalt  }
0x4e: {  	_ =	shalt  }
0x4f: {  	_ =	shalt  }
0x50: {  	_ =	shalt  }
0x51: {  	_ =	shalt  }
0x52: {  	_ =	shalt  }
0x53: {  	_ =	shalt  }
0x54: {  	_ =	shalt  }
0x55: {  	_ =	shalt  }
0x56: {  	_ =	shalt  }
0x57: {  	_ =	shalt  }
0x58: {  	_ =	shalt  }
0x59: {  	_ =	shalt  }
0x5a: {  	_ =	shalt  }
0x5b: {  	_ =	shalt  }
0x5c: {  	_ =	shalt  }
0x5d: {  	_ =	shalt  }
0x5e: {  	_ =	shalt  }
0x5f: {  	_ =	shalt  }
0x60: {  	_ =	shalt  }
0x61: {  	_ =	shalt  }
0x62: {  	_ =	shalt  }
0x63: {  	_ =	shalt  }
0x64: {  	_ =	shalt  }
0x65: {  	_ =	shalt  }
0x66: {  	_ =	shalt  }
0x67: {  	_ =	shalt  }
0x68: {  	_ =	shalt  }
0x69: {  	_ =	shalt  }
0x6a: {  	_ =	shalt  }
0x6b: {  	_ =	shalt  }
0x6c: {  	_ =	shalt  }
0x6d: {  	_ =	shalt  }
0x6e: {  	_ =	shalt  }
0x6f: {  	_ =	shalt  }
0x70: {  	_ =	shalt  }
0x71: {  	_ =	shalt  }
0x72: {  	_ =	shalt  }
0x73: {  	_ =	shalt  }
0x74: {  	_ =	shalt  }
0x75: {  	_ =	shalt  }
0x76: {  	_ =	shalt  }
0x77: {  	_ =	shalt  }
0x78: {  	_ =	shalt  }
0x79: {  	_ =	shalt  }
0x7a: {  	_ =	shalt  }
0x7b: {  	_ =	shalt  }
0x7c: {  	_ =	shalt  }
0x7d: {  	_ =	shalt  }
0x7e: {  	_ =	shalt  }
0x7f: {  	_ =	shalt  }
0x80: {  	_ =	shalt  }
0x81: {  	_ =	shalt  }
0x82: {  	_ =	shalt  }
0x83: {  	_ =	shalt  }
0x84: {  	_ =	shalt  }
0x85: {  	_ =	shalt  }
0x86: {  	_ =	shalt  }
0x87: {  	_ =	shalt  }
.Lfunc_end0:
.L_simem_size_0:
called_computation_lowered:
.L_overlay_start_0:
0x88: {  	s2 =	sld [smem:$0x3FD9]  }
0x89: {  	s3 =	sld [smem:$0x3FFE];
	_ =	sdelay $0x1  }
0x8a: {  	s1 =	srdreg.scid  }
0x8b: {  	s0 =	sand.u32 $0x1, s1  }
0x8c: {  	s17 =	sshll.u32 s0, $0xA;
	s2 =	sadd.s32 s3, s2  }
0x8d: {  	s2 =	sadd.s32 s2, s17  }
0x8e: {  	[smem:$0x3FC0] =	sst s2  }
0x8f: {  	_ = 	snop  }
0x90: {  	s2 =	sld [smem:$0x3FC7]  }
0x91: {  	s18 =	sld [smem:$0x3FD0];
	(tm) =	ssettm $0x1  }
0x92: {  	s4 =	sld [smem:$0x3FFB];
	_ =	sdelay $0x3  }
0x93: {  	_ =	strace s4  }
0x94: {  	s4 =	sld [smem:$0x3FFC];
	_ =	sdelay $0x3  }
0x95: {  	_ =	strace s4  }
0x96: {  	s4 =	sld [smem:$0x3FFD];
	_ =	sdelay $0x3  }
0x97: {  	_ =	strace s4  }
0x98: {  	_ =	strace $0x8FFFFFFF  }
0x99: {  	s19 =	sld [smem:$0x3FDB];
	_ =	sdelay $0x1  }
0x9a: {  	s5 =	simm.s32 $_scs_section_size  }
0x9b: {  	s6 =	simm.s32 $_size__tile_overlayer_lowered;
	s7 =	simm.s32 $_tile_overlayer_lowered  }
0x9c: {  	s22 =	simm.s32 $0x1BFF;
	s21 =	sshll.u32 s7, $0x1;
	s4 =	sadd.s32 s5, s19  }
0x9d: {  	s8 =	simm.s32 $0x0;
	s20 =	sshll.u32 s6, $0x1;
	s6 =	sadd.s32 s21, s4  }
0x9e: {  	[timem:s8], [sflag:s22] =	dma.local [hbm:s6], s20  }
0x9f: {  	_ =	swait.ge [sflag:s22], s20  }
0xa0: {  	s5 =	ssub.s32 $0x0, s20;
	[sflag:s22] =	ssyncset.done $0x0  }
0xa1: {  	[sflag:s22] =	ssyncadd.s32 s5;
	_ =	sdelay $0x1  }
0xa2: {  	s23 =	simm.s32 $0x1B8B  }
0xa3: {  	_ =	swait.ge [sflag:s23], $0x1  }
0xa4: {  	[sflag:s23] =	ssyncset.done $0x0  }
0xa5: {  	s25 =	simm.s32 $0x1B8E;
	s24 =	sld [smem:$0x3FFE];
	[sflag:s23] =	ssyncadd.s32 $0xFFFFFFFF  }
0xa6: {  	s26 =	simm.s32 $execute0_lowered;
	[smem:$0x3FD2] =	sst s25  }
0xa7: {  	s6 =	sshll.u32 s26, $0x1;
	_ =	strace $0x80000046;
	[dreg:$0x1] =	wrdreg $0xFFFFFFFF  }
0xa8: {  	s28 =	simm.s32 $_size_execute0_lowered;
	s4 =	sadd.s32 s4, s6;
	[dreg:$0x0] =	wrdreg $0x0  }
0xa9: {  	s6 =	sshll.u32 s28, $0x1;
	[dreg:$0x2] =	wrdreg s4  }
0xaa: {  	[dreg:$0x3] =	wrdreg s6  }
0xab: {  	[dreg:$0x4] =	wrdreg $0xC0  }
0xac: {  	_ =	task [dreg:s8], $0x5FFFF  }
0xad: {  	[dreg:$0x1] =	wrdreg $0xFFFFFFFF  }
0xae: {  	[dreg:$0x0] =	wrdreg $0x60  }
0xaf: {  	[dreg:$0x2] =	wrdreg s18  }
0xb0: {  	[dreg:$0x3] =	wrdreg s2  }
0xb1: {  	[dreg:$0x4] =	wrdreg s24  }
0xb2: {  	[dreg:$0x5] =	wrdreg $0x9  }
0xb3: {  	_ =	task.clear_ibuf [dreg:s8], $0x6FFFF;
	_ =	strace $0x90000046  }
0xb4: {  	s29 =	simm.s32 $0x9;
	_ =	strace $0x80000048  }
0xb5: {  	_ =	swait.ge [sflag:s29], $0x1  }
0xb6: {  	[sflag:s29] =	ssyncadd.s32 $0xFFFFFFFF  }
0xb7: {  	_ =	strace $0x90000048  }
0xb8: {  	_ =	sfence  }
0xb9: {  	s30 =	sld [smem:$0x0];
	_ =	sdelay $0x2  }
0xba: {  	s31 =	sshll.u32 s1, $0xD;
	s1 =	sshrl.u32 s1, $0x2  }
0xbb: {  	s3 =	sand.u32 $0x4000, s31;
	s1 =	sadd.s32 s1, s30  }
0xbc: {  	s0 =	sor.u32 s3, s0;
	s1 =	sshll.u32 s1, $0x11  }
0xbd: {  	s0 =	sor.u32 s1, s0  }
0xbe: {  	s0 =	sadd.s32 $0x8F2B, s0  }
0xbf: {  	[sflag:s0] =	ssyncadd.remote.s32 $0x1  }
0xc0: {  	_ =	sfence.sel $0xFFFF  }
0xc1: {  	[dreg:$0x0] =	wrdreg $0xFFFFFFFF;
	(pc) =	sbr.abs _section_cstart, $3  }
0xc2: {  	[dreg:$0x1] =	wrdreg $0xFFFFFFFF  }
0xc3: {  	_ =	task.clear_ibuf [dreg:s8], $0x2FFFF;
	_ =	strace $0x9FFFFFFF  }
0xc4: {  	(tm) =	ssettm $0x7FFFFFFF  }
0xc5: {  	_ =	shalt  }
tec
execute0_lowered:
.L_overlay_start_1:
0x0: {  	(tag) =	ssettag $0x1  }
0x1: {  	s1 =	rddreg [dreg:$0x0]  }
0x2: {  	s3 =	rddreg [dreg:$0x1];
	s2 =	srdreg.scid  }
0x3: {  	s0 =	stileid.u32;
	s5 =	rddreg [dreg:$0x2];
	s10 =	simm.s32 $0x19000  }
0x4: {  	s11 =	simm.s32 $0x197D0;
	s12 =	simm.s32 $0x19FA0;
	s13 =	simm.s32 $0x1A770  }
0x5: {  	s14 =	simm.s32 $0x1B780;
	s6 =	sand.u32 $0x1, s2;
	s4 =	sshll.u32 s0, $0x1  }
0x6: {  	s15 =	simm.s32 $0x1BF80;
	s16 =	simm.s32 $0x0;
	s7 =	sor.u32 s6, s4  }
.Ltmp0:
0x7: {  	s4 =	simm.s32 $0x0;
	s6 =	ssub.s32 $0x2, s6;
	(pc) =	sbr.rel .LBB2_1-.Ltmp0, $4  }
0x8: {  	s8 =	smul.u32 $0x3200, s7;
	[smem:$0x7FF] =	sst s4;
	s9 =	sshrl.u32 s6, $0x1  }
0x9: {  	s2 =	rddreg [dreg:$0x3];
	_ =	strace $0x80000047;
	s9 =	ssub.s32 s6, s9  }
0xa: {  	s8 =	sadd.s32 s8, s5;
	s5 =	smul.u32 $0xC350, s7;
	s7 =	smax.u32 s9, $0x1  }
0xb: {  	v0 =	vimm.f32 $0.0e+00;
	v1 =	vimm.s32 $0x0;
	s9 =	simm.s32 $0x1;
	s6 =	sadd.s32 $0x2600, s8;
	s8 =	simm.s32 $0x1AF80  }
.LBB2_31:
0xc: {  	s16 =	sadd.s32 $0x1, s16  }
0xd: {  	p0 =	sne.s32 s16, s7  }
.Ltmp1:
0xe: {  	_ = 	snop;
	(pc) =	sbr.rel @!p0 .LBB2_32-.Ltmp1, $4  }
0xf: {  	[hbm4b:s6+s4] =	stream.linear.scatter [tilespmem:s4], [sflag:$0x1], $0x19000, $0x38;
	[tilespmem:$0x1C780] =	vst v63  }
0x10: {  	_ =	swait.ge [sflag:s9], $0x19000  }
0x11: {  	[sflag:s9] =	ssyncset.done $0x0  }
0x12: {  	[sflag:s9] =	ssyncadd.s32 $0xFFFE7000  }
.LBB2_1:
0x13: {  	s17 =	simm.s32 $0x40;
	s18 =	simm.s32 $0x0  }
.LBB2_2:
0x14: {  	p0 =	sne.s32 s17, $0x63FC0;
	[tilespmem:s18+$0x0] =	vst v0;
	s18 =	smov.u32 s17;
	s17 =	sadd.s32 $0x40, s17  }
.Ltmp2:
0x15: {  	(pc) =	sbr.rel @p0 .LBB2_2-.Ltmp2, $2  }
0x16: {  	_ =	sdelay $0x2  }
0x17: {  	s18 =	sshra.s32 s18, $0x2  }
.Ltmp3:
0x18: {  	(pc) =	sbr.rel .LBB2_4-.Ltmp3, $2  }
0x19: {  	_ =	sdelay $0x2  }
0x1a: {  	[tilespmem:s18+$0x0] =	vst v0;
	s17 =	simm.s32 $0x0;
	s18 =	simm.s32 $0x0  }
.LBB2_29:
0x1b: {  	_ =	sdelay $0x2  }
0x1c: {  	v3 =	vmax.f32 v4, v3  }
0x1d: {  	[tilespmem:v2+s4+$0x0] =	vst.idx.msk $0xffff, v3  }
.LBB2_30:
0x1e: {  	s18 =	sadd.s32 $0x1, s18  }
0x1f: {  	p0 =	sne.s32 s18, $0x19  }
.Ltmp4:
0x20: {  	_ = 	snop;
	(pc) =	sbr.rel @!p0 .LBB2_31-.Ltmp4, $1  }
0x21: {  	_ =	sdelay $0x3  }
.LBB2_4:
0x22: {  	s19 =	smul.u32 $0x7D0, s18;
	_ =	sdelay $0x1  }
0x23: {  	s19 =	sadd.s32 s5, s19  }
0x24: {  	s19 =	sshrl.u32 s19, $0x3  }
0x25: {  	s20 =	sadd.s32 s3, s19  }
0x26: {  	[tilespmem:s8], [sflag:$0x1] =	stream.linear.gather [hbm4b:s20+s17], $0x7D0, $0x38;
	[tilespmem:$0x1C780] =	vst v63  }
0x27: {  	_ =	swait.ge [sflag:s9], $0x7D0  }
0x28: {  	[sflag:s9] =	ssyncset.done $0x0  }
0x29: {  	s19 =	sadd.s32 s1, s19;
	[sflag:s9] =	ssyncadd.s32 $0xFFFFF830  }
0x2a: {  	[tilespmem:s10], [sflag:$0x1] =	stream.linear.gather [hbm4b:s19+s17], $0x7D0, $0x38;
	[tilespmem:$0x1C780] =	vst v63  }
0x2b: {  	_ =	swait.ge [sflag:s9], $0x7D0  }
0x2c: {  	[sflag:s9] =	ssyncset.done $0x0  }
0x2d: {  	s30 =	sadd.s32 $0x30D40, s19;
	[sflag:s9] =	ssyncadd.s32 $0xFFFFF830  }
0x2e: {  	[tilespmem:s11], [sflag:$0x1] =	stream.linear.gather [hbm4b:s30+s17], $0x7D0, $0x38;
	[tilespmem:$0x1C780] =	vst v63  }
0x2f: {  	_ =	swait.ge [sflag:s9], $0x7D0  }
0x30: {  	[sflag:s9] =	ssyncset.done $0x0  }
0x31: {  	s31 =	sadd.s32 $0x61A80, s19;
	[sflag:s9] =	ssyncadd.s32 $0xFFFFF830  }
0x32: {  	[tilespmem:s12], [sflag:$0x1] =	stream.linear.gather [hbm4b:s31+s17], $0x7D0, $0x38;
	[tilespmem:$0x1C780] =	vst v63  }
0x33: {  	_ =	swait.ge [sflag:s9], $0x7D0  }
0x34: {  	p0 =	por $0x0, $0x0;
	[sflag:s9] =	ssyncset.done $0x0  }
.Ltmp5:
0x35: {  	s19 =	sadd.s32 $0x927C0, s19;
	[sflag:s9] =	ssyncadd.s32 $0xFFFFF830;
	(pc) =	sbr.rel @p0 .LBB2_6-.Ltmp5, $4  }
0x36: {  	[tilespmem:s13], [sflag:$0x1] =	stream.linear.gather [hbm4b:s19+s17], $0x7D0, $0x38;
	[tilespmem:$0x1C780] =	vst v63  }
0x37: {  	_ =	swait.ge [sflag:s9], $0x7D0  }
0x38: {  	[sflag:s9] =	ssyncset.done $0x0  }
0x39: {  	s20 =	simm.s32 $0x40;
	s19 =	simm.s32 $0x0;
	[sflag:s9] =	ssyncadd.s32 $0xFFFFF830  }
.LBB2_5:
0x3a: {  	p0 =	seq.s32 s20, $0x1F00;
	v2 =	vld [tilespmem:s19+$0x1AF80];
	_ =	sdelay $0x2  }
.Ltmp6:
0x3b: {  	(pc) =	sbr.rel @!p0 .LBB2_5-.Ltmp6, $4  }
0x3c: {  	_ = 	snop  }
0x3d: {  	v2 =	vmax.f32 v2, $9.999999970e-07  }
0x3e: {  	v2 =	vmin.f32 v2, $3.269017250e+06  }
0x3f: {  	[tilespmem:s19+$0x1AF80] =	vst v2;
	s19 =	sshra.s32 s20, $0x2;
	s20 =	sadd.s32 $0x40, s20  }
.LBB2_6:
0x40: {  	v2 =	vld [tilespmem:s19+$0x1AF80];
	_ =	sdelay $0x4  }
0x41: {  	v2 =	vmax.f32 v2, $9.999999970e-07  }
0x42: {  	v2 =	vmin.f32 v2, $3.269017250e+06  }
0x43: {  	s20 =	simm.s32 $0x0;
	[tilespmem:s19+$0x1AF80] =	vst v2  }
0x44: {  	v2 =	vld [tilespmem:s20+$0x19000];
	_ =	sdelay $0x6  }
0x45: {  	v3 =	vld [tilespmem:s20+$0x1AF80]  }
0x46: {  	v4 =	vld.idx.msk [tilespmem:v2+s4+$0x0], $0xffff;
	_ =	sdelay $0x4  }
0x47: {  	v4 =	vmax.f32 v4, v3  }
0x48: {  	[tilespmem:v2+s4+$0x0] =	vst.idx.msk $0xffff, v4  }
0x49: {  	v4 =	vld.idx.msk [tilespmem:v2+s4+$0x0], $0xffff;
	_ =	sdelay $0x4  }
0x4a: {  	s19 =	simm.s32 $0x0;
	vm0 =	vgt.f32 v3, v4  }
0x4b: {  	[tilespmem:s19+$0x1B780] =	vst.msk vm0, v2;
	v2 =	vsel vm0, $0x1, v1  }
0x4c: {  	s21 =	simm.s32 $0x10;
	s20 =	simm.s32 $0x80;
	[tilespmem:s19+$0x1BF80] =	vst.msk vm0, v3;
	(xrf0) =	vadd.scan.msk.s32 $0xffff, v2  }
.LBB2_7:
0x4d: {  	p0 =	seq.s32 s20, $0x1F00;
	v2 =	vld [tilespmem:s21+$0x19000]  }
0x4e: {  	v3 =	vld [tilespmem:s21+$0x1AF80];
	_ =	sdelay $0x3  }
0x4f: {  	v4, _, _ =	vpop (xrf0)  }
0x50: {  	(v2sf) =	vpush v4, $0xF;
	_ =	sdelay $0x1  }
0x51: {  	v4 =	vld.idx.msk [tilespmem:v2+s4+$0x0], $0xffff;
	_ =	sdelay $0x5  }
0x52: {  	v4 =	vmax.f32 v4, v3  }
0x53: {  	[tilespmem:v2+s4+$0x0] =	vst.idx.msk $0xffff, v4  }
0x54: {  	v4 =	vld.idx.msk [tilespmem:v2+s4+$0x0], $0xffff;
	_ =	sdelay $0x3  }
.Ltmp7:
0x55: {  	(pc) =	sbr.rel @!p0 .LBB2_7-.Ltmp7, $4  }
0x56: {  	s21 =	spop (v2sf)  }
0x57: {  	vm0 =	vgt.f32 v3, v4;
	s19 =	sadd.s32 s19, s21  }
0x58: {  	[tilespmem:s19+$0x1B780] =	vst.msk vm0, v2;
	v2 =	vsel vm0, $0x1, v1  }
0x59: {  	s21 =	sshra.s32 s20, $0x2;
	s20 =	sadd.s32 $0x40, s20;
	[tilespmem:s19+$0x1BF80] =	vst.msk vm0, v3;
	(xrf0) =	vadd.scan.msk.s32 $0xffff, v2  }
0x5a: {  	v2 =	vld [tilespmem:s21+$0x19000];
	_ =	sdelay $0x6  }
0x5b: {  	v3 =	vld [tilespmem:s21+$0x1AF80]  }
0x5c: {  	v4 =	vld.idx.msk [tilespmem:v2+s4+$0x0], $0xffff;
	_ =	sdelay $0x4  }
0x5d: {  	v4 =	vmax.f32 v4, v3  }
0x5e: {  	[tilespmem:v2+s4+$0x0] =	vst.idx.msk $0xffff, v4  }
0x5f: {  	v4 =	vld.idx.msk [tilespmem:v2+s4+$0x0], $0xffff;
	_ =	sdelay $0x4  }
0x60: {  	vm0 =	vgt.f32 v3, v4  }
0x61: {  	v4 =	vsel vm0, $0x1, v1  }
0x62: {  	(xrf0) =	vadd.scan.msk.s32 $0xffff, v4;
	_ =	sdelay $0x4  }
0x63: {  	v62, _, _ =	vpop (xrf0)  }
0x64: {  	(v2sf) =	vpush v62, $0xF;
	v63, _, _ =	vpop (xrf0)  }
0x65: {  	(v2sf) =	vpush v63, $0xF;
	_ =	sdelay $0xd  }
0x66: {  	s20 =	spop (v2sf)  }
0x67: {  	s19 =	sadd.s32 s19, s20;
	s20 =	spop (v2sf)  }
0x68: {  	s31 =	sadd.s32 s19, s20  }
0x69: {  	p0 =	slt.s32 s31, $0x1  }
.Ltmp8:
0x6a: {  	_ = 	snop;
	(pc) =	sbr.rel @p0 .LBB2_12-.Ltmp8, $3  }
0x6b: {  	_ =	sdelay $0x1  }
0x6c: {  	[tilespmem:s19+$0x1B780] =	vst.msk vm0, v2  }
0x6d: {  	[tilespmem:s19+$0x1BF80] =	vst.msk vm0, v3  }
0x6e: {  	s31 =	simm.s32 $0x0  }
0x6f: {  	v3 =	vmov s31;
	_ =	sdelay $0x4  }
0x70: {  	v2 =	vld.idx.msk [tilespmem:v3+s14+$0x0], $0xffff;
	_ =	sdelay $0x1  }
0x71: {  	s19 =	sadd.s32 s19, s20  }
0x72: {  	p0 =	seq.s32 s19, $0x1  }
.Ltmp9:
0x73: {  	_ = 	snop;
	(pc) =	sbr.rel @p0 .LBB2_11-.Ltmp9, $3  }
0x74: {  	_ =	sdelay $0x1  }
0x75: {  	v3 =	vld.idx.msk [tilespmem:v3+s15+$0x0], $0xffff  }
0x76: {  	s20 =	simm.s32 $0x1;
	v4 =	vld.idx.msk [tilespmem:v2+s4+$0x0], $0xffff  }
.LBB2_10:
0x77: {  	_ = 	snop  }
0x78: {  	v5 =	vmov s20;
	s20 =	sadd.s32 $0x1, s20  }
0x79: {  	p0 =	seq.s32 s19, s20;
	_ =	sdelay $0x1  }
0x7a: {  	v3 =	vmax.f32 v4, v3  }
0x7b: {  	[tilespmem:v2+s4+$0x0] =	vst.idx.msk $0xffff, v3  }
0x7c: {  	v2 =	vld.idx.msk [tilespmem:v5+s14+$0x0], $0xffff;
	_ =	sdelay $0x3  }
.Ltmp10:
0x7d: {  	(pc) =	sbr.rel @!p0 .LBB2_10-.Ltmp10, $3  }
0x7e: {  	_ =	sdelay $0x1  }
0x7f: {  	v3 =	vld.idx.msk [tilespmem:v5+s15+$0x0], $0xffff  }
0x80: {  	v4 =	vld.idx.msk [tilespmem:v2+s4+$0x0], $0xffff  }
.LBB2_11:
0x81: {  	_ =	sdelay $0x3  }
0x82: {  	v3 =	vmax.f32 v4, v3  }
0x83: {  	[tilespmem:v2+s4+$0x0] =	vst.idx.msk $0xffff, v3  }
.LBB2_12:
0x84: {  	s20 =	simm.s32 $0x0  }
0x85: {  	v2 =	vld [tilespmem:s20+$0x197D0];
	_ =	sdelay $0x6  }
0x86: {  	v3 =	vld [tilespmem:s20+$0x1AF80]  }
0x87: {  	v4 =	vld.idx.msk [tilespmem:v2+s4+$0x0], $0xffff;
	_ =	sdelay $0x4  }
0x88: {  	v4 =	vmax.f32 v4, v3  }
0x89: {  	[tilespmem:v2+s4+$0x0] =	vst.idx.msk $0xffff, v4  }
0x8a: {  	v4 =	vld.idx.msk [tilespmem:v2+s4+$0x0], $0xffff;
	_ =	sdelay $0x4  }
0x8b: {  	s19 =	simm.s32 $0x0;
	vm0 =	vgt.f32 v3, v4  }
0x8c: {  	[tilespmem:s19+$0x1B780] =	vst.msk vm0, v2;
	v2 =	vsel vm0, $0x1, v1  }
0x8d: {  	s21 =	simm.s32 $0x10;
	s20 =	simm.s32 $0x80;
	[tilespmem:s19+$0x1BF80] =	vst.msk vm0, v3;
	(xrf0) =	vadd.scan.msk.s32 $0xffff, v2  }
.LBB2_13:
0x8e: {  	p0 =	seq.s32 s20, $0x1F00;
	v2 =	vld [tilespmem:s21+$0x197D0]  }
0x8f: {  	v3 =	vld [tilespmem:s21+$0x1AF80];
	_ =	sdelay $0x3  }
0x90: {  	v4, _, _ =	vpop (xrf0)  }
0x91: {  	(v2sf) =	vpush v4, $0xF;
	_ =	sdelay $0x1  }
0x92: {  	v4 =	vld.idx.msk [tilespmem:v2+s4+$0x0], $0xffff;
	_ =	sdelay $0x5  }
0x93: {  	v4 =	vmax.f32 v4, v3  }
0x94: {  	[tilespmem:v2+s4+$0x0] =	vst.idx.msk $0xffff, v4  }
0x95: {  	v4 =	vld.idx.msk [tilespmem:v2+s4+$0x0], $0xffff;
	_ =	sdelay $0x3  }
.Ltmp11:
0x96: {  	(pc) =	sbr.rel @!p0 .LBB2_13-.Ltmp11, $4  }
0x97: {  	s21 =	spop (v2sf)  }
0x98: {  	vm0 =	vgt.f32 v3, v4;
	s19 =	sadd.s32 s19, s21  }
0x99: {  	[tilespmem:s19+$0x1B780] =	vst.msk vm0, v2;
	v2 =	vsel vm0, $0x1, v1  }
0x9a: {  	s21 =	sshra.s32 s20, $0x2;
	s20 =	sadd.s32 $0x40, s20;
	[tilespmem:s19+$0x1BF80] =	vst.msk vm0, v3;
	(xrf0) =	vadd.scan.msk.s32 $0xffff, v2  }
0x9b: {  	v2 =	vld [tilespmem:s21+$0x197D0];
	_ =	sdelay $0x6  }
0x9c: {  	v3 =	vld [tilespmem:s21+$0x1AF80]  }
0x9d: {  	v4 =	vld.idx.msk [tilespmem:v2+s4+$0x0], $0xffff;
	_ =	sdelay $0x4  }
0x9e: {  	v4 =	vmax.f32 v4, v3  }
0x9f: {  	[tilespmem:v2+s4+$0x0] =	vst.idx.msk $0xffff, v4  }
0xa0: {  	v4 =	vld.idx.msk [tilespmem:v2+s4+$0x0], $0xffff;
	_ =	sdelay $0x4  }
0xa1: {  	vm0 =	vgt.f32 v3, v4  }
0xa2: {  	v4 =	vsel vm0, $0x1, v1  }
0xa3: {  	(xrf0) =	vadd.scan.msk.s32 $0xffff, v4;
	_ =	sdelay $0x4  }
0xa4: {  	v62, _, _ =	vpop (xrf0)  }
0xa5: {  	(v2sf) =	vpush v62, $0xF;
	v63, _, _ =	vpop (xrf0)  }
0xa6: {  	(v2sf) =	vpush v63, $0xF;
	_ =	sdelay $0xd  }
0xa7: {  	s20 =	spop (v2sf)  }
0xa8: {  	s19 =	sadd.s32 s19, s20;
	s20 =	spop (v2sf)  }
0xa9: {  	s31 =	sadd.s32 s19, s20  }
0xaa: {  	p0 =	slt.s32 s31, $0x1  }
.Ltmp12:
0xab: {  	_ = 	snop;
	(pc) =	sbr.rel @p0 .LBB2_18-.Ltmp12, $3  }
0xac: {  	_ =	sdelay $0x1  }
0xad: {  	[tilespmem:s19+$0x1B780] =	vst.msk vm0, v2  }
0xae: {  	[tilespmem:s19+$0x1BF80] =	vst.msk vm0, v3  }
0xaf: {  	s31 =	simm.s32 $0x0  }
0xb0: {  	v3 =	vmov s31;
	_ =	sdelay $0x4  }
0xb1: {  	v2 =	vld.idx.msk [tilespmem:v3+s14+$0x0], $0xffff;
	_ =	sdelay $0x1  }
0xb2: {  	s19 =	sadd.s32 s19, s20  }
0xb3: {  	p0 =	seq.s32 s19, $0x1  }
.Ltmp13:
0xb4: {  	_ = 	snop;
	(pc) =	sbr.rel @p0 .LBB2_17-.Ltmp13, $3  }
0xb5: {  	_ =	sdelay $0x1  }
0xb6: {  	v3 =	vld.idx.msk [tilespmem:v3+s15+$0x0], $0xffff  }
0xb7: {  	s20 =	simm.s32 $0x1;
	v4 =	vld.idx.msk [tilespmem:v2+s4+$0x0], $0xffff  }
.LBB2_16:
0xb8: {  	_ = 	snop  }
0xb9: {  	v5 =	vmov s20;
	s20 =	sadd.s32 $0x1, s20  }
0xba: {  	p0 =	seq.s32 s19, s20;
	_ =	sdelay $0x1  }
0xbb: {  	v3 =	vmax.f32 v4, v3  }
0xbc: {  	[tilespmem:v2+s4+$0x0] =	vst.idx.msk $0xffff, v3  }
0xbd: {  	v2 =	vld.idx.msk [tilespmem:v5+s14+$0x0], $0xffff;
	_ =	sdelay $0x3  }
.Ltmp14:
0xbe: {  	(pc) =	sbr.rel @!p0 .LBB2_16-.Ltmp14, $3  }
0xbf: {  	_ =	sdelay $0x1  }
0xc0: {  	v3 =	vld.idx.msk [tilespmem:v5+s15+$0x0], $0xffff  }
0xc1: {  	v4 =	vld.idx.msk [tilespmem:v2+s4+$0x0], $0xffff  }
.LBB2_17:
0xc2: {  	_ =	sdelay $0x3  }
0xc3: {  	v3 =	vmax.f32 v4, v3  }
0xc4: {  	[tilespmem:v2+s4+$0x0] =	vst.idx.msk $0xffff, v3  }
.LBB2_18:
0xc5: {  	s20 =	simm.s32 $0x0  }
0xc6: {  	v2 =	vld [tilespmem:s20+$0x19FA0];
	_ =	sdelay $0x6  }
0xc7: {  	v3 =	vld [tilespmem:s20+$0x1AF80]  }
0xc8: {  	v4 =	vld.idx.msk [tilespmem:v2+s4+$0x0], $0xffff;
	_ =	sdelay $0x4  }
0xc9: {  	v4 =	vmax.f32 v4, v3  }
0xca: {  	[tilespmem:v2+s4+$0x0] =	vst.idx.msk $0xffff, v4  }
0xcb: {  	v4 =	vld.idx.msk [tilespmem:v2+s4+$0x0], $0xffff;
	_ =	sdelay $0x4  }
0xcc: {  	s19 =	simm.s32 $0x0;
	vm0 =	vgt.f32 v3, v4  }
0xcd: {  	[tilespmem:s19+$0x1B780] =	vst.msk vm0, v2;
	v2 =	vsel vm0, $0x1, v1  }
0xce: {  	s21 =	simm.s32 $0x10;
	s20 =	simm.s32 $0x80;
	[tilespmem:s19+$0x1BF80] =	vst.msk vm0, v3;
	(xrf0) =	vadd.scan.msk.s32 $0xffff, v2  }
.LBB2_19:
0xcf: {  	p0 =	seq.s32 s20, $0x1F00;
	v2 =	vld [tilespmem:s21+$0x19FA0]  }
0xd0: {  	v3 =	vld [tilespmem:s21+$0x1AF80];
	_ =	sdelay $0x3  }
0xd1: {  	v4, _, _ =	vpop (xrf0)  }
0xd2: {  	(v2sf) =	vpush v4, $0xF;
	_ =	sdelay $0x1  }
0xd3: {  	v4 =	vld.idx.msk [tilespmem:v2+s4+$0x0], $0xffff;
	_ =	sdelay $0x5  }
0xd4: {  	v4 =	vmax.f32 v4, v3  }
0xd5: {  	[tilespmem:v2+s4+$0x0] =	vst.idx.msk $0xffff, v4  }
0xd6: {  	v4 =	vld.idx.msk [tilespmem:v2+s4+$0x0], $0xffff;
	_ =	sdelay $0x3  }
.Ltmp15:
0xd7: {  	(pc) =	sbr.rel @!p0 .LBB2_19-.Ltmp15, $4  }
0xd8: {  	s21 =	spop (v2sf)  }
0xd9: {  	vm0 =	vgt.f32 v3, v4;
	s19 =	sadd.s32 s19, s21  }
0xda: {  	[tilespmem:s19+$0x1B780] =	vst.msk vm0, v2;
	v2 =	vsel vm0, $0x1, v1  }
0xdb: {  	s21 =	sshra.s32 s20, $0x2;
	s20 =	sadd.s32 $0x40, s20;
	[tilespmem:s19+$0x1BF80] =	vst.msk vm0, v3;
	(xrf0) =	vadd.scan.msk.s32 $0xffff, v2  }
0xdc: {  	v2 =	vld [tilespmem:s21+$0x19FA0];
	_ =	sdelay $0x6  }
0xdd: {  	v3 =	vld [tilespmem:s21+$0x1AF80]  }
0xde: {  	v4 =	vld.idx.msk [tilespmem:v2+s4+$0x0], $0xffff;
	_ =	sdelay $0x4  }
0xdf: {  	v4 =	vmax.f32 v4, v3  }
0xe0: {  	[tilespmem:v2+s4+$0x0] =	vst.idx.msk $0xffff, v4  }
0xe1: {  	v4 =	vld.idx.msk [tilespmem:v2+s4+$0x0], $0xffff;
	_ =	sdelay $0x4  }
0xe2: {  	vm0 =	vgt.f32 v3, v4  }
0xe3: {  	v4 =	vsel vm0, $0x1, v1  }
0xe4: {  	(xrf0) =	vadd.scan.msk.s32 $0xffff, v4;
	_ =	sdelay $0x4  }
0xe5: {  	v62, _, _ =	vpop (xrf0)  }
0xe6: {  	(v2sf) =	vpush v62, $0xF;
	v63, _, _ =	vpop (xrf0)  }
0xe7: {  	(v2sf) =	vpush v63, $0xF;
	_ =	sdelay $0xd  }
0xe8: {  	s20 =	spop (v2sf)  }
0xe9: {  	s19 =	sadd.s32 s19, s20;
	s20 =	spop (v2sf)  }
0xea: {  	s31 =	sadd.s32 s19, s20  }
0xeb: {  	p0 =	slt.s32 s31, $0x1  }
.Ltmp16:
0xec: {  	_ = 	snop;
	(pc) =	sbr.rel @p0 .LBB2_24-.Ltmp16, $3  }
0xed: {  	_ =	sdelay $0x1  }
0xee: {  	[tilespmem:s19+$0x1B780] =	vst.msk vm0, v2  }
0xef: {  	[tilespmem:s19+$0x1BF80] =	vst.msk vm0, v3  }
0xf0: {  	s31 =	simm.s32 $0x0  }
0xf1: {  	v3 =	vmov s31;
	_ =	sdelay $0x4  }
0xf2: {  	v2 =	vld.idx.msk [tilespmem:v3+s14+$0x0], $0xffff;
	_ =	sdelay $0x1  }
0xf3: {  	s19 =	sadd.s32 s19, s20  }
0xf4: {  	p0 =	seq.s32 s19, $0x1  }
.Ltmp17:
0xf5: {  	_ = 	snop;
	(pc) =	sbr.rel @p0 .LBB2_23-.Ltmp17, $3  }
0xf6: {  	_ =	sdelay $0x1  }
0xf7: {  	v3 =	vld.idx.msk [tilespmem:v3+s15+$0x0], $0xffff  }
0xf8: {  	s20 =	simm.s32 $0x1;
	v4 =	vld.idx.msk [tilespmem:v2+s4+$0x0], $0xffff  }
.LBB2_22:
0xf9: {  	_ = 	snop  }
0xfa: {  	v5 =	vmov s20;
	s20 =	sadd.s32 $0x1, s20  }
0xfb: {  	p0 =	seq.s32 s19, s20;
	_ =	sdelay $0x1  }
0xfc: {  	v3 =	vmax.f32 v4, v3  }
0xfd: {  	[tilespmem:v2+s4+$0x0] =	vst.idx.msk $0xffff, v3  }
0xfe: {  	v2 =	vld.idx.msk [tilespmem:v5+s14+$0x0], $0xffff;
	_ =	sdelay $0x3  }
.Ltmp18:
0xff: {  	(pc) =	sbr.rel @!p0 .LBB2_22-.Ltmp18, $3  }
0x100: {  	_ =	sdelay $0x1  }
0x101: {  	v3 =	vld.idx.msk [tilespmem:v5+s15+$0x0], $0xffff  }
0x102: {  	v4 =	vld.idx.msk [tilespmem:v2+s4+$0x0], $0xffff  }
.LBB2_23:
0x103: {  	_ =	sdelay $0x3  }
0x104: {  	v3 =	vmax.f32 v4, v3  }
0x105: {  	[tilespmem:v2+s4+$0x0] =	vst.idx.msk $0xffff, v3  }
.LBB2_24:
0x106: {  	s20 =	simm.s32 $0x0  }
0x107: {  	v2 =	vld [tilespmem:s20+$0x1A770];
	_ =	sdelay $0x6  }
0x108: {  	v3 =	vld [tilespmem:s20+$0x1AF80]  }
0x109: {  	v4 =	vld.idx.msk [tilespmem:v2+s4+$0x0], $0xffff;
	_ =	sdelay $0x4  }
0x10a: {  	v4 =	vmax.f32 v4, v3  }
0x10b: {  	[tilespmem:v2+s4+$0x0] =	vst.idx.msk $0xffff, v4  }
0x10c: {  	v4 =	vld.idx.msk [tilespmem:v2+s4+$0x0], $0xffff;
	_ =	sdelay $0x4  }
0x10d: {  	s19 =	simm.s32 $0x0;
	vm0 =	vgt.f32 v3, v4  }
0x10e: {  	[tilespmem:s19+$0x1B780] =	vst.msk vm0, v2;
	v2 =	vsel vm0, $0x1, v1  }
0x10f: {  	s21 =	simm.s32 $0x10;
	s20 =	simm.s32 $0x80;
	[tilespmem:s19+$0x1BF80] =	vst.msk vm0, v3;
	(xrf0) =	vadd.scan.msk.s32 $0xffff, v2  }
.LBB2_25:
0x110: {  	p0 =	seq.s32 s20, $0x1F00;
	v2 =	vld [tilespmem:s21+$0x1A770]  }
0x111: {  	v3 =	vld [tilespmem:s21+$0x1AF80];
	_ =	sdelay $0x3  }
0x112: {  	v4, _, _ =	vpop (xrf0)  }
0x113: {  	(v2sf) =	vpush v4, $0xF;
	_ =	sdelay $0x1  }
0x114: {  	v4 =	vld.idx.msk [tilespmem:v2+s4+$0x0], $0xffff;
	_ =	sdelay $0x5  }
0x115: {  	v4 =	vmax.f32 v4, v3  }
0x116: {  	[tilespmem:v2+s4+$0x0] =	vst.idx.msk $0xffff, v4  }
0x117: {  	v4 =	vld.idx.msk [tilespmem:v2+s4+$0x0], $0xffff;
	_ =	sdelay $0x3  }
.Ltmp19:
0x118: {  	(pc) =	sbr.rel @!p0 .LBB2_25-.Ltmp19, $4  }
0x119: {  	s21 =	spop (v2sf)  }
0x11a: {  	vm0 =	vgt.f32 v3, v4;
	s19 =	sadd.s32 s19, s21  }
0x11b: {  	[tilespmem:s19+$0x1B780] =	vst.msk vm0, v2;
	v2 =	vsel vm0, $0x1, v1  }
0x11c: {  	s21 =	sshra.s32 s20, $0x2;
	s20 =	sadd.s32 $0x40, s20;
	[tilespmem:s19+$0x1BF80] =	vst.msk vm0, v3;
	(xrf0) =	vadd.scan.msk.s32 $0xffff, v2  }
0x11d: {  	v2 =	vld [tilespmem:s21+$0x1A770];
	_ =	sdelay $0x6  }
0x11e: {  	v3 =	vld [tilespmem:s21+$0x1AF80]  }
0x11f: {  	v4 =	vld.idx.msk [tilespmem:v2+s4+$0x0], $0xffff;
	_ =	sdelay $0x4  }
0x120: {  	v4 =	vmax.f32 v4, v3  }
0x121: {  	[tilespmem:v2+s4+$0x0] =	vst.idx.msk $0xffff, v4  }
0x122: {  	v4 =	vld.idx.msk [tilespmem:v2+s4+$0x0], $0xffff;
	_ =	sdelay $0x4  }
0x123: {  	vm0 =	vgt.f32 v3, v4  }
0x124: {  	v4 =	vsel vm0, $0x1, v1  }
0x125: {  	(xrf0) =	vadd.scan.msk.s32 $0xffff, v4;
	_ =	sdelay $0x4  }
0x126: {  	v62, _, _ =	vpop (xrf0)  }
0x127: {  	(v2sf) =	vpush v62, $0xF;
	v63, _, _ =	vpop (xrf0)  }
0x128: {  	(v2sf) =	vpush v63, $0xF;
	_ =	sdelay $0xd  }
0x129: {  	s20 =	spop (v2sf)  }
0x12a: {  	s19 =	sadd.s32 s19, s20;
	s20 =	spop (v2sf)  }
0x12b: {  	s31 =	sadd.s32 s19, s20  }
0x12c: {  	p0 =	slt.s32 s31, $0x1  }
.Ltmp20:
0x12d: {  	_ = 	snop;
	(pc) =	sbr.rel @p0 .LBB2_30-.Ltmp20, $3  }
0x12e: {  	_ =	sdelay $0x1  }
0x12f: {  	[tilespmem:s19+$0x1B780] =	vst.msk vm0, v2  }
0x130: {  	[tilespmem:s19+$0x1BF80] =	vst.msk vm0, v3  }
0x131: {  	s31 =	simm.s32 $0x0  }
0x132: {  	v3 =	vmov s31;
	_ =	sdelay $0x4  }
0x133: {  	v2 =	vld.idx.msk [tilespmem:v3+s14+$0x0], $0xffff;
	_ =	sdelay $0x2  }
0x134: {  	s19 =	sadd.s32 s19, s20  }
0x135: {  	p0 =	sne.s32 s19, $0x1  }
.Ltmp21:
0x136: {  	_ = 	snop;
	(pc) =	sbr.rel @!p0 .LBB2_29-.Ltmp21, $4  }
0x137: {  	_ = 	snop  }
0x138: {  	v3 =	vld.idx.msk [tilespmem:v3+s15+$0x0], $0xffff  }
0x139: {  	v4 =	vld.idx.msk [tilespmem:v2+s4+$0x0], $0xffff  }
0x13a: {  	s20 =	simm.s32 $0x1  }
.LBB2_28:
0x13b: {  	v5 =	vmov s20;
	s20 =	sadd.s32 $0x1, s20  }
0x13c: {  	p0 =	sne.s32 s19, s20;
	_ =	sdelay $0x1  }
0x13d: {  	v3 =	vmax.f32 v4, v3  }
0x13e: {  	[tilespmem:v2+s4+$0x0] =	vst.idx.msk $0xffff, v3  }
0x13f: {  	v2 =	vld.idx.msk [tilespmem:v5+s14+$0x0], $0xffff;
	_ =	sdelay $0x3  }
.Ltmp22:
0x140: {  	(pc) =	sbr.rel @p0 .LBB2_28-.Ltmp22, $3  }
0x141: {  	_ =	sdelay $0x1  }
0x142: {  	v3 =	vld.idx.msk [tilespmem:v5+s15+$0x0], $0xffff  }
0x143: {  	v4 =	vld.idx.msk [tilespmem:v2+s4+$0x0], $0xffff  }
.Ltmp23:
0x144: {  	_ = 	snop;
	(pc) =	sbr.rel .LBB2_29-.Ltmp23, $1  }
0x145: {  	_ =	sdelay $0x3  }
.LBB2_32:
0x146: {  	_ =	sfence.sel $0x180000  }
0x147: {  	[bflag:$0x0] =	sbarrier.arrive $0xFFFF  }
0x148: {  	p0 =	sne.s32 s0, $0x0;
	_ =	strace $0x90000047  }
0x149: {  	s0 =	sadd.s32 @!p0 $0x100000, s2;
	[bflag:$0x2] =	sbarrier.arrive $0xFFFF  }
0x14a: {  	[sflag:s0] =	ssyncadd.tile.s32 @!p0 $0x1;
	_ =	shalt  }
.Lfunc_end2:
_tile_overlayer_lowered:
.L_overlay_start_2:
0x14b: {  	(tag) =	ssettag $0x2  }
0x14c: {  	s0 =	rddreg [dreg:$0x0];
	s2 =	stileid.u32  }
0x14d: {  	s1 =	rddreg [dreg:$0x1];
	p0 =	sne.s32 s2, $0x0  }
0x14e: {  	s3 =	rddreg [dreg:$0x2];
	[bflag:$0x3] =	sbarrier.arrive $0xFFFF;
	s2 =	simm.s32 @!p0 $0x1C01  }
0x14f: {  	[timem:s3], [sflag:s2] =	dma.local @!p0 [hbm:s0], s1  }
0x150: {  	s0 =	simm.s32 @!p0 $0x1  }
0x151: {  	_ =	swait.ge @!p0 [sflag:s0], s1  }
0x152: {  	s1 =	ssub.s32 @!p0 $0x0, s1;
	[sflag:s0] =	ssyncset.done @!p0 $0x0  }
0x153: {  	[sflag:s0] =	ssyncadd.s32 @!p0 s1  }
0x154: {  	[bflag:$0x3] =	sbarrier.arrive $0xFFFF  }
0x155: {  	_ =	shalt  }

// kernel: kernel.9.cloned.1.call-start
scs
__scs_entry_jumppad:
0x0: {  	(pc) =	sbr.rel $0x88, $3  }
0x1: {  	(tag) =	ssettag $0x0;
	lr =	simm.s32 $0x1  }
0x2: {  	[smem:$0x3F99] =	sst lr;
	_ =	strace $0xD0000000  }
0x3: {  	_ = 	snop  }
0x4: {  	_ = 	snop  }
0x5: {  	_ = 	snop  }
0x6: {  	_ = 	snop  }
0x7: {  	_ = 	snop  }
__scs_overlays_trampoline_lowered:
0x8: {  	[smem:$0x3FA8] =	sst s0  }
0x9: {  	[smem:$0x3FA9] =	sst s1  }
0xa: {  	[smem:$0x3FAA] =	sst s2  }
0xb: {  	[smem:$0x3FAB] =	sst s3  }
0xc: {  	[smem:$0x3FAC] =	sst s4  }
0xd: {  	[smem:$0x3FAD] =	sst s5  }
0xe: {  	[smem:$0x3FAE] =	sst s6  }
0xf: {  	[smem:$0x3FAF] =	sst s7  }
0x10: {  	[smem:$0x3FB0] =	sst s8  }
0x11: {  	[smem:$0x3FB1] =	sst s9;
	s0 =	simm.s32 @!p0 $0x0  }
0x12: {  	s1 =	sld [smem:$0x3F97];
	s0 =	simm.s32 @p0 $0x1  }
0x13: {  	[smem:$0x3FB2] =	sst s0;
	s0 =	simm.s32 @!p1 $0x0  }
0x14: {  	s2 =	sld [smem:$0x3F96];
	s0 =	simm.s32 @p1 $0x1  }
0x15: {  	[smem:$0x3FB3] =	sst s0;
	s0 =	simm.s32 @!p2 $0x0  }
0x16: {  	s3 =	sld [smem:$0x3FDB];
	s0 =	simm.s32 @p2 $0x1  }
0x17: {  	s4 =	simm.s32 $0x1BF5;
	[smem:$0x3FB5] =	sst s0  }
0x18: {  	s0 =	sld [smem:$0x3F98];
	_ =	swait.ge [sflag:s4], $0x0  }
0x19: {  	s7 =	sld [smem:$0x3F99]  }
0x1a: {  	s8 =	sadd.s32 $0xFFFFE003, lr  }
0x1b: {  	s9 =	sadd.s32 $0xFFFFFEF7, lr;
	s5 =	simm.s32 $0xFFFFFFFF;
	p2 =	slt.u32 s8, $0xFFFFF086  }
0x1c: {  	p1 =	slt.u32 s9, $0xF7A;
	s5 =	simm.s32 @!p2 $0x0  }
0x1d: {  	s5 =	simm.s32 @p1 $0x1;
	p0 =	seq.s32 s7, s2  }
0x1e: {  	s7 =	smul.u32 @!p0 $0xF7A, s2;
	p2 =	seq.s32 @!p0 s5, $0x0  }
0x1f: {  	s9 =	smul.u32 $0xF7A, s1;
	s8 =	simm.s32 @!p0 $0x1BF5;
	p2 =	por !p2, p0  }
0x20: {  	[sflag:s8] =	ssyncset.s32 @!p0 $0xFFFFF086;
	s6 =	sadd.s32 @!p0 s3, s7;
	s7 =	simm.s32 @!p0 $0x108  }
0x21: {  	s3 =	sadd.s32 s3, s9;
	s6 =	sadd.s32 @!p0 $0x88, s6;
	s7 =	simm.s32 @p2 $0x1082  }
0x22: {  	[simem:s7], [sflag:s8] =	dma.local @!p0 [hbm:s6], $0xF7A  }
0x23: {  	s9 =	sor.u32 $0xD0000000, s2;
	s6 =	simm.s32 $0x108;
	_ =	swait.ge @!p0 [sflag:s8], $0x0  }
0x24: {  	s3 =	sadd.s32 $0x88, s3;
	s6 =	simm.s32 @!p1 $0x1082;
	[sflag:s4] =	ssyncset.s32 $0xFFFFF086  }
0x25: {  	[simem:s6], [sflag:s4] =	dma.local [hbm:s3], $0xF7A  }
0x26: {  	[smem:$0x3F99] =	sst s1;
	(tag) =	ssettag s2;
	_ =	strace s9  }
0x27: {  	s1 =	sld [smem:$0x3FA9]  }
0x28: {  	s2 =	sld [smem:$0x3FAA]  }
0x29: {  	s4 =	sld [smem:$0x3FAC]  }
0x2a: {  	p0 =	seq.s32 s5, $0x0;
	s5 =	sld [smem:$0x3FAD]  }
0x2b: {  	s6 =	sld [smem:$0x3FAE]  }
0x2c: {  	s7 =	sld [smem:$0x3FAF]  }
0x2d: {  	s3 =	simm.s32 $0x108;
	s8 =	sld [smem:$0x3FB0]  }
0x2e: {  	s3 =	simm.s32 @!p0 $0x1082;
	s9 =	sld [smem:$0x3FB1]  }
0x2f: {  	lr =	sadd.s32 s0, s3;
	s0 =	sld [smem:$0x3FA8]  }
0x30: {  	s3 =	sld [smem:$0x3FAB]  }
0x31: {  	[smem:$0x3FB4] =	sst s10  }
0x32: {  	s10 =	sld [smem:$0x3FB2];
	_ =	sdelay $0x3  }
0x33: {  	p0 =	seq.s32 s10, $0x1;
	s10 =	sld [smem:$0x3FB4];
	_ =	sdelay $0x3  }
0x34: {  	[smem:$0x3FB4] =	sst s10  }
0x35: {  	s10 =	sld [smem:$0x3FB3];
	_ =	sdelay $0x3  }
0x36: {  	p1 =	seq.s32 s10, $0x1;
	s10 =	sld [smem:$0x3FB4];
	_ =	sdelay $0x3  }
0x37: {  	[smem:$0x3FB4] =	sst s10  }
0x38: {  	s10 =	sld [smem:$0x3FB5]  }
0x39: {  	_ = 	snop;
	(pc) =	sbr.ind lr, $3  }
0x3a: {  	_ = 	snop  }
0x3b: {  	_ = 	snop  }
0x3c: {  	p2 =	seq.s32 s10, $0x1;
	s10 =	sld [smem:$0x3FB4]  }
0x3d: {  	_ =	shalt  }
0x3e: {  	_ =	shalt  }
0x3f: {  	_ =	shalt  }
0x40: {  	_ =	shalt  }
0x41: {  	_ =	shalt  }
0x42: {  	_ =	shalt  }
0x43: {  	_ =	shalt  }
0x44: {  	_ =	shalt  }
0x45: {  	_ =	shalt  }
0x46: {  	_ =	shalt  }
0x47: {  	_ =	shalt  }
0x48: {  	_ =	shalt  }
0x49: {  	_ =	shalt  }
0x4a: {  	_ =	shalt  }
0x4b: {  	_ =	shalt  }
0x4c: {  	_ =	shalt  }
0x4d: {  	_ =	shalt  }
0x4e: {  	_ =	shalt  }
0x4f: {  	_ =	shalt  }
0x50: {  	_ =	shalt  }
0x51: {  	_ =	shalt  }
0x52: {  	_ =	shalt  }
0x53: {  	_ =	shalt  }
0x54: {  	_ =	shalt  }
0x55: {  	_ =	shalt  }
0x56: {  	_ =	shalt  }
0x57: {  	_ =	shalt  }
0x58: {  	_ =	shalt  }
0x59: {  	_ =	shalt  }
0x5a: {  	_ =	shalt  }
0x5b: {  	_ =	shalt  }
0x5c: {  	_ =	shalt  }
0x5d: {  	_ =	shalt  }
0x5e: {  	_ =	shalt  }
0x5f: {  	_ =	shalt  }
0x60: {  	_ =	shalt  }
0x61: {  	_ =	shalt  }
0x62: {  	_ =	shalt  }
0x63: {  	_ =	shalt  }
0x64: {  	_ =	shalt  }
0x65: {  	_ =	shalt  }
0x66: {  	_ =	shalt  }
0x67: {  	_ =	shalt  }
0x68: {  	_ =	shalt  }
0x69: {  	_ =	shalt  }
0x6a: {  	_ =	shalt  }
0x6b: {  	_ =	shalt  }
0x6c: {  	_ =	shalt  }
0x6d: {  	_ =	shalt  }
0x6e: {  	_ =	shalt  }
0x6f: {  	_ =	shalt  }
0x70: {  	_ =	shalt  }
0x71: {  	_ =	shalt  }
0x72: {  	_ =	shalt  }
0x73: {  	_ =	shalt  }
0x74: {  	_ =	shalt  }
0x75: {  	_ =	shalt  }
0x76: {  	_ =	shalt  }
0x77: {  	_ =	shalt  }
0x78: {  	_ =	shalt  }
0x79: {  	_ =	shalt  }
0x7a: {  	_ =	shalt  }
0x7b: {  	_ =	shalt  }
0x7c: {  	_ =	shalt  }
0x7d: {  	_ =	shalt  }
0x7e: {  	_ =	shalt  }
0x7f: {  	_ =	shalt  }
0x80: {  	_ =	shalt  }
0x81: {  	_ =	shalt  }
0x82: {  	_ =	shalt  }
0x83: {  	_ =	shalt  }
0x84: {  	_ =	shalt  }
0x85: {  	_ =	shalt  }
0x86: {  	_ =	shalt  }
0x87: {  	_ =	shalt  }
.Lfunc_end0:
.L_simem_size_0:
called_computation.1_lowered:
.L_overlay_start_0:
0x88: {  	s2 =	sld [smem:$0x3FD9]  }
0x89: {  	s3 =	sld [smem:$0x3FFE];
	_ =	sdelay $0x1  }
0x8a: {  	s1 =	srdreg.scid  }
0x8b: {  	s0 =	sand.u32 $0x1, s1  }
0x8c: {  	s16 =	sshll.u32 s0, $0xA;
	s2 =	sadd.s32 s3, s2  }
0x8d: {  	s2 =	sadd.s32 s2, s16  }
0x8e: {  	[smem:$0x3FC0] =	sst s2  }
0x8f: {  	_ = 	snop  }
0x90: {  	(tm) =	ssettm $0x1  }
0x91: {  	s17 =	sld [smem:$0x3FFB];
	_ =	sdelay $0x3  }
0x92: {  	_ =	strace s17  }
0x93: {  	s2 =	sld [smem:$0x3FFC];
	_ =	sdelay $0x3  }
0x94: {  	_ =	strace s2  }
0x95: {  	s2 =	sld [smem:$0x3FFD];
	_ =	sdelay $0x3  }
0x96: {  	_ =	strace s2  }
0x97: {  	_ =	strace $0x8FFFFFFF  }
0x98: {  	s18 =	sld [smem:$0x3FDB];
	_ =	sdelay $0x1  }
0x99: {  	s19 =	simm.s32 $_scs_section_size  }
0x9a: {  	s4 =	simm.s32 $_size__tile_overlayer_lowered;
	s5 =	simm.s32 $_tile_overlayer_lowered  }
0x9b: {  	s22 =	simm.s32 $0x1BFF;
	s21 =	sshll.u32 s5, $0x1;
	s2 =	sadd.s32 s19, s18  }
0x9c: {  	s6 =	simm.s32 $0x0;
	s20 =	sshll.u32 s4, $0x1;
	s4 =	sadd.s32 s21, s2  }
0x9d: {  	[timem:s6], [sflag:s22] =	dma.local [hbm:s4], s20  }
0x9e: {  	_ =	swait.ge [sflag:s22], s20  }
0x9f: {  	s3 =	ssub.s32 $0x0, s20;
	[sflag:s22] =	ssyncset.done $0x0  }
0xa0: {  	[sflag:s22] =	ssyncadd.s32 s3;
	_ =	sdelay $0x1  }
0xa1: {  	s23 =	simm.s32 $0x1B8B  }
0xa2: {  	_ =	swait.ge [sflag:s23], $0x1  }
0xa3: {  	[sflag:s23] =	ssyncset.done $0x0  }
0xa4: {  	s25 =	simm.s32 $0x1B8E;
	s24 =	sld [smem:$0x3FFE];
	[sflag:s23] =	ssyncadd.s32 $0xFFFFFFFF  }
0xa5: {  	s26 =	simm.s32 $execute0_lowered;
	[smem:$0x3FD2] =	sst s25  }
0xa6: {  	s4 =	sshll.u32 s26, $0x1;
	_ =	strace $0x80000049;
	[dreg:$0x1] =	wrdreg $0xFFFFFFFF  }
0xa7: {  	s28 =	simm.s32 $_size_execute0_lowered;
	s2 =	sadd.s32 s2, s4;
	[dreg:$0x0] =	wrdreg $0x0  }
0xa8: {  	s4 =	sshll.u32 s28, $0x1;
	[dreg:$0x2] =	wrdreg s2  }
0xa9: {  	[dreg:$0x3] =	wrdreg s4  }
0xaa: {  	[dreg:$0x4] =	wrdreg $0xC0  }
0xab: {  	_ =	task [dreg:s6], $0x5FFFF  }
0xac: {  	[dreg:$0x1] =	wrdreg $0xFFFFFFFF  }
0xad: {  	[dreg:$0x0] =	wrdreg $0x60  }
0xae: {  	[dreg:$0x2] =	wrdreg s24  }
0xaf: {  	[dreg:$0x3] =	wrdreg $0x9  }
0xb0: {  	_ =	task.clear_ibuf [dreg:s6], $0x4FFFF;
	_ =	strace $0x90000049  }
0xb1: {  	s29 =	simm.s32 $0x9;
	_ =	strace $0x8000004B  }
0xb2: {  	_ =	swait.ge [sflag:s29], $0x1  }
0xb3: {  	[sflag:s29] =	ssyncadd.s32 $0xFFFFFFFF  }
0xb4: {  	_ =	strace $0x9000004B  }
0xb5: {  	_ =	sfence  }
0xb6: {  	s30 =	sld [smem:$0x0];
	_ =	sdelay $0x2  }
0xb7: {  	s31 =	sshll.u32 s1, $0xD;
	s1 =	sshrl.u32 s1, $0x2  }
0xb8: {  	s3 =	sand.u32 $0x4000, s31;
	s1 =	sadd.s32 s1, s30  }
0xb9: {  	s0 =	sor.u32 s3, s0;
	s1 =	sshll.u32 s1, $0x11  }
0xba: {  	s0 =	sor.u32 s1, s0  }
0xbb: {  	s0 =	sadd.s32 $0x8F2B, s0  }
0xbc: {  	[sflag:s0] =	ssyncadd.remote.s32 $0x1  }
0xbd: {  	_ =	sfence.sel $0xFFFF  }
0xbe: {  	[dreg:$0x0] =	wrdreg $0xFFFFFFFF;
	(pc) =	sbr.abs _section_cstart, $3  }
0xbf: {  	[dreg:$0x1] =	wrdreg $0xFFFFFFFF  }
0xc0: {  	_ =	task.clear_ibuf [dreg:s6], $0x2FFFF;
	_ =	strace $0x9FFFFFFF  }
0xc1: {  	(tm) =	ssettm $0x7FFFFFFF  }
tec
execute0_lowered:
.L_overlay_start_1:
0x0: {  	(tag) =	ssettag $0x1  }
0x1: {  	s0 =	srdreg.scid;
	s1 =	stileid.u32  }
0x2: {  	s0 =	sand.u32 $0x1, s0;
	s1 =	sshll.u32 s1, $0x1  }
0x3: {  	s1 =	sor.u32 s0, s1  }
0x4: {  	s0 =	ssub.s32 $0x2, s0;
	s1 =	smul.u32 $0xC80, s1  }
0x5: {  	s3 =	rddreg [dreg:$0x0];
	s2 =	simm.s32 $0x0;
	s19 =	sshrl.u32 s0, $0x1  }
0x6: {  	s8 =	simm.s32 $0x0;
	s6 =	ssub.s32 s0, s19;
	s1 =	sshrl.u32 s1, $0x3  }
0x7: {  	[smem:$0x7FF] =	sst s2;
	s6 =	smax.u32 s6, $0x1;
	s5 =	sadd.s32 s1, s3  }
0x8: {  	_ =	strace $0x8000004A;
	[dreg:$0x12] =	wrdreg s6;
	s20 =	sadd.s32 $0x8A00, s5  }
0x9: {  	s10 =	sadd.s32 $0x2600, s5;
	s21 =	sadd.s32 $0xEE00, s5;
	[dreg:$0x4] =	wrdreg s20  }
0xa: {  	s11 =	sadd.s32 $0x5800, s5;
	s22 =	sadd.s32 $0x15200, s5;
	[dreg:$0x6] =	wrdreg s21  }
0xb: {  	s12 =	sadd.s32 $0xBC00, s5;
	s23 =	sadd.s32 $0x1B600, s5;
	[dreg:$0x8] =	wrdreg s22  }
0xc: {  	s13 =	sadd.s32 $0x12000, s5;
	s24 =	sadd.s32 $0x21A00, s5;
	[dreg:$0xa] =	wrdreg s23  }
0xd: {  	s14 =	sadd.s32 $0x18400, s5;
	s25 =	sadd.s32 $0x27E00, s5;
	[dreg:$0xc] =	wrdreg s24  }
0xe: {  	s15 =	sadd.s32 $0x1E800, s5;
	s26 =	sadd.s32 $0x2E200, s5;
	[dreg:$0xe] =	wrdreg s25  }
0xf: {  	s16 =	sadd.s32 $0x24C00, s5;
	s17 =	sadd.s32 $0x2B000, s5;
	[dreg:$0x10] =	wrdreg s26  }
0x10: {  	s18 =	sadd.s32 $0x31400, s5;
	s19 =	sadd.s32 $0x34600, s5;
	[dreg:$0x2] =	wrdreg s10  }
0x11: {  	s28 =	sadd.s32 $0x4D600, s5;
	s29 =	sadd.s32 $0x50800, s5;
	[dreg:$0x3] =	wrdreg s11  }
0x12: {  	s30 =	sadd.s32 $0x53A00, s5;
	s31 =	sadd.s32 $0x56C00, s5;
	[dreg:$0x5] =	wrdreg s12  }
0x13: {  	s1 =	sadd.s32 $0x59E00, s5;
	s0 =	sadd.s32 $0x5D000, s5;
	[dreg:$0x7] =	wrdreg s13  }
0x14: {  	s3 =	sadd.s32 $0x60200, s5;
	s4 =	sadd.s32 $0x63400, s5;
	[dreg:$0x9] =	wrdreg s14  }
0x15: {  	s20 =	sadd.s32 $0x37800, s5;
	s21 =	sadd.s32 $0x3AA00, s5;
	[dreg:$0xb] =	wrdreg s15  }
0x16: {  	s22 =	sadd.s32 $0x3DC00, s5;
	s23 =	sadd.s32 $0x40E00, s5;
	[dreg:$0xd] =	wrdreg s16  }
0x17: {  	s24 =	sadd.s32 $0x44000, s5;
	s25 =	sadd.s32 $0x47200, s5;
	[dreg:$0xf] =	wrdreg s17  }
0x18: {  	s26 =	sadd.s32 $0x4A400, s5;
	s5 =	sadd.s32 $0x66600, s5;
	[dreg:$0x11] =	wrdreg s18  }
.LBB2_1:
0x19: {  	[dreg:$0x13] =	wrdreg s8;
	s6 =	simm.s32 $0x10  }
0x1a: {  	s9 =	sadd.s32 $0x0, s10;
	s7 =	simm.s32 $0x400;
	s8 =	simm.s32 $0x0  }
.LBB2_2:
0x1b: {  	[tilespmem:s8], [sflag:$0x1] =	stream.linear.gather [hbm4b:s9+s2], $0x80, $0x38;
	[tilespmem:$0x19000] =	vst v63  }
0x1c: {  	s9 =	smov.u32 s6;
	s8 =	smov.u32 s7;
	p0 =	sne.s32 s6, $0x180  }
.Ltmp0:
0x1d: {  	s6 =	sadd.s32 $0x10, s6;
	(pc) =	sbr.rel @p0 .LBB2_2-.Ltmp0, $2  }
0x1e: {  	_ =	sdelay $0x2  }
0x1f: {  	s7 =	sadd.s32 $0x400, s7;
	s9 =	sadd.s32 s9, s10  }
0x20: {  	[tilespmem:s8], [sflag:$0x1] =	stream.linear.gather [hbm4b:s9+s2], $0x80, $0x38;
	[tilespmem:$0x19000] =	vst v63  }
0x21: {  	s6 =	simm.s32 $0x80  }
0x22: {  	s7 =	simm.s32 $0x10;
	s9 =	sadd.s32 $0x0, s11;
	s8 =	simm.s32 $0x480  }
.LBB2_4:
0x23: {  	[tilespmem:s6], [sflag:$0x1] =	stream.linear.gather [hbm4b:s9+s2], $0x80, $0x38;
	[tilespmem:$0x19000] =	vst v63  }
0x24: {  	s9 =	smov.u32 s7;
	s6 =	smov.u32 s8;
	p0 =	sne.s32 s7, $0x180  }
.Ltmp1:
0x25: {  	s7 =	sadd.s32 $0x10, s7;
	(pc) =	sbr.rel @p0 .LBB2_4-.Ltmp1, $2  }
0x26: {  	_ =	sdelay $0x2  }
0x27: {  	s8 =	sadd.s32 $0x400, s8;
	s9 =	sadd.s32 s9, s11  }
0x28: {  	[tilespmem:s6], [sflag:$0x1] =	stream.linear.gather [hbm4b:s9+s2], $0x80, $0x38;
	[tilespmem:$0x19000] =	vst v63  }
0x29: {  	s6 =	simm.s32 $0x100;
	s12 =	rddreg [dreg:$0x4]  }
0x2a: {  	s7 =	simm.s32 $0x10;
	s8 =	simm.s32 $0x500;
	s9 =	sadd.s32 $0x0, s12  }
.LBB2_6:
0x2b: {  	[tilespmem:s6], [sflag:$0x1] =	stream.linear.gather [hbm4b:s9+s2], $0x80, $0x38;
	[tilespmem:$0x19000] =	vst v63  }
0x2c: {  	s9 =	smov.u32 s7;
	s6 =	smov.u32 s8;
	p0 =	sne.s32 s7, $0x180  }
.Ltmp2:
0x2d: {  	s7 =	sadd.s32 $0x10, s7;
	(pc) =	sbr.rel @p0 .LBB2_6-.Ltmp2, $2  }
0x2e: {  	_ =	sdelay $0x2  }
0x2f: {  	s8 =	sadd.s32 $0x400, s8;
	s9 =	sadd.s32 s9, s12  }
0x30: {  	[tilespmem:s6], [sflag:$0x1] =	stream.linear.gather [hbm4b:s9+s2], $0x80, $0x38;
	[tilespmem:$0x19000] =	vst v63  }
0x31: {  	s6 =	simm.s32 $0x180;
	s12 =	rddreg [dreg:$0x5]  }
0x32: {  	s7 =	simm.s32 $0x10;
	s8 =	simm.s32 $0x580;
	s9 =	sadd.s32 $0x0, s12  }
.LBB2_8:
0x33: {  	[tilespmem:s6], [sflag:$0x1] =	stream.linear.gather [hbm4b:s9+s2], $0x80, $0x38;
	[tilespmem:$0x19000] =	vst v63  }
0x34: {  	s9 =	smov.u32 s7;
	s6 =	smov.u32 s8;
	p0 =	sne.s32 s7, $0x180  }
.Ltmp3:
0x35: {  	s7 =	sadd.s32 $0x10, s7;
	(pc) =	sbr.rel @p0 .LBB2_8-.Ltmp3, $2  }
0x36: {  	_ =	sdelay $0x2  }
0x37: {  	s8 =	sadd.s32 $0x400, s8;
	s9 =	sadd.s32 s9, s12  }
0x38: {  	[tilespmem:s6], [sflag:$0x1] =	stream.linear.gather [hbm4b:s9+s2], $0x80, $0x38;
	[tilespmem:$0x19000] =	vst v63  }
0x39: {  	s6 =	simm.s32 $0x200;
	s13 =	rddreg [dreg:$0x6]  }
0x3a: {  	s7 =	simm.s32 $0x10;
	s8 =	simm.s32 $0x600;
	s9 =	sadd.s32 $0x0, s13  }
.LBB2_10:
0x3b: {  	[tilespmem:s6], [sflag:$0x1] =	stream.linear.gather [hbm4b:s9+s2], $0x80, $0x38;
	[tilespmem:$0x19000] =	vst v63  }
0x3c: {  	s9 =	smov.u32 s7;
	s6 =	smov.u32 s8;
	p0 =	sne.s32 s7, $0x180  }
.Ltmp4:
0x3d: {  	s7 =	sadd.s32 $0x10, s7;
	(pc) =	sbr.rel @p0 .LBB2_10-.Ltmp4, $2  }
0x3e: {  	_ =	sdelay $0x2  }
0x3f: {  	s8 =	sadd.s32 $0x400, s8;
	s9 =	sadd.s32 s9, s13  }
0x40: {  	[tilespmem:s6], [sflag:$0x1] =	stream.linear.gather [hbm4b:s9+s2], $0x80, $0x38;
	[tilespmem:$0x19000] =	vst v63  }
0x41: {  	s6 =	simm.s32 $0x280;
	s13 =	rddreg [dreg:$0x7]  }
0x42: {  	s7 =	simm.s32 $0x10;
	s8 =	simm.s32 $0x680;
	s9 =	sadd.s32 $0x0, s13  }
.LBB2_12:
0x43: {  	[tilespmem:s6], [sflag:$0x1] =	stream.linear.gather [hbm4b:s9+s2], $0x80, $0x38;
	[tilespmem:$0x19000] =	vst v63  }
0x44: {  	s9 =	smov.u32 s7;
	s6 =	smov.u32 s8;
	p0 =	sne.s32 s7, $0x180  }
.Ltmp5:
0x45: {  	s7 =	sadd.s32 $0x10, s7;
	(pc) =	sbr.rel @p0 .LBB2_12-.Ltmp5, $2  }
0x46: {  	_ =	sdelay $0x2  }
0x47: {  	s8 =	sadd.s32 $0x400, s8;
	s9 =	sadd.s32 s9, s13  }
0x48: {  	[tilespmem:s6], [sflag:$0x1] =	stream.linear.gather [hbm4b:s9+s2], $0x80, $0x38;
	[tilespmem:$0x19000] =	vst v63  }
0x49: {  	s6 =	simm.s32 $0x300;
	s14 =	rddreg [dreg:$0x8]  }
0x4a: {  	s7 =	simm.s32 $0x10;
	s8 =	simm.s32 $0x700;
	s9 =	sadd.s32 $0x0, s14  }
.LBB2_14:
0x4b: {  	[tilespmem:s6], [sflag:$0x1] =	stream.linear.gather [hbm4b:s9+s2], $0x80, $0x38;
	[tilespmem:$0x19000] =	vst v63  }
0x4c: {  	s9 =	smov.u32 s7;
	s6 =	smov.u32 s8;
	p0 =	sne.s32 s7, $0x180  }
.Ltmp6:
0x4d: {  	s7 =	sadd.s32 $0x10, s7;
	(pc) =	sbr.rel @p0 .LBB2_14-.Ltmp6, $2  }
0x4e: {  	_ =	sdelay $0x2  }
0x4f: {  	s8 =	sadd.s32 $0x400, s8;
	s9 =	sadd.s32 s9, s14  }
0x50: {  	[tilespmem:s6], [sflag:$0x1] =	stream.linear.gather [hbm4b:s9+s2], $0x80, $0x38;
	[tilespmem:$0x19000] =	vst v63  }
0x51: {  	s6 =	simm.s32 $0x380;
	s14 =	rddreg [dreg:$0x9]  }
0x52: {  	s7 =	simm.s32 $0x10;
	s8 =	simm.s32 $0x780;
	s9 =	sadd.s32 $0x0, s14  }
.LBB2_16:
0x53: {  	[tilespmem:s6], [sflag:$0x1] =	stream.linear.gather [hbm4b:s9+s2], $0x80, $0x38;
	[tilespmem:$0x19000] =	vst v63  }
0x54: {  	s9 =	smov.u32 s7;
	s6 =	smov.u32 s8;
	p0 =	sne.s32 s7, $0x180  }
.Ltmp7:
0x55: {  	s7 =	sadd.s32 $0x10, s7;
	(pc) =	sbr.rel @p0 .LBB2_16-.Ltmp7, $2  }
0x56: {  	_ =	sdelay $0x2  }
0x57: {  	s8 =	sadd.s32 $0x400, s8;
	s9 =	sadd.s32 s9, s14  }
0x58: {  	[tilespmem:s6], [sflag:$0x1] =	stream.linear.gather [hbm4b:s9+s2], $0x80, $0x38;
	[tilespmem:$0x19000] =	vst v63  }
0x59: {  	s6 =	simm.s32 $0x6400;
	s15 =	rddreg [dreg:$0xa]  }
0x5a: {  	s7 =	simm.s32 $0x10;
	s8 =	simm.s32 $0x6800;
	s9 =	sadd.s32 $0x0, s15  }
.LBB2_18:
0x5b: {  	[tilespmem:s6], [sflag:$0x1] =	stream.linear.gather [hbm4b:s9+s2], $0x80, $0x38;
	[tilespmem:$0x19000] =	vst v63  }
0x5c: {  	s9 =	smov.u32 s7;
	s6 =	smov.u32 s8;
	p0 =	sne.s32 s7, $0x180  }
.Ltmp8:
0x5d: {  	s7 =	sadd.s32 $0x10, s7;
	(pc) =	sbr.rel @p0 .LBB2_18-.Ltmp8, $2  }
0x5e: {  	_ =	sdelay $0x2  }
0x5f: {  	s8 =	sadd.s32 $0x400, s8;
	s9 =	sadd.s32 s9, s15  }
0x60: {  	[tilespmem:s6], [sflag:$0x1] =	stream.linear.gather [hbm4b:s9+s2], $0x80, $0x38;
	[tilespmem:$0x19000] =	vst v63  }
0x61: {  	s6 =	simm.s32 $0x6480;
	s15 =	rddreg [dreg:$0xb]  }
0x62: {  	s7 =	simm.s32 $0x10;
	s8 =	simm.s32 $0x6880;
	s9 =	sadd.s32 $0x0, s15  }
.LBB2_20:
0x63: {  	[tilespmem:s6], [sflag:$0x1] =	stream.linear.gather [hbm4b:s9+s2], $0x80, $0x38;
	[tilespmem:$0x19000] =	vst v63  }
0x64: {  	s9 =	smov.u32 s7;
	s6 =	smov.u32 s8;
	p0 =	sne.s32 s7, $0x180  }
.Ltmp9:
0x65: {  	s7 =	sadd.s32 $0x10, s7;
	(pc) =	sbr.rel @p0 .LBB2_20-.Ltmp9, $2  }
0x66: {  	_ =	sdelay $0x2  }
0x67: {  	s8 =	sadd.s32 $0x400, s8;
	s9 =	sadd.s32 s9, s15  }
0x68: {  	[tilespmem:s6], [sflag:$0x1] =	stream.linear.gather [hbm4b:s9+s2], $0x80, $0x38;
	[tilespmem:$0x19000] =	vst v63  }
0x69: {  	s6 =	simm.s32 $0x6500;
	s16 =	rddreg [dreg:$0xc]  }
0x6a: {  	s7 =	simm.s32 $0x10;
	s8 =	simm.s32 $0x6900;
	s9 =	sadd.s32 $0x0, s16  }
.LBB2_22:
0x6b: {  	[tilespmem:s6], [sflag:$0x1] =	stream.linear.gather [hbm4b:s9+s2], $0x80, $0x38;
	[tilespmem:$0x19000] =	vst v63  }
0x6c: {  	s9 =	smov.u32 s7;
	s6 =	smov.u32 s8;
	p0 =	sne.s32 s7, $0x180  }
.Ltmp10:
0x6d: {  	s7 =	sadd.s32 $0x10, s7;
	(pc) =	sbr.rel @p0 .LBB2_22-.Ltmp10, $2  }
0x6e: {  	_ =	sdelay $0x2  }
0x6f: {  	s8 =	sadd.s32 $0x400, s8;
	s9 =	sadd.s32 s9, s16  }
0x70: {  	[tilespmem:s6], [sflag:$0x1] =	stream.linear.gather [hbm4b:s9+s2], $0x80, $0x38;
	[tilespmem:$0x19000] =	vst v63  }
0x71: {  	s6 =	simm.s32 $0x6580;
	s16 =	rddreg [dreg:$0xd]  }
0x72: {  	s7 =	simm.s32 $0x10;
	s8 =	simm.s32 $0x6980;
	s9 =	sadd.s32 $0x0, s16  }
.LBB2_24:
0x73: {  	[tilespmem:s6], [sflag:$0x1] =	stream.linear.gather [hbm4b:s9+s2], $0x80, $0x38;
	[tilespmem:$0x19000] =	vst v63  }
0x74: {  	s9 =	smov.u32 s7;
	s6 =	smov.u32 s8;
	p0 =	sne.s32 s7, $0x180  }
.Ltmp11:
0x75: {  	s7 =	sadd.s32 $0x10, s7;
	(pc) =	sbr.rel @p0 .LBB2_24-.Ltmp11, $2  }
0x76: {  	_ =	sdelay $0x2  }
0x77: {  	s8 =	sadd.s32 $0x400, s8;
	s9 =	sadd.s32 s9, s16  }
0x78: {  	[tilespmem:s6], [sflag:$0x1] =	stream.linear.gather [hbm4b:s9+s2], $0x80, $0x38;
	[tilespmem:$0x19000] =	vst v63  }
0x79: {  	s6 =	simm.s32 $0x6600;
	s17 =	rddreg [dreg:$0xe]  }
0x7a: {  	s7 =	simm.s32 $0x10;
	s8 =	simm.s32 $0x6A00;
	s9 =	sadd.s32 $0x0, s17  }
.LBB2_26:
0x7b: {  	[tilespmem:s6], [sflag:$0x1] =	stream.linear.gather [hbm4b:s9+s2], $0x80, $0x38;
	[tilespmem:$0x19000] =	vst v63  }
0x7c: {  	s9 =	smov.u32 s7;
	s6 =	smov.u32 s8;
	p0 =	sne.s32 s7, $0x180  }
.Ltmp12:
0x7d: {  	s7 =	sadd.s32 $0x10, s7;
	(pc) =	sbr.rel @p0 .LBB2_26-.Ltmp12, $2  }
0x7e: {  	_ =	sdelay $0x2  }
0x7f: {  	s8 =	sadd.s32 $0x400, s8;
	s9 =	sadd.s32 s9, s17  }
0x80: {  	[tilespmem:s6], [sflag:$0x1] =	stream.linear.gather [hbm4b:s9+s2], $0x80, $0x38;
	[tilespmem:$0x19000] =	vst v63  }
0x81: {  	s6 =	simm.s32 $0x6680;
	s17 =	rddreg [dreg:$0xf]  }
0x82: {  	s7 =	simm.s32 $0x10;
	s8 =	simm.s32 $0x6A80;
	s9 =	sadd.s32 $0x0, s17  }
.LBB2_28:
0x83: {  	[tilespmem:s6], [sflag:$0x1] =	stream.linear.gather [hbm4b:s9+s2], $0x80, $0x38;
	[tilespmem:$0x19000] =	vst v63  }
0x84: {  	s9 =	smov.u32 s7;
	s6 =	smov.u32 s8;
	p0 =	sne.s32 s7, $0x180  }
.Ltmp13:
0x85: {  	s7 =	sadd.s32 $0x10, s7;
	(pc) =	sbr.rel @p0 .LBB2_28-.Ltmp13, $2  }
0x86: {  	_ =	sdelay $0x2  }
0x87: {  	s8 =	sadd.s32 $0x400, s8;
	s9 =	sadd.s32 s9, s17  }
0x88: {  	[tilespmem:s6], [sflag:$0x1] =	stream.linear.gather [hbm4b:s9+s2], $0x80, $0x38;
	[tilespmem:$0x19000] =	vst v63  }
0x89: {  	s6 =	simm.s32 $0x6700;
	s18 =	rddreg [dreg:$0x10]  }
0x8a: {  	s7 =	simm.s32 $0x10;
	s8 =	simm.s32 $0x6B00;
	s9 =	sadd.s32 $0x0, s18  }
.LBB2_30:
0x8b: {  	[tilespmem:s6], [sflag:$0x1] =	stream.linear.gather [hbm4b:s9+s2], $0x80, $0x38;
	[tilespmem:$0x19000] =	vst v63  }
0x8c: {  	s9 =	smov.u32 s7;
	s6 =	smov.u32 s8;
	p0 =	sne.s32 s7, $0x180  }
.Ltmp14:
0x8d: {  	s7 =	sadd.s32 $0x10, s7;
	(pc) =	sbr.rel @p0 .LBB2_30-.Ltmp14, $2  }
0x8e: {  	_ =	sdelay $0x2  }
0x8f: {  	s8 =	sadd.s32 $0x400, s8;
	s9 =	sadd.s32 s9, s18  }
0x90: {  	[tilespmem:s6], [sflag:$0x1] =	stream.linear.gather [hbm4b:s9+s2], $0x80, $0x38;
	[tilespmem:$0x19000] =	vst v63  }
0x91: {  	s6 =	simm.s32 $0x6780;
	s18 =	rddreg [dreg:$0x11]  }
0x92: {  	s7 =	simm.s32 $0x10;
	s8 =	simm.s32 $0x6B80;
	s9 =	sadd.s32 $0x0, s18  }
.LBB2_32:
0x93: {  	[tilespmem:s6], [sflag:$0x1] =	stream.linear.gather [hbm4b:s9+s2], $0x80, $0x38;
	[tilespmem:$0x19000] =	vst v63  }
0x94: {  	s9 =	smov.u32 s7;
	s6 =	smov.u32 s8;
	p0 =	sne.s32 s7, $0x180  }
.Ltmp15:
0x95: {  	s7 =	sadd.s32 $0x10, s7;
	(pc) =	sbr.rel @p0 .LBB2_32-.Ltmp15, $2  }
0x96: {  	_ =	sdelay $0x2  }
0x97: {  	s8 =	sadd.s32 $0x400, s8;
	s9 =	sadd.s32 s9, s18  }
0x98: {  	[tilespmem:s6], [sflag:$0x1] =	stream.linear.gather [hbm4b:s9+s2], $0x80, $0x38;
	[tilespmem:$0x19000] =	vst v63  }
0x99: {  	s6 =	simm.s32 $0xC800  }
0x9a: {  	s7 =	simm.s32 $0x10;
	s9 =	sadd.s32 $0x0, s19;
	s8 =	simm.s32 $0xCC00  }
.LBB2_34:
0x9b: {  	[tilespmem:s6], [sflag:$0x1] =	stream.linear.gather [hbm4b:s9+s2], $0x80, $0x38;
	[tilespmem:$0x19000] =	vst v63  }
0x9c: {  	s9 =	smov.u32 s7;
	s6 =	smov.u32 s8;
	p0 =	sne.s32 s7, $0x180  }
.Ltmp16:
0x9d: {  	s7 =	sadd.s32 $0x10, s7;
	(pc) =	sbr.rel @p0 .LBB2_34-.Ltmp16, $2  }
0x9e: {  	_ =	sdelay $0x2  }
0x9f: {  	s8 =	sadd.s32 $0x400, s8;
	s9 =	sadd.s32 s9, s19  }
0xa0: {  	[tilespmem:s6], [sflag:$0x1] =	stream.linear.gather [hbm4b:s9+s2], $0x80, $0x38;
	[tilespmem:$0x19000] =	vst v63  }
0xa1: {  	s6 =	simm.s32 $0xC880  }
0xa2: {  	s7 =	simm.s32 $0x10;
	s9 =	sadd.s32 $0x0, s20;
	s8 =	simm.s32 $0xCC80  }
.LBB2_36:
0xa3: {  	[tilespmem:s6], [sflag:$0x1] =	stream.linear.gather [hbm4b:s9+s2], $0x80, $0x38;
	[tilespmem:$0x19000] =	vst v63  }
0xa4: {  	s9 =	smov.u32 s7;
	s6 =	smov.u32 s8;
	p0 =	sne.s32 s7, $0x180  }
.Ltmp17:
0xa5: {  	s7 =	sadd.s32 $0x10, s7;
	(pc) =	sbr.rel @p0 .LBB2_36-.Ltmp17, $2  }
0xa6: {  	_ =	sdelay $0x2  }
0xa7: {  	s8 =	sadd.s32 $0x400, s8;
	s9 =	sadd.s32 s9, s20  }
0xa8: {  	[tilespmem:s6], [sflag:$0x1] =	stream.linear.gather [hbm4b:s9+s2], $0x80, $0x38;
	[tilespmem:$0x19000] =	vst v63  }
0xa9: {  	s6 =	simm.s32 $0xC900  }
0xaa: {  	s7 =	simm.s32 $0x10;
	s9 =	sadd.s32 $0x0, s21;
	s8 =	simm.s32 $0xCD00  }
.LBB2_38:
0xab: {  	[tilespmem:s6], [sflag:$0x1] =	stream.linear.gather [hbm4b:s9+s2], $0x80, $0x38;
	[tilespmem:$0x19000] =	vst v63  }
0xac: {  	s9 =	smov.u32 s7;
	s6 =	smov.u32 s8;
	p0 =	sne.s32 s7, $0x180  }
.Ltmp18:
0xad: {  	s7 =	sadd.s32 $0x10, s7;
	(pc) =	sbr.rel @p0 .LBB2_38-.Ltmp18, $2  }
0xae: {  	_ =	sdelay $0x2  }
0xaf: {  	s8 =	sadd.s32 $0x400, s8;
	s9 =	sadd.s32 s9, s21  }
0xb0: {  	[tilespmem:s6], [sflag:$0x1] =	stream.linear.gather [hbm4b:s9+s2], $0x80, $0x38;
	[tilespmem:$0x19000] =	vst v63  }
0xb1: {  	s6 =	simm.s32 $0xC980  }
0xb2: {  	s7 =	simm.s32 $0x10;
	s9 =	sadd.s32 $0x0, s22;
	s8 =	simm.s32 $0xCD80  }
.LBB2_40:
0xb3: {  	[tilespmem:s6], [sflag:$0x1] =	stream.linear.gather [hbm4b:s9+s2], $0x80, $0x38;
	[tilespmem:$0x19000] =	vst v63  }
0xb4: {  	s9 =	smov.u32 s7;
	s6 =	smov.u32 s8;
	p0 =	sne.s32 s7, $0x180  }
.Ltmp19:
0xb5: {  	s7 =	sadd.s32 $0x10, s7;
	(pc) =	sbr.rel @p0 .LBB2_40-.Ltmp19, $2  }
0xb6: {  	_ =	sdelay $0x2  }
0xb7: {  	s8 =	sadd.s32 $0x400, s8;
	s9 =	sadd.s32 s9, s22  }
0xb8: {  	[tilespmem:s6], [sflag:$0x1] =	stream.linear.gather [hbm4b:s9+s2], $0x80, $0x38;
	[tilespmem:$0x19000] =	vst v63  }
0xb9: {  	s6 =	simm.s32 $0xCA00  }
0xba: {  	s7 =	simm.s32 $0x10;
	s9 =	sadd.s32 $0x0, s23;
	s8 =	simm.s32 $0xCE00  }
.LBB2_42:
0xbb: {  	[tilespmem:s6], [sflag:$0x1] =	stream.linear.gather [hbm4b:s9+s2], $0x80, $0x38;
	[tilespmem:$0x19000] =	vst v63  }
0xbc: {  	s9 =	smov.u32 s7;
	s6 =	smov.u32 s8;
	p0 =	sne.s32 s7, $0x180  }
.Ltmp20:
0xbd: {  	s7 =	sadd.s32 $0x10, s7;
	(pc) =	sbr.rel @p0 .LBB2_42-.Ltmp20, $2  }
0xbe: {  	_ =	sdelay $0x2  }
0xbf: {  	s8 =	sadd.s32 $0x400, s8;
	s9 =	sadd.s32 s9, s23  }
0xc0: {  	[tilespmem:s6], [sflag:$0x1] =	stream.linear.gather [hbm4b:s9+s2], $0x80, $0x38;
	[tilespmem:$0x19000] =	vst v63  }
0xc1: {  	s6 =	simm.s32 $0xCA80  }
0xc2: {  	s7 =	simm.s32 $0x10;
	s9 =	sadd.s32 $0x0, s24;
	s8 =	simm.s32 $0xCE80  }
.LBB2_44:
0xc3: {  	[tilespmem:s6], [sflag:$0x1] =	stream.linear.gather [hbm4b:s9+s2], $0x80, $0x38;
	[tilespmem:$0x19000] =	vst v63  }
0xc4: {  	s9 =	smov.u32 s7;
	s6 =	smov.u32 s8;
	p0 =	sne.s32 s7, $0x180  }
.Ltmp21:
0xc5: {  	s7 =	sadd.s32 $0x10, s7;
	(pc) =	sbr.rel @p0 .LBB2_44-.Ltmp21, $2  }
0xc6: {  	_ =	sdelay $0x2  }
0xc7: {  	s8 =	sadd.s32 $0x400, s8;
	s9 =	sadd.s32 s9, s24  }
0xc8: {  	[tilespmem:s6], [sflag:$0x1] =	stream.linear.gather [hbm4b:s9+s2], $0x80, $0x38;
	[tilespmem:$0x19000] =	vst v63  }
0xc9: {  	s6 =	simm.s32 $0xCB00  }
0xca: {  	s7 =	simm.s32 $0x10;
	s9 =	sadd.s32 $0x0, s25;
	s8 =	simm.s32 $0xCF00  }
.LBB2_46:
0xcb: {  	[tilespmem:s6], [sflag:$0x1] =	stream.linear.gather [hbm4b:s9+s2], $0x80, $0x38;
	[tilespmem:$0x19000] =	vst v63  }
0xcc: {  	s9 =	smov.u32 s7;
	s6 =	smov.u32 s8;
	p0 =	sne.s32 s7, $0x180  }
.Ltmp22:
0xcd: {  	s7 =	sadd.s32 $0x10, s7;
	(pc) =	sbr.rel @p0 .LBB2_46-.Ltmp22, $2  }
0xce: {  	_ =	sdelay $0x2  }
0xcf: {  	s8 =	sadd.s32 $0x400, s8;
	s9 =	sadd.s32 s9, s25  }
0xd0: {  	[tilespmem:s6], [sflag:$0x1] =	stream.linear.gather [hbm4b:s9+s2], $0x80, $0x38;
	[tilespmem:$0x19000] =	vst v63  }
0xd1: {  	s6 =	simm.s32 $0xCB80  }
0xd2: {  	s7 =	simm.s32 $0x10;
	s9 =	sadd.s32 $0x0, s26;
	s8 =	simm.s32 $0xCF80  }
.LBB2_48:
0xd3: {  	[tilespmem:s6], [sflag:$0x1] =	stream.linear.gather [hbm4b:s9+s2], $0x80, $0x38;
	[tilespmem:$0x19000] =	vst v63  }
0xd4: {  	s9 =	smov.u32 s7;
	s6 =	smov.u32 s8;
	p0 =	sne.s32 s7, $0x180  }
.Ltmp23:
0xd5: {  	s7 =	sadd.s32 $0x10, s7;
	(pc) =	sbr.rel @p0 .LBB2_48-.Ltmp23, $2  }
0xd6: {  	_ =	sdelay $0x2  }
0xd7: {  	s8 =	sadd.s32 $0x400, s8;
	s9 =	sadd.s32 s9, s26  }
0xd8: {  	[tilespmem:s6], [sflag:$0x1] =	stream.linear.gather [hbm4b:s9+s2], $0x80, $0x38;
	[tilespmem:$0x19000] =	vst v63  }
0xd9: {  	s6 =	simm.s32 $0x12C00  }
0xda: {  	s7 =	simm.s32 $0x10;
	s9 =	sadd.s32 $0x0, s28;
	s8 =	simm.s32 $0x13000  }
.LBB2_50:
0xdb: {  	[tilespmem:s6], [sflag:$0x1] =	stream.linear.gather [hbm4b:s9+s2], $0x80, $0x38;
	[tilespmem:$0x19000] =	vst v63  }
0xdc: {  	s9 =	smov.u32 s7;
	s6 =	smov.u32 s8;
	p0 =	sne.s32 s7, $0x180  }
.Ltmp24:
0xdd: {  	s7 =	sadd.s32 $0x10, s7;
	(pc) =	sbr.rel @p0 .LBB2_50-.Ltmp24, $2  }
0xde: {  	_ =	sdelay $0x2  }
0xdf: {  	s8 =	sadd.s32 $0x400, s8;
	s9 =	sadd.s32 s9, s28  }
0xe0: {  	[tilespmem:s6], [sflag:$0x1] =	stream.linear.gather [hbm4b:s9+s2], $0x80, $0x38;
	[tilespmem:$0x19000] =	vst v63  }
0xe1: {  	s6 =	simm.s32 $0x12C80  }
0xe2: {  	s7 =	simm.s32 $0x10;
	s9 =	sadd.s32 $0x0, s29;
	s8 =	simm.s32 $0x13080  }
.LBB2_52:
0xe3: {  	[tilespmem:s6], [sflag:$0x1] =	stream.linear.gather [hbm4b:s9+s2], $0x80, $0x38;
	[tilespmem:$0x19000] =	vst v63  }
0xe4: {  	s9 =	smov.u32 s7;
	s6 =	smov.u32 s8;
	p0 =	sne.s32 s7, $0x180  }
.Ltmp25:
0xe5: {  	s7 =	sadd.s32 $0x10, s7;
	(pc) =	sbr.rel @p0 .LBB2_52-.Ltmp25, $2  }
0xe6: {  	_ =	sdelay $0x2  }
0xe7: {  	s8 =	sadd.s32 $0x400, s8;
	s9 =	sadd.s32 s9, s29  }
0xe8: {  	[tilespmem:s6], [sflag:$0x1] =	stream.linear.gather [hbm4b:s9+s2], $0x80, $0x38;
	[tilespmem:$0x19000] =	vst v63  }
0xe9: {  	s6 =	simm.s32 $0x12D00  }
0xea: {  	s7 =	simm.s32 $0x10;
	s9 =	sadd.s32 $0x0, s30;
	s8 =	simm.s32 $0x13100  }
.LBB2_54:
0xeb: {  	[tilespmem:s6], [sflag:$0x1] =	stream.linear.gather [hbm4b:s9+s2], $0x80, $0x38;
	[tilespmem:$0x19000] =	vst v63  }
0xec: {  	s9 =	smov.u32 s7;
	s6 =	smov.u32 s8;
	p0 =	sne.s32 s7, $0x180  }
.Ltmp26:
0xed: {  	s7 =	sadd.s32 $0x10, s7;
	(pc) =	sbr.rel @p0 .LBB2_54-.Ltmp26, $2  }
0xee: {  	_ =	sdelay $0x2  }
0xef: {  	s8 =	sadd.s32 $0x400, s8;
	s9 =	sadd.s32 s9, s30  }
0xf0: {  	[tilespmem:s6], [sflag:$0x1] =	stream.linear.gather [hbm4b:s9+s2], $0x80, $0x38;
	[tilespmem:$0x19000] =	vst v63  }
0xf1: {  	s6 =	simm.s32 $0x12D80  }
0xf2: {  	s7 =	simm.s32 $0x10;
	s9 =	sadd.s32 $0x0, s31;
	s8 =	simm.s32 $0x13180  }
.LBB2_56:
0xf3: {  	[tilespmem:s6], [sflag:$0x1] =	stream.linear.gather [hbm4b:s9+s2], $0x80, $0x38;
	[tilespmem:$0x19000] =	vst v63  }
0xf4: {  	s9 =	smov.u32 s7;
	s6 =	smov.u32 s8;
	p0 =	sne.s32 s7, $0x180  }
.Ltmp27:
0xf5: {  	s7 =	sadd.s32 $0x10, s7;
	(pc) =	sbr.rel @p0 .LBB2_56-.Ltmp27, $2  }
0xf6: {  	_ =	sdelay $0x2  }
0xf7: {  	s8 =	sadd.s32 $0x400, s8;
	s9 =	sadd.s32 s9, s31  }
0xf8: {  	[tilespmem:s6], [sflag:$0x1] =	stream.linear.gather [hbm4b:s9+s2], $0x80, $0x38;
	[tilespmem:$0x19000] =	vst v63  }
0xf9: {  	s6 =	simm.s32 $0x12E00  }
0xfa: {  	s7 =	simm.s32 $0x10;
	s9 =	sadd.s32 $0x0, s1;
	s8 =	simm.s32 $0x13200  }
.LBB2_58:
0xfb: {  	[tilespmem:s6], [sflag:$0x1] =	stream.linear.gather [hbm4b:s9+s2], $0x80, $0x38;
	[tilespmem:$0x19000] =	vst v63  }
0xfc: {  	s9 =	smov.u32 s7;
	s6 =	smov.u32 s8;
	p0 =	sne.s32 s7, $0x180  }
.Ltmp28:
0xfd: {  	s7 =	sadd.s32 $0x10, s7;
	(pc) =	sbr.rel @p0 .LBB2_58-.Ltmp28, $2  }
0xfe: {  	_ =	sdelay $0x2  }
0xff: {  	s8 =	sadd.s32 $0x400, s8;
	s9 =	sadd.s32 s9, s1  }
0x100: {  	[tilespmem:s6], [sflag:$0x1] =	stream.linear.gather [hbm4b:s9+s2], $0x80, $0x38;
	[tilespmem:$0x19000] =	vst v63  }
0x101: {  	s6 =	simm.s32 $0x12E80  }
0x102: {  	s7 =	simm.s32 $0x10;
	s9 =	sadd.s32 $0x0, s0;
	s8 =	simm.s32 $0x13280  }
.LBB2_60:
0x103: {  	[tilespmem:s6], [sflag:$0x1] =	stream.linear.gather [hbm4b:s9+s2], $0x80, $0x38;
	[tilespmem:$0x19000] =	vst v63  }
0x104: {  	s9 =	smov.u32 s7;
	s6 =	smov.u32 s8;
	p0 =	sne.s32 s7, $0x180  }
.Ltmp29:
0x105: {  	s7 =	sadd.s32 $0x10, s7;
	(pc) =	sbr.rel @p0 .LBB2_60-.Ltmp29, $2  }
0x106: {  	_ =	sdelay $0x2  }
0x107: {  	s8 =	sadd.s32 $0x400, s8;
	s9 =	sadd.s32 s9, s0  }
0x108: {  	[tilespmem:s6], [sflag:$0x1] =	stream.linear.gather [hbm4b:s9+s2], $0x80, $0x38;
	[tilespmem:$0x19000] =	vst v63  }
0x109: {  	s6 =	simm.s32 $0x12F00  }
0x10a: {  	s7 =	simm.s32 $0x10;
	s9 =	sadd.s32 $0x0, s3;
	s8 =	simm.s32 $0x13300  }
.LBB2_62:
0x10b: {  	[tilespmem:s6], [sflag:$0x1] =	stream.linear.gather [hbm4b:s9+s2], $0x80, $0x38;
	[tilespmem:$0x19000] =	vst v63  }
0x10c: {  	s9 =	smov.u32 s7;
	s6 =	smov.u32 s8;
	p0 =	sne.s32 s7, $0x180  }
.Ltmp30:
0x10d: {  	s7 =	sadd.s32 $0x10, s7;
	(pc) =	sbr.rel @p0 .LBB2_62-.Ltmp30, $2  }
0x10e: {  	_ =	sdelay $0x2  }
0x10f: {  	s8 =	sadd.s32 $0x400, s8;
	s9 =	sadd.s32 s9, s3  }
0x110: {  	[tilespmem:s6], [sflag:$0x1] =	stream.linear.gather [hbm4b:s9+s2], $0x80, $0x38;
	[tilespmem:$0x19000] =	vst v63  }
0x111: {  	s6 =	simm.s32 $0x12F80  }
0x112: {  	s7 =	simm.s32 $0x10;
	s9 =	sadd.s32 $0x0, s4;
	s8 =	simm.s32 $0x13380  }
.LBB2_64:
0x113: {  	[tilespmem:s6], [sflag:$0x1] =	stream.linear.gather [hbm4b:s9+s2], $0x80, $0x38;
	[tilespmem:$0x19000] =	vst v63  }
0x114: {  	s9 =	smov.u32 s7;
	s6 =	smov.u32 s8;
	p0 =	sne.s32 s7, $0x180  }
.Ltmp31:
0x115: {  	s7 =	sadd.s32 $0x10, s7;
	(pc) =	sbr.rel @p0 .LBB2_64-.Ltmp31, $2  }
0x116: {  	_ =	sdelay $0x2  }
0x117: {  	s8 =	sadd.s32 $0x400, s8;
	s9 =	sadd.s32 s9, s4  }
0x118: {  	[tilespmem:s6], [sflag:$0x1] =	stream.linear.gather [hbm4b:s9+s2], $0x80, $0x38;
	[tilespmem:$0x19000] =	vst v63  }
0x119: {  	s16 =	simm.s32 $0x1  }
0x11a: {  	_ =	swait.ge [sflag:s16], $0xC80  }
0x11b: {  	[sflag:s16] =	ssyncset.done $0x0  }
0x11c: {  	[sflag:s16] =	ssyncadd.s32 $0xFFFFF380  }
0x11d: {  	_ =	swait.ge [sflag:s16], $0xC80  }
0x11e: {  	[sflag:s16] =	ssyncset.done $0x0  }
0x11f: {  	[sflag:s16] =	ssyncadd.s32 $0xFFFFF380  }
0x120: {  	_ =	swait.ge [sflag:s16], $0xC80  }
0x121: {  	[sflag:s16] =	ssyncset.done $0x0  }
0x122: {  	[sflag:s16] =	ssyncadd.s32 $0xFFFFF380  }
0x123: {  	_ =	swait.ge [sflag:s16], $0xC80  }
0x124: {  	[sflag:s16] =	ssyncset.done $0x0  }
0x125: {  	[sflag:s16] =	ssyncadd.s32 $0xFFFFF380  }
0x126: {  	_ =	swait.ge [sflag:s16], $0xC80  }
0x127: {  	[sflag:s16] =	ssyncset.done $0x0  }
0x128: {  	[sflag:s16] =	ssyncadd.s32 $0xFFFFF380  }
0x129: {  	_ =	swait.ge [sflag:s16], $0xC80  }
0x12a: {  	[sflag:s16] =	ssyncset.done $0x0  }
0x12b: {  	[sflag:s16] =	ssyncadd.s32 $0xFFFFF380  }
0x12c: {  	_ =	swait.ge [sflag:s16], $0xC80  }
0x12d: {  	[sflag:s16] =	ssyncset.done $0x0  }
0x12e: {  	[sflag:s16] =	ssyncadd.s32 $0xFFFFF380  }
0x12f: {  	_ =	swait.ge [sflag:s16], $0xC80  }
0x130: {  	[sflag:s16] =	ssyncset.done $0x0  }
0x131: {  	[sflag:s16] =	ssyncadd.s32 $0xFFFFF380  }
0x132: {  	_ =	swait.ge [sflag:s16], $0xC80  }
0x133: {  	[sflag:s16] =	ssyncset.done $0x0  }
0x134: {  	[sflag:s16] =	ssyncadd.s32 $0xFFFFF380  }
0x135: {  	_ =	swait.ge [sflag:s16], $0xC80  }
0x136: {  	[sflag:s16] =	ssyncset.done $0x0  }
0x137: {  	[sflag:s16] =	ssyncadd.s32 $0xFFFFF380  }
0x138: {  	_ =	swait.ge [sflag:s16], $0xC80  }
0x139: {  	[sflag:s16] =	ssyncset.done $0x0  }
0x13a: {  	[sflag:s16] =	ssyncadd.s32 $0xFFFFF380  }
0x13b: {  	_ =	swait.ge [sflag:s16], $0xC80  }
0x13c: {  	[sflag:s16] =	ssyncset.done $0x0  }
0x13d: {  	[sflag:s16] =	ssyncadd.s32 $0xFFFFF380  }
0x13e: {  	_ =	swait.ge [sflag:s16], $0xC80  }
0x13f: {  	[sflag:s16] =	ssyncset.done $0x0  }
0x140: {  	[sflag:s16] =	ssyncadd.s32 $0xFFFFF380  }
0x141: {  	_ =	swait.ge [sflag:s16], $0xC80  }
0x142: {  	[sflag:s16] =	ssyncset.done $0x0  }
0x143: {  	[sflag:s16] =	ssyncadd.s32 $0xFFFFF380  }
0x144: {  	_ =	swait.ge [sflag:s16], $0xC80  }
0x145: {  	[sflag:s16] =	ssyncset.done $0x0  }
0x146: {  	[sflag:s16] =	ssyncadd.s32 $0xFFFFF380  }
0x147: {  	_ =	swait.ge [sflag:s16], $0xC80  }
0x148: {  	[sflag:s16] =	ssyncset.done $0x0  }
0x149: {  	[sflag:s16] =	ssyncadd.s32 $0xFFFFF380  }
0x14a: {  	_ =	swait.ge [sflag:s16], $0xC80  }
0x14b: {  	[sflag:s16] =	ssyncset.done $0x0  }
0x14c: {  	[sflag:s16] =	ssyncadd.s32 $0xFFFFF380  }
0x14d: {  	_ =	swait.ge [sflag:s16], $0xC80  }
0x14e: {  	[sflag:s16] =	ssyncset.done $0x0  }
0x14f: {  	[sflag:s16] =	ssyncadd.s32 $0xFFFFF380  }
0x150: {  	_ =	swait.ge [sflag:s16], $0xC80  }
0x151: {  	[sflag:s16] =	ssyncset.done $0x0  }
0x152: {  	[sflag:s16] =	ssyncadd.s32 $0xFFFFF380  }
0x153: {  	_ =	swait.ge [sflag:s16], $0xC80  }
0x154: {  	[sflag:s16] =	ssyncset.done $0x0  }
0x155: {  	[sflag:s16] =	ssyncadd.s32 $0xFFFFF380  }
0x156: {  	_ =	swait.ge [sflag:s16], $0xC80  }
0x157: {  	[sflag:s16] =	ssyncset.done $0x0  }
0x158: {  	[sflag:s16] =	ssyncadd.s32 $0xFFFFF380  }
0x159: {  	_ =	swait.ge [sflag:s16], $0xC80  }
0x15a: {  	[sflag:s16] =	ssyncset.done $0x0  }
0x15b: {  	[sflag:s16] =	ssyncadd.s32 $0xFFFFF380  }
0x15c: {  	_ =	swait.ge [sflag:s16], $0xC80  }
0x15d: {  	[sflag:s16] =	ssyncset.done $0x0  }
0x15e: {  	[sflag:s16] =	ssyncadd.s32 $0xFFFFF380  }
0x15f: {  	_ =	swait.ge [sflag:s16], $0xC80  }
0x160: {  	[sflag:s16] =	ssyncset.done $0x0  }
0x161: {  	[sflag:s16] =	ssyncadd.s32 $0xFFFFF380  }
0x162: {  	_ =	swait.ge [sflag:s16], $0xC80  }
0x163: {  	[sflag:s16] =	ssyncset.done $0x0  }
0x164: {  	[sflag:s16] =	ssyncadd.s32 $0xFFFFF380  }
0x165: {  	_ =	swait.ge [sflag:s16], $0xC80  }
0x166: {  	[sflag:s16] =	ssyncset.done $0x0  }
0x167: {  	[sflag:s16] =	ssyncadd.s32 $0xFFFFF380  }
0x168: {  	_ =	swait.ge [sflag:s16], $0xC80  }
0x169: {  	[sflag:s16] =	ssyncset.done $0x0  }
0x16a: {  	[sflag:s16] =	ssyncadd.s32 $0xFFFFF380  }
0x16b: {  	_ =	swait.ge [sflag:s16], $0xC80  }
0x16c: {  	[sflag:s16] =	ssyncset.done $0x0  }
0x16d: {  	[sflag:s16] =	ssyncadd.s32 $0xFFFFF380  }
0x16e: {  	_ =	swait.ge [sflag:s16], $0xC80  }
0x16f: {  	[sflag:s16] =	ssyncset.done $0x0  }
0x170: {  	[sflag:s16] =	ssyncadd.s32 $0xFFFFF380  }
0x171: {  	_ =	swait.ge [sflag:s16], $0xC80  }
0x172: {  	[sflag:s16] =	ssyncset.done $0x0  }
0x173: {  	[sflag:s16] =	ssyncadd.s32 $0xFFFFF380  }
0x174: {  	_ =	swait.ge [sflag:s16], $0xC80  }
0x175: {  	[sflag:s16] =	ssyncset.done $0x0  }
0x176: {  	[sflag:s16] =	ssyncadd.s32 $0xFFFFF380  }
0x177: {  	s6 =	simm.s32 $0x0;
	_ =	swait.ge [sflag:s16], $0xC80  }
0x178: {  	s7 =	sand.u32 $0x70, s6;
	s8 =	sand.u32 $0x7C00, s6;
	[sflag:s16] =	ssyncset.done $0x0  }
0x179: {  	s7 =	sor.u32 s7, s8;
	[sflag:s16] =	ssyncadd.s32 $0xFFFFF380  }
0x17a: {  	v0 =	vld [tilespmem:s7+$0x80]  }
0x17b: {  	v1 =	vld [tilespmem:s7+$0x0]  }
0x17c: {  	v2 =	vld [tilespmem:s7+$0x100]  }
0x17d: {  	s17 =	sand.u32 $0x7, s6;
	v3 =	vld [tilespmem:s7+$0x180]  }
0x17e: {  	s8 =	sshll.u32 s17, $0x4;
	v4 =	vld [tilespmem:s7+$0x200]  }
0x17f: {  	s8 =	sadd.s32 $0x0, s8;
	v5 =	vld [tilespmem:s7+$0x280]  }
0x180: {  	s8 =	sor.u32 $0x380, s8;
	v0 =	vmax.f32 v1, v0;
	v1 =	vld [tilespmem:s7+$0x300]  }
0x181: {  	v0 =	vmax.f32 v0, v2;
	v2 =	vld [tilespmem:s8+$0x0]  }
0x182: {  	v0 =	vmax.f32 v0, v3;
	v3 =	vld [tilespmem:s7+$0x6400]  }
0x183: {  	v54 =	vld [tilespmem:s7+$0x6480];
	v0 =	vmax.f32 v0, v4  }
0x184: {  	v55 =	vld [tilespmem:s7+$0x6500];
	v0 =	vmax.f32 v0, v5  }
0x185: {  	v0 =	vmax.f32 v0, v1;
	v1 =	vld [tilespmem:s7+$0x6580]  }
0x186: {  	v0 =	vmax.f32 v0, v2;
	v2 =	vld [tilespmem:s7+$0x6600]  }
0x187: {  	v0 =	vmax.f32 v0, v3;
	v3 =	vld [tilespmem:s7+$0x6680]  }
0x188: {  	v56 =	vld [tilespmem:s7+$0x6700];
	v0 =	vmax.f32 v0, v54  }
0x189: {  	v57 =	vld [tilespmem:s7+$0x6780];
	v0 =	vmax.f32 v0, v55  }
0x18a: {  	v0 =	vmax.f32 v0, v1;
	v1 =	vld [tilespmem:s7+$0xC800]  }
0x18b: {  	v0 =	vmax.f32 v0, v2;
	v2 =	vld [tilespmem:s7+$0xC880]  }
0x18c: {  	v0 =	vmax.f32 v0, v3;
	v3 =	vld [tilespmem:s7+$0xC900]  }
0x18d: {  	v58 =	vld [tilespmem:s7+$0xC980];
	v0 =	vmax.f32 v0, v56  }
0x18e: {  	v59 =	vld [tilespmem:s7+$0xCA00];
	v0 =	vmax.f32 v0, v57  }
0x18f: {  	v0 =	vmax.f32 v0, v1;
	v1 =	vld [tilespmem:s7+$0xCA80]  }
0x190: {  	v0 =	vmax.f32 v0, v2;
	v2 =	vld [tilespmem:s7+$0xCB00]  }
0x191: {  	v0 =	vmax.f32 v0, v3;
	v3 =	vld [tilespmem:s7+$0xCB80]  }
0x192: {  	v60 =	vld [tilespmem:s7+$0x12C00];
	v0 =	vmax.f32 v0, v58  }
0x193: {  	v61 =	vld [tilespmem:s7+$0x12C80];
	v0 =	vmax.f32 v0, v59  }
0x194: {  	v0 =	vmax.f32 v0, v1;
	v1 =	vld [tilespmem:s7+$0x12D00]  }
0x195: {  	v0 =	vmax.f32 v0, v2;
	v2 =	vld [tilespmem:s7+$0x12D80]  }
0x196: {  	v0 =	vmax.f32 v0, v3;
	v3 =	vld [tilespmem:s7+$0x12E00]  }
0x197: {  	v62 =	vld [tilespmem:s7+$0x12E80];
	v0 =	vmax.f32 v0, v60  }
0x198: {  	v63 =	vld [tilespmem:s7+$0x12F00];
	v0 =	vmax.f32 v0, v61  }
0x199: {  	v0 =	vmax.f32 v0, v1;
	v1 =	vld [tilespmem:s7+$0x12F80]  }
0x19a: {  	v0 =	vmax.f32 v0, v2  }
0x19b: {  	v0 =	vmax.f32 v0, v3  }
0x19c: {  	s18 =	simm.s32 $0x10;
	s8 =	simm.s32 $0x80;
	v0 =	vmax.f32 v0, v62  }
0x19d: {  	s9 =	sand.u32 $0x70, s18;
	s10 =	sand.u32 $0x7C00, s8;
	v0 =	vmax.f32 v0, v63  }
0x19e: {  	s10 =	sor.u32 s9, s10;
	s9 =	simm.s32 $0x20;
	v0 =	vmax.f32 v0, v1  }
.LBB2_66:
0x19f: {  	p0 =	sne.s32 s9, $0xC70;
	v1 =	vld [tilespmem:s10+$0x80];
	[tilespmem:s7+$0x0] =	vst v0;
	s7 =	smov.u32 s10  }
0x1a0: {  	v0 =	vld [tilespmem:s7+$0x0]  }
0x1a1: {  	s6 =	sadd.s32 $0x1, s6;
	v2 =	vld [tilespmem:s7+$0x100]  }
0x1a2: {  	s10 =	sand.u32 $0x7, s6;
	v3 =	vld [tilespmem:s7+$0x180]  }
0x1a3: {  	s10 =	sshll.u32 s10, $0x4;
	v4 =	vld [tilespmem:s7+$0x200]  }
0x1a4: {  	s10 =	sadd.s32 s10, s8;
	v5 =	vld [tilespmem:s7+$0x280]  }
0x1a5: {  	s10 =	sor.u32 $0x380, s10;
	v0 =	vmax.f32 v0, v1;
	v1 =	vld [tilespmem:s7+$0x300]  }
0x1a6: {  	v0 =	vmax.f32 v0, v2;
	v2 =	vld [tilespmem:s10+$0x0]  }
0x1a7: {  	v0 =	vmax.f32 v0, v3;
	v3 =	vld [tilespmem:s7+$0x6400]  }
0x1a8: {  	v0 =	vmax.f32 v0, v4;
	v4 =	vld [tilespmem:s7+$0x6480]  }
0x1a9: {  	v0 =	vmax.f32 v0, v5;
	v5 =	vld [tilespmem:s7+$0x6500]  }
0x1aa: {  	v0 =	vmax.f32 v0, v1;
	v1 =	vld [tilespmem:s7+$0x6580]  }
0x1ab: {  	v0 =	vmax.f32 v0, v2;
	v2 =	vld [tilespmem:s7+$0x6600]  }
0x1ac: {  	v0 =	vmax.f32 v0, v3;
	v3 =	vld [tilespmem:s7+$0x6680]  }
0x1ad: {  	v0 =	vmax.f32 v0, v4;
	v4 =	vld [tilespmem:s7+$0x6700]  }
0x1ae: {  	v0 =	vmax.f32 v0, v5;
	v5 =	vld [tilespmem:s7+$0x6780]  }
0x1af: {  	v0 =	vmax.f32 v0, v1;
	v1 =	vld [tilespmem:s7+$0xC800]  }
0x1b0: {  	v0 =	vmax.f32 v0, v2;
	v2 =	vld [tilespmem:s7+$0xC880]  }
0x1b1: {  	v0 =	vmax.f32 v0, v3;
	v3 =	vld [tilespmem:s7+$0xC900]  }
0x1b2: {  	v0 =	vmax.f32 v0, v4;
	v4 =	vld [tilespmem:s7+$0xC980]  }
0x1b3: {  	v0 =	vmax.f32 v0, v5;
	v5 =	vld [tilespmem:s7+$0xCA00]  }
0x1b4: {  	v0 =	vmax.f32 v0, v1;
	v1 =	vld [tilespmem:s7+$0xCA80]  }
0x1b5: {  	v0 =	vmax.f32 v0, v2;
	v2 =	vld [tilespmem:s7+$0xCB00]  }
0x1b6: {  	v0 =	vmax.f32 v0, v3;
	v3 =	vld [tilespmem:s7+$0xCB80]  }
0x1b7: {  	v0 =	vmax.f32 v0, v4;
	v4 =	vld [tilespmem:s7+$0x12C00]  }
0x1b8: {  	v0 =	vmax.f32 v0, v5;
	v5 =	vld [tilespmem:s7+$0x12C80]  }
0x1b9: {  	v0 =	vmax.f32 v0, v1;
	v1 =	vld [tilespmem:s7+$0x12D00]  }
0x1ba: {  	v0 =	vmax.f32 v0, v2;
	v2 =	vld [tilespmem:s7+$0x12D80]  }
0x1bb: {  	v0 =	vmax.f32 v0, v3;
	v3 =	vld [tilespmem:s7+$0x12E00]  }
0x1bc: {  	v0 =	vmax.f32 v0, v4;
	v4 =	vld [tilespmem:s7+$0x12E80]  }
0x1bd: {  	v0 =	vmax.f32 v0, v5;
	v5 =	vld [tilespmem:s7+$0x12F00]  }
0x1be: {  	v0 =	vmax.f32 v0, v1;
	v1 =	vld [tilespmem:s7+$0x12F80]  }
.Ltmp32:
0x1bf: {  	v0 =	vmax.f32 v0, v2;
	(pc) =	sbr.rel @p0 .LBB2_66-.Ltmp32, $4  }
0x1c0: {  	v0 =	vmax.f32 v0, v3  }
0x1c1: {  	s8 =	sadd.s32 $0x80, s8;
	v0 =	vmax.f32 v0, v4  }
0x1c2: {  	s11 =	sand.u32 $0x7C00, s8;
	s10 =	sand.u32 $0x70, s9;
	v0 =	vmax.f32 v0, v5  }
0x1c3: {  	s9 =	sadd.s32 $0x10, s9;
	s10 =	sor.u32 s10, s11;
	v0 =	vmax.f32 v0, v1  }
0x1c4: {  	v1 =	vld [tilespmem:s10+$0x80];
	[tilespmem:s7+$0x0] =	vst v0  }
0x1c5: {  	v0 =	vld [tilespmem:s10+$0x0]  }
0x1c6: {  	v2 =	vld [tilespmem:s10+$0x100];
	s6 =	sadd.s32 $0x1, s6  }
0x1c7: {  	v3 =	vld [tilespmem:s10+$0x180];
	s6 =	sand.u32 $0x7, s6  }
0x1c8: {  	v4 =	vld [tilespmem:s10+$0x200];
	s6 =	sshll.u32 s6, $0x4  }
0x1c9: {  	v5 =	vld [tilespmem:s10+$0x280];
	s6 =	sadd.s32 s6, s8  }
0x1ca: {  	v38 =	vld [tilespmem:s10+$0x300];
	s6 =	sor.u32 $0x380, s6;
	v0 =	vmax.f32 v0, v1  }
0x1cb: {  	v39 =	vld [tilespmem:s6+$0x0];
	v0 =	vmax.f32 v0, v2  }
0x1cc: {  	v40 =	vld [tilespmem:s10+$0x6400];
	v0 =	vmax.f32 v0, v3  }
0x1cd: {  	v41 =	vld [tilespmem:s10+$0x6480];
	v0 =	vmax.f32 v0, v4  }
0x1ce: {  	v42 =	vld [tilespmem:s10+$0x6500];
	v0 =	vmax.f32 v0, v5  }
0x1cf: {  	v43 =	vld [tilespmem:s10+$0x6580];
	v0 =	vmax.f32 v0, v38  }
0x1d0: {  	v44 =	vld [tilespmem:s10+$0x6600];
	v0 =	vmax.f32 v0, v39  }
0x1d1: {  	v45 =	vld [tilespmem:s10+$0x6680];
	v0 =	vmax.f32 v0, v40  }
0x1d2: {  	v46 =	vld [tilespmem:s10+$0x6700];
	v0 =	vmax.f32 v0, v41  }
0x1d3: {  	v47 =	vld [tilespmem:s10+$0x6780];
	v0 =	vmax.f32 v0, v42  }
0x1d4: {  	v48 =	vld [tilespmem:s10+$0xC800];
	v0 =	vmax.f32 v0, v43  }
0x1d5: {  	v49 =	vld [tilespmem:s10+$0xC880];
	v0 =	vmax.f32 v0, v44  }
0x1d6: {  	v50 =	vld [tilespmem:s10+$0xC900];
	v0 =	vmax.f32 v0, v45  }
0x1d7: {  	v51 =	vld [tilespmem:s10+$0xC980];
	v0 =	vmax.f32 v0, v46  }
0x1d8: {  	v52 =	vld [tilespmem:s10+$0xCA00];
	v0 =	vmax.f32 v0, v47  }
0x1d9: {  	v53 =	vld [tilespmem:s10+$0xCA80];
	v0 =	vmax.f32 v0, v48  }
0x1da: {  	v54 =	vld [tilespmem:s10+$0xCB00];
	v0 =	vmax.f32 v0, v49  }
0x1db: {  	v55 =	vld [tilespmem:s10+$0xCB80];
	v0 =	vmax.f32 v0, v50  }
0x1dc: {  	v56 =	vld [tilespmem:s10+$0x12C00];
	v0 =	vmax.f32 v0, v51  }
0x1dd: {  	v57 =	vld [tilespmem:s10+$0x12C80];
	v0 =	vmax.f32 v0, v52  }
0x1de: {  	v58 =	vld [tilespmem:s10+$0x12D00];
	v0 =	vmax.f32 v0, v53  }
0x1df: {  	v59 =	vld [tilespmem:s10+$0x12D80];
	v0 =	vmax.f32 v0, v54  }
0x1e0: {  	v60 =	vld [tilespmem:s10+$0x12E00];
	v0 =	vmax.f32 v0, v55  }
0x1e1: {  	v61 =	vld [tilespmem:s10+$0x12E80];
	v0 =	vmax.f32 v0, v56  }
0x1e2: {  	v62 =	vld [tilespmem:s10+$0x12F00];
	v0 =	vmax.f32 v0, v57  }
0x1e3: {  	v63 =	vld [tilespmem:s10+$0x12F80];
	v0 =	vmax.f32 v0, v58  }
0x1e4: {  	v0 =	vmax.f32 v0, v59  }
0x1e5: {  	v0 =	vmax.f32 v0, v60  }
0x1e6: {  	v0 =	vmax.f32 v0, v61  }
0x1e7: {  	v0 =	vmax.f32 v0, v62  }
0x1e8: {  	s7 =	simm.s32 $0x10;
	v0 =	vmax.f32 v0, v63  }
0x1e9: {  	s9 =	sadd.s32 $0x0, s5;
	s8 =	simm.s32 $0x400;
	s6 =	simm.s32 $0x0;
	[tilespmem:s10+$0x0] =	vst v0  }
.LBB2_68:
0x1ea: {  	[hbm4b:s9+s2] =	stream.linear.scatter [tilespmem:s6], [sflag:$0x2], $0x80, $0x38;
	[tilespmem:$0x19000] =	vst v63  }
0x1eb: {  	s9 =	smov.u32 s7;
	s6 =	smov.u32 s8;
	p0 =	sne.s32 s7, $0x180  }
.Ltmp33:
0x1ec: {  	s7 =	sadd.s32 $0x10, s7;
	(pc) =	sbr.rel @p0 .LBB2_68-.Ltmp33, $2  }
0x1ed: {  	_ =	sdelay $0x2  }
0x1ee: {  	s8 =	sadd.s32 $0x400, s8;
	s9 =	sadd.s32 s9, s5  }
0x1ef: {  	[hbm4b:s9+s2] =	stream.linear.scatter [tilespmem:s6], [sflag:$0x2], $0x80, $0x38;
	[tilespmem:$0x19000] =	vst v63  }
0x1f0: {  	s7 =	simm.s32 $0x2  }
0x1f1: {  	_ =	swait.ge [sflag:s7], $0xC80  }
0x1f2: {  	s8 =	rddreg [dreg:$0x13]  }
0x1f3: {  	s18 =	rddreg [dreg:$0x12];
	s8 =	sadd.s32 $0x1, s8  }
0x1f4: {  	p0 =	sne.s32 s8, s18  }
.Ltmp34:
0x1f5: {  	_ = 	snop;
	(pc) =	sbr.rel @p0 .LBB2_1-.Ltmp34, $3  }
0x1f6: {  	_ =	sdelay $0x1  }
0x1f7: {  	[sflag:s7] =	ssyncset.done $0x0;
	s10 =	rddreg [dreg:$0x2]  }
0x1f8: {  	s11 =	rddreg [dreg:$0x3];
	[sflag:s7] =	ssyncadd.s32 $0xFFFFF380  }
0x1f9: {  	_ =	sfence.sel $0x180000  }
0x1fa: {  	[bflag:$0x0] =	sbarrier.arrive $0xFFFF  }
0x1fb: {  	_ =	strace $0x9000004A  }
0x1fc: {  	s0 =	stileid.u32;
	[bflag:$0x2] =	sbarrier.arrive $0xFFFF  }
0x1fd: {  	p0 =	sne.s32 s0, $0x0;
	s0 =	rddreg [dreg:$0x1]  }
0x1fe: {  	s0 =	sadd.s32 @!p0 $0x100000, s0  }
0x1ff: {  	[sflag:s0] =	ssyncadd.tile.s32 @!p0 $0x1;
	_ =	shalt  }
.Lfunc_end2:
_tile_overlayer_lowered:
.L_overlay_start_2:
0x200: {  	(tag) =	ssettag $0x2  }
0x201: {  	s0 =	rddreg [dreg:$0x0];
	s2 =	stileid.u32  }
0x202: {  	s1 =	rddreg [dreg:$0x1];
	p0 =	sne.s32 s2, $0x0  }
0x203: {  	s3 =	rddreg [dreg:$0x2];
	[bflag:$0x3] =	sbarrier.arrive $0xFFFF;
	s2 =	simm.s32 @!p0 $0x1C02  }
0x204: {  	[timem:s3], [sflag:s2] =	dma.local @!p0 [hbm:s0], s1  }
0x205: {  	s0 =	simm.s32 @!p0 $0x2  }
0x206: {  	_ =	swait.ge @!p0 [sflag:s0], s1  }
0x207: {  	s1 =	ssub.s32 @!p0 $0x0, s1;
	[sflag:s0] =	ssyncset.done @!p0 $0x0  }
0x208: {  	[sflag:s0] =	ssyncadd.s32 @!p0 s1  }
0x209: {  	[bflag:$0x3] =	sbarrier.arrive $0xFFFF  }
0x20a: {  	_ =	shalt  }

</sc_bundles>
